<compile_context>
chip_gen: v7x
topology: tpu7x:2x2x1
jax: 0.10.2.dev20260603
libtpu: 0.0.44.dev20260713+nightly
codegen_flags: <defaults>
</compile_context>

<pallas_src>
import jax
import jax.numpy as jnp
from jax import lax
from jax.experimental import pallas as pl
from jax.experimental.pallas import tpu as pltpu
from jax.experimental.pallas import tpu_sc as plsc

N = 10000
E = 320000
DIN = 128
DH = 128
DOUT = 64
G = 64

NC = 2
NS = 16
NW = NC * NS
EC = E // NW
CHUNK = 64
NFULL = EC // CHUNK
TAIL = EC - NFULL * CHUNK
PCH = NFULL // 2
PH = PCH * CHUNK
NPAD = 10240
RPT = NPAD // NS
BLK = 2000

_mesh = plsc.VectorSubcoreMesh(core_axis_name="c", subcore_axis_name="s")


def _deg_body(dst_hbm, out_hbm, dst_v, deg_v):
    c = lax.axis_index("c")
    s = lax.axis_index("s")
    wid = s * NC + c
    base = wid * EC
    pltpu.sync_copy(dst_hbm.at[pl.ds(base, EC)], dst_v)
    z16 = jnp.zeros((16,), jnp.float32)
    ones16 = jnp.ones((16,), jnp.float32)

    def zero_body(i, carry):
        deg_v[pl.ds(i * 16, 16)] = z16
        return carry

    lax.fori_loop(0, NPAD // 16, zero_body, 0)

    def acc_body(i, carry):
        idx = dst_v[pl.ds(i * 16, 16)]
        plsc.addupdate_scatter(deg_v, [idx], ones16)
        return carry

    lax.fori_loop(0, EC // 16, acc_body, 0)
    pltpu.sync_copy(deg_v, out_hbm.at[wid])


_deg_call = pl.kernel(
    _deg_body,
    out_type=jax.ShapeDtypeStruct((NW, NPAD), jnp.float32),
    mesh=_mesh,
    compiler_params=pltpu.CompilerParams(needs_layout_passes=False),
    scratch_types=[
        pltpu.VMEM((EC,), jnp.int32),
        pltpu.VMEM((NPAD,), jnp.float32),
    ],
)


def _edge_body(src_hbm, dst_hbm, y_hbm, out_hbm, z_sh, sall, dall,
               sa0, da0, sa1, da1, sb0, db0, sb1, db1,
               ra0, ra1, rb0, rb1, sidx_t, didx_t, rows_t,
               gsa0, gsa1, gsb0, gsb1, ssa0, ssa1, ssb0, ssb1):
    c = lax.axis_index("c")
    s = lax.axis_index("s")
    wid = s * NC + c
    base = wid * EC

    z16 = jnp.zeros((16,), jnp.float32)

    def zrow(j, carry):
        def zcol(k, c2):
            ra0[j, pl.ds(k * 16, 16)] = z16
            return c2

        lax.fori_loop(0, DH // 16, zcol, 0)
        return carry

    lax.fori_loop(0, CHUNK, zrow, 0)
    row0 = s * RPT
    for r in range(RPT // CHUNK):
        pltpu.sync_copy(ra0, z_sh.at[pl.ds(row0 + r * CHUNK, CHUNK)])

    plsc.subcore_barrier()

    def regcopy(dst_small, src_big, off):
        for k in range(CHUNK // 16):
            dst_small[pl.ds(k * 16, 16)] = src_big[pl.ds(off + k * 16, 16)]

    def fire_a(ci):
        regcopy(sa0, sall, ci * CHUNK)
        regcopy(sa1, sall, (ci + 1) * CHUNK)
        regcopy(da0, dall, ci * CHUNK)
        regcopy(da1, dall, (ci + 1) * CHUNK)
        return (pltpu.async_copy(y_hbm.at[sa0], ra0, gsa0),
                pltpu.async_copy(y_hbm.at[sa1], ra1, gsa1))

    def fire_b(ci):
        regcopy(sb0, sall, ci * CHUNK)
        regcopy(sb1, sall, (ci + 1) * CHUNK)
        regcopy(db0, dall, ci * CHUNK)
        regcopy(db1, dall, (ci + 1) * CHUNK)
        return (pltpu.async_copy(y_hbm.at[sb0], rb0, gsb0),
                pltpu.async_copy(y_hbm.at[sb1], rb1, gsb1))

    def scat_a(cp):
        cp[0].wait()
        w0 = pltpu.async_copy(ra0, z_sh.at[da0], ssa0, add=True)
        cp[1].wait()
        w1 = pltpu.async_copy(ra1, z_sh.at[da1], ssa1, add=True)
        w0.wait()
        w1.wait()

    def scat_b(cp):
        cp[0].wait()
        w0 = pltpu.async_copy(rb0, z_sh.at[db0], ssb0, add=True)
        cp[1].wait()
        w1 = pltpu.async_copy(rb1, z_sh.at[db1], ssb1, add=True)
        w0.wait()
        w1.wait()

    for p in range(2):
        pltpu.sync_copy(src_hbm.at[pl.ds(base + p * PH, PH)], sall)
        pltpu.sync_copy(dst_hbm.at[pl.ds(base + p * PH, PH)], dall)

        def group_body(i, carry):
            c0 = 8 * i
            ca = fire_a(c0)
            cb = fire_b(c0 + 2)
            scat_a(ca)
            ca2 = fire_a(c0 + 4)
            scat_b(cb)
            cb2 = fire_b(c0 + 6)
            scat_a(ca2)
            scat_b(cb2)
            return carry

        lax.fori_loop(0, PCH // 8, group_body, 0)

        c0 = (PCH // 8) * 8
        ca = fire_a(c0)
        cb = fire_b(c0 + 2)
        scat_a(ca)
        ca2 = fire_a(c0 + 4)
        scat_b(cb)
        scat_a(ca2)

    off = base + NFULL * CHUNK
    pltpu.sync_copy(src_hbm.at[pl.ds(off, TAIL)], sidx_t)
    cp = pltpu.async_copy(y_hbm.at[sidx_t], rows_t, gsa0)
    pltpu.sync_copy(dst_hbm.at[pl.ds(off, TAIL)], didx_t)
    cp.wait()
    pltpu.sync_copy(rows_t, z_sh.at[didx_t], add=True)

    plsc.subcore_barrier()
    pltpu.sync_copy(z_sh.at[pl.ds(row0, RPT)], out_hbm.at[c, pl.ds(row0, RPT)])


_edge_call = pl.kernel(
    _edge_body,
    out_type=jax.ShapeDtypeStruct((NC, NPAD, DH), jnp.float32),
    mesh=_mesh,
    scratch_types=(
        [pltpu.VMEM_SHARED((NPAD, DH), jnp.float32)]
        + [pltpu.VMEM((PH,), jnp.int32)] * 2
        + [pltpu.VMEM((CHUNK,), jnp.int32)] * 8
        + [pltpu.VMEM((CHUNK, DH), jnp.float32)] * 4
        + [pltpu.VMEM((TAIL,), jnp.int32)] * 2
        + [pltpu.VMEM((TAIL, DH), jnp.float32)]
        + [pltpu.SemaphoreType.DMA] * 8
    ),
)


def _tca_body(x_ref, w_ref, degt_ref, y_ref):
    deg = jnp.sum(degt_ref[...], axis=1, keepdims=True) + 1.0
    dinv = lax.rsqrt(deg)
    xw = jnp.dot(x_ref[...], w_ref[...], preferred_element_type=jnp.float32)
    y_ref[...] = xw * dinv


def _tca(x, w, degt):
    return pl.pallas_call(
        _tca_body,
        grid=(N // BLK,),
        in_specs=[
            pl.BlockSpec((BLK, DIN), lambda i: (i, 0)),
            pl.BlockSpec((DIN, DH), lambda i: (0, 0)),
            pl.BlockSpec((BLK, NW), lambda i: (i, 0)),
        ],
        out_specs=pl.BlockSpec((BLK, DH), lambda i: (i, 0)),
        out_shape=jax.ShapeDtypeStruct((NPAD, DH), jnp.float32),
    )(x, w, degt)


def _tcb_body(z_ref, y_ref, degt_ref, bconv_ref, batch_ref,
              wlin_ref, blin_ref, out_ref, sums, cnt):
    i = pl.program_id(0)

    @pl.when(i == 0)
    def _():
        sums[...] = jnp.zeros_like(sums)
        cnt[...] = jnp.zeros_like(cnt)

    deg = jnp.sum(degt_ref[...], axis=1, keepdims=True) + 1.0
    dinv = lax.rsqrt(deg)
    z = z_ref[0] + z_ref[1]
    h = dinv * (z + y_ref[...]) + bconv_ref[...]
    h = jnp.maximum(h, 0.0)
    gid = lax.broadcasted_iota(jnp.int32, (BLK, G), 1)
    onehot = (batch_ref[...] == gid).astype(jnp.float32)
    sums[...] += lax.dot_general(onehot, h, (((0,), (0,)), ((), ())),
                                 preferred_element_type=jnp.float32)
    cnt[...] += lax.dot_general(onehot, jnp.ones((BLK, 1), jnp.float32),
                                (((0,), (0,)), ((), ())),
                                preferred_element_type=jnp.float32)

    @pl.when(i == pl.num_programs(0) - 1)
    def _():
        emb = sums[...] / jnp.maximum(cnt[...], 1.0)
        out_ref[...] = jnp.tanh(
            jnp.dot(emb, wlin_ref[...], preferred_element_type=jnp.float32)
            + blin_ref[...])


def _tcb(zp, y, degt, bconv, batch2, wlin, blin):
    return pl.pallas_call(
        _tcb_body,
        grid=(N // BLK,),
        in_specs=[
            pl.BlockSpec((NC, BLK, DH), lambda i: (0, i, 0)),
            pl.BlockSpec((BLK, DH), lambda i: (i, 0)),
            pl.BlockSpec((BLK, NW), lambda i: (i, 0)),
            pl.BlockSpec((1, DH), lambda i: (0, 0)),
            pl.BlockSpec((BLK, 1), lambda i: (i, 0)),
            pl.BlockSpec((DH, DOUT), lambda i: (0, 0)),
            pl.BlockSpec((1, DOUT), lambda i: (0, 0)),
        ],
        out_specs=pl.BlockSpec((G, DOUT), lambda i: (0, 0)),
        out_shape=jax.ShapeDtypeStruct((G, DOUT), jnp.float32),
        scratch_shapes=[
            pltpu.VMEM((G, DH), jnp.float32),
            pltpu.VMEM((G, 1), jnp.float32),
        ],
    )(zp, y, degt, bconv, batch2, wlin, blin)


@jax.jit
def kernel(x, edge_index, batch, W_conv, b_conv, W_lin, b_lin):
    src = edge_index[0].astype(jnp.int32)
    dst = edge_index[1].astype(jnp.int32)

    degp = _deg_call(dst)
    degt = degp.T

    y = _tca(x, W_conv, degt)

    zp = _edge_call(src, dst, y)

    batch2 = batch.astype(jnp.int32).reshape(N, 1)
    bconv = b_conv.reshape(1, DH)
    blin = b_lin.reshape(1, DOUT)
    return _tcb(zp, y, degt, bconv, batch2, W_lin, blin)

# --- scband reference (transcript-rebuilt; emitter-appended) ---
"""Pipeline reference for scband-graph-encoder-pyg-1262720385763 (READ-ONLY COPY).

The authoritative reference and input builder live on the scoring server;
editing this copy changes nothing except your own understanding.
"""

import jax, jax.numpy as jnp
import numpy as np

N = 10000
E = 320000
DIN = 128
DH = 128
DOUT = 64
G = 64


def setup_inputs(seed: int = 0) -> dict:
    key = jax.random.key(seed)
    ks = jax.random.split(key, 6)
    x = jax.random.normal(ks[0], (N, DIN), dtype=jnp.float32)
    edge_index = jax.random.randint(ks[1], (2, E), 0, N)
    batch = jnp.sort(jax.random.randint(ks[2], (N,), 0, G))
    W_conv = jax.random.normal(ks[3], (DIN, DH), dtype=jnp.float32) * (1.0 / np.sqrt(DIN))
    b_conv = jnp.zeros((DH,), dtype=jnp.float32)
    W_lin = jax.random.normal(ks[4], (DH, DOUT), dtype=jnp.float32) * (1.0 / np.sqrt(DH))
    b_lin = jnp.zeros((DOUT,), dtype=jnp.float32)
    return {"x": x, "edge_index": edge_index, "batch": batch,
            "W_conv": W_conv, "b_conv": b_conv, "W_lin": W_lin, "b_lin": b_lin}


def reference(x, edge_index, batch, W_conv, b_conv, W_lin, b_lin):
    n = x.shape[0]
    # GCNConv (PyG defaults): add self-loops, symmetric normalization
    loop = jnp.arange(n, dtype=edge_index.dtype)
    src = jnp.concatenate([edge_index[0], loop])
    dst = jnp.concatenate([edge_index[1], loop])
    xw = x @ W_conv
    ones_e = jnp.ones(src.shape[0], dtype=xw.dtype)
    deg = jax.ops.segment_sum(ones_e, dst, num_segments=n)
    dinv = jnp.where(deg > 0, jax.lax.rsqrt(jnp.maximum(deg, 1e-12)), 0.0)
    norm = dinv[src] * dinv[dst]
    msg = xw[src] * norm[:, None]
    h = jax.ops.segment_sum(msg, dst, num_segments=n) + b_conv
    h = jax.nn.relu(h)
    # global_mean_pool over batch assignment
    sums = jax.ops.segment_sum(h, batch, num_segments=G)
    cnt = jax.ops.segment_sum(jnp.ones(n, dtype=h.dtype), batch, num_segments=G)
    emb = sums / jnp.maximum(cnt, 1.0)[:, None]
    emb = emb @ W_lin + b_lin
    return jnp.tanh(emb)

if __name__ == "__main__":
    import jax
    _d = setup_inputs()
    print(jax.jit(kernel)(*tuple(_d.values())))

</pallas_src>

<mosaic_0001>
#map = affine_map<(d0, d1) -> (0)>
#map1 = affine_map<(d0, d1) -> (0, 0)>
module attributes {stable_mosaic.version = 14 : i64} {
  func.func @_deg_body(%arg0: i32, %arg1: i32, %arg2: memref<320000xi32, #tpu.memory_space<hbm>>, %arg3: memref<32x10240xf32, #tpu.memory_space<hbm>>, %arg4: memref<10000xi32, #tpu.memory_space<vmem>>, %arg5: memref<10240xf32, #tpu.memory_space<vmem>>) attributes {dimension_semantics = [#tpu.dimension_semantics<core_parallel>, #tpu.dimension_semantics<subcore_parallel>], iteration_bounds = array<i64: 2, 16>, scalar_prefetch = 0 : i64, scratch_operands = 2 : i64, tpu.core_type = #tpu.core_type<sc_vector_subcore>, window_params = [{transform_indices = #map}, {transform_indices = #map1}]} {
    %mul3A = arith.constant 2 : i32
    %mul3A_0 = arith.muli %arg1, %mul3A : i32
    %add3A = arith.addi %mul3A_0, %arg0 : i32
    %mul3A_1 = arith.constant 10000 : i32
    %mul3A_2 = arith.muli %add3A, %mul3A_1 : i32
    "tpu.region"() ({
      %run_scoped3A = tpu.sem_alloc : memref<!tpu.dma_semaphore, #tpu.memory_space<semaphore_mem>>
      %dma_start3A = tpu.memref_slice %arg2[%mul3A_2] : memref<320000xi32, #tpu.memory_space<hbm>> -> memref<10000xi32, #tpu.memory_space<hbm>>
      %dma_start3A_17 = tpu.memref_slice %arg2[%mul3A_2] : memref<320000xi32, #tpu.memory_space<hbm>> -> memref<10000xi32, #tpu.memory_space<hbm>>
      tpu.enqueue_dma source(%dma_start3A_17 : memref<10000xi32, #tpu.memory_space<hbm>>) target(%arg4 : memref<10000xi32, #tpu.memory_space<vmem>>) target_semaphore(%run_scoped3A : memref<!tpu.dma_semaphore, #tpu.memory_space<semaphore_mem>>)
      %dma_wait3A = tpu.memref_slice %arg2[%mul3A_2] : memref<320000xi32, #tpu.memory_space<hbm>> -> memref<10000xi32, #tpu.memory_space<hbm>>
      %dma_wait3A_18 = tpu.memref_slice %arg2[%mul3A_2] : memref<320000xi32, #tpu.memory_space<hbm>> -> memref<10000xi32, #tpu.memory_space<hbm>>
      tpu.wait_dma2 semaphore(%run_scoped3A : memref<!tpu.dma_semaphore, #tpu.memory_space<semaphore_mem>>) src(%dma_wait3A_18 : memref<10000xi32, #tpu.memory_space<hbm>>) dst(%arg4 : memref<10000xi32, #tpu.memory_space<vmem>>)
      tpu.yield
    }) : () -> ()
    %broadcast_in_dim3A = arith.constant 0.000000e+00 : f32
    %broadcast_in_dim3A_3 = vector.broadcast %broadcast_in_dim3A : f32 to vector<16xf32>
    %broadcast_in_dim3A_4 = arith.constant 1.000000e+00 : f32
    %broadcast_in_dim3A_5 = vector.broadcast %broadcast_in_dim3A_4 : f32 to vector<16xf32>
    %scan3A = arith.constant 0 : i32
    %scan3A_6 = arith.constant 0 : i32
    %scan3A_7 = arith.constant 640 : i32
    %scan3A_8 = arith.addi %scan3A_6, %scan3A_7 : i32
    %scan3A_9 = arith.constant 1 : i32
    scf.for %scan3A_17 = %scan3A_6 to %scan3A_8 step %scan3A_9  : i32 {
      %mul3A_18 = arith.constant 16 : i32
      %mul3A_19 = arith.muli %scan3A_17, %mul3A_18 : i32
      %swap3A = arith.index_cast %mul3A_19 : i32 to index
      %swap3A_20 = tpu.vector_load %arg5[%swap3A] {strides = array<i32>} : memref<10240xf32, #tpu.memory_space<vmem>>, vector<16xf32>,
      tpu.vector_store %arg5[%swap3A], %broadcast_in_dim3A_3 {strides = array<i32>} : memref<10240xf32, #tpu.memory_space<vmem>>, vector<16xf32>,
    }
    %scan3A_10 = arith.constant 640 : i32
    %scan3A_11 = arith.constant 0 : i32
    %scan3A_12 = arith.constant 0 : i32
    %scan3A_13 = arith.constant 625 : i32
    %scan3A_14 = arith.addi %scan3A_12, %scan3A_13 : i32
    %scan3A_15 = arith.constant 1 : i32
    scf.for %scan3A_17 = %scan3A_12 to %scan3A_14 step %scan3A_15  : i32 {
      %mul3A_18 = arith.constant 16 : i32
      %mul3A_19 = arith.muli %scan3A_17, %mul3A_18 : i32
      %get3A = arith.index_cast %mul3A_19 : i32 to index
      %get3A_20 = tpu.vector_load %arg4[%get3A] {strides = array<i32>} : memref<10000xi32, #tpu.memory_space<vmem>>, vector<16xi32>,
      tpu.vector_store_idx %arg5[%get3A_20], %broadcast_in_dim3A_5 {add = true} : memref<10240xf32, #tpu.memory_space<vmem>>[vector<16xi32>], vector<16xf32>,
    }
    %scan3A_16 = arith.constant 625 : i32
    "tpu.region"() ({
      %run_scoped3A = tpu.sem_alloc : memref<!tpu.dma_semaphore, #tpu.memory_space<semaphore_mem>>
      %dma_start3A = arith.constant 0 : i32
      %dma_start3A_17 = tpu.memref_slice %arg3[%add3A, %dma_start3A] : memref<32x10240xf32, #tpu.memory_space<hbm>> -> memref<1x10240xf32, #tpu.memory_space<hbm>>
      %dma_start3A_18 = tpu.memref_squeeze %dma_start3A_17 : memref<1x10240xf32, #tpu.memory_space<hbm>> -> memref<10240xf32, #tpu.memory_space<hbm>>
      %dma_start3A_19 = arith.constant 0 : i32
      %dma_start3A_20 = tpu.memref_slice %arg3[%add3A, %dma_start3A_19] : memref<32x10240xf32, #tpu.memory_space<hbm>> -> memref<1x10240xf32, #tpu.memory_space<hbm>>
      %dma_start3A_21 = tpu.memref_squeeze %dma_start3A_20 : memref<1x10240xf32, #tpu.memory_space<hbm>> -> memref<10240xf32, #tpu.memory_space<hbm>>
      tpu.enqueue_dma source(%arg5 : memref<10240xf32, #tpu.memory_space<vmem>>) target(%dma_start3A_21 : memref<10240xf32, #tpu.memory_space<hbm>>) target_semaphore(%run_scoped3A : memref<!tpu.dma_semaphore, #tpu.memory_space<semaphore_mem>>)
      %dma_wait3A = arith.constant 0 : i32
      %dma_wait3A_22 = tpu.memref_slice %arg3[%add3A, %dma_wait3A] : memref<32x10240xf32, #tpu.memory_space<hbm>> -> memref<1x10240xf32, #tpu.memory_space<hbm>>
      %dma_wait3A_23 = tpu.memref_squeeze %dma_wait3A_22 : memref<1x10240xf32, #tpu.memory_space<hbm>> -> memref<10240xf32, #tpu.memory_space<hbm>>
      %dma_wait3A_24 = arith.constant 0 : i32
      %dma_wait3A_25 = tpu.memref_slice %arg3[%add3A, %dma_wait3A_24] : memref<32x10240xf32, #tpu.memory_space<hbm>> -> memref<1x10240xf32, #tpu.memory_space<hbm>>
      %dma_wait3A_26 = tpu.memref_squeeze %dma_wait3A_25 : memref<1x10240xf32, #tpu.memory_space<hbm>> -> memref<10240xf32, #tpu.memory_space<hbm>>
      tpu.wait_dma2 semaphore(%run_scoped3A : memref<!tpu.dma_semaphore, #tpu.memory_space<semaphore_mem>>) src(%arg5 : memref<10240xf32, #tpu.memory_space<vmem>>) dst(%dma_wait3A_26 : memref<10240xf32, #tpu.memory_space<hbm>>)
      tpu.yield
    }) : () -> ()
    return
  }
}

#map = affine_map<(d0, d1) -> (0)>
#map1 = affine_map<(d0, d1) -> (0, 0)>
#map2 = affine_map<(d0, d1) -> (0, 0, 0)>
module attributes {stable_mosaic.version = 14 : i64} {
  func.func @_edge_body(%arg0: i32, %arg1: i32, %arg2: memref<320000xi32, #tpu.memory_space<hbm>>, %arg3: memref<320000xi32, #tpu.memory_space<hbm>>, %arg4: memref<10240x128xf32, #tpu.memory_space<hbm>>, %arg5: memref<2x10240x128xf32, #tpu.memory_space<hbm>>, %arg6: memref<10240x128xf32, #tpu.memory_space<vmem_shared>>, %arg7: memref<4992xi32, #tpu.memory_space<vmem>>, %arg8: memref<4992xi32, #tpu.memory_space<vmem>>, %arg9: memref<64xi32, #tpu.memory_space<vmem>>, %arg10: memref<64xi32, #tpu.memory_space<vmem>>, %arg11: memref<64xi32, #tpu.memory_space<vmem>>, %arg12: memref<64xi32, #tpu.memory_space<vmem>>, %arg13: memref<64xi32, #tpu.memory_space<vmem>>, %arg14: memref<64xi32, #tpu.memory_space<vmem>>, %arg15: memref<64xi32, #tpu.memory_space<vmem>>, %arg16: memref<64xi32, #tpu.memory_space<vmem>>, %arg17: memref<64x128xf32, #tpu.memory_space<vmem>>, %arg18: memref<64x128xf32, #tpu.memory_space<vmem>>, %arg19: memref<64x128xf32, #tpu.memory_space<vmem>>, %arg20: memref<64x128xf32, #tpu.memory_space<vmem>>, %arg21: memref<16xi32, #tpu.memory_space<vmem>>, %arg22: memref<16xi32, #tpu.memory_space<vmem>>, %arg23: memref<16x128xf32, #tpu.memory_space<vmem>>, %arg24: memref<!tpu.dma_semaphore, #tpu.memory_space<semaphore_mem>>, %arg25: memref<!tpu.dma_semaphore, #tpu.memory_space<semaphore_mem>>, %arg26: memref<!tpu.dma_semaphore, #tpu.memory_space<semaphore_mem>>, %arg27: memref<!tpu.dma_semaphore, #tpu.memory_space<semaphore_mem>>, %arg28: memref<!tpu.dma_semaphore, #tpu.memory_space<semaphore_mem>>, %arg29: memref<!tpu.dma_semaphore, #tpu.memory_space<semaphore_mem>>, %arg30: memref<!tpu.dma_semaphore, #tpu.memory_space<semaphore_mem>>, %arg31: memref<!tpu.dma_semaphore, #tpu.memory_space<semaphore_mem>>) attributes {dimension_semantics = [#tpu.dimension_semantics<core_parallel>, #tpu.dimension_semantics<subcore_parallel>], iteration_bounds = array<i64: 2, 16>, scalar_prefetch = 0 : i64, scratch_operands = 26 : i64, tpu.core_type = #tpu.core_type<sc_vector_subcore>, window_params = [{transform_indices = #map}, {transform_indices = #map}, {transform_indices = #map1}, {transform_indices = #map2}]} {
    %mul3A = arith.constant 2 : i32
    %mul3A_0 = arith.muli %arg1, %mul3A : i32
    %add3A = arith.addi %mul3A_0, %arg0 : i32
    %mul3A_1 = arith.constant 10000 : i32
    %mul3A_2 = arith.muli %add3A, %mul3A_1 : i32
    %broadcast_in_dim3A = arith.constant 0.000000e+00 : f32
    %broadcast_in_dim3A_3 = vector.broadcast %broadcast_in_dim3A : f32 to vector<16xf32>
    %scan3A = arith.constant 0 : i32
    %scan3A_4 = arith.constant 0 : i32
    %scan3A_5 = arith.constant 64 : i32
    %scan3A_6 = arith.addi %scan3A_4, %scan3A_5 : i32
    %scan3A_7 = arith.constant 1 : i32
    scf.for %scan3A_872 = %scan3A_4 to %scan3A_6 step %scan3A_7  : i32 {
      %scan3A_873 = arith.constant 0 : i32
      %scan3A_874 = arith.constant 0 : i32
      %scan3A_875 = arith.constant 8 : i32
      %scan3A_876 = arith.addi %scan3A_874, %scan3A_875 : i32
      %scan3A_877 = arith.constant 1 : i32
      scf.for %scan3A_879 = %scan3A_874 to %scan3A_876 step %scan3A_877  : i32 {
        %mul3A_880 = arith.constant 16 : i32
        %mul3A_881 = arith.muli %scan3A_879, %mul3A_880 : i32
        %swap3A_882 = arith.index_cast %scan3A_872 : i32 to index
        %swap3A_883 = arith.index_cast %mul3A_881 : i32 to index
        %swap3A_884 = tpu.vector_load %arg17[%swap3A_882, %swap3A_883] {strides = array<i32>} : memref<64x128xf32, #tpu.memory_space<vmem>>, vector<1x16xf32>,
        %swap3A_885 = vector.shape_cast %swap3A_884 : vector<1x16xf32> to vector<16xf32>
        %swap3A_886 = vector.shape_cast %broadcast_in_dim3A_3 : vector<16xf32> to vector<1x16xf32>
        tpu.vector_store %arg17[%swap3A_882, %swap3A_883], %swap3A_886 {strides = array<i32>} : memref<64x128xf32, #tpu.memory_space<vmem>>, vector<1x16xf32>,
      }
      %scan3A_878 = arith.constant 8 : i32
    }
    %scan3A_8 = arith.constant 64 : i32
    %mul3A_9 = arith.constant 640 : i32
    %mul3A_10 = arith.muli %arg1, %mul3A_9 : i32
    %add3A_11 = arith.constant 0 : i32
    %add3A_12 = arith.addi %mul3A_10, %add3A_11 : i32
    "tpu.region"() ({
      %run_scoped3A = tpu.sem_alloc : memref<!tpu.dma_semaphore, #tpu.memory_space<semaphore_mem>>
      %dma_start3A_872 = arith.constant 0 : i32
      %dma_start3A_873 = tpu.memref_slice %arg6[%add3A_12, %dma_start3A_872] : memref<10240x128xf32, #tpu.memory_space<vmem_shared>> -> memref<64x128xf32, #tpu.memory_space<vmem_shared>>
      %dma_start3A_874 = arith.constant 0 : i32
      %dma_start3A_875 = tpu.memref_slice %arg6[%add3A_12, %dma_start3A_874] : memref<10240x128xf32, #tpu.memory_space<vmem_shared>> -> memref<64x128xf32, #tpu.memory_space<vmem_shared>>
      tpu.enqueue_dma source(%arg17 : memref<64x128xf32, #tpu.memory_space<vmem>>) target(%dma_start3A_875 : memref<64x128xf32, #tpu.memory_space<vmem_shared>>) target_semaphore(%run_scoped3A : memref<!tpu.dma_semaphore, #tpu.memory_space<semaphore_mem>>)
      %dma_wait3A_876 = arith.constant 0 : i32
      %dma_wait3A_877 = tpu.memref_slice %arg6[%add3A_12, %dma_wait3A_876] : memref<10240x128xf32, #tpu.memory_space<vmem_shared>> -> memref<64x128xf32, #tpu.memory_space<vmem_shared>>
      %dma_wait3A_878 = arith.constant 0 : i32
      %dma_wait3A_879 = tpu.memref_slice %arg6[%add3A_12, %dma_wait3A_878] : memref<10240x128xf32, #tpu.memory_space<vmem_shared>> -> memref<64x128xf32, #tpu.memory_space<vmem_shared>>
      tpu.wait_dma2 semaphore(%run_scoped3A : memref<!tpu.dma_semaphore, #tpu.memory_space<semaphore_mem>>) src(%arg17 : memref<64x128xf32, #tpu.memory_space<vmem>>) dst(%dma_wait3A_879 : memref<64x128xf32, #tpu.memory_space<vmem_shared>>)
      tpu.yield
    }) : () -> ()
    %add3A_13 = arith.constant 64 : i32
    %add3A_14 = arith.addi %mul3A_10, %add3A_13 : i32
    "tpu.region"() ({
      %run_scoped3A = tpu.sem_alloc : memref<!tpu.dma_semaphore, #tpu.memory_space<semaphore_mem>>
      %dma_start3A_872 = arith.constant 0 : i32
      %dma_start3A_873 = tpu.memref_slice %arg6[%add3A_14, %dma_start3A_872] : memref<10240x128xf32, #tpu.memory_space<vmem_shared>> -> memref<64x128xf32, #tpu.memory_space<vmem_shared>>
      %dma_start3A_874 = arith.constant 0 : i32
      %dma_start3A_875 = tpu.memref_slice %arg6[%add3A_14, %dma_start3A_874] : memref<10240x128xf32, #tpu.memory_space<vmem_shared>> -> memref<64x128xf32, #tpu.memory_space<vmem_shared>>
      tpu.enqueue_dma source(%arg17 : memref<64x128xf32, #tpu.memory_space<vmem>>) target(%dma_start3A_875 : memref<64x128xf32, #tpu.memory_space<vmem_shared>>) target_semaphore(%run_scoped3A : memref<!tpu.dma_semaphore, #tpu.memory_space<semaphore_mem>>)
      %dma_wait3A_876 = arith.constant 0 : i32
      %dma_wait3A_877 = tpu.memref_slice %arg6[%add3A_14, %dma_wait3A_876] : memref<10240x128xf32, #tpu.memory_space<vmem_shared>> -> memref<64x128xf32, #tpu.memory_space<vmem_shared>>
      %dma_wait3A_878 = arith.constant 0 : i32
      %dma_wait3A_879 = tpu.memref_slice %arg6[%add3A_14, %dma_wait3A_878] : memref<10240x128xf32, #tpu.memory_space<vmem_shared>> -> memref<64x128xf32, #tpu.memory_space<vmem_shared>>
      tpu.wait_dma2 semaphore(%run_scoped3A : memref<!tpu.dma_semaphore, #tpu.memory_space<semaphore_mem>>) src(%arg17 : memref<64x128xf32, #tpu.memory_space<vmem>>) dst(%dma_wait3A_879 : memref<64x128xf32, #tpu.memory_space<vmem_shared>>)
      tpu.yield
    }) : () -> ()
    %add3A_15 = arith.constant 128 : i32
    %add3A_16 = arith.addi %mul3A_10, %add3A_15 : i32
    "tpu.region"() ({
      %run_scoped3A = tpu.sem_alloc : memref<!tpu.dma_semaphore, #tpu.memory_space<semaphore_mem>>
      %dma_start3A_872 = arith.constant 0 : i32
      %dma_start3A_873 = tpu.memref_slice %arg6[%add3A_16, %dma_start3A_872] : memref<10240x128xf32, #tpu.memory_space<vmem_shared>> -> memref<64x128xf32, #tpu.memory_space<vmem_shared>>
      %dma_start3A_874 = arith.constant 0 : i32
      %dma_start3A_875 = tpu.memref_slice %arg6[%add3A_16, %dma_start3A_874] : memref<10240x128xf32, #tpu.memory_space<vmem_shared>> -> memref<64x128xf32, #tpu.memory_space<vmem_shared>>
      tpu.enqueue_dma source(%arg17 : memref<64x128xf32, #tpu.memory_space<vmem>>) target(%dma_start3A_875 : memref<64x128xf32, #tpu.memory_space<vmem_shared>>) target_semaphore(%run_scoped3A : memref<!tpu.dma_semaphore, #tpu.memory_space<semaphore_mem>>)
      %dma_wait3A_876 = arith.constant 0 : i32
      %dma_wait3A_877 = tpu.memref_slice %arg6[%add3A_16, %dma_wait3A_876] : memref<10240x128xf32, #tpu.memory_space<vmem_shared>> -> memref<64x128xf32, #tpu.memory_space<vmem_shared>>
      %dma_wait3A_878 = arith.constant 0 : i32
      %dma_wait3A_879 = tpu.memref_slice %arg6[%add3A_16, %dma_wait3A_878] : memref<10240x128xf32, #tpu.memory_space<vmem_shared>> -> memref<64x128xf32, #tpu.memory_space<vmem_shared>>
      tpu.wait_dma2 semaphore(%run_scoped3A : memref<!tpu.dma_semaphore, #tpu.memory_space<semaphore_mem>>) src(%arg17 : memref<64x128xf32, #tpu.memory_space<vmem>>) dst(%dma_wait3A_879 : memref<64x128xf32, #tpu.memory_space<vmem_shared>>)
      tpu.yield
    }) : () -> ()
    %add3A_17 = arith.constant 192 : i32
    %add3A_18 = arith.addi %mul3A_10, %add3A_17 : i32
    "tpu.region"() ({
      %run_scoped3A = tpu.sem_alloc : memref<!tpu.dma_semaphore, #tpu.memory_space<semaphore_mem>>
      %dma_start3A_872 = arith.constant 0 : i32
      %dma_start3A_873 = tpu.memref_slice %arg6[%add3A_18, %dma_start3A_872] : memref<10240x128xf32, #tpu.memory_space<vmem_shared>> -> memref<64x128xf32, #tpu.memory_space<vmem_shared>>
      %dma_start3A_874 = arith.constant 0 : i32
      %dma_start3A_875 = tpu.memref_slice %arg6[%add3A_18, %dma_start3A_874] : memref<10240x128xf32, #tpu.memory_space<vmem_shared>> -> memref<64x128xf32, #tpu.memory_space<vmem_shared>>
      tpu.enqueue_dma source(%arg17 : memref<64x128xf32, #tpu.memory_space<vmem>>) target(%dma_start3A_875 : memref<64x128xf32, #tpu.memory_space<vmem_shared>>) target_semaphore(%run_scoped3A : memref<!tpu.dma_semaphore, #tpu.memory_space<semaphore_mem>>)
      %dma_wait3A_876 = arith.constant 0 : i32
      %dma_wait3A_877 = tpu.memref_slice %arg6[%add3A_18, %dma_wait3A_876] : memref<10240x128xf32, #tpu.memory_space<vmem_shared>> -> memref<64x128xf32, #tpu.memory_space<vmem_shared>>
      %dma_wait3A_878 = arith.constant 0 : i32
      %dma_wait3A_879 = tpu.memref_slice %arg6[%add3A_18, %dma_wait3A_878] : memref<10240x128xf32, #tpu.memory_space<vmem_shared>> -> memref<64x128xf32, #tpu.memory_space<vmem_shared>>
      tpu.wait_dma2 semaphore(%run_scoped3A : memref<!tpu.dma_semaphore, #tpu.memory_space<semaphore_mem>>) src(%arg17 : memref<64x128xf32, #tpu.memory_space<vmem>>) dst(%dma_wait3A_879 : memref<64x128xf32, #tpu.memory_space<vmem_shared>>)
      tpu.yield
    }) : () -> ()
    %add3A_19 = arith.constant 256 : i32
    %add3A_20 = arith.addi %mul3A_10, %add3A_19 : i32
    "tpu.region"() ({
      %run_scoped3A = tpu.sem_alloc : memref<!tpu.dma_semaphore, #tpu.memory_space<semaphore_mem>>
      %dma_start3A_872 = arith.constant 0 : i32
      %dma_start3A_873 = tpu.memref_slice %arg6[%add3A_20, %dma_start3A_872] : memref<10240x128xf32, #tpu.memory_space<vmem_shared>> -> memref<64x128xf32, #tpu.memory_space<vmem_shared>>
      %dma_start3A_874 = arith.constant 0 : i32
      %dma_start3A_875 = tpu.memref_slice %arg6[%add3A_20, %dma_start3A_874] : memref<10240x128xf32, #tpu.memory_space<vmem_shared>> -> memref<64x128xf32, #tpu.memory_space<vmem_shared>>
      tpu.enqueue_dma source(%arg17 : memref<64x128xf32, #tpu.memory_space<vmem>>) target(%dma_start3A_875 : memref<64x128xf32, #tpu.memory_space<vmem_shared>>) target_semaphore(%run_scoped3A : memref<!tpu.dma_semaphore, #tpu.memory_space<semaphore_mem>>)
      %dma_wait3A_876 = arith.constant 0 : i32
      %dma_wait3A_877 = tpu.memref_slice %arg6[%add3A_20, %dma_wait3A_876] : memref<10240x128xf32, #tpu.memory_space<vmem_shared>> -> memref<64x128xf32, #tpu.memory_space<vmem_shared>>
      %dma_wait3A_878 = arith.constant 0 : i32
      %dma_wait3A_879 = tpu.memref_slice %arg6[%add3A_20, %dma_wait3A_878] : memref<10240x128xf32, #tpu.memory_space<vmem_shared>> -> memref<64x128xf32, #tpu.memory_space<vmem_shared>>
      tpu.wait_dma2 semaphore(%run_scoped3A : memref<!tpu.dma_semaphore, #tpu.memory_space<semaphore_mem>>) src(%arg17 : memref<64x128xf32, #tpu.memory_space<vmem>>) dst(%dma_wait3A_879 : memref<64x128xf32, #tpu.memory_space<vmem_shared>>)
      tpu.yield
    }) : () -> ()
    %add3A_21 = arith.constant 320 : i32
    %add3A_22 = arith.addi %mul3A_10, %add3A_21 : i32
    "tpu.region"() ({
      %run_scoped3A = tpu.sem_alloc : memref<!tpu.dma_semaphore, #tpu.memory_space<semaphore_mem>>
      %dma_start3A_872 = arith.constant 0 : i32
      %dma_start3A_873 = tpu.memref_slice %arg6[%add3A_22, %dma_start3A_872] : memref<10240x128xf32, #tpu.memory_space<vmem_shared>> -> memref<64x128xf32, #tpu.memory_space<vmem_shared>>
      %dma_start3A_874 = arith.constant 0 : i32
      %dma_start3A_875 = tpu.memref_slice %arg6[%add3A_22, %dma_start3A_874] : memref<10240x128xf32, #tpu.memory_space<vmem_shared>> -> memref<64x128xf32, #tpu.memory_space<vmem_shared>>
      tpu.enqueue_dma source(%arg17 : memref<64x128xf32, #tpu.memory_space<vmem>>) target(%dma_start3A_875 : memref<64x128xf32, #tpu.memory_space<vmem_shared>>) target_semaphore(%run_scoped3A : memref<!tpu.dma_semaphore, #tpu.memory_space<semaphore_mem>>)
      %dma_wait3A_876 = arith.constant 0 : i32
      %dma_wait3A_877 = tpu.memref_slice %arg6[%add3A_22, %dma_wait3A_876] : memref<10240x128xf32, #tpu.memory_space<vmem_shared>> -> memref<64x128xf32, #tpu.memory_space<vmem_shared>>
      %dma_wait3A_878 = arith.constant 0 : i32
      %dma_wait3A_879 = tpu.memref_slice %arg6[%add3A_22, %dma_wait3A_878] : memref<10240x128xf32, #tpu.memory_space<vmem_shared>> -> memref<64x128xf32, #tpu.memory_space<vmem_shared>>
      tpu.wait_dma2 semaphore(%run_scoped3A : memref<!tpu.dma_semaphore, #tpu.memory_space<semaphore_mem>>) src(%arg17 : memref<64x128xf32, #tpu.memory_space<vmem>>) dst(%dma_wait3A_879 : memref<64x128xf32, #tpu.memory_space<vmem_shared>>)
      tpu.yield
    }) : () -> ()
    %add3A_23 = arith.constant 384 : i32
    %add3A_24 = arith.addi %mul3A_10, %add3A_23 : i32
    "tpu.region"() ({
      %run_scoped3A = tpu.sem_alloc : memref<!tpu.dma_semaphore, #tpu.memory_space<semaphore_mem>>
      %dma_start3A_872 = arith.constant 0 : i32
      %dma_start3A_873 = tpu.memref_slice %arg6[%add3A_24, %dma_start3A_872] : memref<10240x128xf32, #tpu.memory_space<vmem_shared>> -> memref<64x128xf32, #tpu.memory_space<vmem_shared>>
      %dma_start3A_874 = arith.constant 0 : i32
      %dma_start3A_875 = tpu.memref_slice %arg6[%add3A_24, %dma_start3A_874] : memref<10240x128xf32, #tpu.memory_space<vmem_shared>> -> memref<64x128xf32, #tpu.memory_space<vmem_shared>>
      tpu.enqueue_dma source(%arg17 : memref<64x128xf32, #tpu.memory_space<vmem>>) target(%dma_start3A_875 : memref<64x128xf32, #tpu.memory_space<vmem_shared>>) target_semaphore(%run_scoped3A : memref<!tpu.dma_semaphore, #tpu.memory_space<semaphore_mem>>)
      %dma_wait3A_876 = arith.constant 0 : i32
      %dma_wait3A_877 = tpu.memref_slice %arg6[%add3A_24, %dma_wait3A_876] : memref<10240x128xf32, #tpu.memory_space<vmem_shared>> -> memref<64x128xf32, #tpu.memory_space<vmem_shared>>
      %dma_wait3A_878 = arith.constant 0 : i32
      %dma_wait3A_879 = tpu.memref_slice %arg6[%add3A_24, %dma_wait3A_878] : memref<10240x128xf32, #tpu.memory_space<vmem_shared>> -> memref<64x128xf32, #tpu.memory_space<vmem_shared>>
      tpu.wait_dma2 semaphore(%run_scoped3A : memref<!tpu.dma_semaphore, #tpu.memory_space<semaphore_mem>>) src(%arg17 : memref<64x128xf32, #tpu.memory_space<vmem>>) dst(%dma_wait3A_879 : memref<64x128xf32, #tpu.memory_space<vmem_shared>>)
      tpu.yield
    }) : () -> ()
    %add3A_25 = arith.constant 448 : i32
    %add3A_26 = arith.addi %mul3A_10, %add3A_25 : i32
    "tpu.region"() ({
      %run_scoped3A = tpu.sem_alloc : memref<!tpu.dma_semaphore, #tpu.memory_space<semaphore_mem>>
      %dma_start3A_872 = arith.constant 0 : i32
      %dma_start3A_873 = tpu.memref_slice %arg6[%add3A_26, %dma_start3A_872] : memref<10240x128xf32, #tpu.memory_space<vmem_shared>> -> memref<64x128xf32, #tpu.memory_space<vmem_shared>>
      %dma_start3A_874 = arith.constant 0 : i32
      %dma_start3A_875 = tpu.memref_slice %arg6[%add3A_26, %dma_start3A_874] : memref<10240x128xf32, #tpu.memory_space<vmem_shared>> -> memref<64x128xf32, #tpu.memory_space<vmem_shared>>
      tpu.enqueue_dma source(%arg17 : memref<64x128xf32, #tpu.memory_space<vmem>>) target(%dma_start3A_875 : memref<64x128xf32, #tpu.memory_space<vmem_shared>>) target_semaphore(%run_scoped3A : memref<!tpu.dma_semaphore, #tpu.memory_space<semaphore_mem>>)
      %dma_wait3A_876 = arith.constant 0 : i32
      %dma_wait3A_877 = tpu.memref_slice %arg6[%add3A_26, %dma_wait3A_876] : memref<10240x128xf32, #tpu.memory_space<vmem_shared>> -> memref<64x128xf32, #tpu.memory_space<vmem_shared>>
      %dma_wait3A_878 = arith.constant 0 : i32
      %dma_wait3A_879 = tpu.memref_slice %arg6[%add3A_26, %dma_wait3A_878] : memref<10240x128xf32, #tpu.memory_space<vmem_shared>> -> memref<64x128xf32, #tpu.memory_space<vmem_shared>>
      tpu.wait_dma2 semaphore(%run_scoped3A : memref<!tpu.dma_semaphore, #tpu.memory_space<semaphore_mem>>) src(%arg17 : memref<64x128xf32, #tpu.memory_space<vmem>>) dst(%dma_wait3A_879 : memref<64x128xf32, #tpu.memory_space<vmem_shared>>)
      tpu.yield
    }) : () -> ()
    %add3A_27 = arith.constant 512 : i32
    %add3A_28 = arith.addi %mul3A_10, %add3A_27 : i32
    "tpu.region"() ({
      %run_scoped3A = tpu.sem_alloc : memref<!tpu.dma_semaphore, #tpu.memory_space<semaphore_mem>>
      %dma_start3A_872 = arith.constant 0 : i32
      %dma_start3A_873 = tpu.memref_slice %arg6[%add3A_28, %dma_start3A_872] : memref<10240x128xf32, #tpu.memory_space<vmem_shared>> -> memref<64x128xf32, #tpu.memory_space<vmem_shared>>
      %dma_start3A_874 = arith.constant 0 : i32
      %dma_start3A_875 = tpu.memref_slice %arg6[%add3A_28, %dma_start3A_874] : memref<10240x128xf32, #tpu.memory_space<vmem_shared>> -> memref<64x128xf32, #tpu.memory_space<vmem_shared>>
      tpu.enqueue_dma source(%arg17 : memref<64x128xf32, #tpu.memory_space<vmem>>) target(%dma_start3A_875 : memref<64x128xf32, #tpu.memory_space<vmem_shared>>) target_semaphore(%run_scoped3A : memref<!tpu.dma_semaphore, #tpu.memory_space<semaphore_mem>>)
      %dma_wait3A_876 = arith.constant 0 : i32
      %dma_wait3A_877 = tpu.memref_slice %arg6[%add3A_28, %dma_wait3A_876] : memref<10240x128xf32, #tpu.memory_space<vmem_shared>> -> memref<64x128xf32, #tpu.memory_space<vmem_shared>>
      %dma_wait3A_878 = arith.constant 0 : i32
      %dma_wait3A_879 = tpu.memref_slice %arg6[%add3A_28, %dma_wait3A_878] : memref<10240x128xf32, #tpu.memory_space<vmem_shared>> -> memref<64x128xf32, #tpu.memory_space<vmem_shared>>
      tpu.wait_dma2 semaphore(%run_scoped3A : memref<!tpu.dma_semaphore, #tpu.memory_space<semaphore_mem>>) src(%arg17 : memref<64x128xf32, #tpu.memory_space<vmem>>) dst(%dma_wait3A_879 : memref<64x128xf32, #tpu.memory_space<vmem_shared>>)
      tpu.yield
    }) : () -> ()
    %add3A_29 = arith.constant 576 : i32
    %add3A_30 = arith.addi %mul3A_10, %add3A_29 : i32
    "tpu.region"() ({
      %run_scoped3A = tpu.sem_alloc : memref<!tpu.dma_semaphore, #tpu.memory_space<semaphore_mem>>
      %dma_start3A_872 = arith.constant 0 : i32
      %dma_start3A_873 = tpu.memref_slice %arg6[%add3A_30, %dma_start3A_872] : memref<10240x128xf32, #tpu.memory_space<vmem_shared>> -> memref<64x128xf32, #tpu.memory_space<vmem_shared>>
      %dma_start3A_874 = arith.constant 0 : i32
      %dma_start3A_875 = tpu.memref_slice %arg6[%add3A_30, %dma_start3A_874] : memref<10240x128xf32, #tpu.memory_space<vmem_shared>> -> memref<64x128xf32, #tpu.memory_space<vmem_shared>>
      tpu.enqueue_dma source(%arg17 : memref<64x128xf32, #tpu.memory_space<vmem>>) target(%dma_start3A_875 : memref<64x128xf32, #tpu.memory_space<vmem_shared>>) target_semaphore(%run_scoped3A : memref<!tpu.dma_semaphore, #tpu.memory_space<semaphore_mem>>)
      %dma_wait3A_876 = arith.constant 0 : i32
      %dma_wait3A_877 = tpu.memref_slice %arg6[%add3A_30, %dma_wait3A_876] : memref<10240x128xf32, #tpu.memory_space<vmem_shared>> -> memref<64x128xf32, #tpu.memory_space<vmem_shared>>
      %dma_wait3A_878 = arith.constant 0 : i32
      %dma_wait3A_879 = tpu.memref_slice %arg6[%add3A_30, %dma_wait3A_878] : memref<10240x128xf32, #tpu.memory_space<vmem_shared>> -> memref<64x128xf32, #tpu.memory_space<vmem_shared>>
      tpu.wait_dma2 semaphore(%run_scoped3A : memref<!tpu.dma_semaphore, #tpu.memory_space<semaphore_mem>>) src(%arg17 : memref<64x128xf32, #tpu.memory_space<vmem>>) dst(%dma_wait3A_879 : memref<64x128xf32, #tpu.memory_space<vmem_shared>>)
      tpu.yield
    }) : () -> ()
    %barrier3A = arith.constant 0 : index
    tpu.barrier barrier_id(%barrier3A)
    %add3A_31 = arith.constant 0 : i32
    %add3A_32 = arith.addi %mul3A_2, %add3A_31 : i32
    "tpu.region"() ({
      %run_scoped3A = tpu.sem_alloc : memref<!tpu.dma_semaphore, #tpu.memory_space<semaphore_mem>>
      %dma_start3A_872 = tpu.memref_slice %arg2[%add3A_32] : memref<320000xi32, #tpu.memory_space<hbm>> -> memref<4992xi32, #tpu.memory_space<hbm>>
      %dma_start3A_873 = tpu.memref_slice %arg2[%add3A_32] : memref<320000xi32, #tpu.memory_space<hbm>> -> memref<4992xi32, #tpu.memory_space<hbm>>
      tpu.enqueue_dma source(%dma_start3A_873 : memref<4992xi32, #tpu.memory_space<hbm>>) target(%arg7 : memref<4992xi32, #tpu.memory_space<vmem>>) target_semaphore(%run_scoped3A : memref<!tpu.dma_semaphore, #tpu.memory_space<semaphore_mem>>)
      %dma_wait3A_874 = tpu.memref_slice %arg2[%add3A_32] : memref<320000xi32, #tpu.memory_space<hbm>> -> memref<4992xi32, #tpu.memory_space<hbm>>
      %dma_wait3A_875 = tpu.memref_slice %arg2[%add3A_32] : memref<320000xi32, #tpu.memory_space<hbm>> -> memref<4992xi32, #tpu.memory_space<hbm>>
      tpu.wait_dma2 semaphore(%run_scoped3A : memref<!tpu.dma_semaphore, #tpu.memory_space<semaphore_mem>>) src(%dma_wait3A_875 : memref<4992xi32, #tpu.memory_space<hbm>>) dst(%arg7 : memref<4992xi32, #tpu.memory_space<vmem>>)
      tpu.yield
    }) : () -> ()
    %add3A_33 = arith.constant 0 : i32
    %add3A_34 = arith.addi %mul3A_2, %add3A_33 : i32
    "tpu.region"() ({
      %run_scoped3A = tpu.sem_alloc : memref<!tpu.dma_semaphore, #tpu.memory_space<semaphore_mem>>
      %dma_start3A_872 = tpu.memref_slice %arg3[%add3A_34] : memref<320000xi32, #tpu.memory_space<hbm>> -> memref<4992xi32, #tpu.memory_space<hbm>>
      %dma_start3A_873 = tpu.memref_slice %arg3[%add3A_34] : memref<320000xi32, #tpu.memory_space<hbm>> -> memref<4992xi32, #tpu.memory_space<hbm>>
      tpu.enqueue_dma source(%dma_start3A_873 : memref<4992xi32, #tpu.memory_space<hbm>>) target(%arg8 : memref<4992xi32, #tpu.memory_space<vmem>>) target_semaphore(%run_scoped3A : memref<!tpu.dma_semaphore, #tpu.memory_space<semaphore_mem>>)
      %dma_wait3A_874 = tpu.memref_slice %arg3[%add3A_34] : memref<320000xi32, #tpu.memory_space<hbm>> -> memref<4992xi32, #tpu.memory_space<hbm>>
      %dma_wait3A_875 = tpu.memref_slice %arg3[%add3A_34] : memref<320000xi32, #tpu.memory_space<hbm>> -> memref<4992xi32, #tpu.memory_space<hbm>>
      tpu.wait_dma2 semaphore(%run_scoped3A : memref<!tpu.dma_semaphore, #tpu.memory_space<semaphore_mem>>) src(%dma_wait3A_875 : memref<4992xi32, #tpu.memory_space<hbm>>) dst(%arg8 : memref<4992xi32, #tpu.memory_space<vmem>>)
      tpu.yield
    }) : () -> ()
    %scan3A_35 = arith.constant 0 : i32
    %scan3A_36 = arith.constant 0 : i32
    %scan3A_37 = arith.constant 9 : i32
    %scan3A_38 = arith.addi %scan3A_36, %scan3A_37 : i32
    %scan3A_39 = arith.constant 1 : i32
    scf.for %scan3A_872 = %scan3A_36 to %scan3A_38 step %scan3A_39  : i32 {
      %mul3A_873 = arith.constant 8 : i32
      %mul3A_874 = arith.muli %mul3A_873, %scan3A_872 : i32
      %mul3A_875 = arith.constant 64 : i32
      %mul3A_876 = arith.muli %mul3A_874, %mul3A_875 : i32
      %add3A_877 = arith.constant 0 : i32
      %add3A_878 = arith.addi %mul3A_876, %add3A_877 : i32
      %get3A_879 = arith.index_cast %add3A_878 : i32 to index
      %get3A_880 = tpu.vector_load %arg7[%get3A_879] {strides = array<i32>} : memref<4992xi32, #tpu.memory_space<vmem>>, vector<16xi32>,
      %get3A_881 = vector.shape_cast %get3A_880 : vector<16xi32> to vector<16xi32>
      %swap3A_882 = arith.constant 0 : index
      %swap3A_883 = tpu.vector_load %arg9[%swap3A_882] {strides = array<i32>} : memref<64xi32, #tpu.memory_space<vmem>>, vector<16xi32>,
      %swap3A_884 = vector.shape_cast %swap3A_883 : vector<16xi32> to vector<16xi32>
      %swap3A_885 = vector.shape_cast %get3A_881 : vector<16xi32> to vector<16xi32>
      tpu.vector_store %arg9[%swap3A_882], %swap3A_885 {strides = array<i32>} : memref<64xi32, #tpu.memory_space<vmem>>, vector<16xi32>,
      %add3A_886 = arith.constant 16 : i32
      %add3A_887 = arith.addi %mul3A_876, %add3A_886 : i32
      %get3A_888 = arith.index_cast %add3A_887 : i32 to index
      %get3A_889 = tpu.vector_load %arg7[%get3A_888] {strides = array<i32>} : memref<4992xi32, #tpu.memory_space<vmem>>, vector<16xi32>,
      %get3A_890 = vector.shape_cast %get3A_889 : vector<16xi32> to vector<16xi32>
      %swap3A_891 = arith.constant 16 : index
      %swap3A_892 = tpu.vector_load %arg9[%swap3A_891] {strides = array<i32>} : memref<64xi32, #tpu.memory_space<vmem>>, vector<16xi32>,
      %swap3A_893 = vector.shape_cast %swap3A_892 : vector<16xi32> to vector<16xi32>
      %swap3A_894 = vector.shape_cast %get3A_890 : vector<16xi32> to vector<16xi32>
      tpu.vector_store %arg9[%swap3A_891], %swap3A_894 {strides = array<i32>} : memref<64xi32, #tpu.memory_space<vmem>>, vector<16xi32>,
      %add3A_895 = arith.constant 32 : i32
      %add3A_896 = arith.addi %mul3A_876, %add3A_895 : i32
      %get3A_897 = arith.index_cast %add3A_896 : i32 to index
      %get3A_898 = tpu.vector_load %arg7[%get3A_897] {strides = array<i32>} : memref<4992xi32, #tpu.memory_space<vmem>>, vector<16xi32>,
      %get3A_899 = vector.shape_cast %get3A_898 : vector<16xi32> to vector<16xi32>
      %swap3A_900 = arith.constant 32 : index
      %swap3A_901 = tpu.vector_load %arg9[%swap3A_900] {strides = array<i32>} : memref<64xi32, #tpu.memory_space<vmem>>, vector<16xi32>,
      %swap3A_902 = vector.shape_cast %swap3A_901 : vector<16xi32> to vector<16xi32>
      %swap3A_903 = vector.shape_cast %get3A_899 : vector<16xi32> to vector<16xi32>
      tpu.vector_store %arg9[%swap3A_900], %swap3A_903 {strides = array<i32>} : memref<64xi32, #tpu.memory_space<vmem>>, vector<16xi32>,
      %add3A_904 = arith.constant 48 : i32
      %add3A_905 = arith.addi %mul3A_876, %add3A_904 : i32
      %get3A_906 = arith.index_cast %add3A_905 : i32 to index
      %get3A_907 = tpu.vector_load %arg7[%get3A_906] {strides = array<i32>} : memref<4992xi32, #tpu.memory_space<vmem>>, vector<16xi32>,
      %get3A_908 = vector.shape_cast %get3A_907 : vector<16xi32> to vector<16xi32>
      %swap3A_909 = arith.constant 48 : index
      %swap3A_910 = tpu.vector_load %arg9[%swap3A_909] {strides = array<i32>} : memref<64xi32, #tpu.memory_space<vmem>>, vector<16xi32>,
      %swap3A_911 = vector.shape_cast %swap3A_910 : vector<16xi32> to vector<16xi32>
      %swap3A_912 = vector.shape_cast %get3A_908 : vector<16xi32> to vector<16xi32>
      tpu.vector_store %arg9[%swap3A_909], %swap3A_912 {strides = array<i32>} : memref<64xi32, #tpu.memory_space<vmem>>, vector<16xi32>,
      %add3A_913 = arith.constant 1 : i32
      %add3A_914 = arith.addi %mul3A_874, %add3A_913 : i32
      %mul3A_915 = arith.constant 64 : i32
      %mul3A_916 = arith.muli %add3A_914, %mul3A_915 : i32
      %add3A_917 = arith.constant 0 : i32
      %add3A_918 = arith.addi %mul3A_916, %add3A_917 : i32
      %get3A_919 = arith.index_cast %add3A_918 : i32 to index
      %get3A_920 = tpu.vector_load %arg7[%get3A_919] {strides = array<i32>} : memref<4992xi32, #tpu.memory_space<vmem>>, vector<16xi32>,
      %get3A_921 = vector.shape_cast %get3A_920 : vector<16xi32> to vector<16xi32>
      %swap3A_922 = arith.constant 0 : index
      %swap3A_923 = tpu.vector_load %arg11[%swap3A_922] {strides = array<i32>} : memref<64xi32, #tpu.memory_space<vmem>>, vector<16xi32>,
      %swap3A_924 = vector.shape_cast %swap3A_923 : vector<16xi32> to vector<16xi32>
      %swap3A_925 = vector.shape_cast %get3A_921 : vector<16xi32> to vector<16xi32>
      tpu.vector_store %arg11[%swap3A_922], %swap3A_925 {strides = array<i32>} : memref<64xi32, #tpu.memory_space<vmem>>, vector<16xi32>,
      %add3A_926 = arith.constant 16 : i32
      %add3A_927 = arith.addi %mul3A_916, %add3A_926 : i32
      %get3A_928 = arith.index_cast %add3A_927 : i32 to index
      %get3A_929 = tpu.vector_load %arg7[%get3A_928] {strides = array<i32>} : memref<4992xi32, #tpu.memory_space<vmem>>, vector<16xi32>,
      %get3A_930 = vector.shape_cast %get3A_929 : vector<16xi32> to vector<16xi32>
      %swap3A_931 = arith.constant 16 : index
      %swap3A_932 = tpu.vector_load %arg11[%swap3A_931] {strides = array<i32>} : memref<64xi32, #tpu.memory_space<vmem>>, vector<16xi32>,
      %swap3A_933 = vector.shape_cast %swap3A_932 : vector<16xi32> to vector<16xi32>
      %swap3A_934 = vector.shape_cast %get3A_930 : vector<16xi32> to vector<16xi32>
      tpu.vector_store %arg11[%swap3A_931], %swap3A_934 {strides = array<i32>} : memref<64xi32, #tpu.memory_space<vmem>>, vector<16xi32>,
      %add3A_935 = arith.constant 32 : i32
      %add3A_936 = arith.addi %mul3A_916, %add3A_935 : i32
      %get3A_937 = arith.index_cast %add3A_936 : i32 to index
      %get3A_938 = tpu.vector_load %arg7[%get3A_937] {strides = array<i32>} : memref<4992xi32, #tpu.memory_space<vmem>>, vector<16xi32>,
      %get3A_939 = vector.shape_cast %get3A_938 : vector<16xi32> to vector<16xi32>
      %swap3A_940 = arith.constant 32 : index
      %swap3A_941 = tpu.vector_load %arg11[%swap3A_940] {strides = array<i32>} : memref<64xi32, #tpu.memory_space<vmem>>, vector<16xi32>,
      %swap3A_942 = vector.shape_cast %swap3A_941 : vector<16xi32> to vector<16xi32>
      %swap3A_943 = vector.shape_cast %get3A_939 : vector<16xi32> to vector<16xi32>
      tpu.vector_store %arg11[%swap3A_940], %swap3A_943 {strides = array<i32>} : memref<64xi32, #tpu.memory_space<vmem>>, vector<16xi32>,
      %add3A_944 = arith.constant 48 : i32
      %add3A_945 = arith.addi %mul3A_916, %add3A_944 : i32
      %get3A_946 = arith.index_cast %add3A_945 : i32 to index
      %get3A_947 = tpu.vector_load %arg7[%get3A_946] {strides = array<i32>} : memref<4992xi32, #tpu.memory_space<vmem>>, vector<16xi32>,
      %get3A_948 = vector.shape_cast %get3A_947 : vector<16xi32> to vector<16xi32>
      %swap3A_949 = arith.constant 48 : index
      %swap3A_950 = tpu.vector_load %arg11[%swap3A_949] {strides = array<i32>} : memref<64xi32, #tpu.memory_space<vmem>>, vector<16xi32>,
      %swap3A_951 = vector.shape_cast %swap3A_950 : vector<16xi32> to vector<16xi32>
      %swap3A_952 = vector.shape_cast %get3A_948 : vector<16xi32> to vector<16xi32>
      tpu.vector_store %arg11[%swap3A_949], %swap3A_952 {strides = array<i32>} : memref<64xi32, #tpu.memory_space<vmem>>, vector<16xi32>,
      %mul3A_953 = arith.constant 64 : i32
      %mul3A_954 = arith.muli %mul3A_874, %mul3A_953 : i32
      %add3A_955 = arith.constant 0 : i32
      %add3A_956 = arith.addi %mul3A_954, %add3A_955 : i32
      %get3A_957 = arith.index_cast %add3A_956 : i32 to index
      %get3A_958 = tpu.vector_load %arg8[%get3A_957] {strides = array<i32>} : memref<4992xi32, #tpu.memory_space<vmem>>, vector<16xi32>,
      %get3A_959 = vector.shape_cast %get3A_958 : vector<16xi32> to vector<16xi32>
      %swap3A_960 = arith.constant 0 : index
      %swap3A_961 = tpu.vector_load %arg10[%swap3A_960] {strides = array<i32>} : memref<64xi32, #tpu.memory_space<vmem>>, vector<16xi32>,
      %swap3A_962 = vector.shape_cast %swap3A_961 : vector<16xi32> to vector<16xi32>
      %swap3A_963 = vector.shape_cast %get3A_959 : vector<16xi32> to vector<16xi32>
      tpu.vector_store %arg10[%swap3A_960], %swap3A_963 {strides = array<i32>} : memref<64xi32, #tpu.memory_space<vmem>>, vector<16xi32>,
      %add3A_964 = arith.constant 16 : i32
      %add3A_965 = arith.addi %mul3A_954, %add3A_964 : i32
      %get3A_966 = arith.index_cast %add3A_965 : i32 to index
      %get3A_967 = tpu.vector_load %arg8[%get3A_966] {strides = array<i32>} : memref<4992xi32, #tpu.memory_space<vmem>>, vector<16xi32>,
      %get3A_968 = vector.shape_cast %get3A_967 : vector<16xi32> to vector<16xi32>
      %swap3A_969 = arith.constant 16 : index
      %swap3A_970 = tpu.vector_load %arg10[%swap3A_969] {strides = array<i32>} : memref<64xi32, #tpu.memory_space<vmem>>, vector<16xi32>,
      %swap3A_971 = vector.shape_cast %swap3A_970 : vector<16xi32> to vector<16xi32>
      %swap3A_972 = vector.shape_cast %get3A_968 : vector<16xi32> to vector<16xi32>
      tpu.vector_store %arg10[%swap3A_969], %swap3A_972 {strides = array<i32>} : memref<64xi32, #tpu.memory_space<vmem>>, vector<16xi32>,
      %add3A_973 = arith.constant 32 : i32
      %add3A_974 = arith.addi %mul3A_954, %add3A_973 : i32
      %get3A_975 = arith.index_cast %add3A_974 : i32 to index
      %get3A_976 = tpu.vector_load %arg8[%get3A_975] {strides = array<i32>} : memref<4992xi32, #tpu.memory_space<vmem>>, vector<16xi32>,
      %get3A_977 = vector.shape_cast %get3A_976 : vector<16xi32> to vector<16xi32>
      %swap3A_978 = arith.constant 32 : index
      %swap3A_979 = tpu.vector_load %arg10[%swap3A_978] {strides = array<i32>} : memref<64xi32, #tpu.memory_space<vmem>>, vector<16xi32>,
      %swap3A_980 = vector.shape_cast %swap3A_979 : vector<16xi32> to vector<16xi32>
      %swap3A_981 = vector.shape_cast %get3A_977 : vector<16xi32> to vector<16xi32>
      tpu.vector_store %arg10[%swap3A_978], %swap3A_981 {strides = array<i32>} : memref<64xi32, #tpu.memory_space<vmem>>, vector<16xi32>,
      %add3A_982 = arith.constant 48 : i32
      %add3A_983 = arith.addi %mul3A_954, %add3A_982 : i32
      %get3A_984 = arith.index_cast %add3A_983 : i32 to index
      %get3A_985 = tpu.vector_load %arg8[%get3A_984] {strides = array<i32>} : memref<4992xi32, #tpu.memory_space<vmem>>, vector<16xi32>,
      %get3A_986 = vector.shape_cast %get3A_985 : vector<16xi32> to vector<16xi32>
      %swap3A_987 = arith.constant 48 : index
      %swap3A_988 = tpu.vector_load %arg10[%swap3A_987] {strides = array<i32>} : memref<64xi32, #tpu.memory_space<vmem>>, vector<16xi32>,
      %swap3A_989 = vector.shape_cast %swap3A_988 : vector<16xi32> to vector<16xi32>
      %swap3A_990 = vector.shape_cast %get3A_986 : vector<16xi32> to vector<16xi32>
      tpu.vector_store %arg10[%swap3A_987], %swap3A_990 {strides = array<i32>} : memref<64xi32, #tpu.memory_space<vmem>>, vector<16xi32>,
      %add3A_991 = arith.constant 1 : i32
      %add3A_992 = arith.addi %mul3A_874, %add3A_991 : i32
      %mul3A_993 = arith.constant 64 : i32
      %mul3A_994 = arith.muli %add3A_992, %mul3A_993 : i32
      %add3A_995 = arith.constant 0 : i32
      %add3A_996 = arith.addi %mul3A_994, %add3A_995 : i32
      %get3A_997 = arith.index_cast %add3A_996 : i32 to index
      %get3A_998 = tpu.vector_load %arg8[%get3A_997] {strides = array<i32>} : memref<4992xi32, #tpu.memory_space<vmem>>, vector<16xi32>,
      %get3A_999 = vector.shape_cast %get3A_998 : vector<16xi32> to vector<16xi32>
      %swap3A_1000 = arith.constant 0 : index
      %swap3A_1001 = tpu.vector_load %arg12[%swap3A_1000] {strides = array<i32>} : memref<64xi32, #tpu.memory_space<vmem>>, vector<16xi32>,
      %swap3A_1002 = vector.shape_cast %swap3A_1001 : vector<16xi32> to vector<16xi32>
      %swap3A_1003 = vector.shape_cast %get3A_999 : vector<16xi32> to vector<16xi32>
      tpu.vector_store %arg12[%swap3A_1000], %swap3A_1003 {strides = array<i32>} : memref<64xi32, #tpu.memory_space<vmem>>, vector<16xi32>,
      %add3A_1004 = arith.constant 16 : i32
      %add3A_1005 = arith.addi %mul3A_994, %add3A_1004 : i32
      %get3A_1006 = arith.index_cast %add3A_1005 : i32 to index
      %get3A_1007 = tpu.vector_load %arg8[%get3A_1006] {strides = array<i32>} : memref<4992xi32, #tpu.memory_space<vmem>>, vector<16xi32>,
      %get3A_1008 = vector.shape_cast %get3A_1007 : vector<16xi32> to vector<16xi32>
      %swap3A_1009 = arith.constant 16 : index
      %swap3A_1010 = tpu.vector_load %arg12[%swap3A_1009] {strides = array<i32>} : memref<64xi32, #tpu.memory_space<vmem>>, vector<16xi32>,
      %swap3A_1011 = vector.shape_cast %swap3A_1010 : vector<16xi32> to vector<16xi32>
      %swap3A_1012 = vector.shape_cast %get3A_1008 : vector<16xi32> to vector<16xi32>
      tpu.vector_store %arg12[%swap3A_1009], %swap3A_1012 {strides = array<i32>} : memref<64xi32, #tpu.memory_space<vmem>>, vector<16xi32>,
      %add3A_1013 = arith.constant 32 : i32
      %add3A_1014 = arith.addi %mul3A_994, %add3A_1013 : i32
      %get3A_1015 = arith.index_cast %add3A_1014 : i32 to index
      %get3A_1016 = tpu.vector_load %arg8[%get3A_1015] {strides = array<i32>} : memref<4992xi32, #tpu.memory_space<vmem>>, vector<16xi32>,
      %get3A_1017 = vector.shape_cast %get3A_1016 : vector<16xi32> to vector<16xi32>
      %swap3A_1018 = arith.constant 32 : index
      %swap3A_1019 = tpu.vector_load %arg12[%swap3A_1018] {strides = array<i32>} : memref<64xi32, #tpu.memory_space<vmem>>, vector<16xi32>,
      %swap3A_1020 = vector.shape_cast %swap3A_1019 : vector<16xi32> to vector<16xi32>
      %swap3A_1021 = vector.shape_cast %get3A_1017 : vector<16xi32> to vector<16xi32>
      tpu.vector_store %arg12[%swap3A_1018], %swap3A_1021 {strides = array<i32>} : memref<64xi32, #tpu.memory_space<vmem>>, vector<16xi32>,
      %add3A_1022 = arith.constant 48 : i32
      %add3A_1023 = arith.addi %mul3A_994, %add3A_1022 : i32
      %get3A_1024 = arith.index_cast %add3A_1023 : i32 to index
      %get3A_1025 = tpu.vector_load %arg8[%get3A_1024] {strides = array<i32>} : memref<4992xi32, #tpu.memory_space<vmem>>, vector<16xi32>,
      %get3A_1026 = vector.shape_cast %get3A_1025 : vector<16xi32> to vector<16xi32>
      %swap3A_1027 = arith.constant 48 : index
      %swap3A_1028 = tpu.vector_load %arg12[%swap3A_1027] {strides = array<i32>} : memref<64xi32, #tpu.memory_space<vmem>>, vector<16xi32>,
      %swap3A_1029 = vector.shape_cast %swap3A_1028 : vector<16xi32> to vector<16xi32>
      %swap3A_1030 = vector.shape_cast %get3A_1026 : vector<16xi32> to vector<16xi32>
      tpu.vector_store %arg12[%swap3A_1027], %swap3A_1030 {strides = array<i32>} : memref<64xi32, #tpu.memory_space<vmem>>, vector<16xi32>,
      %dma_start3A_1031 = arith.constant 0 : i32
      %dma_start3A_1032 = arith.constant 0 : i32
      %dma_start3A_1033 = tpu.memref_slice %arg4[%dma_start3A_1031, %dma_start3A_1032] : memref<10240x128xf32, #tpu.memory_space<hbm>> -> memref<10240x128xf32, #tpu.memory_space<hbm>>
      tpu.enqueue_indirect_dma source(%dma_start3A_1033 : memref<10240x128xf32, #tpu.memory_space<hbm>>) target(%arg17 : memref<64x128xf32, #tpu.memory_space<vmem>>) offsets(%arg9 : memref<64xi32, #tpu.memory_space<vmem>>) semaphore(%arg24 : memref<!tpu.dma_semaphore, #tpu.memory_space<semaphore_mem>>)
      %dma_start3A_1034 = arith.constant 0 : i32
      %dma_start3A_1035 = arith.constant 0 : i32
      %dma_start3A_1036 = tpu.memref_slice %arg4[%dma_start3A_1034, %dma_start3A_1035] : memref<10240x128xf32, #tpu.memory_space<hbm>> -> memref<10240x128xf32, #tpu.memory_space<hbm>>
      tpu.enqueue_indirect_dma source(%dma_start3A_1036 : memref<10240x128xf32, #tpu.memory_space<hbm>>) target(%arg18 : memref<64x128xf32, #tpu.memory_space<vmem>>) offsets(%arg11 : memref<64xi32, #tpu.memory_space<vmem>>) semaphore(%arg25 : memref<!tpu.dma_semaphore, #tpu.memory_space<semaphore_mem>>)
      %add3A_1037 = arith.constant 2 : i32
      %add3A_1038 = arith.addi %mul3A_874, %add3A_1037 : i32
      %mul3A_1039 = arith.constant 64 : i32
      %mul3A_1040 = arith.muli %add3A_1038, %mul3A_1039 : i32
      %add3A_1041 = arith.constant 0 : i32
      %add3A_1042 = arith.addi %mul3A_1040, %add3A_1041 : i32
      %get3A_1043 = arith.index_cast %add3A_1042 : i32 to index
      %get3A_1044 = tpu.vector_load %arg7[%get3A_1043] {strides = array<i32>} : memref<4992xi32, #tpu.memory_space<vmem>>, vector<16xi32>,
      %get3A_1045 = vector.shape_cast %get3A_1044 : vector<16xi32> to vector<16xi32>
      %swap3A_1046 = arith.constant 0 : index
      %swap3A_1047 = tpu.vector_load %arg13[%swap3A_1046] {strides = array<i32>} : memref<64xi32, #tpu.memory_space<vmem>>, vector<16xi32>,
      %swap3A_1048 = vector.shape_cast %swap3A_1047 : vector<16xi32> to vector<16xi32>
      %swap3A_1049 = vector.shape_cast %get3A_1045 : vector<16xi32> to vector<16xi32>
      tpu.vector_store %arg13[%swap3A_1046], %swap3A_1049 {strides = array<i32>} : memref<64xi32, #tpu.memory_space<vmem>>, vector<16xi32>,
      %add3A_1050 = arith.constant 16 : i32
      %add3A_1051 = arith.addi %mul3A_1040, %add3A_1050 : i32
      %get3A_1052 = arith.index_cast %add3A_1051 : i32 to index
      %get3A_1053 = tpu.vector_load %arg7[%get3A_1052] {strides = array<i32>} : memref<4992xi32, #tpu.memory_space<vmem>>, vector<16xi32>,
      %get3A_1054 = vector.shape_cast %get3A_1053 : vector<16xi32> to vector<16xi32>
      %swap3A_1055 = arith.constant 16 : index
      %swap3A_1056 = tpu.vector_load %arg13[%swap3A_1055] {strides = array<i32>} : memref<64xi32, #tpu.memory_space<vmem>>, vector<16xi32>,
      %swap3A_1057 = vector.shape_cast %swap3A_1056 : vector<16xi32> to vector<16xi32>
      %swap3A_1058 = vector.shape_cast %get3A_1054 : vector<16xi32> to vector<16xi32>
      tpu.vector_store %arg13[%swap3A_1055], %swap3A_1058 {strides = array<i32>} : memref<64xi32, #tpu.memory_space<vmem>>, vector<16xi32>,
      %add3A_1059 = arith.constant 32 : i32
      %add3A_1060 = arith.addi %mul3A_1040, %add3A_1059 : i32
      %get3A_1061 = arith.index_cast %add3A_1060 : i32 to index
      %get3A_1062 = tpu.vector_load %arg7[%get3A_1061] {strides = array<i32>} : memref<4992xi32, #tpu.memory_space<vmem>>, vector<16xi32>,
      %get3A_1063 = vector.shape_cast %get3A_1062 : vector<16xi32> to vector<16xi32>
      %swap3A_1064 = arith.constant 32 : index
      %swap3A_1065 = tpu.vector_load %arg13[%swap3A_1064] {strides = array<i32>} : memref<64xi32, #tpu.memory_space<vmem>>, vector<16xi32>,
      %swap3A_1066 = vector.shape_cast %swap3A_1065 : vector<16xi32> to vector<16xi32>
      %swap3A_1067 = vector.shape_cast %get3A_1063 : vector<16xi32> to vector<16xi32>
      tpu.vector_store %arg13[%swap3A_1064], %swap3A_1067 {strides = array<i32>} : memref<64xi32, #tpu.memory_space<vmem>>, vector<16xi32>,
      %add3A_1068 = arith.constant 48 : i32
      %add3A_1069 = arith.addi %mul3A_1040, %add3A_1068 : i32
      %get3A_1070 = arith.index_cast %add3A_1069 : i32 to index
      %get3A_1071 = tpu.vector_load %arg7[%get3A_1070] {strides = array<i32>} : memref<4992xi32, #tpu.memory_space<vmem>>, vector<16xi32>,
      %get3A_1072 = vector.shape_cast %get3A_1071 : vector<16xi32> to vector<16xi32>
      %swap3A_1073 = arith.constant 48 : index
      %swap3A_1074 = tpu.vector_load %arg13[%swap3A_1073] {strides = array<i32>} : memref<64xi32, #tpu.memory_space<vmem>>, vector<16xi32>,
      %swap3A_1075 = vector.shape_cast %swap3A_1074 : vector<16xi32> to vector<16xi32>
      %swap3A_1076 = vector.shape_cast %get3A_1072 : vector<16xi32> to vector<16xi32>
      tpu.vector_store %arg13[%swap3A_1073], %swap3A_1076 {strides = array<i32>} : memref<64xi32, #tpu.memory_space<vmem>>, vector<16xi32>,
      %add3A_1077 = arith.constant 1 : i32
      %add3A_1078 = arith.addi %add3A_1038, %add3A_1077 : i32
      %mul3A_1079 = arith.constant 64 : i32
      %mul3A_1080 = arith.muli %add3A_1078, %mul3A_1079 : i32
      %add3A_1081 = arith.constant 0 : i32
      %add3A_1082 = arith.addi %mul3A_1080, %add3A_1081 : i32
      %get3A_1083 = arith.index_cast %add3A_1082 : i32 to index
      %get3A_1084 = tpu.vector_load %arg7[%get3A_1083] {strides = array<i32>} : memref<4992xi32, #tpu.memory_space<vmem>>, vector<16xi32>,
      %get3A_1085 = vector.shape_cast %get3A_1084 : vector<16xi32> to vector<16xi32>
      %swap3A_1086 = arith.constant 0 : index
      %swap3A_1087 = tpu.vector_load %arg15[%swap3A_1086] {strides = array<i32>} : memref<64xi32, #tpu.memory_space<vmem>>, vector<16xi32>,
      %swap3A_1088 = vector.shape_cast %swap3A_1087 : vector<16xi32> to vector<16xi32>
      %swap3A_1089 = vector.shape_cast %get3A_1085 : vector<16xi32> to vector<16xi32>
      tpu.vector_store %arg15[%swap3A_1086], %swap3A_1089 {strides = array<i32>} : memref<64xi32, #tpu.memory_space<vmem>>, vector<16xi32>,
      %add3A_1090 = arith.constant 16 : i32
      %add3A_1091 = arith.addi %mul3A_1080, %add3A_1090 : i32
      %get3A_1092 = arith.index_cast %add3A_1091 : i32 to index
      %get3A_1093 = tpu.vector_load %arg7[%get3A_1092] {strides = array<i32>} : memref<4992xi32, #tpu.memory_space<vmem>>, vector<16xi32>,
      %get3A_1094 = vector.shape_cast %get3A_1093 : vector<16xi32> to vector<16xi32>
      %swap3A_1095 = arith.constant 16 : index
      %swap3A_1096 = tpu.vector_load %arg15[%swap3A_1095] {strides = array<i32>} : memref<64xi32, #tpu.memory_space<vmem>>, vector<16xi32>,
      %swap3A_1097 = vector.shape_cast %swap3A_1096 : vector<16xi32> to vector<16xi32>
      %swap3A_1098 = vector.shape_cast %get3A_1094 : vector<16xi32> to vector<16xi32>
      tpu.vector_store %arg15[%swap3A_1095], %swap3A_1098 {strides = array<i32>} : memref<64xi32, #tpu.memory_space<vmem>>, vector<16xi32>,
      %add3A_1099 = arith.constant 32 : i32
      %add3A_1100 = arith.addi %mul3A_1080, %add3A_1099 : i32
      %get3A_1101 = arith.index_cast %add3A_1100 : i32 to index
      %get3A_1102 = tpu.vector_load %arg7[%get3A_1101] {strides = array<i32>} : memref<4992xi32, #tpu.memory_space<vmem>>, vector<16xi32>,
      %get3A_1103 = vector.shape_cast %get3A_1102 : vector<16xi32> to vector<16xi32>
      %swap3A_1104 = arith.constant 32 : index
      %swap3A_1105 = tpu.vector_load %arg15[%swap3A_1104] {strides = array<i32>} : memref<64xi32, #tpu.memory_space<vmem>>, vector<16xi32>,
      %swap3A_1106 = vector.shape_cast %swap3A_1105 : vector<16xi32> to vector<16xi32>
      %swap3A_1107 = vector.shape_cast %get3A_1103 : vector<16xi32> to vector<16xi32>
      tpu.vector_store %arg15[%swap3A_1104], %swap3A_1107 {strides = array<i32>} : memref<64xi32, #tpu.memory_space<vmem>>, vector<16xi32>,
      %add3A_1108 = arith.constant 48 : i32
      %add3A_1109 = arith.addi %mul3A_1080, %add3A_1108 : i32
      %get3A_1110 = arith.index_cast %add3A_1109 : i32 to index
      %get3A_1111 = tpu.vector_load %arg7[%get3A_1110] {strides = array<i32>} : memref<4992xi32, #tpu.memory_space<vmem>>, vector<16xi32>,
      %get3A_1112 = vector.shape_cast %get3A_1111 : vector<16xi32> to vector<16xi32>
      %swap3A_1113 = arith.constant 48 : index
      %swap3A_1114 = tpu.vector_load %arg15[%swap3A_1113] {strides = array<i32>} : memref<64xi32, #tpu.memory_space<vmem>>, vector<16xi32>,
      %swap3A_1115 = vector.shape_cast %swap3A_1114 : vector<16xi32> to vector<16xi32>
      %swap3A_1116 = vector.shape_cast %get3A_1112 : vector<16xi32> to vector<16xi32>
      tpu.vector_store %arg15[%swap3A_1113], %swap3A_1116 {strides = array<i32>} : memref<64xi32, #tpu.memory_space<vmem>>, vector<16xi32>,
      %mul3A_1117 = arith.constant 64 : i32
      %mul3A_1118 = arith.muli %add3A_1038, %mul3A_1117 : i32
      %add3A_1119 = arith.constant 0 : i32
      %add3A_1120 = arith.addi %mul3A_1118, %add3A_1119 : i32
      %get3A_1121 = arith.index_cast %add3A_1120 : i32 to index
      %get3A_1122 = tpu.vector_load %arg8[%get3A_1121] {strides = array<i32>} : memref<4992xi32, #tpu.memory_space<vmem>>, vector<16xi32>,
      %get3A_1123 = vector.shape_cast %get3A_1122 : vector<16xi32> to vector<16xi32>
      %swap3A_1124 = arith.constant 0 : index
      %swap3A_1125 = tpu.vector_load %arg14[%swap3A_1124] {strides = array<i32>} : memref<64xi32, #tpu.memory_space<vmem>>, vector<16xi32>,
      %swap3A_1126 = vector.shape_cast %swap3A_1125 : vector<16xi32> to vector<16xi32>
      %swap3A_1127 = vector.shape_cast %get3A_1123 : vector<16xi32> to vector<16xi32>
      tpu.vector_store %arg14[%swap3A_1124], %swap3A_1127 {strides = array<i32>} : memref<64xi32, #tpu.memory_space<vmem>>, vector<16xi32>,
      %add3A_1128 = arith.constant 16 : i32
      %add3A_1129 = arith.addi %mul3A_1118, %add3A_1128 : i32
      %get3A_1130 = arith.index_cast %add3A_1129 : i32 to index
      %get3A_1131 = tpu.vector_load %arg8[%get3A_1130] {strides = array<i32>} : memref<4992xi32, #tpu.memory_space<vmem>>, vector<16xi32>,
      %get3A_1132 = vector.shape_cast %get3A_1131 : vector<16xi32> to vector<16xi32>
      %swap3A_1133 = arith.constant 16 : index
      %swap3A_1134 = tpu.vector_load %arg14[%swap3A_1133] {strides = array<i32>} : memref<64xi32, #tpu.memory_space<vmem>>, vector<16xi32>,
      %swap3A_1135 = vector.shape_cast %swap3A_1134 : vector<16xi32> to vector<16xi32>
      %swap3A_1136 = vector.shape_cast %get3A_1132 : vector<16xi32> to vector<16xi32>
      tpu.vector_store %arg14[%swap3A_1133], %swap3A_1136 {strides = array<i32>} : memref<64xi32, #tpu.memory_space<vmem>>, vector<16xi32>,
      %add3A_1137 = arith.constant 32 : i32
      %add3A_1138 = arith.addi %mul3A_1118, %add3A_1137 : i32
      %get3A_1139 = arith.index_cast %add3A_1138 : i32 to index
      %get3A_1140 = tpu.vector_load %arg8[%get3A_1139] {strides = array<i32>} : memref<4992xi32, #tpu.memory_space<vmem>>, vector<16xi32>,
      %get3A_1141 = vector.shape_cast %get3A_1140 : vector<16xi32> to vector<16xi32>
      %swap3A_1142 = arith.constant 32 : index
      %swap3A_1143 = tpu.vector_load %arg14[%swap3A_1142] {strides = array<i32>} : memref<64xi32, #tpu.memory_space<vmem>>, vector<16xi32>,
      %swap3A_1144 = vector.shape_cast %swap3A_1143 : vector<16xi32> to vector<16xi32>
      %swap3A_1145 = vector.shape_cast %get3A_1141 : vector<16xi32> to vector<16xi32>
      tpu.vector_store %arg14[%swap3A_1142], %swap3A_1145 {strides = array<i32>} : memref<64xi32, #tpu.memory_space<vmem>>, vector<16xi32>,
      %add3A_1146 = arith.constant 48 : i32
      %add3A_1147 = arith.addi %mul3A_1118, %add3A_1146 : i32
      %get3A_1148 = arith.index_cast %add3A_1147 : i32 to index
      %get3A_1149 = tpu.vector_load %arg8[%get3A_1148] {strides = array<i32>} : memref<4992xi32, #tpu.memory_space<vmem>>, vector<16xi32>,
      %get3A_1150 = vector.shape_cast %get3A_1149 : vector<16xi32> to vector<16xi32>
      %swap3A_1151 = arith.constant 48 : index
      %swap3A_1152 = tpu.vector_load %arg14[%swap3A_1151] {strides = array<i32>} : memref<64xi32, #tpu.memory_space<vmem>>, vector<16xi32>,
      %swap3A_1153 = vector.shape_cast %swap3A_1152 : vector<16xi32> to vector<16xi32>
      %swap3A_1154 = vector.shape_cast %get3A_1150 : vector<16xi32> to vector<16xi32>
      tpu.vector_store %arg14[%swap3A_1151], %swap3A_1154 {strides = array<i32>} : memref<64xi32, #tpu.memory_space<vmem>>, vector<16xi32>,
      %add3A_1155 = arith.constant 1 : i32
      %add3A_1156 = arith.addi %add3A_1038, %add3A_1155 : i32
      %mul3A_1157 = arith.constant 64 : i32
      %mul3A_1158 = arith.muli %add3A_1156, %mul3A_1157 : i32
      %add3A_1159 = arith.constant 0 : i32
      %add3A_1160 = arith.addi %mul3A_1158, %add3A_1159 : i32
      %get3A_1161 = arith.index_cast %add3A_1160 : i32 to index
      %get3A_1162 = tpu.vector_load %arg8[%get3A_1161] {strides = array<i32>} : memref<4992xi32, #tpu.memory_space<vmem>>, vector<16xi32>,
      %get3A_1163 = vector.shape_cast %get3A_1162 : vector<16xi32> to vector<16xi32>
      %swap3A_1164 = arith.constant 0 : index
      %swap3A_1165 = tpu.vector_load %arg16[%swap3A_1164] {strides = array<i32>} : memref<64xi32, #tpu.memory_space<vmem>>, vector<16xi32>,
      %swap3A_1166 = vector.shape_cast %swap3A_1165 : vector<16xi32> to vector<16xi32>
      %swap3A_1167 = vector.shape_cast %get3A_1163 : vector<16xi32> to vector<16xi32>
      tpu.vector_store %arg16[%swap3A_1164], %swap3A_1167 {strides = array<i32>} : memref<64xi32, #tpu.memory_space<vmem>>, vector<16xi32>,
      %add3A_1168 = arith.constant 16 : i32
      %add3A_1169 = arith.addi %mul3A_1158, %add3A_1168 : i32
      %get3A_1170 = arith.index_cast %add3A_1169 : i32 to index
      %get3A_1171 = tpu.vector_load %arg8[%get3A_1170] {strides = array<i32>} : memref<4992xi32, #tpu.memory_space<vmem>>, vector<16xi32>,
      %get3A_1172 = vector.shape_cast %get3A_1171 : vector<16xi32> to vector<16xi32>
      %swap3A_1173 = arith.constant 16 : index
      %swap3A_1174 = tpu.vector_load %arg16[%swap3A_1173] {strides = array<i32>} : memref<64xi32, #tpu.memory_space<vmem>>, vector<16xi32>,
      %swap3A_1175 = vector.shape_cast %swap3A_1174 : vector<16xi32> to vector<16xi32>
      %swap3A_1176 = vector.shape_cast %get3A_1172 : vector<16xi32> to vector<16xi32>
      tpu.vector_store %arg16[%swap3A_1173], %swap3A_1176 {strides = array<i32>} : memref<64xi32, #tpu.memory_space<vmem>>, vector<16xi32>,
      %add3A_1177 = arith.constant 32 : i32
      %add3A_1178 = arith.addi %mul3A_1158, %add3A_1177 : i32
      %get3A_1179 = arith.index_cast %add3A_1178 : i32 to index
      %get3A_1180 = tpu.vector_load %arg8[%get3A_1179] {strides = array<i32>} : memref<4992xi32, #tpu.memory_space<vmem>>, vector<16xi32>,
      %get3A_1181 = vector.shape_cast %get3A_1180 : vector<16xi32> to vector<16xi32>
      %swap3A_1182 = arith.constant 32 : index
      %swap3A_1183 = tpu.vector_load %arg16[%swap3A_1182] {strides = array<i32>} : memref<64xi32, #tpu.memory_space<vmem>>, vector<16xi32>,
      %swap3A_1184 = vector.shape_cast %swap3A_1183 : vector<16xi32> to vector<16xi32>
      %swap3A_1185 = vector.shape_cast %get3A_1181 : vector<16xi32> to vector<16xi32>
      tpu.vector_store %arg16[%swap3A_1182], %swap3A_1185 {strides = array<i32>} : memref<64xi32, #tpu.memory_space<vmem>>, vector<16xi32>,
      %add3A_1186 = arith.constant 48 : i32
      %add3A_1187 = arith.addi %mul3A_1158, %add3A_1186 : i32
      %get3A_1188 = arith.index_cast %add3A_1187 : i32 to index
      %get3A_1189 = tpu.vector_load %arg8[%get3A_1188] {strides = array<i32>} : memref<4992xi32, #tpu.memory_space<vmem>>, vector<16xi32>,
      %get3A_1190 = vector.shape_cast %get3A_1189 : vector<16xi32> to vector<16xi32>
      %swap3A_1191 = arith.constant 48 : index
      %swap3A_1192 = tpu.vector_load %arg16[%swap3A_1191] {strides = array<i32>} : memref<64xi32, #tpu.memory_space<vmem>>, vector<16xi32>,
      %swap3A_1193 = vector.shape_cast %swap3A_1192 : vector<16xi32> to vector<16xi32>
      %swap3A_1194 = vector.shape_cast %get3A_1190 : vector<16xi32> to vector<16xi32>
      tpu.vector_store %arg16[%swap3A_1191], %swap3A_1194 {strides = array<i32>} : memref<64xi32, #tpu.memory_space<vmem>>, vector<16xi32>,
      %dma_start3A_1195 = arith.constant 0 : i32
      %dma_start3A_1196 = arith.constant 0 : i32
      %dma_start3A_1197 = tpu.memref_slice %arg4[%dma_start3A_1195, %dma_start3A_1196] : memref<10240x128xf32, #tpu.memory_space<hbm>> -> memref<10240x128xf32, #tpu.memory_space<hbm>>
      tpu.enqueue_indirect_dma source(%dma_start3A_1197 : memref<10240x128xf32, #tpu.memory_space<hbm>>) target(%arg19 : memref<64x128xf32, #tpu.memory_space<vmem>>) offsets(%arg13 : memref<64xi32, #tpu.memory_space<vmem>>) semaphore(%arg26 : memref<!tpu.dma_semaphore, #tpu.memory_space<semaphore_mem>>)
      %dma_start3A_1198 = arith.constant 0 : i32
      %dma_start3A_1199 = arith.constant 0 : i32
      %dma_start3A_1200 = tpu.memref_slice %arg4[%dma_start3A_1198, %dma_start3A_1199] : memref<10240x128xf32, #tpu.memory_space<hbm>> -> memref<10240x128xf32, #tpu.memory_space<hbm>>
      tpu.enqueue_indirect_dma source(%dma_start3A_1200 : memref<10240x128xf32, #tpu.memory_space<hbm>>) target(%arg20 : memref<64x128xf32, #tpu.memory_space<vmem>>) offsets(%arg15 : memref<64xi32, #tpu.memory_space<vmem>>) semaphore(%arg27 : memref<!tpu.dma_semaphore, #tpu.memory_space<semaphore_mem>>)
      %dma_wait3A_1201 = arith.constant 0 : i32
      %dma_wait3A_1202 = arith.constant 0 : i32
      %dma_wait3A_1203 = tpu.memref_slice %arg4[%dma_wait3A_1201, %dma_wait3A_1202] : memref<10240x128xf32, #tpu.memory_space<hbm>> -> memref<10240x128xf32, #tpu.memory_space<hbm>>
      tpu.wait_indirect_dma semaphore(%arg24 : memref<!tpu.dma_semaphore, #tpu.memory_space<semaphore_mem>>) src(%dma_wait3A_1203 : memref<10240x128xf32, #tpu.memory_space<hbm>>) dst(%arg17 : memref<64x128xf32, #tpu.memory_space<vmem>>)
      %dma_start3A_1204 = arith.constant 0 : i32
      %dma_start3A_1205 = arith.constant 0 : i32
      %dma_start3A_1206 = tpu.memref_slice %arg6[%dma_start3A_1204, %dma_start3A_1205] : memref<10240x128xf32, #tpu.memory_space<vmem_shared>> -> memref<10240x128xf32, #tpu.memory_space<vmem_shared>>
      tpu.enqueue_indirect_dma source(%arg17 : memref<64x128xf32, #tpu.memory_space<vmem>>) target(%dma_start3A_1206 : memref<10240x128xf32, #tpu.memory_space<vmem_shared>>) offsets(%arg10 : memref<64xi32, #tpu.memory_space<vmem>>) semaphore(%arg28 : memref<!tpu.dma_semaphore, #tpu.memory_space<semaphore_mem>>) {add = true}
      %dma_wait3A_1207 = arith.constant 0 : i32
      %dma_wait3A_1208 = arith.constant 0 : i32
      %dma_wait3A_1209 = tpu.memref_slice %arg4[%dma_wait3A_1207, %dma_wait3A_1208] : memref<10240x128xf32, #tpu.memory_space<hbm>> -> memref<10240x128xf32, #tpu.memory_space<hbm>>
      tpu.wait_indirect_dma semaphore(%arg25 : memref<!tpu.dma_semaphore, #tpu.memory_space<semaphore_mem>>) src(%dma_wait3A_1209 : memref<10240x128xf32, #tpu.memory_space<hbm>>) dst(%arg18 : memref<64x128xf32, #tpu.memory_space<vmem>>)
      %dma_start3A_1210 = arith.constant 0 : i32
      %dma_start3A_1211 = arith.constant 0 : i32
      %dma_start3A_1212 = tpu.memref_slice %arg6[%dma_start3A_1210, %dma_start3A_1211] : memref<10240x128xf32, #tpu.memory_space<vmem_shared>> -> memref<10240x128xf32, #tpu.memory_space<vmem_shared>>
      tpu.enqueue_indirect_dma source(%arg18 : memref<64x128xf32, #tpu.memory_space<vmem>>) target(%dma_start3A_1212 : memref<10240x128xf32, #tpu.memory_space<vmem_shared>>) offsets(%arg12 : memref<64xi32, #tpu.memory_space<vmem>>) semaphore(%arg29 : memref<!tpu.dma_semaphore, #tpu.memory_space<semaphore_mem>>) {add = true}
      %dma_wait3A_1213 = arith.constant 0 : i32
      %dma_wait3A_1214 = arith.constant 0 : i32
      %dma_wait3A_1215 = tpu.memref_slice %arg6[%dma_wait3A_1213, %dma_wait3A_1214] : memref<10240x128xf32, #tpu.memory_space<vmem_shared>> -> memref<10240x128xf32, #tpu.memory_space<vmem_shared>>
      tpu.wait_indirect_dma semaphore(%arg28 : memref<!tpu.dma_semaphore, #tpu.memory_space<semaphore_mem>>) src(%arg17 : memref<64x128xf32, #tpu.memory_space<vmem>>) dst(%dma_wait3A_1215 : memref<10240x128xf32, #tpu.memory_space<vmem_shared>>)
      %dma_wait3A_1216 = arith.constant 0 : i32
      %dma_wait3A_1217 = arith.constant 0 : i32
      %dma_wait3A_1218 = tpu.memref_slice %arg6[%dma_wait3A_1216, %dma_wait3A_1217] : memref<10240x128xf32, #tpu.memory_space<vmem_shared>> -> memref<10240x128xf32, #tpu.memory_space<vmem_shared>>
      tpu.wait_indirect_dma semaphore(%arg29 : memref<!tpu.dma_semaphore, #tpu.memory_space<semaphore_mem>>) src(%arg18 : memref<64x128xf32, #tpu.memory_space<vmem>>) dst(%dma_wait3A_1218 : memref<10240x128xf32, #tpu.memory_space<vmem_shared>>)
      %add3A_1219 = arith.constant 4 : i32
      %add3A_1220 = arith.addi %mul3A_874, %add3A_1219 : i32
      %mul3A_1221 = arith.constant 64 : i32
      %mul3A_1222 = arith.muli %add3A_1220, %mul3A_1221 : i32
      %add3A_1223 = arith.constant 0 : i32
      %add3A_1224 = arith.addi %mul3A_1222, %add3A_1223 : i32
      %get3A_1225 = arith.index_cast %add3A_1224 : i32 to index
      %get3A_1226 = tpu.vector_load %arg7[%get3A_1225] {strides = array<i32>} : memref<4992xi32, #tpu.memory_space<vmem>>, vector<16xi32>,
      %get3A_1227 = vector.shape_cast %get3A_1226 : vector<16xi32> to vector<16xi32>
      %swap3A_1228 = arith.constant 0 : index
      %swap3A_1229 = tpu.vector_load %arg9[%swap3A_1228] {strides = array<i32>} : memref<64xi32, #tpu.memory_space<vmem>>, vector<16xi32>,
      %swap3A_1230 = vector.shape_cast %swap3A_1229 : vector<16xi32> to vector<16xi32>
      %swap3A_1231 = vector.shape_cast %get3A_1227 : vector<16xi32> to vector<16xi32>
      tpu.vector_store %arg9[%swap3A_1228], %swap3A_1231 {strides = array<i32>} : memref<64xi32, #tpu.memory_space<vmem>>, vector<16xi32>,
      %add3A_1232 = arith.constant 16 : i32
      %add3A_1233 = arith.addi %mul3A_1222, %add3A_1232 : i32
      %get3A_1234 = arith.index_cast %add3A_1233 : i32 to index
      %get3A_1235 = tpu.vector_load %arg7[%get3A_1234] {strides = array<i32>} : memref<4992xi32, #tpu.memory_space<vmem>>, vector<16xi32>,
      %get3A_1236 = vector.shape_cast %get3A_1235 : vector<16xi32> to vector<16xi32>
      %swap3A_1237 = arith.constant 16 : index
      %swap3A_1238 = tpu.vector_load %arg9[%swap3A_1237] {strides = array<i32>} : memref<64xi32, #tpu.memory_space<vmem>>, vector<16xi32>,
      %swap3A_1239 = vector.shape_cast %swap3A_1238 : vector<16xi32> to vector<16xi32>
      %swap3A_1240 = vector.shape_cast %get3A_1236 : vector<16xi32> to vector<16xi32>
      tpu.vector_store %arg9[%swap3A_1237], %swap3A_1240 {strides = array<i32>} : memref<64xi32, #tpu.memory_space<vmem>>, vector<16xi32>,
      %add3A_1241 = arith.constant 32 : i32
      %add3A_1242 = arith.addi %mul3A_1222, %add3A_1241 : i32
      %get3A_1243 = arith.index_cast %add3A_1242 : i32 to index
      %get3A_1244 = tpu.vector_load %arg7[%get3A_1243] {strides = array<i32>} : memref<4992xi32, #tpu.memory_space<vmem>>, vector<16xi32>,
      %get3A_1245 = vector.shape_cast %get3A_1244 : vector<16xi32> to vector<16xi32>
      %swap3A_1246 = arith.constant 32 : index
      %swap3A_1247 = tpu.vector_load %arg9[%swap3A_1246] {strides = array<i32>} : memref<64xi32, #tpu.memory_space<vmem>>, vector<16xi32>,
      %swap3A_1248 = vector.shape_cast %swap3A_1247 : vector<16xi32> to vector<16xi32>
      %swap3A_1249 = vector.shape_cast %get3A_1245 : vector<16xi32> to vector<16xi32>
      tpu.vector_store %arg9[%swap3A_1246], %swap3A_1249 {strides = array<i32>} : memref<64xi32, #tpu.memory_space<vmem>>, vector<16xi32>,
      %add3A_1250 = arith.constant 48 : i32
      %add3A_1251 = arith.addi %mul3A_1222, %add3A_1250 : i32
      %get3A_1252 = arith.index_cast %add3A_1251 : i32 to index
      %get3A_1253 = tpu.vector_load %arg7[%get3A_1252] {strides = array<i32>} : memref<4992xi32, #tpu.memory_space<vmem>>, vector<16xi32>,
      %get3A_1254 = vector.shape_cast %get3A_1253 : vector<16xi32> to vector<16xi32>
      %swap3A_1255 = arith.constant 48 : index
      %swap3A_1256 = tpu.vector_load %arg9[%swap3A_1255] {strides = array<i32>} : memref<64xi32, #tpu.memory_space<vmem>>, vector<16xi32>,
      %swap3A_1257 = vector.shape_cast %swap3A_1256 : vector<16xi32> to vector<16xi32>
      %swap3A_1258 = vector.shape_cast %get3A_1254 : vector<16xi32> to vector<16xi32>
      tpu.vector_store %arg9[%swap3A_1255], %swap3A_1258 {strides = array<i32>} : memref<64xi32, #tpu.memory_space<vmem>>, vector<16xi32>,
      %add3A_1259 = arith.constant 1 : i32
      %add3A_1260 = arith.addi %add3A_1220, %add3A_1259 : i32
      %mul3A_1261 = arith.constant 64 : i32
      %mul3A_1262 = arith.muli %add3A_1260, %mul3A_1261 : i32
      %add3A_1263 = arith.constant 0 : i32
      %add3A_1264 = arith.addi %mul3A_1262, %add3A_1263 : i32
      %get3A_1265 = arith.index_cast %add3A_1264 : i32 to index
      %get3A_1266 = tpu.vector_load %arg7[%get3A_1265] {strides = array<i32>} : memref<4992xi32, #tpu.memory_space<vmem>>, vector<16xi32>,
      %get3A_1267 = vector.shape_cast %get3A_1266 : vector<16xi32> to vector<16xi32>
      %swap3A_1268 = arith.constant 0 : index
      %swap3A_1269 = tpu.vector_load %arg11[%swap3A_1268] {strides = array<i32>} : memref<64xi32, #tpu.memory_space<vmem>>, vector<16xi32>,
      %swap3A_1270 = vector.shape_cast %swap3A_1269 : vector<16xi32> to vector<16xi32>
      %swap3A_1271 = vector.shape_cast %get3A_1267 : vector<16xi32> to vector<16xi32>
      tpu.vector_store %arg11[%swap3A_1268], %swap3A_1271 {strides = array<i32>} : memref<64xi32, #tpu.memory_space<vmem>>, vector<16xi32>,
      %add3A_1272 = arith.constant 16 : i32
      %add3A_1273 = arith.addi %mul3A_1262, %add3A_1272 : i32
      %get3A_1274 = arith.index_cast %add3A_1273 : i32 to index
      %get3A_1275 = tpu.vector_load %arg7[%get3A_1274] {strides = array<i32>} : memref<4992xi32, #tpu.memory_space<vmem>>, vector<16xi32>,
      %get3A_1276 = vector.shape_cast %get3A_1275 : vector<16xi32> to vector<16xi32>
      %swap3A_1277 = arith.constant 16 : index
      %swap3A_1278 = tpu.vector_load %arg11[%swap3A_1277] {strides = array<i32>} : memref<64xi32, #tpu.memory_space<vmem>>, vector<16xi32>,
      %swap3A_1279 = vector.shape_cast %swap3A_1278 : vector<16xi32> to vector<16xi32>
      %swap3A_1280 = vector.shape_cast %get3A_1276 : vector<16xi32> to vector<16xi32>
      tpu.vector_store %arg11[%swap3A_1277], %swap3A_1280 {strides = array<i32>} : memref<64xi32, #tpu.memory_space<vmem>>, vector<16xi32>,
      %add3A_1281 = arith.constant 32 : i32
      %add3A_1282 = arith.addi %mul3A_1262, %add3A_1281 : i32
      %get3A_1283 = arith.index_cast %add3A_1282 : i32 to index
      %get3A_1284 = tpu.vector_load %arg7[%get3A_1283] {strides = array<i32>} : memref<4992xi32, #tpu.memory_space<vmem>>, vector<16xi32>,
      %get3A_1285 = vector.shape_cast %get3A_1284 : vector<16xi32> to vector<16xi32>
      %swap3A_1286 = arith.constant 32 : index
      %swap3A_1287 = tpu.vector_load %arg11[%swap3A_1286] {strides = array<i32>} : memref<64xi32, #tpu.memory_space<vmem>>, vector<16xi32>,
      %swap3A_1288 = vector.shape_cast %swap3A_1287 : vector<16xi32> to vector<16xi32>
      %swap3A_1289 = vector.shape_cast %get3A_1285 : vector<16xi32> to vector<16xi32>
      tpu.vector_store %arg11[%swap3A_1286], %swap3A_1289 {strides = array<i32>} : memref<64xi32, #tpu.memory_space<vmem>>, vector<16xi32>,
      %add3A_1290 = arith.constant 48 : i32
      %add3A_1291 = arith.addi %mul3A_1262, %add3A_1290 : i32
      %get3A_1292 = arith.index_cast %add3A_1291 : i32 to index
      %get3A_1293 = tpu.vector_load %arg7[%get3A_1292] {strides = array<i32>} : memref<4992xi32, #tpu.memory_space<vmem>>, vector<16xi32>,
      %get3A_1294 = vector.shape_cast %get3A_1293 : vector<16xi32> to vector<16xi32>
      %swap3A_1295 = arith.constant 48 : index
      %swap3A_1296 = tpu.vector_load %arg11[%swap3A_1295] {strides = array<i32>} : memref<64xi32, #tpu.memory_space<vmem>>, vector<16xi32>,
      %swap3A_1297 = vector.shape_cast %swap3A_1296 : vector<16xi32> to vector<16xi32>
      %swap3A_1298 = vector.shape_cast %get3A_1294 : vector<16xi32> to vector<16xi32>
      tpu.vector_store %arg11[%swap3A_1295], %swap3A_1298 {strides = array<i32>} : memref<64xi32, #tpu.memory_space<vmem>>, vector<16xi32>,
      %mul3A_1299 = arith.constant 64 : i32
      %mul3A_1300 = arith.muli %add3A_1220, %mul3A_1299 : i32
      %add3A_1301 = arith.constant 0 : i32
      %add3A_1302 = arith.addi %mul3A_1300, %add3A_1301 : i32
      %get3A_1303 = arith.index_cast %add3A_1302 : i32 to index
      %get3A_1304 = tpu.vector_load %arg8[%get3A_1303] {strides = array<i32>} : memref<4992xi32, #tpu.memory_space<vmem>>, vector<16xi32>,
      %get3A_1305 = vector.shape_cast %get3A_1304 : vector<16xi32> to vector<16xi32>
      %swap3A_1306 = arith.constant 0 : index
      %swap3A_1307 = tpu.vector_load %arg10[%swap3A_1306] {strides = array<i32>} : memref<64xi32, #tpu.memory_space<vmem>>, vector<16xi32>,
      %swap3A_1308 = vector.shape_cast %swap3A_1307 : vector<16xi32> to vector<16xi32>
      %swap3A_1309 = vector.shape_cast %get3A_1305 : vector<16xi32> to vector<16xi32>
      tpu.vector_store %arg10[%swap3A_1306], %swap3A_1309 {strides = array<i32>} : memref<64xi32, #tpu.memory_space<vmem>>, vector<16xi32>,
      %add3A_1310 = arith.constant 16 : i32
      %add3A_1311 = arith.addi %mul3A_1300, %add3A_1310 : i32
      %get3A_1312 = arith.index_cast %add3A_1311 : i32 to index
      %get3A_1313 = tpu.vector_load %arg8[%get3A_1312] {strides = array<i32>} : memref<4992xi32, #tpu.memory_space<vmem>>, vector<16xi32>,
      %get3A_1314 = vector.shape_cast %get3A_1313 : vector<16xi32> to vector<16xi32>
      %swap3A_1315 = arith.constant 16 : index
      %swap3A_1316 = tpu.vector_load %arg10[%swap3A_1315] {strides = array<i32>} : memref<64xi32, #tpu.memory_space<vmem>>, vector<16xi32>,
      %swap3A_1317 = vector.shape_cast %swap3A_1316 : vector<16xi32> to vector<16xi32>
      %swap3A_1318 = vector.shape_cast %get3A_1314 : vector<16xi32> to vector<16xi32>
      tpu.vector_store %arg10[%swap3A_1315], %swap3A_1318 {strides = array<i32>} : memref<64xi32, #tpu.memory_space<vmem>>, vector<16xi32>,
      %add3A_1319 = arith.constant 32 : i32
      %add3A_1320 = arith.addi %mul3A_1300, %add3A_1319 : i32
      %get3A_1321 = arith.index_cast %add3A_1320 : i32 to index
      %get3A_1322 = tpu.vector_load %arg8[%get3A_1321] {strides = array<i32>} : memref<4992xi32, #tpu.memory_space<vmem>>, vector<16xi32>,
      %get3A_1323 = vector.shape_cast %get3A_1322 : vector<16xi32> to vector<16xi32>
      %swap3A_1324 = arith.constant 32 : index
      %swap3A_1325 = tpu.vector_load %arg10[%swap3A_1324] {strides = array<i32>} : memref<64xi32, #tpu.memory_space<vmem>>, vector<16xi32>,
      %swap3A_1326 = vector.shape_cast %swap3A_1325 : vector<16xi32> to vector<16xi32>
      %swap3A_1327 = vector.shape_cast %get3A_1323 : vector<16xi32> to vector<16xi32>
      tpu.vector_store %arg10[%swap3A_1324], %swap3A_1327 {strides = array<i32>} : memref<64xi32, #tpu.memory_space<vmem>>, vector<16xi32>,
      %add3A_1328 = arith.constant 48 : i32
      %add3A_1329 = arith.addi %mul3A_1300, %add3A_1328 : i32
      %get3A_1330 = arith.index_cast %add3A_1329 : i32 to index
      %get3A_1331 = tpu.vector_load %arg8[%get3A_1330] {strides = array<i32>} : memref<4992xi32, #tpu.memory_space<vmem>>, vector<16xi32>,
      %get3A_1332 = vector.shape_cast %get3A_1331 : vector<16xi32> to vector<16xi32>
      %swap3A_1333 = arith.constant 48 : index
      %swap3A_1334 = tpu.vector_load %arg10[%swap3A_1333] {strides = array<i32>} : memref<64xi32, #tpu.memory_space<vmem>>, vector<16xi32>,
      %swap3A_1335 = vector.shape_cast %swap3A_1334 : vector<16xi32> to vector<16xi32>
      %swap3A_1336 = vector.shape_cast %get3A_1332 : vector<16xi32> to vector<16xi32>
      tpu.vector_store %arg10[%swap3A_1333], %swap3A_1336 {strides = array<i32>} : memref<64xi32, #tpu.memory_space<vmem>>, vector<16xi32>,
      %add3A_1337 = arith.constant 1 : i32
      %add3A_1338 = arith.addi %add3A_1220, %add3A_1337 : i32
      %mul3A_1339 = arith.constant 64 : i32
      %mul3A_1340 = arith.muli %add3A_1338, %mul3A_1339 : i32
      %add3A_1341 = arith.constant 0 : i32
      %add3A_1342 = arith.addi %mul3A_1340, %add3A_1341 : i32
      %get3A_1343 = arith.index_cast %add3A_1342 : i32 to index
      %get3A_1344 = tpu.vector_load %arg8[%get3A_1343] {strides = array<i32>} : memref<4992xi32, #tpu.memory_space<vmem>>, vector<16xi32>,
      %get3A_1345 = vector.shape_cast %get3A_1344 : vector<16xi32> to vector<16xi32>
      %swap3A_1346 = arith.constant 0 : index
      %swap3A_1347 = tpu.vector_load %arg12[%swap3A_1346] {strides = array<i32>} : memref<64xi32, #tpu.memory_space<vmem>>, vector<16xi32>,
      %swap3A_1348 = vector.shape_cast %swap3A_1347 : vector<16xi32> to vector<16xi32>
      %swap3A_1349 = vector.shape_cast %get3A_1345 : vector<16xi32> to vector<16xi32>
      tpu.vector_store %arg12[%swap3A_1346], %swap3A_1349 {strides = array<i32>} : memref<64xi32, #tpu.memory_space<vmem>>, vector<16xi32>,
      %add3A_1350 = arith.constant 16 : i32
      %add3A_1351 = arith.addi %mul3A_1340, %add3A_1350 : i32
      %get3A_1352 = arith.index_cast %add3A_1351 : i32 to index
      %get3A_1353 = tpu.vector_load %arg8[%get3A_1352] {strides = array<i32>} : memref<4992xi32, #tpu.memory_space<vmem>>, vector<16xi32>,
      %get3A_1354 = vector.shape_cast %get3A_1353 : vector<16xi32> to vector<16xi32>
      %swap3A_1355 = arith.constant 16 : index
      %swap3A_1356 = tpu.vector_load %arg12[%swap3A_1355] {strides = array<i32>} : memref<64xi32, #tpu.memory_space<vmem>>, vector<16xi32>,
      %swap3A_1357 = vector.shape_cast %swap3A_1356 : vector<16xi32> to vector<16xi32>
      %swap3A_1358 = vector.shape_cast %get3A_1354 : vector<16xi32> to vector<16xi32>
      tpu.vector_store %arg12[%swap3A_1355], %swap3A_1358 {strides = array<i32>} : memref<64xi32, #tpu.memory_space<vmem>>, vector<16xi32>,
      %add3A_1359 = arith.constant 32 : i32
      %add3A_1360 = arith.addi %mul3A_1340, %add3A_1359 : i32
      %get3A_1361 = arith.index_cast %add3A_1360 : i32 to index
      %get3A_1362 = tpu.vector_load %arg8[%get3A_1361] {strides = array<i32>} : memref<4992xi32, #tpu.memory_space<vmem>>, vector<16xi32>,
      %get3A_1363 = vector.shape_cast %get3A_1362 : vector<16xi32> to vector<16xi32>
      %swap3A_1364 = arith.constant 32 : index
      %swap3A_1365 = tpu.vector_load %arg12[%swap3A_1364] {strides = array<i32>} : memref<64xi32, #tpu.memory_space<vmem>>, vector<16xi32>,
      %swap3A_1366 = vector.shape_cast %swap3A_1365 : vector<16xi32> to vector<16xi32>
      %swap3A_1367 = vector.shape_cast %get3A_1363 : vector<16xi32> to vector<16xi32>
      tpu.vector_store %arg12[%swap3A_1364], %swap3A_1367 {strides = array<i32>} : memref<64xi32, #tpu.memory_space<vmem>>, vector<16xi32>,
      %add3A_1368 = arith.constant 48 : i32
      %add3A_1369 = arith.addi %mul3A_1340, %add3A_1368 : i32
      %get3A_1370 = arith.index_cast %add3A_1369 : i32 to index
      %get3A_1371 = tpu.vector_load %arg8[%get3A_1370] {strides = array<i32>} : memref<4992xi32, #tpu.memory_space<vmem>>, vector<16xi32>,
      %get3A_1372 = vector.shape_cast %get3A_1371 : vector<16xi32> to vector<16xi32>
      %swap3A_1373 = arith.constant 48 : index
      %swap3A_1374 = tpu.vector_load %arg12[%swap3A_1373] {strides = array<i32>} : memref<64xi32, #tpu.memory_space<vmem>>, vector<16xi32>,
      %swap3A_1375 = vector.shape_cast %swap3A_1374 : vector<16xi32> to vector<16xi32>
      %swap3A_1376 = vector.shape_cast %get3A_1372 : vector<16xi32> to vector<16xi32>
      tpu.vector_store %arg12[%swap3A_1373], %swap3A_1376 {strides = array<i32>} : memref<64xi32, #tpu.memory_space<vmem>>, vector<16xi32>,
      %dma_start3A_1377 = arith.constant 0 : i32
      %dma_start3A_1378 = arith.constant 0 : i32
      %dma_start3A_1379 = tpu.memref_slice %arg4[%dma_start3A_1377, %dma_start3A_1378] : memref<10240x128xf32, #tpu.memory_space<hbm>> -> memref<10240x128xf32, #tpu.memory_space<hbm>>
      tpu.enqueue_indirect_dma source(%dma_start3A_1379 : memref<10240x128xf32, #tpu.memory_space<hbm>>) target(%arg17 : memref<64x128xf32, #tpu.memory_space<vmem>>) offsets(%arg9 : memref<64xi32, #tpu.memory_space<vmem>>) semaphore(%arg24 : memref<!tpu.dma_semaphore, #tpu.memory_space<semaphore_mem>>)
      %dma_start3A_1380 = arith.constant 0 : i32
      %dma_start3A_1381 = arith.constant 0 : i32
      %dma_start3A_1382 = tpu.memref_slice %arg4[%dma_start3A_1380, %dma_start3A_1381] : memref<10240x128xf32, #tpu.memory_space<hbm>> -> memref<10240x128xf32, #tpu.memory_space<hbm>>
      tpu.enqueue_indirect_dma source(%dma_start3A_1382 : memref<10240x128xf32, #tpu.memory_space<hbm>>) target(%arg18 : memref<64x128xf32, #tpu.memory_space<vmem>>) offsets(%arg11 : memref<64xi32, #tpu.memory_space<vmem>>) semaphore(%arg25 : memref<!tpu.dma_semaphore, #tpu.memory_space<semaphore_mem>>)
      %dma_wait3A_1383 = arith.constant 0 : i32
      %dma_wait3A_1384 = arith.constant 0 : i32
      %dma_wait3A_1385 = tpu.memref_slice %arg4[%dma_wait3A_1383, %dma_wait3A_1384] : memref<10240x128xf32, #tpu.memory_space<hbm>> -> memref<10240x128xf32, #tpu.memory_space<hbm>>
      tpu.wait_indirect_dma semaphore(%arg26 : memref<!tpu.dma_semaphore, #tpu.memory_space<semaphore_mem>>) src(%dma_wait3A_1385 : memref<10240x128xf32, #tpu.memory_space<hbm>>) dst(%arg19 : memref<64x128xf32, #tpu.memory_space<vmem>>)
      %dma_start3A_1386 = arith.constant 0 : i32
      %dma_start3A_1387 = arith.constant 0 : i32
      %dma_start3A_1388 = tpu.memref_slice %arg6[%dma_start3A_1386, %dma_start3A_1387] : memref<10240x128xf32, #tpu.memory_space<vmem_shared>> -> memref<10240x128xf32, #tpu.memory_space<vmem_shared>>
      tpu.enqueue_indirect_dma source(%arg19 : memref<64x128xf32, #tpu.memory_space<vmem>>) target(%dma_start3A_1388 : memref<10240x128xf32, #tpu.memory_space<vmem_shared>>) offsets(%arg14 : memref<64xi32, #tpu.memory_space<vmem>>) semaphore(%arg30 : memref<!tpu.dma_semaphore, #tpu.memory_space<semaphore_mem>>) {add = true}
      %dma_wait3A_1389 = arith.constant 0 : i32
      %dma_wait3A_1390 = arith.constant 0 : i32
      %dma_wait3A_1391 = tpu.memref_slice %arg4[%dma_wait3A_1389, %dma_wait3A_1390] : memref<10240x128xf32, #tpu.memory_space<hbm>> -> memref<10240x128xf32, #tpu.memory_space<hbm>>
      tpu.wait_indirect_dma semaphore(%arg27 : memref<!tpu.dma_semaphore, #tpu.memory_space<semaphore_mem>>) src(%dma_wait3A_1391 : memref<10240x128xf32, #tpu.memory_space<hbm>>) dst(%arg20 : memref<64x128xf32, #tpu.memory_space<vmem>>)
      %dma_start3A_1392 = arith.constant 0 : i32
      %dma_start3A_1393 = arith.constant 0 : i32
      %dma_start3A_1394 = tpu.memref_slice %arg6[%dma_start3A_1392, %dma_start3A_1393] : memref<10240x128xf32, #tpu.memory_space<vmem_shared>> -> memref<10240x128xf32, #tpu.memory_space<vmem_shared>>
      tpu.enqueue_indirect_dma source(%arg20 : memref<64x128xf32, #tpu.memory_space<vmem>>) target(%dma_start3A_1394 : memref<10240x128xf32, #tpu.memory_space<vmem_shared>>) offsets(%arg16 : memref<64xi32, #tpu.memory_space<vmem>>) semaphore(%arg31 : memref<!tpu.dma_semaphore, #tpu.memory_space<semaphore_mem>>) {add = true}
      %dma_wait3A_1395 = arith.constant 0 : i32
      %dma_wait3A_1396 = arith.constant 0 : i32
      %dma_wait3A_1397 = tpu.memref_slice %arg6[%dma_wait3A_1395, %dma_wait3A_1396] : memref<10240x128xf32, #tpu.memory_space<vmem_shared>> -> memref<10240x128xf32, #tpu.memory_space<vmem_shared>>
      tpu.wait_indirect_dma semaphore(%arg30 : memref<!tpu.dma_semaphore, #tpu.memory_space<semaphore_mem>>) src(%arg19 : memref<64x128xf32, #tpu.memory_space<vmem>>) dst(%dma_wait3A_1397 : memref<10240x128xf32, #tpu.memory_space<vmem_shared>>)
      %dma_wait3A_1398 = arith.constant 0 : i32
      %dma_wait3A_1399 = arith.constant 0 : i32
      %dma_wait3A_1400 = tpu.memref_slice %arg6[%dma_wait3A_1398, %dma_wait3A_1399] : memref<10240x128xf32, #tpu.memory_space<vmem_shared>> -> memref<10240x128xf32, #tpu.memory_space<vmem_shared>>
      tpu.wait_indirect_dma semaphore(%arg31 : memref<!tpu.dma_semaphore, #tpu.memory_space<semaphore_mem>>) src(%arg20 : memref<64x128xf32, #tpu.memory_space<vmem>>) dst(%dma_wait3A_1400 : memref<10240x128xf32, #tpu.memory_space<vmem_shared>>)
      %add3A_1401 = arith.constant 6 : i32
      %add3A_1402 = arith.addi %mul3A_874, %add3A_1401 : i32
      %mul3A_1403 = arith.constant 64 : i32
      %mul3A_1404 = arith.muli %add3A_1402, %mul3A_1403 : i32
      %add3A_1405 = arith.constant 0 : i32
      %add3A_1406 = arith.addi %mul3A_1404, %add3A_1405 : i32
      %get3A_1407 = arith.index_cast %add3A_1406 : i32 to index
      %get3A_1408 = tpu.vector_load %arg7[%get3A_1407] {strides = array<i32>} : memref<4992xi32, #tpu.memory_space<vmem>>, vector<16xi32>,
      %get3A_1409 = vector.shape_cast %get3A_1408 : vector<16xi32> to vector<16xi32>
      %swap3A_1410 = arith.constant 0 : index
      %swap3A_1411 = tpu.vector_load %arg13[%swap3A_1410] {strides = array<i32>} : memref<64xi32, #tpu.memory_space<vmem>>, vector<16xi32>,
      %swap3A_1412 = vector.shape_cast %swap3A_1411 : vector<16xi32> to vector<16xi32>
      %swap3A_1413 = vector.shape_cast %get3A_1409 : vector<16xi32> to vector<16xi32>
      tpu.vector_store %arg13[%swap3A_1410], %swap3A_1413 {strides = array<i32>} : memref<64xi32, #tpu.memory_space<vmem>>, vector<16xi32>,
      %add3A_1414 = arith.constant 16 : i32
      %add3A_1415 = arith.addi %mul3A_1404, %add3A_1414 : i32
      %get3A_1416 = arith.index_cast %add3A_1415 : i32 to index
      %get3A_1417 = tpu.vector_load %arg7[%get3A_1416] {strides = array<i32>} : memref<4992xi32, #tpu.memory_space<vmem>>, vector<16xi32>,
      %get3A_1418 = vector.shape_cast %get3A_1417 : vector<16xi32> to vector<16xi32>
      %swap3A_1419 = arith.constant 16 : index
      %swap3A_1420 = tpu.vector_load %arg13[%swap3A_1419] {strides = array<i32>} : memref<64xi32, #tpu.memory_space<vmem>>, vector<16xi32>,
      %swap3A_1421 = vector.shape_cast %swap3A_1420 : vector<16xi32> to vector<16xi32>
      %swap3A_1422 = vector.shape_cast %get3A_1418 : vector<16xi32> to vector<16xi32>
      tpu.vector_store %arg13[%swap3A_1419], %swap3A_1422 {strides = array<i32>} : memref<64xi32, #tpu.memory_space<vmem>>, vector<16xi32>,
      %add3A_1423 = arith.constant 32 : i32
      %add3A_1424 = arith.addi %mul3A_1404, %add3A_1423 : i32
      %get3A_1425 = arith.index_cast %add3A_1424 : i32 to index
      %get3A_1426 = tpu.vector_load %arg7[%get3A_1425] {strides = array<i32>} : memref<4992xi32, #tpu.memory_space<vmem>>, vector<16xi32>,
      %get3A_1427 = vector.shape_cast %get3A_1426 : vector<16xi32> to vector<16xi32>
      %swap3A_1428 = arith.constant 32 : index
      %swap3A_1429 = tpu.vector_load %arg13[%swap3A_1428] {strides = array<i32>} : memref<64xi32, #tpu.memory_space<vmem>>, vector<16xi32>,
      %swap3A_1430 = vector.shape_cast %swap3A_1429 : vector<16xi32> to vector<16xi32>
      %swap3A_1431 = vector.shape_cast %get3A_1427 : vector<16xi32> to vector<16xi32>
      tpu.vector_store %arg13[%swap3A_1428], %swap3A_1431 {strides = array<i32>} : memref<64xi32, #tpu.memory_space<vmem>>, vector<16xi32>,
      %add3A_1432 = arith.constant 48 : i32
      %add3A_1433 = arith.addi %mul3A_1404, %add3A_1432 : i32
      %get3A_1434 = arith.index_cast %add3A_1433 : i32 to index
      %get3A_1435 = tpu.vector_load %arg7[%get3A_1434] {strides = array<i32>} : memref<4992xi32, #tpu.memory_space<vmem>>, vector<16xi32>,
      %get3A_1436 = vector.shape_cast %get3A_1435 : vector<16xi32> to vector<16xi32>
      %swap3A_1437 = arith.constant 48 : index
      %swap3A_1438 = tpu.vector_load %arg13[%swap3A_1437] {strides = array<i32>} : memref<64xi32, #tpu.memory_space<vmem>>, vector<16xi32>,
      %swap3A_1439 = vector.shape_cast %swap3A_1438 : vector<16xi32> to vector<16xi32>
      %swap3A_1440 = vector.shape_cast %get3A_1436 : vector<16xi32> to vector<16xi32>
      tpu.vector_store %arg13[%swap3A_1437], %swap3A_1440 {strides = array<i32>} : memref<64xi32, #tpu.memory_space<vmem>>, vector<16xi32>,
      %add3A_1441 = arith.constant 1 : i32
      %add3A_1442 = arith.addi %add3A_1402, %add3A_1441 : i32
      %mul3A_1443 = arith.constant 64 : i32
      %mul3A_1444 = arith.muli %add3A_1442, %mul3A_1443 : i32
      %add3A_1445 = arith.constant 0 : i32
      %add3A_1446 = arith.addi %mul3A_1444, %add3A_1445 : i32
      %get3A_1447 = arith.index_cast %add3A_1446 : i32 to index
      %get3A_1448 = tpu.vector_load %arg7[%get3A_1447] {strides = array<i32>} : memref<4992xi32, #tpu.memory_space<vmem>>, vector<16xi32>,
      %get3A_1449 = vector.shape_cast %get3A_1448 : vector<16xi32> to vector<16xi32>
      %swap3A_1450 = arith.constant 0 : index
      %swap3A_1451 = tpu.vector_load %arg15[%swap3A_1450] {strides = array<i32>} : memref<64xi32, #tpu.memory_space<vmem>>, vector<16xi32>,
      %swap3A_1452 = vector.shape_cast %swap3A_1451 : vector<16xi32> to vector<16xi32>
      %swap3A_1453 = vector.shape_cast %get3A_1449 : vector<16xi32> to vector<16xi32>
      tpu.vector_store %arg15[%swap3A_1450], %swap3A_1453 {strides = array<i32>} : memref<64xi32, #tpu.memory_space<vmem>>, vector<16xi32>,
      %add3A_1454 = arith.constant 16 : i32
      %add3A_1455 = arith.addi %mul3A_1444, %add3A_1454 : i32
      %get3A_1456 = arith.index_cast %add3A_1455 : i32 to index
      %get3A_1457 = tpu.vector_load %arg7[%get3A_1456] {strides = array<i32>} : memref<4992xi32, #tpu.memory_space<vmem>>, vector<16xi32>,
      %get3A_1458 = vector.shape_cast %get3A_1457 : vector<16xi32> to vector<16xi32>
      %swap3A_1459 = arith.constant 16 : index
      %swap3A_1460 = tpu.vector_load %arg15[%swap3A_1459] {strides = array<i32>} : memref<64xi32, #tpu.memory_space<vmem>>, vector<16xi32>,
      %swap3A_1461 = vector.shape_cast %swap3A_1460 : vector<16xi32> to vector<16xi32>
      %swap3A_1462 = vector.shape_cast %get3A_1458 : vector<16xi32> to vector<16xi32>
      tpu.vector_store %arg15[%swap3A_1459], %swap3A_1462 {strides = array<i32>} : memref<64xi32, #tpu.memory_space<vmem>>, vector<16xi32>,
      %add3A_1463 = arith.constant 32 : i32
      %add3A_1464 = arith.addi %mul3A_1444, %add3A_1463 : i32
      %get3A_1465 = arith.index_cast %add3A_1464 : i32 to index
      %get3A_1466 = tpu.vector_load %arg7[%get3A_1465] {strides = array<i32>} : memref<4992xi32, #tpu.memory_space<vmem>>, vector<16xi32>,
      %get3A_1467 = vector.shape_cast %get3A_1466 : vector<16xi32> to vector<16xi32>
      %swap3A_1468 = arith.constant 32 : index
      %swap3A_1469 = tpu.vector_load %arg15[%swap3A_1468] {strides = array<i32>} : memref<64xi32, #tpu.memory_space<vmem>>, vector<16xi32>,
      %swap3A_1470 = vector.shape_cast %swap3A_1469 : vector<16xi32> to vector<16xi32>
      %swap3A_1471 = vector.shape_cast %get3A_1467 : vector<16xi32> to vector<16xi32>
      tpu.vector_store %arg15[%swap3A_1468], %swap3A_1471 {strides = array<i32>} : memref<64xi32, #tpu.memory_space<vmem>>, vector<16xi32>,
      %add3A_1472 = arith.constant 48 : i32
      %add3A_1473 = arith.addi %mul3A_1444, %add3A_1472 : i32
      %get3A_1474 = arith.index_cast %add3A_1473 : i32 to index
      %get3A_1475 = tpu.vector_load %arg7[%get3A_1474] {strides = array<i32>} : memref<4992xi32, #tpu.memory_space<vmem>>, vector<16xi32>,
      %get3A_1476 = vector.shape_cast %get3A_1475 : vector<16xi32> to vector<16xi32>
      %swap3A_1477 = arith.constant 48 : index
      %swap3A_1478 = tpu.vector_load %arg15[%swap3A_1477] {strides = array<i32>} : memref<64xi32, #tpu.memory_space<vmem>>, vector<16xi32>,
      %swap3A_1479 = vector.shape_cast %swap3A_1478 : vector<16xi32> to vector<16xi32>
      %swap3A_1480 = vector.shape_cast %get3A_1476 : vector<16xi32> to vector<16xi32>
      tpu.vector_store %arg15[%swap3A_1477], %swap3A_1480 {strides = array<i32>} : memref<64xi32, #tpu.memory_space<vmem>>, vector<16xi32>,
      %mul3A_1481 = arith.constant 64 : i32
      %mul3A_1482 = arith.muli %add3A_1402, %mul3A_1481 : i32
      %add3A_1483 = arith.constant 0 : i32
      %add3A_1484 = arith.addi %mul3A_1482, %add3A_1483 : i32
      %get3A_1485 = arith.index_cast %add3A_1484 : i32 to index
      %get3A_1486 = tpu.vector_load %arg8[%get3A_1485] {strides = array<i32>} : memref<4992xi32, #tpu.memory_space<vmem>>, vector<16xi32>,
      %get3A_1487 = vector.shape_cast %get3A_1486 : vector<16xi32> to vector<16xi32>
      %swap3A_1488 = arith.constant 0 : index
      %swap3A_1489 = tpu.vector_load %arg14[%swap3A_1488] {strides = array<i32>} : memref<64xi32, #tpu.memory_space<vmem>>, vector<16xi32>,
      %swap3A_1490 = vector.shape_cast %swap3A_1489 : vector<16xi32> to vector<16xi32>
      %swap3A_1491 = vector.shape_cast %get3A_1487 : vector<16xi32> to vector<16xi32>
      tpu.vector_store %arg14[%swap3A_1488], %swap3A_1491 {strides = array<i32>} : memref<64xi32, #tpu.memory_space<vmem>>, vector<16xi32>,
      %add3A_1492 = arith.constant 16 : i32
      %add3A_1493 = arith.addi %mul3A_1482, %add3A_1492 : i32
      %get3A_1494 = arith.index_cast %add3A_1493 : i32 to index
      %get3A_1495 = tpu.vector_load %arg8[%get3A_1494] {strides = array<i32>} : memref<4992xi32, #tpu.memory_space<vmem>>, vector<16xi32>,
      %get3A_1496 = vector.shape_cast %get3A_1495 : vector<16xi32> to vector<16xi32>
      %swap3A_1497 = arith.constant 16 : index
      %swap3A_1498 = tpu.vector_load %arg14[%swap3A_1497] {strides = array<i32>} : memref<64xi32, #tpu.memory_space<vmem>>, vector<16xi32>,
      %swap3A_1499 = vector.shape_cast %swap3A_1498 : vector<16xi32> to vector<16xi32>
      %swap3A_1500 = vector.shape_cast %get3A_1496 : vector<16xi32> to vector<16xi32>
      tpu.vector_store %arg14[%swap3A_1497], %swap3A_1500 {strides = array<i32>} : memref<64xi32, #tpu.memory_space<vmem>>, vector<16xi32>,
      %add3A_1501 = arith.constant 32 : i32
      %add3A_1502 = arith.addi %mul3A_1482, %add3A_1501 : i32
      %get3A_1503 = arith.index_cast %add3A_1502 : i32 to index
      %get3A_1504 = tpu.vector_load %arg8[%get3A_1503] {strides = array<i32>} : memref<4992xi32, #tpu.memory_space<vmem>>, vector<16xi32>,
      %get3A_1505 = vector.shape_cast %get3A_1504 : vector<16xi32> to vector<16xi32>
      %swap3A_1506 = arith.constant 32 : index
      %swap3A_1507 = tpu.vector_load %arg14[%swap3A_1506] {strides = array<i32>} : memref<64xi32, #tpu.memory_space<vmem>>, vector<16xi32>,
      %swap3A_1508 = vector.shape_cast %swap3A_1507 : vector<16xi32> to vector<16xi32>
      %swap3A_1509 = vector.shape_cast %get3A_1505 : vector<16xi32> to vector<16xi32>
      tpu.vector_store %arg14[%swap3A_1506], %swap3A_1509 {strides = array<i32>} : memref<64xi32, #tpu.memory_space<vmem>>, vector<16xi32>,
      %add3A_1510 = arith.constant 48 : i32
      %add3A_1511 = arith.addi %mul3A_1482, %add3A_1510 : i32
      %get3A_1512 = arith.index_cast %add3A_1511 : i32 to index
      %get3A_1513 = tpu.vector_load %arg8[%get3A_1512] {strides = array<i32>} : memref<4992xi32, #tpu.memory_space<vmem>>, vector<16xi32>,
      %get3A_1514 = vector.shape_cast %get3A_1513 : vector<16xi32> to vector<16xi32>
      %swap3A_1515 = arith.constant 48 : index
      %swap3A_1516 = tpu.vector_load %arg14[%swap3A_1515] {strides = array<i32>} : memref<64xi32, #tpu.memory_space<vmem>>, vector<16xi32>,
      %swap3A_1517 = vector.shape_cast %swap3A_1516 : vector<16xi32> to vector<16xi32>
      %swap3A_1518 = vector.shape_cast %get3A_1514 : vector<16xi32> to vector<16xi32>
      tpu.vector_store %arg14[%swap3A_1515], %swap3A_1518 {strides = array<i32>} : memref<64xi32, #tpu.memory_space<vmem>>, vector<16xi32>,
      %add3A_1519 = arith.constant 1 : i32
      %add3A_1520 = arith.addi %add3A_1402, %add3A_1519 : i32
      %mul3A_1521 = arith.constant 64 : i32
      %mul3A_1522 = arith.muli %add3A_1520, %mul3A_1521 : i32
      %add3A_1523 = arith.constant 0 : i32
      %add3A_1524 = arith.addi %mul3A_1522, %add3A_1523 : i32
      %get3A_1525 = arith.index_cast %add3A_1524 : i32 to index
      %get3A_1526 = tpu.vector_load %arg8[%get3A_1525] {strides = array<i32>} : memref<4992xi32, #tpu.memory_space<vmem>>, vector<16xi32>,
      %get3A_1527 = vector.shape_cast %get3A_1526 : vector<16xi32> to vector<16xi32>
      %swap3A_1528 = arith.constant 0 : index
      %swap3A_1529 = tpu.vector_load %arg16[%swap3A_1528] {strides = array<i32>} : memref<64xi32, #tpu.memory_space<vmem>>, vector<16xi32>,
      %swap3A_1530 = vector.shape_cast %swap3A_1529 : vector<16xi32> to vector<16xi32>
      %swap3A_1531 = vector.shape_cast %get3A_1527 : vector<16xi32> to vector<16xi32>
      tpu.vector_store %arg16[%swap3A_1528], %swap3A_1531 {strides = array<i32>} : memref<64xi32, #tpu.memory_space<vmem>>, vector<16xi32>,
      %add3A_1532 = arith.constant 16 : i32
      %add3A_1533 = arith.addi %mul3A_1522, %add3A_1532 : i32
      %get3A_1534 = arith.index_cast %add3A_1533 : i32 to index
      %get3A_1535 = tpu.vector_load %arg8[%get3A_1534] {strides = array<i32>} : memref<4992xi32, #tpu.memory_space<vmem>>, vector<16xi32>,
      %get3A_1536 = vector.shape_cast %get3A_1535 : vector<16xi32> to vector<16xi32>
      %swap3A_1537 = arith.constant 16 : index
      %swap3A_1538 = tpu.vector_load %arg16[%swap3A_1537] {strides = array<i32>} : memref<64xi32, #tpu.memory_space<vmem>>, vector<16xi32>,
      %swap3A_1539 = vector.shape_cast %swap3A_1538 : vector<16xi32> to vector<16xi32>
      %swap3A_1540 = vector.shape_cast %get3A_1536 : vector<16xi32> to vector<16xi32>
      tpu.vector_store %arg16[%swap3A_1537], %swap3A_1540 {strides = array<i32>} : memref<64xi32, #tpu.memory_space<vmem>>, vector<16xi32>,
      %add3A_1541 = arith.constant 32 : i32
      %add3A_1542 = arith.addi %mul3A_1522, %add3A_1541 : i32
      %get3A_1543 = arith.index_cast %add3A_1542 : i32 to index
      %get3A_1544 = tpu.vector_load %arg8[%get3A_1543] {strides = array<i32>} : memref<4992xi32, #tpu.memory_space<vmem>>, vector<16xi32>,
      %get3A_1545 = vector.shape_cast %get3A_1544 : vector<16xi32> to vector<16xi32>
      %swap3A_1546 = arith.constant 32 : index
      %swap3A_1547 = tpu.vector_load %arg16[%swap3A_1546] {strides = array<i32>} : memref<64xi32, #tpu.memory_space<vmem>>, vector<16xi32>,
      %swap3A_1548 = vector.shape_cast %swap3A_1547 : vector<16xi32> to vector<16xi32>
      %swap3A_1549 = vector.shape_cast %get3A_1545 : vector<16xi32> to vector<16xi32>
      tpu.vector_store %arg16[%swap3A_1546], %swap3A_1549 {strides = array<i32>} : memref<64xi32, #tpu.memory_space<vmem>>, vector<16xi32>,
      %add3A_1550 = arith.constant 48 : i32
      %add3A_1551 = arith.addi %mul3A_1522, %add3A_1550 : i32
      %get3A_1552 = arith.index_cast %add3A_1551 : i32 to index
      %get3A_1553 = tpu.vector_load %arg8[%get3A_1552] {strides = array<i32>} : memref<4992xi32, #tpu.memory_space<vmem>>, vector<16xi32>,
      %get3A_1554 = vector.shape_cast %get3A_1553 : vector<16xi32> to vector<16xi32>
      %swap3A_1555 = arith.constant 48 : index
      %swap3A_1556 = tpu.vector_load %arg16[%swap3A_1555] {strides = array<i32>} : memref<64xi32, #tpu.memory_space<vmem>>, vector<16xi32>,
      %swap3A_1557 = vector.shape_cast %swap3A_1556 : vector<16xi32> to vector<16xi32>
      %swap3A_1558 = vector.shape_cast %get3A_1554 : vector<16xi32> to vector<16xi32>
      tpu.vector_store %arg16[%swap3A_1555], %swap3A_1558 {strides = array<i32>} : memref<64xi32, #tpu.memory_space<vmem>>, vector<16xi32>,
      %dma_start3A_1559 = arith.constant 0 : i32
      %dma_start3A_1560 = arith.constant 0 : i32
      %dma_start3A_1561 = tpu.memref_slice %arg4[%dma_start3A_1559, %dma_start3A_1560] : memref<10240x128xf32, #tpu.memory_space<hbm>> -> memref<10240x128xf32, #tpu.memory_space<hbm>>
      tpu.enqueue_indirect_dma source(%dma_start3A_1561 : memref<10240x128xf32, #tpu.memory_space<hbm>>) target(%arg19 : memref<64x128xf32, #tpu.memory_space<vmem>>) offsets(%arg13 : memref<64xi32, #tpu.memory_space<vmem>>) semaphore(%arg26 : memref<!tpu.dma_semaphore, #tpu.memory_space<semaphore_mem>>)
      %dma_start3A_1562 = arith.constant 0 : i32
      %dma_start3A_1563 = arith.constant 0 : i32
      %dma_start3A_1564 = tpu.memref_slice %arg4[%dma_start3A_1562, %dma_start3A_1563] : memref<10240x128xf32, #tpu.memory_space<hbm>> -> memref<10240x128xf32, #tpu.memory_space<hbm>>
      tpu.enqueue_indirect_dma source(%dma_start3A_1564 : memref<10240x128xf32, #tpu.memory_space<hbm>>) target(%arg20 : memref<64x128xf32, #tpu.memory_space<vmem>>) offsets(%arg15 : memref<64xi32, #tpu.memory_space<vmem>>) semaphore(%arg27 : memref<!tpu.dma_semaphore, #tpu.memory_space<semaphore_mem>>)
      %dma_wait3A_1565 = arith.constant 0 : i32
      %dma_wait3A_1566 = arith.constant 0 : i32
      %dma_wait3A_1567 = tpu.memref_slice %arg4[%dma_wait3A_1565, %dma_wait3A_1566] : memref<10240x128xf32, #tpu.memory_space<hbm>> -> memref<10240x128xf32, #tpu.memory_space<hbm>>
      tpu.wait_indirect_dma semaphore(%arg24 : memref<!tpu.dma_semaphore, #tpu.memory_space<semaphore_mem>>) src(%dma_wait3A_1567 : memref<10240x128xf32, #tpu.memory_space<hbm>>) dst(%arg17 : memref<64x128xf32, #tpu.memory_space<vmem>>)
      %dma_start3A_1568 = arith.constant 0 : i32
      %dma_start3A_1569 = arith.constant 0 : i32
      %dma_start3A_1570 = tpu.memref_slice %arg6[%dma_start3A_1568, %dma_start3A_1569] : memref<10240x128xf32, #tpu.memory_space<vmem_shared>> -> memref<10240x128xf32, #tpu.memory_space<vmem_shared>>
      tpu.enqueue_indirect_dma source(%arg17 : memref<64x128xf32, #tpu.memory_space<vmem>>) target(%dma_start3A_1570 : memref<10240x128xf32, #tpu.memory_space<vmem_shared>>) offsets(%arg10 : memref<64xi32, #tpu.memory_space<vmem>>) semaphore(%arg28 : memref<!tpu.dma_semaphore, #tpu.memory_space<semaphore_mem>>) {add = true}
      %dma_wait3A_1571 = arith.constant 0 : i32
      %dma_wait3A_1572 = arith.constant 0 : i32
      %dma_wait3A_1573 = tpu.memref_slice %arg4[%dma_wait3A_1571, %dma_wait3A_1572] : memref<10240x128xf32, #tpu.memory_space<hbm>> -> memref<10240x128xf32, #tpu.memory_space<hbm>>
      tpu.wait_indirect_dma semaphore(%arg25 : memref<!tpu.dma_semaphore, #tpu.memory_space<semaphore_mem>>) src(%dma_wait3A_1573 : memref<10240x128xf32, #tpu.memory_space<hbm>>) dst(%arg18 : memref<64x128xf32, #tpu.memory_space<vmem>>)
      %dma_start3A_1574 = arith.constant 0 : i32
      %dma_start3A_1575 = arith.constant 0 : i32
      %dma_start3A_1576 = tpu.memref_slice %arg6[%dma_start3A_1574, %dma_start3A_1575] : memref<10240x128xf32, #tpu.memory_space<vmem_shared>> -> memref<10240x128xf32, #tpu.memory_space<vmem_shared>>
      tpu.enqueue_indirect_dma source(%arg18 : memref<64x128xf32, #tpu.memory_space<vmem>>) target(%dma_start3A_1576 : memref<10240x128xf32, #tpu.memory_space<vmem_shared>>) offsets(%arg12 : memref<64xi32, #tpu.memory_space<vmem>>) semaphore(%arg29 : memref<!tpu.dma_semaphore, #tpu.memory_space<semaphore_mem>>) {add = true}
      %dma_wait3A_1577 = arith.constant 0 : i32
      %dma_wait3A_1578 = arith.constant 0 : i32
      %dma_wait3A_1579 = tpu.memref_slice %arg6[%dma_wait3A_1577, %dma_wait3A_1578] : memref<10240x128xf32, #tpu.memory_space<vmem_shared>> -> memref<10240x128xf32, #tpu.memory_space<vmem_shared>>
      tpu.wait_indirect_dma semaphore(%arg28 : memref<!tpu.dma_semaphore, #tpu.memory_space<semaphore_mem>>) src(%arg17 : memref<64x128xf32, #tpu.memory_space<vmem>>) dst(%dma_wait3A_1579 : memref<10240x128xf32, #tpu.memory_space<vmem_shared>>)
      %dma_wait3A_1580 = arith.constant 0 : i32
      %dma_wait3A_1581 = arith.constant 0 : i32
      %dma_wait3A_1582 = tpu.memref_slice %arg6[%dma_wait3A_1580, %dma_wait3A_1581] : memref<10240x128xf32, #tpu.memory_space<vmem_shared>> -> memref<10240x128xf32, #tpu.memory_space<vmem_shared>>
      tpu.wait_indirect_dma semaphore(%arg29 : memref<!tpu.dma_semaphore, #tpu.memory_space<semaphore_mem>>) src(%arg18 : memref<64x128xf32, #tpu.memory_space<vmem>>) dst(%dma_wait3A_1582 : memref<10240x128xf32, #tpu.memory_space<vmem_shared>>)
      %dma_wait3A_1583 = arith.constant 0 : i32
      %dma_wait3A_1584 = arith.constant 0 : i32
      %dma_wait3A_1585 = tpu.memref_slice %arg4[%dma_wait3A_1583, %dma_wait3A_1584] : memref<10240x128xf32, #tpu.memory_space<hbm>> -> memref<10240x128xf32, #tpu.memory_space<hbm>>
      tpu.wait_indirect_dma semaphore(%arg26 : memref<!tpu.dma_semaphore, #tpu.memory_space<semaphore_mem>>) src(%dma_wait3A_1585 : memref<10240x128xf32, #tpu.memory_space<hbm>>) dst(%arg19 : memref<64x128xf32, #tpu.memory_space<vmem>>)
      %dma_start3A_1586 = arith.constant 0 : i32
      %dma_start3A_1587 = arith.constant 0 : i32
      %dma_start3A_1588 = tpu.memref_slice %arg6[%dma_start3A_1586, %dma_start3A_1587] : memref<10240x128xf32, #tpu.memory_space<vmem_shared>> -> memref<10240x128xf32, #tpu.memory_space<vmem_shared>>
      tpu.enqueue_indirect_dma source(%arg19 : memref<64x128xf32, #tpu.memory_space<vmem>>) target(%dma_start3A_1588 : memref<10240x128xf32, #tpu.memory_space<vmem_shared>>) offsets(%arg14 : memref<64xi32, #tpu.memory_space<vmem>>) semaphore(%arg30 : memref<!tpu.dma_semaphore, #tpu.memory_space<semaphore_mem>>) {add = true}
      %dma_wait3A_1589 = arith.constant 0 : i32
      %dma_wait3A_1590 = arith.constant 0 : i32
      %dma_wait3A_1591 = tpu.memref_slice %arg4[%dma_wait3A_1589, %dma_wait3A_1590] : memref<10240x128xf32, #tpu.memory_space<hbm>> -> memref<10240x128xf32, #tpu.memory_space<hbm>>
      tpu.wait_indirect_dma semaphore(%arg27 : memref<!tpu.dma_semaphore, #tpu.memory_space<semaphore_mem>>) src(%dma_wait3A_1591 : memref<10240x128xf32, #tpu.memory_space<hbm>>) dst(%arg20 : memref<64x128xf32, #tpu.memory_space<vmem>>)
      %dma_start3A_1592 = arith.constant 0 : i32
      %dma_start3A_1593 = arith.constant 0 : i32
      %dma_start3A_1594 = tpu.memref_slice %arg6[%dma_start3A_1592, %dma_start3A_1593] : memref<10240x128xf32, #tpu.memory_space<vmem_shared>> -> memref<10240x128xf32, #tpu.memory_space<vmem_shared>>
      tpu.enqueue_indirect_dma source(%arg20 : memref<64x128xf32, #tpu.memory_space<vmem>>) target(%dma_start3A_1594 : memref<10240x128xf32, #tpu.memory_space<vmem_shared>>) offsets(%arg16 : memref<64xi32, #tpu.memory_space<vmem>>) semaphore(%arg31 : memref<!tpu.dma_semaphore, #tpu.memory_space<semaphore_mem>>) {add = true}
      %dma_wait3A_1595 = arith.constant 0 : i32
      %dma_wait3A_1596 = arith.constant 0 : i32
      %dma_wait3A_1597 = tpu.memref_slice %arg6[%dma_wait3A_1595, %dma_wait3A_1596] : memref<10240x128xf32, #tpu.memory_space<vmem_shared>> -> memref<10240x128xf32, #tpu.memory_space<vmem_shared>>
      tpu.wait_indirect_dma semaphore(%arg30 : memref<!tpu.dma_semaphore, #tpu.memory_space<semaphore_mem>>) src(%arg19 : memref<64x128xf32, #tpu.memory_space<vmem>>) dst(%dma_wait3A_1597 : memref<10240x128xf32, #tpu.memory_space<vmem_shared>>)
      %dma_wait3A_1598 = arith.constant 0 : i32
      %dma_wait3A_1599 = arith.constant 0 : i32
      %dma_wait3A_1600 = tpu.memref_slice %arg6[%dma_wait3A_1598, %dma_wait3A_1599] : memref<10240x128xf32, #tpu.memory_space<vmem_shared>> -> memref<10240x128xf32, #tpu.memory_space<vmem_shared>>
      tpu.wait_indirect_dma semaphore(%arg31 : memref<!tpu.dma_semaphore, #tpu.memory_space<semaphore_mem>>) src(%arg20 : memref<64x128xf32, #tpu.memory_space<vmem>>) dst(%dma_wait3A_1600 : memref<10240x128xf32, #tpu.memory_space<vmem_shared>>)
    }
    %scan3A_40 = arith.constant 9 : i32
    %get3A = arith.constant 4608 : index
    %get3A_41 = tpu.vector_load %arg7[%get3A] {strides = array<i32>} : memref<4992xi32, #tpu.memory_space<vmem>>, vector<16xi32>,
    %get3A_42 = vector.shape_cast %get3A_41 : vector<16xi32> to vector<16xi32>
    %swap3A = arith.constant 0 : index
    %swap3A_43 = tpu.vector_load %arg9[%swap3A] {strides = array<i32>} : memref<64xi32, #tpu.memory_space<vmem>>, vector<16xi32>,
    %swap3A_44 = vector.shape_cast %swap3A_43 : vector<16xi32> to vector<16xi32>
    %swap3A_45 = vector.shape_cast %get3A_42 : vector<16xi32> to vector<16xi32>
    tpu.vector_store %arg9[%swap3A], %swap3A_45 {strides = array<i32>} : memref<64xi32, #tpu.memory_space<vmem>>, vector<16xi32>,
    %get3A_46 = arith.constant 4624 : index
    %get3A_47 = tpu.vector_load %arg7[%get3A_46] {strides = array<i32>} : memref<4992xi32, #tpu.memory_space<vmem>>, vector<16xi32>,
    %get3A_48 = vector.shape_cast %get3A_47 : vector<16xi32> to vector<16xi32>
    %swap3A_49 = arith.constant 16 : index
    %swap3A_50 = tpu.vector_load %arg9[%swap3A_49] {strides = array<i32>} : memref<64xi32, #tpu.memory_space<vmem>>, vector<16xi32>,
    %swap3A_51 = vector.shape_cast %swap3A_50 : vector<16xi32> to vector<16xi32>
    %swap3A_52 = vector.shape_cast %get3A_48 : vector<16xi32> to vector<16xi32>
    tpu.vector_store %arg9[%swap3A_49], %swap3A_52 {strides = array<i32>} : memref<64xi32, #tpu.memory_space<vmem>>, vector<16xi32>,
    %get3A_53 = arith.constant 4640 : index
    %get3A_54 = tpu.vector_load %arg7[%get3A_53] {strides = array<i32>} : memref<4992xi32, #tpu.memory_space<vmem>>, vector<16xi32>,
    %get3A_55 = vector.shape_cast %get3A_54 : vector<16xi32> to vector<16xi32>
    %swap3A_56 = arith.constant 32 : index
    %swap3A_57 = tpu.vector_load %arg9[%swap3A_56] {strides = array<i32>} : memref<64xi32, #tpu.memory_space<vmem>>, vector<16xi32>,
    %swap3A_58 = vector.shape_cast %swap3A_57 : vector<16xi32> to vector<16xi32>
    %swap3A_59 = vector.shape_cast %get3A_55 : vector<16xi32> to vector<16xi32>
    tpu.vector_store %arg9[%swap3A_56], %swap3A_59 {strides = array<i32>} : memref<64xi32, #tpu.memory_space<vmem>>, vector<16xi32>,
    %get3A_60 = arith.constant 4656 : index
    %get3A_61 = tpu.vector_load %arg7[%get3A_60] {strides = array<i32>} : memref<4992xi32, #tpu.memory_space<vmem>>, vector<16xi32>,
    %get3A_62 = vector.shape_cast %get3A_61 : vector<16xi32> to vector<16xi32>
    %swap3A_63 = arith.constant 48 : index
    %swap3A_64 = tpu.vector_load %arg9[%swap3A_63] {strides = array<i32>} : memref<64xi32, #tpu.memory_space<vmem>>, vector<16xi32>,
    %swap3A_65 = vector.shape_cast %swap3A_64 : vector<16xi32> to vector<16xi32>
    %swap3A_66 = vector.shape_cast %get3A_62 : vector<16xi32> to vector<16xi32>
    tpu.vector_store %arg9[%swap3A_63], %swap3A_66 {strides = array<i32>} : memref<64xi32, #tpu.memory_space<vmem>>, vector<16xi32>,
    %get3A_67 = arith.constant 4672 : index
    %get3A_68 = tpu.vector_load %arg7[%get3A_67] {strides = array<i32>} : memref<4992xi32, #tpu.memory_space<vmem>>, vector<16xi32>,
    %get3A_69 = vector.shape_cast %get3A_68 : vector<16xi32> to vector<16xi32>
    %swap3A_70 = arith.constant 0 : index
    %swap3A_71 = tpu.vector_load %arg11[%swap3A_70] {strides = array<i32>} : memref<64xi32, #tpu.memory_space<vmem>>, vector<16xi32>,
    %swap3A_72 = vector.shape_cast %swap3A_71 : vector<16xi32> to vector<16xi32>
    %swap3A_73 = vector.shape_cast %get3A_69 : vector<16xi32> to vector<16xi32>
    tpu.vector_store %arg11[%swap3A_70], %swap3A_73 {strides = array<i32>} : memref<64xi32, #tpu.memory_space<vmem>>, vector<16xi32>,
    %get3A_74 = arith.constant 4688 : index
    %get3A_75 = tpu.vector_load %arg7[%get3A_74] {strides = array<i32>} : memref<4992xi32, #tpu.memory_space<vmem>>, vector<16xi32>,
    %get3A_76 = vector.shape_cast %get3A_75 : vector<16xi32> to vector<16xi32>
    %swap3A_77 = arith.constant 16 : index
    %swap3A_78 = tpu.vector_load %arg11[%swap3A_77] {strides = array<i32>} : memref<64xi32, #tpu.memory_space<vmem>>, vector<16xi32>,
    %swap3A_79 = vector.shape_cast %swap3A_78 : vector<16xi32> to vector<16xi32>
    %swap3A_80 = vector.shape_cast %get3A_76 : vector<16xi32> to vector<16xi32>
    tpu.vector_store %arg11[%swap3A_77], %swap3A_80 {strides = array<i32>} : memref<64xi32, #tpu.memory_space<vmem>>, vector<16xi32>,
    %get3A_81 = arith.constant 4704 : index
    %get3A_82 = tpu.vector_load %arg7[%get3A_81] {strides = array<i32>} : memref<4992xi32, #tpu.memory_space<vmem>>, vector<16xi32>,
    %get3A_83 = vector.shape_cast %get3A_82 : vector<16xi32> to vector<16xi32>
    %swap3A_84 = arith.constant 32 : index
    %swap3A_85 = tpu.vector_load %arg11[%swap3A_84] {strides = array<i32>} : memref<64xi32, #tpu.memory_space<vmem>>, vector<16xi32>,
    %swap3A_86 = vector.shape_cast %swap3A_85 : vector<16xi32> to vector<16xi32>
    %swap3A_87 = vector.shape_cast %get3A_83 : vector<16xi32> to vector<16xi32>
    tpu.vector_store %arg11[%swap3A_84], %swap3A_87 {strides = array<i32>} : memref<64xi32, #tpu.memory_space<vmem>>, vector<16xi32>,
    %get3A_88 = arith.constant 4720 : index
    %get3A_89 = tpu.vector_load %arg7[%get3A_88] {strides = array<i32>} : memref<4992xi32, #tpu.memory_space<vmem>>, vector<16xi32>,
    %get3A_90 = vector.shape_cast %get3A_89 : vector<16xi32> to vector<16xi32>
    %swap3A_91 = arith.constant 48 : index
    %swap3A_92 = tpu.vector_load %arg11[%swap3A_91] {strides = array<i32>} : memref<64xi32, #tpu.memory_space<vmem>>, vector<16xi32>,
    %swap3A_93 = vector.shape_cast %swap3A_92 : vector<16xi32> to vector<16xi32>
    %swap3A_94 = vector.shape_cast %get3A_90 : vector<16xi32> to vector<16xi32>
    tpu.vector_store %arg11[%swap3A_91], %swap3A_94 {strides = array<i32>} : memref<64xi32, #tpu.memory_space<vmem>>, vector<16xi32>,
    %get3A_95 = arith.constant 4608 : index
    %get3A_96 = tpu.vector_load %arg8[%get3A_95] {strides = array<i32>} : memref<4992xi32, #tpu.memory_space<vmem>>, vector<16xi32>,
    %get3A_97 = vector.shape_cast %get3A_96 : vector<16xi32> to vector<16xi32>
    %swap3A_98 = arith.constant 0 : index
    %swap3A_99 = tpu.vector_load %arg10[%swap3A_98] {strides = array<i32>} : memref<64xi32, #tpu.memory_space<vmem>>, vector<16xi32>,
    %swap3A_100 = vector.shape_cast %swap3A_99 : vector<16xi32> to vector<16xi32>
    %swap3A_101 = vector.shape_cast %get3A_97 : vector<16xi32> to vector<16xi32>
    tpu.vector_store %arg10[%swap3A_98], %swap3A_101 {strides = array<i32>} : memref<64xi32, #tpu.memory_space<vmem>>, vector<16xi32>,
    %get3A_102 = arith.constant 4624 : index
    %get3A_103 = tpu.vector_load %arg8[%get3A_102] {strides = array<i32>} : memref<4992xi32, #tpu.memory_space<vmem>>, vector<16xi32>,
    %get3A_104 = vector.shape_cast %get3A_103 : vector<16xi32> to vector<16xi32>
    %swap3A_105 = arith.constant 16 : index
    %swap3A_106 = tpu.vector_load %arg10[%swap3A_105] {strides = array<i32>} : memref<64xi32, #tpu.memory_space<vmem>>, vector<16xi32>,
    %swap3A_107 = vector.shape_cast %swap3A_106 : vector<16xi32> to vector<16xi32>
    %swap3A_108 = vector.shape_cast %get3A_104 : vector<16xi32> to vector<16xi32>
    tpu.vector_store %arg10[%swap3A_105], %swap3A_108 {strides = array<i32>} : memref<64xi32, #tpu.memory_space<vmem>>, vector<16xi32>,
    %get3A_109 = arith.constant 4640 : index
    %get3A_110 = tpu.vector_load %arg8[%get3A_109] {strides = array<i32>} : memref<4992xi32, #tpu.memory_space<vmem>>, vector<16xi32>,
    %get3A_111 = vector.shape_cast %get3A_110 : vector<16xi32> to vector<16xi32>
    %swap3A_112 = arith.constant 32 : index
    %swap3A_113 = tpu.vector_load %arg10[%swap3A_112] {strides = array<i32>} : memref<64xi32, #tpu.memory_space<vmem>>, vector<16xi32>,
    %swap3A_114 = vector.shape_cast %swap3A_113 : vector<16xi32> to vector<16xi32>
    %swap3A_115 = vector.shape_cast %get3A_111 : vector<16xi32> to vector<16xi32>
    tpu.vector_store %arg10[%swap3A_112], %swap3A_115 {strides = array<i32>} : memref<64xi32, #tpu.memory_space<vmem>>, vector<16xi32>,
    %get3A_116 = arith.constant 4656 : index
    %get3A_117 = tpu.vector_load %arg8[%get3A_116] {strides = array<i32>} : memref<4992xi32, #tpu.memory_space<vmem>>, vector<16xi32>,
    %get3A_118 = vector.shape_cast %get3A_117 : vector<16xi32> to vector<16xi32>
    %swap3A_119 = arith.constant 48 : index
    %swap3A_120 = tpu.vector_load %arg10[%swap3A_119] {strides = array<i32>} : memref<64xi32, #tpu.memory_space<vmem>>, vector<16xi32>,
    %swap3A_121 = vector.shape_cast %swap3A_120 : vector<16xi32> to vector<16xi32>
    %swap3A_122 = vector.shape_cast %get3A_118 : vector<16xi32> to vector<16xi32>
    tpu.vector_store %arg10[%swap3A_119], %swap3A_122 {strides = array<i32>} : memref<64xi32, #tpu.memory_space<vmem>>, vector<16xi32>,
    %get3A_123 = arith.constant 4672 : index
    %get3A_124 = tpu.vector_load %arg8[%get3A_123] {strides = array<i32>} : memref<4992xi32, #tpu.memory_space<vmem>>, vector<16xi32>,
    %get3A_125 = vector.shape_cast %get3A_124 : vector<16xi32> to vector<16xi32>
    %swap3A_126 = arith.constant 0 : index
    %swap3A_127 = tpu.vector_load %arg12[%swap3A_126] {strides = array<i32>} : memref<64xi32, #tpu.memory_space<vmem>>, vector<16xi32>,
    %swap3A_128 = vector.shape_cast %swap3A_127 : vector<16xi32> to vector<16xi32>
    %swap3A_129 = vector.shape_cast %get3A_125 : vector<16xi32> to vector<16xi32>
    tpu.vector_store %arg12[%swap3A_126], %swap3A_129 {strides = array<i32>} : memref<64xi32, #tpu.memory_space<vmem>>, vector<16xi32>,
    %get3A_130 = arith.constant 4688 : index
    %get3A_131 = tpu.vector_load %arg8[%get3A_130] {strides = array<i32>} : memref<4992xi32, #tpu.memory_space<vmem>>, vector<16xi32>,
    %get3A_132 = vector.shape_cast %get3A_131 : vector<16xi32> to vector<16xi32>
    %swap3A_133 = arith.constant 16 : index
    %swap3A_134 = tpu.vector_load %arg12[%swap3A_133] {strides = array<i32>} : memref<64xi32, #tpu.memory_space<vmem>>, vector<16xi32>,
    %swap3A_135 = vector.shape_cast %swap3A_134 : vector<16xi32> to vector<16xi32>
    %swap3A_136 = vector.shape_cast %get3A_132 : vector<16xi32> to vector<16xi32>
    tpu.vector_store %arg12[%swap3A_133], %swap3A_136 {strides = array<i32>} : memref<64xi32, #tpu.memory_space<vmem>>, vector<16xi32>,
    %get3A_137 = arith.constant 4704 : index
    %get3A_138 = tpu.vector_load %arg8[%get3A_137] {strides = array<i32>} : memref<4992xi32, #tpu.memory_space<vmem>>, vector<16xi32>,
    %get3A_139 = vector.shape_cast %get3A_138 : vector<16xi32> to vector<16xi32>
    %swap3A_140 = arith.constant 32 : index
    %swap3A_141 = tpu.vector_load %arg12[%swap3A_140] {strides = array<i32>} : memref<64xi32, #tpu.memory_space<vmem>>, vector<16xi32>,
    %swap3A_142 = vector.shape_cast %swap3A_141 : vector<16xi32> to vector<16xi32>
    %swap3A_143 = vector.shape_cast %get3A_139 : vector<16xi32> to vector<16xi32>
    tpu.vector_store %arg12[%swap3A_140], %swap3A_143 {strides = array<i32>} : memref<64xi32, #tpu.memory_space<vmem>>, vector<16xi32>,
    %get3A_144 = arith.constant 4720 : index
    %get3A_145 = tpu.vector_load %arg8[%get3A_144] {strides = array<i32>} : memref<4992xi32, #tpu.memory_space<vmem>>, vector<16xi32>,
    %get3A_146 = vector.shape_cast %get3A_145 : vector<16xi32> to vector<16xi32>
    %swap3A_147 = arith.constant 48 : index
    %swap3A_148 = tpu.vector_load %arg12[%swap3A_147] {strides = array<i32>} : memref<64xi32, #tpu.memory_space<vmem>>, vector<16xi32>,
    %swap3A_149 = vector.shape_cast %swap3A_148 : vector<16xi32> to vector<16xi32>
    %swap3A_150 = vector.shape_cast %get3A_146 : vector<16xi32> to vector<16xi32>
    tpu.vector_store %arg12[%swap3A_147], %swap3A_150 {strides = array<i32>} : memref<64xi32, #tpu.memory_space<vmem>>, vector<16xi32>,
    %dma_start3A = arith.constant 0 : i32
    %dma_start3A_151 = arith.constant 0 : i32
    %dma_start3A_152 = tpu.memref_slice %arg4[%dma_start3A, %dma_start3A_151] : memref<10240x128xf32, #tpu.memory_space<hbm>> -> memref<10240x128xf32, #tpu.memory_space<hbm>>
    tpu.enqueue_indirect_dma source(%dma_start3A_152 : memref<10240x128xf32, #tpu.memory_space<hbm>>) target(%arg17 : memref<64x128xf32, #tpu.memory_space<vmem>>) offsets(%arg9 : memref<64xi32, #tpu.memory_space<vmem>>) semaphore(%arg24 : memref<!tpu.dma_semaphore, #tpu.memory_space<semaphore_mem>>)
    %dma_start3A_153 = arith.constant 0 : i32
    %dma_start3A_154 = arith.constant 0 : i32
    %dma_start3A_155 = tpu.memref_slice %arg4[%dma_start3A_153, %dma_start3A_154] : memref<10240x128xf32, #tpu.memory_space<hbm>> -> memref<10240x128xf32, #tpu.memory_space<hbm>>
    tpu.enqueue_indirect_dma source(%dma_start3A_155 : memref<10240x128xf32, #tpu.memory_space<hbm>>) target(%arg18 : memref<64x128xf32, #tpu.memory_space<vmem>>) offsets(%arg11 : memref<64xi32, #tpu.memory_space<vmem>>) semaphore(%arg25 : memref<!tpu.dma_semaphore, #tpu.memory_space<semaphore_mem>>)
    %get3A_156 = arith.constant 4736 : index
    %get3A_157 = tpu.vector_load %arg7[%get3A_156] {strides = array<i32>} : memref<4992xi32, #tpu.memory_space<vmem>>, vector<16xi32>,
    %get3A_158 = vector.shape_cast %get3A_157 : vector<16xi32> to vector<16xi32>
    %swap3A_159 = arith.constant 0 : index
    %swap3A_160 = tpu.vector_load %arg13[%swap3A_159] {strides = array<i32>} : memref<64xi32, #tpu.memory_space<vmem>>, vector<16xi32>,
    %swap3A_161 = vector.shape_cast %swap3A_160 : vector<16xi32> to vector<16xi32>
    %swap3A_162 = vector.shape_cast %get3A_158 : vector<16xi32> to vector<16xi32>
    tpu.vector_store %arg13[%swap3A_159], %swap3A_162 {strides = array<i32>} : memref<64xi32, #tpu.memory_space<vmem>>, vector<16xi32>,
    %get3A_163 = arith.constant 4752 : index
    %get3A_164 = tpu.vector_load %arg7[%get3A_163] {strides = array<i32>} : memref<4992xi32, #tpu.memory_space<vmem>>, vector<16xi32>,
    %get3A_165 = vector.shape_cast %get3A_164 : vector<16xi32> to vector<16xi32>
    %swap3A_166 = arith.constant 16 : index
    %swap3A_167 = tpu.vector_load %arg13[%swap3A_166] {strides = array<i32>} : memref<64xi32, #tpu.memory_space<vmem>>, vector<16xi32>,
    %swap3A_168 = vector.shape_cast %swap3A_167 : vector<16xi32> to vector<16xi32>
    %swap3A_169 = vector.shape_cast %get3A_165 : vector<16xi32> to vector<16xi32>
    tpu.vector_store %arg13[%swap3A_166], %swap3A_169 {strides = array<i32>} : memref<64xi32, #tpu.memory_space<vmem>>, vector<16xi32>,
    %get3A_170 = arith.constant 4768 : index
    %get3A_171 = tpu.vector_load %arg7[%get3A_170] {strides = array<i32>} : memref<4992xi32, #tpu.memory_space<vmem>>, vector<16xi32>,
    %get3A_172 = vector.shape_cast %get3A_171 : vector<16xi32> to vector<16xi32>
    %swap3A_173 = arith.constant 32 : index
    %swap3A_174 = tpu.vector_load %arg13[%swap3A_173] {strides = array<i32>} : memref<64xi32, #tpu.memory_space<vmem>>, vector<16xi32>,
    %swap3A_175 = vector.shape_cast %swap3A_174 : vector<16xi32> to vector<16xi32>
    %swap3A_176 = vector.shape_cast %get3A_172 : vector<16xi32> to vector<16xi32>
    tpu.vector_store %arg13[%swap3A_173], %swap3A_176 {strides = array<i32>} : memref<64xi32, #tpu.memory_space<vmem>>, vector<16xi32>,
    %get3A_177 = arith.constant 4784 : index
    %get3A_178 = tpu.vector_load %arg7[%get3A_177] {strides = array<i32>} : memref<4992xi32, #tpu.memory_space<vmem>>, vector<16xi32>,
    %get3A_179 = vector.shape_cast %get3A_178 : vector<16xi32> to vector<16xi32>
    %swap3A_180 = arith.constant 48 : index
    %swap3A_181 = tpu.vector_load %arg13[%swap3A_180] {strides = array<i32>} : memref<64xi32, #tpu.memory_space<vmem>>, vector<16xi32>,
    %swap3A_182 = vector.shape_cast %swap3A_181 : vector<16xi32> to vector<16xi32>
    %swap3A_183 = vector.shape_cast %get3A_179 : vector<16xi32> to vector<16xi32>
    tpu.vector_store %arg13[%swap3A_180], %swap3A_183 {strides = array<i32>} : memref<64xi32, #tpu.memory_space<vmem>>, vector<16xi32>,
    %get3A_184 = arith.constant 4800 : index
    %get3A_185 = tpu.vector_load %arg7[%get3A_184] {strides = array<i32>} : memref<4992xi32, #tpu.memory_space<vmem>>, vector<16xi32>,
    %get3A_186 = vector.shape_cast %get3A_185 : vector<16xi32> to vector<16xi32>
    %swap3A_187 = arith.constant 0 : index
    %swap3A_188 = tpu.vector_load %arg15[%swap3A_187] {strides = array<i32>} : memref<64xi32, #tpu.memory_space<vmem>>, vector<16xi32>,
    %swap3A_189 = vector.shape_cast %swap3A_188 : vector<16xi32> to vector<16xi32>
    %swap3A_190 = vector.shape_cast %get3A_186 : vector<16xi32> to vector<16xi32>
    tpu.vector_store %arg15[%swap3A_187], %swap3A_190 {strides = array<i32>} : memref<64xi32, #tpu.memory_space<vmem>>, vector<16xi32>,
    %get3A_191 = arith.constant 4816 : index
    %get3A_192 = tpu.vector_load %arg7[%get3A_191] {strides = array<i32>} : memref<4992xi32, #tpu.memory_space<vmem>>, vector<16xi32>,
    %get3A_193 = vector.shape_cast %get3A_192 : vector<16xi32> to vector<16xi32>
    %swap3A_194 = arith.constant 16 : index
    %swap3A_195 = tpu.vector_load %arg15[%swap3A_194] {strides = array<i32>} : memref<64xi32, #tpu.memory_space<vmem>>, vector<16xi32>,
    %swap3A_196 = vector.shape_cast %swap3A_195 : vector<16xi32> to vector<16xi32>
    %swap3A_197 = vector.shape_cast %get3A_193 : vector<16xi32> to vector<16xi32>
    tpu.vector_store %arg15[%swap3A_194], %swap3A_197 {strides = array<i32>} : memref<64xi32, #tpu.memory_space<vmem>>, vector<16xi32>,
    %get3A_198 = arith.constant 4832 : index
    %get3A_199 = tpu.vector_load %arg7[%get3A_198] {strides = array<i32>} : memref<4992xi32, #tpu.memory_space<vmem>>, vector<16xi32>,
    %get3A_200 = vector.shape_cast %get3A_199 : vector<16xi32> to vector<16xi32>
    %swap3A_201 = arith.constant 32 : index
    %swap3A_202 = tpu.vector_load %arg15[%swap3A_201] {strides = array<i32>} : memref<64xi32, #tpu.memory_space<vmem>>, vector<16xi32>,
    %swap3A_203 = vector.shape_cast %swap3A_202 : vector<16xi32> to vector<16xi32>
    %swap3A_204 = vector.shape_cast %get3A_200 : vector<16xi32> to vector<16xi32>
    tpu.vector_store %arg15[%swap3A_201], %swap3A_204 {strides = array<i32>} : memref<64xi32, #tpu.memory_space<vmem>>, vector<16xi32>,
    %get3A_205 = arith.constant 4848 : index
    %get3A_206 = tpu.vector_load %arg7[%get3A_205] {strides = array<i32>} : memref<4992xi32, #tpu.memory_space<vmem>>, vector<16xi32>,
    %get3A_207 = vector.shape_cast %get3A_206 : vector<16xi32> to vector<16xi32>
    %swap3A_208 = arith.constant 48 : index
    %swap3A_209 = tpu.vector_load %arg15[%swap3A_208] {strides = array<i32>} : memref<64xi32, #tpu.memory_space<vmem>>, vector<16xi32>,
    %swap3A_210 = vector.shape_cast %swap3A_209 : vector<16xi32> to vector<16xi32>
    %swap3A_211 = vector.shape_cast %get3A_207 : vector<16xi32> to vector<16xi32>
    tpu.vector_store %arg15[%swap3A_208], %swap3A_211 {strides = array<i32>} : memref<64xi32, #tpu.memory_space<vmem>>, vector<16xi32>,
    %get3A_212 = arith.constant 4736 : index
    %get3A_213 = tpu.vector_load %arg8[%get3A_212] {strides = array<i32>} : memref<4992xi32, #tpu.memory_space<vmem>>, vector<16xi32>,
    %get3A_214 = vector.shape_cast %get3A_213 : vector<16xi32> to vector<16xi32>
    %swap3A_215 = arith.constant 0 : index
    %swap3A_216 = tpu.vector_load %arg14[%swap3A_215] {strides = array<i32>} : memref<64xi32, #tpu.memory_space<vmem>>, vector<16xi32>,
    %swap3A_217 = vector.shape_cast %swap3A_216 : vector<16xi32> to vector<16xi32>
    %swap3A_218 = vector.shape_cast %get3A_214 : vector<16xi32> to vector<16xi32>
    tpu.vector_store %arg14[%swap3A_215], %swap3A_218 {strides = array<i32>} : memref<64xi32, #tpu.memory_space<vmem>>, vector<16xi32>,
    %get3A_219 = arith.constant 4752 : index
    %get3A_220 = tpu.vector_load %arg8[%get3A_219] {strides = array<i32>} : memref<4992xi32, #tpu.memory_space<vmem>>, vector<16xi32>,
    %get3A_221 = vector.shape_cast %get3A_220 : vector<16xi32> to vector<16xi32>
    %swap3A_222 = arith.constant 16 : index
    %swap3A_223 = tpu.vector_load %arg14[%swap3A_222] {strides = array<i32>} : memref<64xi32, #tpu.memory_space<vmem>>, vector<16xi32>,
    %swap3A_224 = vector.shape_cast %swap3A_223 : vector<16xi32> to vector<16xi32>
    %swap3A_225 = vector.shape_cast %get3A_221 : vector<16xi32> to vector<16xi32>
    tpu.vector_store %arg14[%swap3A_222], %swap3A_225 {strides = array<i32>} : memref<64xi32, #tpu.memory_space<vmem>>, vector<16xi32>,
    %get3A_226 = arith.constant 4768 : index
    %get3A_227 = tpu.vector_load %arg8[%get3A_226] {strides = array<i32>} : memref<4992xi32, #tpu.memory_space<vmem>>, vector<16xi32>,
    %get3A_228 = vector.shape_cast %get3A_227 : vector<16xi32> to vector<16xi32>
    %swap3A_229 = arith.constant 32 : index
    %swap3A_230 = tpu.vector_load %arg14[%swap3A_229] {strides = array<i32>} : memref<64xi32, #tpu.memory_space<vmem>>, vector<16xi32>,
    %swap3A_231 = vector.shape_cast %swap3A_230 : vector<16xi32> to vector<16xi32>
    %swap3A_232 = vector.shape_cast %get3A_228 : vector<16xi32> to vector<16xi32>
    tpu.vector_store %arg14[%swap3A_229], %swap3A_232 {strides = array<i32>} : memref<64xi32, #tpu.memory_space<vmem>>, vector<16xi32>,
    %get3A_233 = arith.constant 4784 : index
    %get3A_234 = tpu.vector_load %arg8[%get3A_233] {strides = array<i32>} : memref<4992xi32, #tpu.memory_space<vmem>>, vector<16xi32>,
    %get3A_235 = vector.shape_cast %get3A_234 : vector<16xi32> to vector<16xi32>
    %swap3A_236 = arith.constant 48 : index
    %swap3A_237 = tpu.vector_load %arg14[%swap3A_236] {strides = array<i32>} : memref<64xi32, #tpu.memory_space<vmem>>, vector<16xi32>,
    %swap3A_238 = vector.shape_cast %swap3A_237 : vector<16xi32> to vector<16xi32>
    %swap3A_239 = vector.shape_cast %get3A_235 : vector<16xi32> to vector<16xi32>
    tpu.vector_store %arg14[%swap3A_236], %swap3A_239 {strides = array<i32>} : memref<64xi32, #tpu.memory_space<vmem>>, vector<16xi32>,
    %get3A_240 = arith.constant 4800 : index
    %get3A_241 = tpu.vector_load %arg8[%get3A_240] {strides = array<i32>} : memref<4992xi32, #tpu.memory_space<vmem>>, vector<16xi32>,
    %get3A_242 = vector.shape_cast %get3A_241 : vector<16xi32> to vector<16xi32>
    %swap3A_243 = arith.constant 0 : index
    %swap3A_244 = tpu.vector_load %arg16[%swap3A_243] {strides = array<i32>} : memref<64xi32, #tpu.memory_space<vmem>>, vector<16xi32>,
    %swap3A_245 = vector.shape_cast %swap3A_244 : vector<16xi32> to vector<16xi32>
    %swap3A_246 = vector.shape_cast %get3A_242 : vector<16xi32> to vector<16xi32>
    tpu.vector_store %arg16[%swap3A_243], %swap3A_246 {strides = array<i32>} : memref<64xi32, #tpu.memory_space<vmem>>, vector<16xi32>,
    %get3A_247 = arith.constant 4816 : index
    %get3A_248 = tpu.vector_load %arg8[%get3A_247] {strides = array<i32>} : memref<4992xi32, #tpu.memory_space<vmem>>, vector<16xi32>,
    %get3A_249 = vector.shape_cast %get3A_248 : vector<16xi32> to vector<16xi32>
    %swap3A_250 = arith.constant 16 : index
    %swap3A_251 = tpu.vector_load %arg16[%swap3A_250] {strides = array<i32>} : memref<64xi32, #tpu.memory_space<vmem>>, vector<16xi32>,
    %swap3A_252 = vector.shape_cast %swap3A_251 : vector<16xi32> to vector<16xi32>
    %swap3A_253 = vector.shape_cast %get3A_249 : vector<16xi32> to vector<16xi32>
    tpu.vector_store %arg16[%swap3A_250], %swap3A_253 {strides = array<i32>} : memref<64xi32, #tpu.memory_space<vmem>>, vector<16xi32>,
    %get3A_254 = arith.constant 4832 : index
    %get3A_255 = tpu.vector_load %arg8[%get3A_254] {strides = array<i32>} : memref<4992xi32, #tpu.memory_space<vmem>>, vector<16xi32>,
    %get3A_256 = vector.shape_cast %get3A_255 : vector<16xi32> to vector<16xi32>
    %swap3A_257 = arith.constant 32 : index
    %swap3A_258 = tpu.vector_load %arg16[%swap3A_257] {strides = array<i32>} : memref<64xi32, #tpu.memory_space<vmem>>, vector<16xi32>,
    %swap3A_259 = vector.shape_cast %swap3A_258 : vector<16xi32> to vector<16xi32>
    %swap3A_260 = vector.shape_cast %get3A_256 : vector<16xi32> to vector<16xi32>
    tpu.vector_store %arg16[%swap3A_257], %swap3A_260 {strides = array<i32>} : memref<64xi32, #tpu.memory_space<vmem>>, vector<16xi32>,
    %get3A_261 = arith.constant 4848 : index
    %get3A_262 = tpu.vector_load %arg8[%get3A_261] {strides = array<i32>} : memref<4992xi32, #tpu.memory_space<vmem>>, vector<16xi32>,
    %get3A_263 = vector.shape_cast %get3A_262 : vector<16xi32> to vector<16xi32>
    %swap3A_264 = arith.constant 48 : index
    %swap3A_265 = tpu.vector_load %arg16[%swap3A_264] {strides = array<i32>} : memref<64xi32, #tpu.memory_space<vmem>>, vector<16xi32>,
    %swap3A_266 = vector.shape_cast %swap3A_265 : vector<16xi32> to vector<16xi32>
    %swap3A_267 = vector.shape_cast %get3A_263 : vector<16xi32> to vector<16xi32>
    tpu.vector_store %arg16[%swap3A_264], %swap3A_267 {strides = array<i32>} : memref<64xi32, #tpu.memory_space<vmem>>, vector<16xi32>,
    %dma_start3A_268 = arith.constant 0 : i32
    %dma_start3A_269 = arith.constant 0 : i32
    %dma_start3A_270 = tpu.memref_slice %arg4[%dma_start3A_268, %dma_start3A_269] : memref<10240x128xf32, #tpu.memory_space<hbm>> -> memref<10240x128xf32, #tpu.memory_space<hbm>>
    tpu.enqueue_indirect_dma source(%dma_start3A_270 : memref<10240x128xf32, #tpu.memory_space<hbm>>) target(%arg19 : memref<64x128xf32, #tpu.memory_space<vmem>>) offsets(%arg13 : memref<64xi32, #tpu.memory_space<vmem>>) semaphore(%arg26 : memref<!tpu.dma_semaphore, #tpu.memory_space<semaphore_mem>>)
    %dma_start3A_271 = arith.constant 0 : i32
    %dma_start3A_272 = arith.constant 0 : i32
    %dma_start3A_273 = tpu.memref_slice %arg4[%dma_start3A_271, %dma_start3A_272] : memref<10240x128xf32, #tpu.memory_space<hbm>> -> memref<10240x128xf32, #tpu.memory_space<hbm>>
    tpu.enqueue_indirect_dma source(%dma_start3A_273 : memref<10240x128xf32, #tpu.memory_space<hbm>>) target(%arg20 : memref<64x128xf32, #tpu.memory_space<vmem>>) offsets(%arg15 : memref<64xi32, #tpu.memory_space<vmem>>) semaphore(%arg27 : memref<!tpu.dma_semaphore, #tpu.memory_space<semaphore_mem>>)
    %dma_wait3A = arith.constant 0 : i32
    %dma_wait3A_274 = arith.constant 0 : i32
    %dma_wait3A_275 = tpu.memref_slice %arg4[%dma_wait3A, %dma_wait3A_274] : memref<10240x128xf32, #tpu.memory_space<hbm>> -> memref<10240x128xf32, #tpu.memory_space<hbm>>
    tpu.wait_indirect_dma semaphore(%arg24 : memref<!tpu.dma_semaphore, #tpu.memory_space<semaphore_mem>>) src(%dma_wait3A_275 : memref<10240x128xf32, #tpu.memory_space<hbm>>) dst(%arg17 : memref<64x128xf32, #tpu.memory_space<vmem>>)
    %dma_start3A_276 = arith.constant 0 : i32
    %dma_start3A_277 = arith.constant 0 : i32
    %dma_start3A_278 = tpu.memref_slice %arg6[%dma_start3A_276, %dma_start3A_277] : memref<10240x128xf32, #tpu.memory_space<vmem_shared>> -> memref<10240x128xf32, #tpu.memory_space<vmem_shared>>
    tpu.enqueue_indirect_dma source(%arg17 : memref<64x128xf32, #tpu.memory_space<vmem>>) target(%dma_start3A_278 : memref<10240x128xf32, #tpu.memory_space<vmem_shared>>) offsets(%arg10 : memref<64xi32, #tpu.memory_space<vmem>>) semaphore(%arg28 : memref<!tpu.dma_semaphore, #tpu.memory_space<semaphore_mem>>) {add = true}
    %dma_wait3A_279 = arith.constant 0 : i32
    %dma_wait3A_280 = arith.constant 0 : i32
    %dma_wait3A_281 = tpu.memref_slice %arg4[%dma_wait3A_279, %dma_wait3A_280] : memref<10240x128xf32, #tpu.memory_space<hbm>> -> memref<10240x128xf32, #tpu.memory_space<hbm>>
    tpu.wait_indirect_dma semaphore(%arg25 : memref<!tpu.dma_semaphore, #tpu.memory_space<semaphore_mem>>) src(%dma_wait3A_281 : memref<10240x128xf32, #tpu.memory_space<hbm>>) dst(%arg18 : memref<64x128xf32, #tpu.memory_space<vmem>>)
    %dma_start3A_282 = arith.constant 0 : i32
    %dma_start3A_283 = arith.constant 0 : i32
    %dma_start3A_284 = tpu.memref_slice %arg6[%dma_start3A_282, %dma_start3A_283] : memref<10240x128xf32, #tpu.memory_space<vmem_shared>> -> memref<10240x128xf32, #tpu.memory_space<vmem_shared>>
    tpu.enqueue_indirect_dma source(%arg18 : memref<64x128xf32, #tpu.memory_space<vmem>>) target(%dma_start3A_284 : memref<10240x128xf32, #tpu.memory_space<vmem_shared>>) offsets(%arg12 : memref<64xi32, #tpu.memory_space<vmem>>) semaphore(%arg29 : memref<!tpu.dma_semaphore, #tpu.memory_space<semaphore_mem>>) {add = true}
    %dma_wait3A_285 = arith.constant 0 : i32
    %dma_wait3A_286 = arith.constant 0 : i32
    %dma_wait3A_287 = tpu.memref_slice %arg6[%dma_wait3A_285, %dma_wait3A_286] : memref<10240x128xf32, #tpu.memory_space<vmem_shared>> -> memref<10240x128xf32, #tpu.memory_space<vmem_shared>>
    tpu.wait_indirect_dma semaphore(%arg28 : memref<!tpu.dma_semaphore, #tpu.memory_space<semaphore_mem>>) src(%arg17 : memref<64x128xf32, #tpu.memory_space<vmem>>) dst(%dma_wait3A_287 : memref<10240x128xf32, #tpu.memory_space<vmem_shared>>)
    %dma_wait3A_288 = arith.constant 0 : i32
    %dma_wait3A_289 = arith.constant 0 : i32
    %dma_wait3A_290 = tpu.memref_slice %arg6[%dma_wait3A_288, %dma_wait3A_289] : memref<10240x128xf32, #tpu.memory_space<vmem_shared>> -> memref<10240x128xf32, #tpu.memory_space<vmem_shared>>
    tpu.wait_indirect_dma semaphore(%arg29 : memref<!tpu.dma_semaphore, #tpu.memory_space<semaphore_mem>>) src(%arg18 : memref<64x128xf32, #tpu.memory_space<vmem>>) dst(%dma_wait3A_290 : memref<10240x128xf32, #tpu.memory_space<vmem_shared>>)
    %get3A_291 = arith.constant 4864 : index
    %get3A_292 = tpu.vector_load %arg7[%get3A_291] {strides = array<i32>} : memref<4992xi32, #tpu.memory_space<vmem>>, vector<16xi32>,
    %get3A_293 = vector.shape_cast %get3A_292 : vector<16xi32> to vector<16xi32>
    %swap3A_294 = arith.constant 0 : index
    %swap3A_295 = tpu.vector_load %arg9[%swap3A_294] {strides = array<i32>} : memref<64xi32, #tpu.memory_space<vmem>>, vector<16xi32>,
    %swap3A_296 = vector.shape_cast %swap3A_295 : vector<16xi32> to vector<16xi32>
    %swap3A_297 = vector.shape_cast %get3A_293 : vector<16xi32> to vector<16xi32>
    tpu.vector_store %arg9[%swap3A_294], %swap3A_297 {strides = array<i32>} : memref<64xi32, #tpu.memory_space<vmem>>, vector<16xi32>,
    %get3A_298 = arith.constant 4880 : index
    %get3A_299 = tpu.vector_load %arg7[%get3A_298] {strides = array<i32>} : memref<4992xi32, #tpu.memory_space<vmem>>, vector<16xi32>,
    %get3A_300 = vector.shape_cast %get3A_299 : vector<16xi32> to vector<16xi32>
    %swap3A_301 = arith.constant 16 : index
    %swap3A_302 = tpu.vector_load %arg9[%swap3A_301] {strides = array<i32>} : memref<64xi32, #tpu.memory_space<vmem>>, vector<16xi32>,
    %swap3A_303 = vector.shape_cast %swap3A_302 : vector<16xi32> to vector<16xi32>
    %swap3A_304 = vector.shape_cast %get3A_300 : vector<16xi32> to vector<16xi32>
    tpu.vector_store %arg9[%swap3A_301], %swap3A_304 {strides = array<i32>} : memref<64xi32, #tpu.memory_space<vmem>>, vector<16xi32>,
    %get3A_305 = arith.constant 4896 : index
    %get3A_306 = tpu.vector_load %arg7[%get3A_305] {strides = array<i32>} : memref<4992xi32, #tpu.memory_space<vmem>>, vector<16xi32>,
    %get3A_307 = vector.shape_cast %get3A_306 : vector<16xi32> to vector<16xi32>
    %swap3A_308 = arith.constant 32 : index
    %swap3A_309 = tpu.vector_load %arg9[%swap3A_308] {strides = array<i32>} : memref<64xi32, #tpu.memory_space<vmem>>, vector<16xi32>,
    %swap3A_310 = vector.shape_cast %swap3A_309 : vector<16xi32> to vector<16xi32>
    %swap3A_311 = vector.shape_cast %get3A_307 : vector<16xi32> to vector<16xi32>
    tpu.vector_store %arg9[%swap3A_308], %swap3A_311 {strides = array<i32>} : memref<64xi32, #tpu.memory_space<vmem>>, vector<16xi32>,
    %get3A_312 = arith.constant 4912 : index
    %get3A_313 = tpu.vector_load %arg7[%get3A_312] {strides = array<i32>} : memref<4992xi32, #tpu.memory_space<vmem>>, vector<16xi32>,
    %get3A_314 = vector.shape_cast %get3A_313 : vector<16xi32> to vector<16xi32>
    %swap3A_315 = arith.constant 48 : index
    %swap3A_316 = tpu.vector_load %arg9[%swap3A_315] {strides = array<i32>} : memref<64xi32, #tpu.memory_space<vmem>>, vector<16xi32>,
    %swap3A_317 = vector.shape_cast %swap3A_316 : vector<16xi32> to vector<16xi32>
    %swap3A_318 = vector.shape_cast %get3A_314 : vector<16xi32> to vector<16xi32>
    tpu.vector_store %arg9[%swap3A_315], %swap3A_318 {strides = array<i32>} : memref<64xi32, #tpu.memory_space<vmem>>, vector<16xi32>,
    %get3A_319 = arith.constant 4928 : index
    %get3A_320 = tpu.vector_load %arg7[%get3A_319] {strides = array<i32>} : memref<4992xi32, #tpu.memory_space<vmem>>, vector<16xi32>,
    %get3A_321 = vector.shape_cast %get3A_320 : vector<16xi32> to vector<16xi32>
    %swap3A_322 = arith.constant 0 : index
    %swap3A_323 = tpu.vector_load %arg11[%swap3A_322] {strides = array<i32>} : memref<64xi32, #tpu.memory_space<vmem>>, vector<16xi32>,
    %swap3A_324 = vector.shape_cast %swap3A_323 : vector<16xi32> to vector<16xi32>
    %swap3A_325 = vector.shape_cast %get3A_321 : vector<16xi32> to vector<16xi32>
    tpu.vector_store %arg11[%swap3A_322], %swap3A_325 {strides = array<i32>} : memref<64xi32, #tpu.memory_space<vmem>>, vector<16xi32>,
    %get3A_326 = arith.constant 4944 : index
    %get3A_327 = tpu.vector_load %arg7[%get3A_326] {strides = array<i32>} : memref<4992xi32, #tpu.memory_space<vmem>>, vector<16xi32>,
    %get3A_328 = vector.shape_cast %get3A_327 : vector<16xi32> to vector<16xi32>
    %swap3A_329 = arith.constant 16 : index
    %swap3A_330 = tpu.vector_load %arg11[%swap3A_329] {strides = array<i32>} : memref<64xi32, #tpu.memory_space<vmem>>, vector<16xi32>,
    %swap3A_331 = vector.shape_cast %swap3A_330 : vector<16xi32> to vector<16xi32>
    %swap3A_332 = vector.shape_cast %get3A_328 : vector<16xi32> to vector<16xi32>
    tpu.vector_store %arg11[%swap3A_329], %swap3A_332 {strides = array<i32>} : memref<64xi32, #tpu.memory_space<vmem>>, vector<16xi32>,
    %get3A_333 = arith.constant 4960 : index
    %get3A_334 = tpu.vector_load %arg7[%get3A_333] {strides = array<i32>} : memref<4992xi32, #tpu.memory_space<vmem>>, vector<16xi32>,
    %get3A_335 = vector.shape_cast %get3A_334 : vector<16xi32> to vector<16xi32>
    %swap3A_336 = arith.constant 32 : index
    %swap3A_337 = tpu.vector_load %arg11[%swap3A_336] {strides = array<i32>} : memref<64xi32, #tpu.memory_space<vmem>>, vector<16xi32>,
    %swap3A_338 = vector.shape_cast %swap3A_337 : vector<16xi32> to vector<16xi32>
    %swap3A_339 = vector.shape_cast %get3A_335 : vector<16xi32> to vector<16xi32>
    tpu.vector_store %arg11[%swap3A_336], %swap3A_339 {strides = array<i32>} : memref<64xi32, #tpu.memory_space<vmem>>, vector<16xi32>,
    %get3A_340 = arith.constant 4976 : index
    %get3A_341 = tpu.vector_load %arg7[%get3A_340] {strides = array<i32>} : memref<4992xi32, #tpu.memory_space<vmem>>, vector<16xi32>,
    %get3A_342 = vector.shape_cast %get3A_341 : vector<16xi32> to vector<16xi32>
    %swap3A_343 = arith.constant 48 : index
    %swap3A_344 = tpu.vector_load %arg11[%swap3A_343] {strides = array<i32>} : memref<64xi32, #tpu.memory_space<vmem>>, vector<16xi32>,
    %swap3A_345 = vector.shape_cast %swap3A_344 : vector<16xi32> to vector<16xi32>
    %swap3A_346 = vector.shape_cast %get3A_342 : vector<16xi32> to vector<16xi32>
    tpu.vector_store %arg11[%swap3A_343], %swap3A_346 {strides = array<i32>} : memref<64xi32, #tpu.memory_space<vmem>>, vector<16xi32>,
    %get3A_347 = arith.constant 4864 : index
    %get3A_348 = tpu.vector_load %arg8[%get3A_347] {strides = array<i32>} : memref<4992xi32, #tpu.memory_space<vmem>>, vector<16xi32>,
    %get3A_349 = vector.shape_cast %get3A_348 : vector<16xi32> to vector<16xi32>
    %swap3A_350 = arith.constant 0 : index
    %swap3A_351 = tpu.vector_load %arg10[%swap3A_350] {strides = array<i32>} : memref<64xi32, #tpu.memory_space<vmem>>, vector<16xi32>,
    %swap3A_352 = vector.shape_cast %swap3A_351 : vector<16xi32> to vector<16xi32>
    %swap3A_353 = vector.shape_cast %get3A_349 : vector<16xi32> to vector<16xi32>
    tpu.vector_store %arg10[%swap3A_350], %swap3A_353 {strides = array<i32>} : memref<64xi32, #tpu.memory_space<vmem>>, vector<16xi32>,
    %get3A_354 = arith.constant 4880 : index
    %get3A_355 = tpu.vector_load %arg8[%get3A_354] {strides = array<i32>} : memref<4992xi32, #tpu.memory_space<vmem>>, vector<16xi32>,
    %get3A_356 = vector.shape_cast %get3A_355 : vector<16xi32> to vector<16xi32>
    %swap3A_357 = arith.constant 16 : index
    %swap3A_358 = tpu.vector_load %arg10[%swap3A_357] {strides = array<i32>} : memref<64xi32, #tpu.memory_space<vmem>>, vector<16xi32>,
    %swap3A_359 = vector.shape_cast %swap3A_358 : vector<16xi32> to vector<16xi32>
    %swap3A_360 = vector.shape_cast %get3A_356 : vector<16xi32> to vector<16xi32>
    tpu.vector_store %arg10[%swap3A_357], %swap3A_360 {strides = array<i32>} : memref<64xi32, #tpu.memory_space<vmem>>, vector<16xi32>,
    %get3A_361 = arith.constant 4896 : index
    %get3A_362 = tpu.vector_load %arg8[%get3A_361] {strides = array<i32>} : memref<4992xi32, #tpu.memory_space<vmem>>, vector<16xi32>,
    %get3A_363 = vector.shape_cast %get3A_362 : vector<16xi32> to vector<16xi32>
    %swap3A_364 = arith.constant 32 : index
    %swap3A_365 = tpu.vector_load %arg10[%swap3A_364] {strides = array<i32>} : memref<64xi32, #tpu.memory_space<vmem>>, vector<16xi32>,
    %swap3A_366 = vector.shape_cast %swap3A_365 : vector<16xi32> to vector<16xi32>
    %swap3A_367 = vector.shape_cast %get3A_363 : vector<16xi32> to vector<16xi32>
    tpu.vector_store %arg10[%swap3A_364], %swap3A_367 {strides = array<i32>} : memref<64xi32, #tpu.memory_space<vmem>>, vector<16xi32>,
    %get3A_368 = arith.constant 4912 : index
    %get3A_369 = tpu.vector_load %arg8[%get3A_368] {strides = array<i32>} : memref<4992xi32, #tpu.memory_space<vmem>>, vector<16xi32>,
    %get3A_370 = vector.shape_cast %get3A_369 : vector<16xi32> to vector<16xi32>
    %swap3A_371 = arith.constant 48 : index
    %swap3A_372 = tpu.vector_load %arg10[%swap3A_371] {strides = array<i32>} : memref<64xi32, #tpu.memory_space<vmem>>, vector<16xi32>,
    %swap3A_373 = vector.shape_cast %swap3A_372 : vector<16xi32> to vector<16xi32>
    %swap3A_374 = vector.shape_cast %get3A_370 : vector<16xi32> to vector<16xi32>
    tpu.vector_store %arg10[%swap3A_371], %swap3A_374 {strides = array<i32>} : memref<64xi32, #tpu.memory_space<vmem>>, vector<16xi32>,
    %get3A_375 = arith.constant 4928 : index
    %get3A_376 = tpu.vector_load %arg8[%get3A_375] {strides = array<i32>} : memref<4992xi32, #tpu.memory_space<vmem>>, vector<16xi32>,
    %get3A_377 = vector.shape_cast %get3A_376 : vector<16xi32> to vector<16xi32>
    %swap3A_378 = arith.constant 0 : index
    %swap3A_379 = tpu.vector_load %arg12[%swap3A_378] {strides = array<i32>} : memref<64xi32, #tpu.memory_space<vmem>>, vector<16xi32>,
    %swap3A_380 = vector.shape_cast %swap3A_379 : vector<16xi32> to vector<16xi32>
    %swap3A_381 = vector.shape_cast %get3A_377 : vector<16xi32> to vector<16xi32>
    tpu.vector_store %arg12[%swap3A_378], %swap3A_381 {strides = array<i32>} : memref<64xi32, #tpu.memory_space<vmem>>, vector<16xi32>,
    %get3A_382 = arith.constant 4944 : index
    %get3A_383 = tpu.vector_load %arg8[%get3A_382] {strides = array<i32>} : memref<4992xi32, #tpu.memory_space<vmem>>, vector<16xi32>,
    %get3A_384 = vector.shape_cast %get3A_383 : vector<16xi32> to vector<16xi32>
    %swap3A_385 = arith.constant 16 : index
    %swap3A_386 = tpu.vector_load %arg12[%swap3A_385] {strides = array<i32>} : memref<64xi32, #tpu.memory_space<vmem>>, vector<16xi32>,
    %swap3A_387 = vector.shape_cast %swap3A_386 : vector<16xi32> to vector<16xi32>
    %swap3A_388 = vector.shape_cast %get3A_384 : vector<16xi32> to vector<16xi32>
    tpu.vector_store %arg12[%swap3A_385], %swap3A_388 {strides = array<i32>} : memref<64xi32, #tpu.memory_space<vmem>>, vector<16xi32>,
    %get3A_389 = arith.constant 4960 : index
    %get3A_390 = tpu.vector_load %arg8[%get3A_389] {strides = array<i32>} : memref<4992xi32, #tpu.memory_space<vmem>>, vector<16xi32>,
    %get3A_391 = vector.shape_cast %get3A_390 : vector<16xi32> to vector<16xi32>
    %swap3A_392 = arith.constant 32 : index
    %swap3A_393 = tpu.vector_load %arg12[%swap3A_392] {strides = array<i32>} : memref<64xi32, #tpu.memory_space<vmem>>, vector<16xi32>,
    %swap3A_394 = vector.shape_cast %swap3A_393 : vector<16xi32> to vector<16xi32>
    %swap3A_395 = vector.shape_cast %get3A_391 : vector<16xi32> to vector<16xi32>
    tpu.vector_store %arg12[%swap3A_392], %swap3A_395 {strides = array<i32>} : memref<64xi32, #tpu.memory_space<vmem>>, vector<16xi32>,
    %get3A_396 = arith.constant 4976 : index
    %get3A_397 = tpu.vector_load %arg8[%get3A_396] {strides = array<i32>} : memref<4992xi32, #tpu.memory_space<vmem>>, vector<16xi32>,
    %get3A_398 = vector.shape_cast %get3A_397 : vector<16xi32> to vector<16xi32>
    %swap3A_399 = arith.constant 48 : index
    %swap3A_400 = tpu.vector_load %arg12[%swap3A_399] {strides = array<i32>} : memref<64xi32, #tpu.memory_space<vmem>>, vector<16xi32>,
    %swap3A_401 = vector.shape_cast %swap3A_400 : vector<16xi32> to vector<16xi32>
    %swap3A_402 = vector.shape_cast %get3A_398 : vector<16xi32> to vector<16xi32>
    tpu.vector_store %arg12[%swap3A_399], %swap3A_402 {strides = array<i32>} : memref<64xi32, #tpu.memory_space<vmem>>, vector<16xi32>,
    %dma_start3A_403 = arith.constant 0 : i32
    %dma_start3A_404 = arith.constant 0 : i32
    %dma_start3A_405 = tpu.memref_slice %arg4[%dma_start3A_403, %dma_start3A_404] : memref<10240x128xf32, #tpu.memory_space<hbm>> -> memref<10240x128xf32, #tpu.memory_space<hbm>>
    tpu.enqueue_indirect_dma source(%dma_start3A_405 : memref<10240x128xf32, #tpu.memory_space<hbm>>) target(%arg17 : memref<64x128xf32, #tpu.memory_space<vmem>>) offsets(%arg9 : memref<64xi32, #tpu.memory_space<vmem>>) semaphore(%arg24 : memref<!tpu.dma_semaphore, #tpu.memory_space<semaphore_mem>>)
    %dma_start3A_406 = arith.constant 0 : i32
    %dma_start3A_407 = arith.constant 0 : i32
    %dma_start3A_408 = tpu.memref_slice %arg4[%dma_start3A_406, %dma_start3A_407] : memref<10240x128xf32, #tpu.memory_space<hbm>> -> memref<10240x128xf32, #tpu.memory_space<hbm>>
    tpu.enqueue_indirect_dma source(%dma_start3A_408 : memref<10240x128xf32, #tpu.memory_space<hbm>>) target(%arg18 : memref<64x128xf32, #tpu.memory_space<vmem>>) offsets(%arg11 : memref<64xi32, #tpu.memory_space<vmem>>) semaphore(%arg25 : memref<!tpu.dma_semaphore, #tpu.memory_space<semaphore_mem>>)
    %dma_wait3A_409 = arith.constant 0 : i32
    %dma_wait3A_410 = arith.constant 0 : i32
    %dma_wait3A_411 = tpu.memref_slice %arg4[%dma_wait3A_409, %dma_wait3A_410] : memref<10240x128xf32, #tpu.memory_space<hbm>> -> memref<10240x128xf32, #tpu.memory_space<hbm>>
    tpu.wait_indirect_dma semaphore(%arg26 : memref<!tpu.dma_semaphore, #tpu.memory_space<semaphore_mem>>) src(%dma_wait3A_411 : memref<10240x128xf32, #tpu.memory_space<hbm>>) dst(%arg19 : memref<64x128xf32, #tpu.memory_space<vmem>>)
    %dma_start3A_412 = arith.constant 0 : i32
    %dma_start3A_413 = arith.constant 0 : i32
    %dma_start3A_414 = tpu.memref_slice %arg6[%dma_start3A_412, %dma_start3A_413] : memref<10240x128xf32, #tpu.memory_space<vmem_shared>> -> memref<10240x128xf32, #tpu.memory_space<vmem_shared>>
    tpu.enqueue_indirect_dma source(%arg19 : memref<64x128xf32, #tpu.memory_space<vmem>>) target(%dma_start3A_414 : memref<10240x128xf32, #tpu.memory_space<vmem_shared>>) offsets(%arg14 : memref<64xi32, #tpu.memory_space<vmem>>) semaphore(%arg30 : memref<!tpu.dma_semaphore, #tpu.memory_space<semaphore_mem>>) {add = true}
    %dma_wait3A_415 = arith.constant 0 : i32
    %dma_wait3A_416 = arith.constant 0 : i32
    %dma_wait3A_417 = tpu.memref_slice %arg4[%dma_wait3A_415, %dma_wait3A_416] : memref<10240x128xf32, #tpu.memory_space<hbm>> -> memref<10240x128xf32, #tpu.memory_space<hbm>>
    tpu.wait_indirect_dma semaphore(%arg27 : memref<!tpu.dma_semaphore, #tpu.memory_space<semaphore_mem>>) src(%dma_wait3A_417 : memref<10240x128xf32, #tpu.memory_space<hbm>>) dst(%arg20 : memref<64x128xf32, #tpu.memory_space<vmem>>)
    %dma_start3A_418 = arith.constant 0 : i32
    %dma_start3A_419 = arith.constant 0 : i32
    %dma_start3A_420 = tpu.memref_slice %arg6[%dma_start3A_418, %dma_start3A_419] : memref<10240x128xf32, #tpu.memory_space<vmem_shared>> -> memref<10240x128xf32, #tpu.memory_space<vmem_shared>>
    tpu.enqueue_indirect_dma source(%arg20 : memref<64x128xf32, #tpu.memory_space<vmem>>) target(%dma_start3A_420 : memref<10240x128xf32, #tpu.memory_space<vmem_shared>>) offsets(%arg16 : memref<64xi32, #tpu.memory_space<vmem>>) semaphore(%arg31 : memref<!tpu.dma_semaphore, #tpu.memory_space<semaphore_mem>>) {add = true}
    %dma_wait3A_421 = arith.constant 0 : i32
    %dma_wait3A_422 = arith.constant 0 : i32
    %dma_wait3A_423 = tpu.memref_slice %arg6[%dma_wait3A_421, %dma_wait3A_422] : memref<10240x128xf32, #tpu.memory_space<vmem_shared>> -> memref<10240x128xf32, #tpu.memory_space<vmem_shared>>
    tpu.wait_indirect_dma semaphore(%arg30 : memref<!tpu.dma_semaphore, #tpu.memory_space<semaphore_mem>>) src(%arg19 : memref<64x128xf32, #tpu.memory_space<vmem>>) dst(%dma_wait3A_423 : memref<10240x128xf32, #tpu.memory_space<vmem_shared>>)
    %dma_wait3A_424 = arith.constant 0 : i32
    %dma_wait3A_425 = arith.constant 0 : i32
    %dma_wait3A_426 = tpu.memref_slice %arg6[%dma_wait3A_424, %dma_wait3A_425] : memref<10240x128xf32, #tpu.memory_space<vmem_shared>> -> memref<10240x128xf32, #tpu.memory_space<vmem_shared>>
    tpu.wait_indirect_dma semaphore(%arg31 : memref<!tpu.dma_semaphore, #tpu.memory_space<semaphore_mem>>) src(%arg20 : memref<64x128xf32, #tpu.memory_space<vmem>>) dst(%dma_wait3A_426 : memref<10240x128xf32, #tpu.memory_space<vmem_shared>>)
    %dma_wait3A_427 = arith.constant 0 : i32
    %dma_wait3A_428 = arith.constant 0 : i32
    %dma_wait3A_429 = tpu.memref_slice %arg4[%dma_wait3A_427, %dma_wait3A_428] : memref<10240x128xf32, #tpu.memory_space<hbm>> -> memref<10240x128xf32, #tpu.memory_space<hbm>>
    tpu.wait_indirect_dma semaphore(%arg24 : memref<!tpu.dma_semaphore, #tpu.memory_space<semaphore_mem>>) src(%dma_wait3A_429 : memref<10240x128xf32, #tpu.memory_space<hbm>>) dst(%arg17 : memref<64x128xf32, #tpu.memory_space<vmem>>)
    %dma_start3A_430 = arith.constant 0 : i32
    %dma_start3A_431 = arith.constant 0 : i32
    %dma_start3A_432 = tpu.memref_slice %arg6[%dma_start3A_430, %dma_start3A_431] : memref<10240x128xf32, #tpu.memory_space<vmem_shared>> -> memref<10240x128xf32, #tpu.memory_space<vmem_shared>>
    tpu.enqueue_indirect_dma source(%arg17 : memref<64x128xf32, #tpu.memory_space<vmem>>) target(%dma_start3A_432 : memref<10240x128xf32, #tpu.memory_space<vmem_shared>>) offsets(%arg10 : memref<64xi32, #tpu.memory_space<vmem>>) semaphore(%arg28 : memref<!tpu.dma_semaphore, #tpu.memory_space<semaphore_mem>>) {add = true}
    %dma_wait3A_433 = arith.constant 0 : i32
    %dma_wait3A_434 = arith.constant 0 : i32
    %dma_wait3A_435 = tpu.memref_slice %arg4[%dma_wait3A_433, %dma_wait3A_434] : memref<10240x128xf32, #tpu.memory_space<hbm>> -> memref<10240x128xf32, #tpu.memory_space<hbm>>
    tpu.wait_indirect_dma semaphore(%arg25 : memref<!tpu.dma_semaphore, #tpu.memory_space<semaphore_mem>>) src(%dma_wait3A_435 : memref<10240x128xf32, #tpu.memory_space<hbm>>) dst(%arg18 : memref<64x128xf32, #tpu.memory_space<vmem>>)
    %dma_start3A_436 = arith.constant 0 : i32
    %dma_start3A_437 = arith.constant 0 : i32
    %dma_start3A_438 = tpu.memref_slice %arg6[%dma_start3A_436, %dma_start3A_437] : memref<10240x128xf32, #tpu.memory_space<vmem_shared>> -> memref<10240x128xf32, #tpu.memory_space<vmem_shared>>
    tpu.enqueue_indirect_dma source(%arg18 : memref<64x128xf32, #tpu.memory_space<vmem>>) target(%dma_start3A_438 : memref<10240x128xf32, #tpu.memory_space<vmem_shared>>) offsets(%arg12 : memref<64xi32, #tpu.memory_space<vmem>>) semaphore(%arg29 : memref<!tpu.dma_semaphore, #tpu.memory_space<semaphore_mem>>) {add = true}
    %dma_wait3A_439 = arith.constant 0 : i32
    %dma_wait3A_440 = arith.constant 0 : i32
    %dma_wait3A_441 = tpu.memref_slice %arg6[%dma_wait3A_439, %dma_wait3A_440] : memref<10240x128xf32, #tpu.memory_space<vmem_shared>> -> memref<10240x128xf32, #tpu.memory_space<vmem_shared>>
    tpu.wait_indirect_dma semaphore(%arg28 : memref<!tpu.dma_semaphore, #tpu.memory_space<semaphore_mem>>) src(%arg17 : memref<64x128xf32, #tpu.memory_space<vmem>>) dst(%dma_wait3A_441 : memref<10240x128xf32, #tpu.memory_space<vmem_shared>>)
    %dma_wait3A_442 = arith.constant 0 : i32
    %dma_wait3A_443 = arith.constant 0 : i32
    %dma_wait3A_444 = tpu.memref_slice %arg6[%dma_wait3A_442, %dma_wait3A_443] : memref<10240x128xf32, #tpu.memory_space<vmem_shared>> -> memref<10240x128xf32, #tpu.memory_space<vmem_shared>>
    tpu.wait_indirect_dma semaphore(%arg29 : memref<!tpu.dma_semaphore, #tpu.memory_space<semaphore_mem>>) src(%arg18 : memref<64x128xf32, #tpu.memory_space<vmem>>) dst(%dma_wait3A_444 : memref<10240x128xf32, #tpu.memory_space<vmem_shared>>)
    %add3A_445 = arith.constant 4992 : i32
    %add3A_446 = arith.addi %mul3A_2, %add3A_445 : i32
    "tpu.region"() ({
      %run_scoped3A = tpu.sem_alloc : memref<!tpu.dma_semaphore, #tpu.memory_space<semaphore_mem>>
      %dma_start3A_872 = tpu.memref_slice %arg2[%add3A_446] : memref<320000xi32, #tpu.memory_space<hbm>> -> memref<4992xi32, #tpu.memory_space<hbm>>
      %dma_start3A_873 = tpu.memref_slice %arg2[%add3A_446] : memref<320000xi32, #tpu.memory_space<hbm>> -> memref<4992xi32, #tpu.memory_space<hbm>>
      tpu.enqueue_dma source(%dma_start3A_873 : memref<4992xi32, #tpu.memory_space<hbm>>) target(%arg7 : memref<4992xi32, #tpu.memory_space<vmem>>) target_semaphore(%run_scoped3A : memref<!tpu.dma_semaphore, #tpu.memory_space<semaphore_mem>>)
      %dma_wait3A_874 = tpu.memref_slice %arg2[%add3A_446] : memref<320000xi32, #tpu.memory_space<hbm>> -> memref<4992xi32, #tpu.memory_space<hbm>>
      %dma_wait3A_875 = tpu.memref_slice %arg2[%add3A_446] : memref<320000xi32, #tpu.memory_space<hbm>> -> memref<4992xi32, #tpu.memory_space<hbm>>
      tpu.wait_dma2 semaphore(%run_scoped3A : memref<!tpu.dma_semaphore, #tpu.memory_space<semaphore_mem>>) src(%dma_wait3A_875 : memref<4992xi32, #tpu.memory_space<hbm>>) dst(%arg7 : memref<4992xi32, #tpu.memory_space<vmem>>)
      tpu.yield
    }) : () -> ()
    %add3A_447 = arith.constant 4992 : i32
    %add3A_448 = arith.addi %mul3A_2, %add3A_447 : i32
    "tpu.region"() ({
      %run_scoped3A = tpu.sem_alloc : memref<!tpu.dma_semaphore, #tpu.memory_space<semaphore_mem>>
      %dma_start3A_872 = tpu.memref_slice %arg3[%add3A_448] : memref<320000xi32, #tpu.memory_space<hbm>> -> memref<4992xi32, #tpu.memory_space<hbm>>
      %dma_start3A_873 = tpu.memref_slice %arg3[%add3A_448] : memref<320000xi32, #tpu.memory_space<hbm>> -> memref<4992xi32, #tpu.memory_space<hbm>>
      tpu.enqueue_dma source(%dma_start3A_873 : memref<4992xi32, #tpu.memory_space<hbm>>) target(%arg8 : memref<4992xi32, #tpu.memory_space<vmem>>) target_semaphore(%run_scoped3A : memref<!tpu.dma_semaphore, #tpu.memory_space<semaphore_mem>>)
      %dma_wait3A_874 = tpu.memref_slice %arg3[%add3A_448] : memref<320000xi32, #tpu.memory_space<hbm>> -> memref<4992xi32, #tpu.memory_space<hbm>>
      %dma_wait3A_875 = tpu.memref_slice %arg3[%add3A_448] : memref<320000xi32, #tpu.memory_space<hbm>> -> memref<4992xi32, #tpu.memory_space<hbm>>
      tpu.wait_dma2 semaphore(%run_scoped3A : memref<!tpu.dma_semaphore, #tpu.memory_space<semaphore_mem>>) src(%dma_wait3A_875 : memref<4992xi32, #tpu.memory_space<hbm>>) dst(%arg8 : memref<4992xi32, #tpu.memory_space<vmem>>)
      tpu.yield
    }) : () -> ()
    %scan3A_449 = arith.constant 0 : i32
    %scan3A_450 = arith.constant 0 : i32
    %scan3A_451 = arith.constant 9 : i32
    %scan3A_452 = arith.addi %scan3A_450, %scan3A_451 : i32
    %scan3A_453 = arith.constant 1 : i32
    scf.for %scan3A_872 = %scan3A_450 to %scan3A_452 step %scan3A_453  : i32 {
      %mul3A_873 = arith.constant 8 : i32
      %mul3A_874 = arith.muli %mul3A_873, %scan3A_872 : i32
      %mul3A_875 = arith.constant 64 : i32
      %mul3A_876 = arith.muli %mul3A_874, %mul3A_875 : i32
      %add3A_877 = arith.constant 0 : i32
      %add3A_878 = arith.addi %mul3A_876, %add3A_877 : i32
      %get3A_879 = arith.index_cast %add3A_878 : i32 to index
      %get3A_880 = tpu.vector_load %arg7[%get3A_879] {strides = array<i32>} : memref<4992xi32, #tpu.memory_space<vmem>>, vector<16xi32>,
      %get3A_881 = vector.shape_cast %get3A_880 : vector<16xi32> to vector<16xi32>
      %swap3A_882 = arith.constant 0 : index
      %swap3A_883 = tpu.vector_load %arg9[%swap3A_882] {strides = array<i32>} : memref<64xi32, #tpu.memory_space<vmem>>, vector<16xi32>,
      %swap3A_884 = vector.shape_cast %swap3A_883 : vector<16xi32> to vector<16xi32>
      %swap3A_885 = vector.shape_cast %get3A_881 : vector<16xi32> to vector<16xi32>
      tpu.vector_store %arg9[%swap3A_882], %swap3A_885 {strides = array<i32>} : memref<64xi32, #tpu.memory_space<vmem>>, vector<16xi32>,
      %add3A_886 = arith.constant 16 : i32
      %add3A_887 = arith.addi %mul3A_876, %add3A_886 : i32
      %get3A_888 = arith.index_cast %add3A_887 : i32 to index
      %get3A_889 = tpu.vector_load %arg7[%get3A_888] {strides = array<i32>} : memref<4992xi32, #tpu.memory_space<vmem>>, vector<16xi32>,
      %get3A_890 = vector.shape_cast %get3A_889 : vector<16xi32> to vector<16xi32>
      %swap3A_891 = arith.constant 16 : index
      %swap3A_892 = tpu.vector_load %arg9[%swap3A_891] {strides = array<i32>} : memref<64xi32, #tpu.memory_space<vmem>>, vector<16xi32>,
      %swap3A_893 = vector.shape_cast %swap3A_892 : vector<16xi32> to vector<16xi32>
      %swap3A_894 = vector.shape_cast %get3A_890 : vector<16xi32> to vector<16xi32>
      tpu.vector_store %arg9[%swap3A_891], %swap3A_894 {strides = array<i32>} : memref<64xi32, #tpu.memory_space<vmem>>, vector<16xi32>,
      %add3A_895 = arith.constant 32 : i32
      %add3A_896 = arith.addi %mul3A_876, %add3A_895 : i32
      %get3A_897 = arith.index_cast %add3A_896 : i32 to index
      %get3A_898 = tpu.vector_load %arg7[%get3A_897] {strides = array<i32>} : memref<4992xi32, #tpu.memory_space<vmem>>, vector<16xi32>,
      %get3A_899 = vector.shape_cast %get3A_898 : vector<16xi32> to vector<16xi32>
      %swap3A_900 = arith.constant 32 : index
      %swap3A_901 = tpu.vector_load %arg9[%swap3A_900] {strides = array<i32>} : memref<64xi32, #tpu.memory_space<vmem>>, vector<16xi32>,
      %swap3A_902 = vector.shape_cast %swap3A_901 : vector<16xi32> to vector<16xi32>
      %swap3A_903 = vector.shape_cast %get3A_899 : vector<16xi32> to vector<16xi32>
      tpu.vector_store %arg9[%swap3A_900], %swap3A_903 {strides = array<i32>} : memref<64xi32, #tpu.memory_space<vmem>>, vector<16xi32>,
      %add3A_904 = arith.constant 48 : i32
      %add3A_905 = arith.addi %mul3A_876, %add3A_904 : i32
      %get3A_906 = arith.index_cast %add3A_905 : i32 to index
      %get3A_907 = tpu.vector_load %arg7[%get3A_906] {strides = array<i32>} : memref<4992xi32, #tpu.memory_space<vmem>>, vector<16xi32>,
      %get3A_908 = vector.shape_cast %get3A_907 : vector<16xi32> to vector<16xi32>
      %swap3A_909 = arith.constant 48 : index
      %swap3A_910 = tpu.vector_load %arg9[%swap3A_909] {strides = array<i32>} : memref<64xi32, #tpu.memory_space<vmem>>, vector<16xi32>,
      %swap3A_911 = vector.shape_cast %swap3A_910 : vector<16xi32> to vector<16xi32>
      %swap3A_912 = vector.shape_cast %get3A_908 : vector<16xi32> to vector<16xi32>
      tpu.vector_store %arg9[%swap3A_909], %swap3A_912 {strides = array<i32>} : memref<64xi32, #tpu.memory_space<vmem>>, vector<16xi32>,
      %add3A_913 = arith.constant 1 : i32
      %add3A_914 = arith.addi %mul3A_874, %add3A_913 : i32
      %mul3A_915 = arith.constant 64 : i32
      %mul3A_916 = arith.muli %add3A_914, %mul3A_915 : i32
      %add3A_917 = arith.constant 0 : i32
      %add3A_918 = arith.addi %mul3A_916, %add3A_917 : i32
      %get3A_919 = arith.index_cast %add3A_918 : i32 to index
      %get3A_920 = tpu.vector_load %arg7[%get3A_919] {strides = array<i32>} : memref<4992xi32, #tpu.memory_space<vmem>>, vector<16xi32>,
      %get3A_921 = vector.shape_cast %get3A_920 : vector<16xi32> to vector<16xi32>
      %swap3A_922 = arith.constant 0 : index
      %swap3A_923 = tpu.vector_load %arg11[%swap3A_922] {strides = array<i32>} : memref<64xi32, #tpu.memory_space<vmem>>, vector<16xi32>,
      %swap3A_924 = vector.shape_cast %swap3A_923 : vector<16xi32> to vector<16xi32>
      %swap3A_925 = vector.shape_cast %get3A_921 : vector<16xi32> to vector<16xi32>
      tpu.vector_store %arg11[%swap3A_922], %swap3A_925 {strides = array<i32>} : memref<64xi32, #tpu.memory_space<vmem>>, vector<16xi32>,
      %add3A_926 = arith.constant 16 : i32
      %add3A_927 = arith.addi %mul3A_916, %add3A_926 : i32
      %get3A_928 = arith.index_cast %add3A_927 : i32 to index
      %get3A_929 = tpu.vector_load %arg7[%get3A_928] {strides = array<i32>} : memref<4992xi32, #tpu.memory_space<vmem>>, vector<16xi32>,
      %get3A_930 = vector.shape_cast %get3A_929 : vector<16xi32> to vector<16xi32>
      %swap3A_931 = arith.constant 16 : index
      %swap3A_932 = tpu.vector_load %arg11[%swap3A_931] {strides = array<i32>} : memref<64xi32, #tpu.memory_space<vmem>>, vector<16xi32>,
      %swap3A_933 = vector.shape_cast %swap3A_932 : vector<16xi32> to vector<16xi32>
      %swap3A_934 = vector.shape_cast %get3A_930 : vector<16xi32> to vector<16xi32>
      tpu.vector_store %arg11[%swap3A_931], %swap3A_934 {strides = array<i32>} : memref<64xi32, #tpu.memory_space<vmem>>, vector<16xi32>,
      %add3A_935 = arith.constant 32 : i32
      %add3A_936 = arith.addi %mul3A_916, %add3A_935 : i32
      %get3A_937 = arith.index_cast %add3A_936 : i32 to index
      %get3A_938 = tpu.vector_load %arg7[%get3A_937] {strides = array<i32>} : memref<4992xi32, #tpu.memory_space<vmem>>, vector<16xi32>,
      %get3A_939 = vector.shape_cast %get3A_938 : vector<16xi32> to vector<16xi32>
      %swap3A_940 = arith.constant 32 : index
      %swap3A_941 = tpu.vector_load %arg11[%swap3A_940] {strides = array<i32>} : memref<64xi32, #tpu.memory_space<vmem>>, vector<16xi32>,
      %swap3A_942 = vector.shape_cast %swap3A_941 : vector<16xi32> to vector<16xi32>
      %swap3A_943 = vector.shape_cast %get3A_939 : vector<16xi32> to vector<16xi32>
      tpu.vector_store %arg11[%swap3A_940], %swap3A_943 {strides = array<i32>} : memref<64xi32, #tpu.memory_space<vmem>>, vector<16xi32>,
      %add3A_944 = arith.constant 48 : i32
      %add3A_945 = arith.addi %mul3A_916, %add3A_944 : i32
      %get3A_946 = arith.index_cast %add3A_945 : i32 to index
      %get3A_947 = tpu.vector_load %arg7[%get3A_946] {strides = array<i32>} : memref<4992xi32, #tpu.memory_space<vmem>>, vector<16xi32>,
      %get3A_948 = vector.shape_cast %get3A_947 : vector<16xi32> to vector<16xi32>
      %swap3A_949 = arith.constant 48 : index
      %swap3A_950 = tpu.vector_load %arg11[%swap3A_949] {strides = array<i32>} : memref<64xi32, #tpu.memory_space<vmem>>, vector<16xi32>,
      %swap3A_951 = vector.shape_cast %swap3A_950 : vector<16xi32> to vector<16xi32>
      %swap3A_952 = vector.shape_cast %get3A_948 : vector<16xi32> to vector<16xi32>
      tpu.vector_store %arg11[%swap3A_949], %swap3A_952 {strides = array<i32>} : memref<64xi32, #tpu.memory_space<vmem>>, vector<16xi32>,
      %mul3A_953 = arith.constant 64 : i32
      %mul3A_954 = arith.muli %mul3A_874, %mul3A_953 : i32
      %add3A_955 = arith.constant 0 : i32
      %add3A_956 = arith.addi %mul3A_954, %add3A_955 : i32
      %get3A_957 = arith.index_cast %add3A_956 : i32 to index
      %get3A_958 = tpu.vector_load %arg8[%get3A_957] {strides = array<i32>} : memref<4992xi32, #tpu.memory_space<vmem>>, vector<16xi32>,
      %get3A_959 = vector.shape_cast %get3A_958 : vector<16xi32> to vector<16xi32>
      %swap3A_960 = arith.constant 0 : index
      %swap3A_961 = tpu.vector_load %arg10[%swap3A_960] {strides = array<i32>} : memref<64xi32, #tpu.memory_space<vmem>>, vector<16xi32>,
      %swap3A_962 = vector.shape_cast %swap3A_961 : vector<16xi32> to vector<16xi32>
      %swap3A_963 = vector.shape_cast %get3A_959 : vector<16xi32> to vector<16xi32>
      tpu.vector_store %arg10[%swap3A_960], %swap3A_963 {strides = array<i32>} : memref<64xi32, #tpu.memory_space<vmem>>, vector<16xi32>,
      %add3A_964 = arith.constant 16 : i32
      %add3A_965 = arith.addi %mul3A_954, %add3A_964 : i32
      %get3A_966 = arith.index_cast %add3A_965 : i32 to index
      %get3A_967 = tpu.vector_load %arg8[%get3A_966] {strides = array<i32>} : memref<4992xi32, #tpu.memory_space<vmem>>, vector<16xi32>,
      %get3A_968 = vector.shape_cast %get3A_967 : vector<16xi32> to vector<16xi32>
      %swap3A_969 = arith.constant 16 : index
      %swap3A_970 = tpu.vector_load %arg10[%swap3A_969] {strides = array<i32>} : memref<64xi32, #tpu.memory_space<vmem>>, vector<16xi32>,
      %swap3A_971 = vector.shape_cast %swap3A_970 : vector<16xi32> to vector<16xi32>
      %swap3A_972 = vector.shape_cast %get3A_968 : vector<16xi32> to vector<16xi32>
      tpu.vector_store %arg10[%swap3A_969], %swap3A_972 {strides = array<i32>} : memref<64xi32, #tpu.memory_space<vmem>>, vector<16xi32>,
      %add3A_973 = arith.constant 32 : i32
      %add3A_974 = arith.addi %mul3A_954, %add3A_973 : i32
      %get3A_975 = arith.index_cast %add3A_974 : i32 to index
      %get3A_976 = tpu.vector_load %arg8[%get3A_975] {strides = array<i32>} : memref<4992xi32, #tpu.memory_space<vmem>>, vector<16xi32>,
      %get3A_977 = vector.shape_cast %get3A_976 : vector<16xi32> to vector<16xi32>
      %swap3A_978 = arith.constant 32 : index
      %swap3A_979 = tpu.vector_load %arg10[%swap3A_978] {strides = array<i32>} : memref<64xi32, #tpu.memory_space<vmem>>, vector<16xi32>,
      %swap3A_980 = vector.shape_cast %swap3A_979 : vector<16xi32> to vector<16xi32>
      %swap3A_981 = vector.shape_cast %get3A_977 : vector<16xi32> to vector<16xi32>
      tpu.vector_store %arg10[%swap3A_978], %swap3A_981 {strides = array<i32>} : memref<64xi32, #tpu.memory_space<vmem>>, vector<16xi32>,
      %add3A_982 = arith.constant 48 : i32
      %add3A_983 = arith.addi %mul3A_954, %add3A_982 : i32
      %get3A_984 = arith.index_cast %add3A_983 : i32 to index
      %get3A_985 = tpu.vector_load %arg8[%get3A_984] {strides = array<i32>} : memref<4992xi32, #tpu.memory_space<vmem>>, vector<16xi32>,
      %get3A_986 = vector.shape_cast %get3A_985 : vector<16xi32> to vector<16xi32>
      %swap3A_987 = arith.constant 48 : index
      %swap3A_988 = tpu.vector_load %arg10[%swap3A_987] {strides = array<i32>} : memref<64xi32, #tpu.memory_space<vmem>>, vector<16xi32>,
      %swap3A_989 = vector.shape_cast %swap3A_988 : vector<16xi32> to vector<16xi32>
      %swap3A_990 = vector.shape_cast %get3A_986 : vector<16xi32> to vector<16xi32>
      tpu.vector_store %arg10[%swap3A_987], %swap3A_990 {strides = array<i32>} : memref<64xi32, #tpu.memory_space<vmem>>, vector<16xi32>,
      %add3A_991 = arith.constant 1 : i32
      %add3A_992 = arith.addi %mul3A_874, %add3A_991 : i32
      %mul3A_993 = arith.constant 64 : i32
      %mul3A_994 = arith.muli %add3A_992, %mul3A_993 : i32
      %add3A_995 = arith.constant 0 : i32
      %add3A_996 = arith.addi %mul3A_994, %add3A_995 : i32
      %get3A_997 = arith.index_cast %add3A_996 : i32 to index
      %get3A_998 = tpu.vector_load %arg8[%get3A_997] {strides = array<i32>} : memref<4992xi32, #tpu.memory_space<vmem>>, vector<16xi32>,
      %get3A_999 = vector.shape_cast %get3A_998 : vector<16xi32> to vector<16xi32>
      %swap3A_1000 = arith.constant 0 : index
      %swap3A_1001 = tpu.vector_load %arg12[%swap3A_1000] {strides = array<i32>} : memref<64xi32, #tpu.memory_space<vmem>>, vector<16xi32>,
      %swap3A_1002 = vector.shape_cast %swap3A_1001 : vector<16xi32> to vector<16xi32>
      %swap3A_1003 = vector.shape_cast %get3A_999 : vector<16xi32> to vector<16xi32>
      tpu.vector_store %arg12[%swap3A_1000], %swap3A_1003 {strides = array<i32>} : memref<64xi32, #tpu.memory_space<vmem>>, vector<16xi32>,
      %add3A_1004 = arith.constant 16 : i32
      %add3A_1005 = arith.addi %mul3A_994, %add3A_1004 : i32
      %get3A_1006 = arith.index_cast %add3A_1005 : i32 to index
      %get3A_1007 = tpu.vector_load %arg8[%get3A_1006] {strides = array<i32>} : memref<4992xi32, #tpu.memory_space<vmem>>, vector<16xi32>,
      %get3A_1008 = vector.shape_cast %get3A_1007 : vector<16xi32> to vector<16xi32>
      %swap3A_1009 = arith.constant 16 : index
      %swap3A_1010 = tpu.vector_load %arg12[%swap3A_1009] {strides = array<i32>} : memref<64xi32, #tpu.memory_space<vmem>>, vector<16xi32>,
      %swap3A_1011 = vector.shape_cast %swap3A_1010 : vector<16xi32> to vector<16xi32>
      %swap3A_1012 = vector.shape_cast %get3A_1008 : vector<16xi32> to vector<16xi32>
      tpu.vector_store %arg12[%swap3A_1009], %swap3A_1012 {strides = array<i32>} : memref<64xi32, #tpu.memory_space<vmem>>, vector<16xi32>,
      %add3A_1013 = arith.constant 32 : i32
      %add3A_1014 = arith.addi %mul3A_994, %add3A_1013 : i32
      %get3A_1015 = arith.index_cast %add3A_1014 : i32 to index
      %get3A_1016 = tpu.vector_load %arg8[%get3A_1015] {strides = array<i32>} : memref<4992xi32, #tpu.memory_space<vmem>>, vector<16xi32>,
      %get3A_1017 = vector.shape_cast %get3A_1016 : vector<16xi32> to vector<16xi32>
      %swap3A_1018 = arith.constant 32 : index
      %swap3A_1019 = tpu.vector_load %arg12[%swap3A_1018] {strides = array<i32>} : memref<64xi32, #tpu.memory_space<vmem>>, vector<16xi32>,
      %swap3A_1020 = vector.shape_cast %swap3A_1019 : vector<16xi32> to vector<16xi32>
      %swap3A_1021 = vector.shape_cast %get3A_1017 : vector<16xi32> to vector<16xi32>
      tpu.vector_store %arg12[%swap3A_1018], %swap3A_1021 {strides = array<i32>} : memref<64xi32, #tpu.memory_space<vmem>>, vector<16xi32>,
      %add3A_1022 = arith.constant 48 : i32
      %add3A_1023 = arith.addi %mul3A_994, %add3A_1022 : i32
      %get3A_1024 = arith.index_cast %add3A_1023 : i32 to index
      %get3A_1025 = tpu.vector_load %arg8[%get3A_1024] {strides = array<i32>} : memref<4992xi32, #tpu.memory_space<vmem>>, vector<16xi32>,
      %get3A_1026 = vector.shape_cast %get3A_1025 : vector<16xi32> to vector<16xi32>
      %swap3A_1027 = arith.constant 48 : index
      %swap3A_1028 = tpu.vector_load %arg12[%swap3A_1027] {strides = array<i32>} : memref<64xi32, #tpu.memory_space<vmem>>, vector<16xi32>,
      %swap3A_1029 = vector.shape_cast %swap3A_1028 : vector<16xi32> to vector<16xi32>
      %swap3A_1030 = vector.shape_cast %get3A_1026 : vector<16xi32> to vector<16xi32>
      tpu.vector_store %arg12[%swap3A_1027], %swap3A_1030 {strides = array<i32>} : memref<64xi32, #tpu.memory_space<vmem>>, vector<16xi32>,
      %dma_start3A_1031 = arith.constant 0 : i32
      %dma_start3A_1032 = arith.constant 0 : i32
      %dma_start3A_1033 = tpu.memref_slice %arg4[%dma_start3A_1031, %dma_start3A_1032] : memref<10240x128xf32, #tpu.memory_space<hbm>> -> memref<10240x128xf32, #tpu.memory_space<hbm>>
      tpu.enqueue_indirect_dma source(%dma_start3A_1033 : memref<10240x128xf32, #tpu.memory_space<hbm>>) target(%arg17 : memref<64x128xf32, #tpu.memory_space<vmem>>) offsets(%arg9 : memref<64xi32, #tpu.memory_space<vmem>>) semaphore(%arg24 : memref<!tpu.dma_semaphore, #tpu.memory_space<semaphore_mem>>)
      %dma_start3A_1034 = arith.constant 0 : i32
      %dma_start3A_1035 = arith.constant 0 : i32
      %dma_start3A_1036 = tpu.memref_slice %arg4[%dma_start3A_1034, %dma_start3A_1035] : memref<10240x128xf32, #tpu.memory_space<hbm>> -> memref<10240x128xf32, #tpu.memory_space<hbm>>
      tpu.enqueue_indirect_dma source(%dma_start3A_1036 : memref<10240x128xf32, #tpu.memory_space<hbm>>) target(%arg18 : memref<64x128xf32, #tpu.memory_space<vmem>>) offsets(%arg11 : memref<64xi32, #tpu.memory_space<vmem>>) semaphore(%arg25 : memref<!tpu.dma_semaphore, #tpu.memory_space<semaphore_mem>>)
      %add3A_1037 = arith.constant 2 : i32
      %add3A_1038 = arith.addi %mul3A_874, %add3A_1037 : i32
      %mul3A_1039 = arith.constant 64 : i32
      %mul3A_1040 = arith.muli %add3A_1038, %mul3A_1039 : i32
      %add3A_1041 = arith.constant 0 : i32
      %add3A_1042 = arith.addi %mul3A_1040, %add3A_1041 : i32
      %get3A_1043 = arith.index_cast %add3A_1042 : i32 to index
      %get3A_1044 = tpu.vector_load %arg7[%get3A_1043] {strides = array<i32>} : memref<4992xi32, #tpu.memory_space<vmem>>, vector<16xi32>,
      %get3A_1045 = vector.shape_cast %get3A_1044 : vector<16xi32> to vector<16xi32>
      %swap3A_1046 = arith.constant 0 : index
      %swap3A_1047 = tpu.vector_load %arg13[%swap3A_1046] {strides = array<i32>} : memref<64xi32, #tpu.memory_space<vmem>>, vector<16xi32>,
      %swap3A_1048 = vector.shape_cast %swap3A_1047 : vector<16xi32> to vector<16xi32>
      %swap3A_1049 = vector.shape_cast %get3A_1045 : vector<16xi32> to vector<16xi32>
      tpu.vector_store %arg13[%swap3A_1046], %swap3A_1049 {strides = array<i32>} : memref<64xi32, #tpu.memory_space<vmem>>, vector<16xi32>,
      %add3A_1050 = arith.constant 16 : i32
      %add3A_1051 = arith.addi %mul3A_1040, %add3A_1050 : i32
      %get3A_1052 = arith.index_cast %add3A_1051 : i32 to index
      %get3A_1053 = tpu.vector_load %arg7[%get3A_1052] {strides = array<i32>} : memref<4992xi32, #tpu.memory_space<vmem>>, vector<16xi32>,
      %get3A_1054 = vector.shape_cast %get3A_1053 : vector<16xi32> to vector<16xi32>
      %swap3A_1055 = arith.constant 16 : index
      %swap3A_1056 = tpu.vector_load %arg13[%swap3A_1055] {strides = array<i32>} : memref<64xi32, #tpu.memory_space<vmem>>, vector<16xi32>,
      %swap3A_1057 = vector.shape_cast %swap3A_1056 : vector<16xi32> to vector<16xi32>
      %swap3A_1058 = vector.shape_cast %get3A_1054 : vector<16xi32> to vector<16xi32>
      tpu.vector_store %arg13[%swap3A_1055], %swap3A_1058 {strides = array<i32>} : memref<64xi32, #tpu.memory_space<vmem>>, vector<16xi32>,
      %add3A_1059 = arith.constant 32 : i32
      %add3A_1060 = arith.addi %mul3A_1040, %add3A_1059 : i32
      %get3A_1061 = arith.index_cast %add3A_1060 : i32 to index
      %get3A_1062 = tpu.vector_load %arg7[%get3A_1061] {strides = array<i32>} : memref<4992xi32, #tpu.memory_space<vmem>>, vector<16xi32>,
      %get3A_1063 = vector.shape_cast %get3A_1062 : vector<16xi32> to vector<16xi32>
      %swap3A_1064 = arith.constant 32 : index
      %swap3A_1065 = tpu.vector_load %arg13[%swap3A_1064] {strides = array<i32>} : memref<64xi32, #tpu.memory_space<vmem>>, vector<16xi32>,
      %swap3A_1066 = vector.shape_cast %swap3A_1065 : vector<16xi32> to vector<16xi32>
      %swap3A_1067 = vector.shape_cast %get3A_1063 : vector<16xi32> to vector<16xi32>
      tpu.vector_store %arg13[%swap3A_1064], %swap3A_1067 {strides = array<i32>} : memref<64xi32, #tpu.memory_space<vmem>>, vector<16xi32>,
      %add3A_1068 = arith.constant 48 : i32
      %add3A_1069 = arith.addi %mul3A_1040, %add3A_1068 : i32
      %get3A_1070 = arith.index_cast %add3A_1069 : i32 to index
      %get3A_1071 = tpu.vector_load %arg7[%get3A_1070] {strides = array<i32>} : memref<4992xi32, #tpu.memory_space<vmem>>, vector<16xi32>,
      %get3A_1072 = vector.shape_cast %get3A_1071 : vector<16xi32> to vector<16xi32>
      %swap3A_1073 = arith.constant 48 : index
      %swap3A_1074 = tpu.vector_load %arg13[%swap3A_1073] {strides = array<i32>} : memref<64xi32, #tpu.memory_space<vmem>>, vector<16xi32>,
      %swap3A_1075 = vector.shape_cast %swap3A_1074 : vector<16xi32> to vector<16xi32>
      %swap3A_1076 = vector.shape_cast %get3A_1072 : vector<16xi32> to vector<16xi32>
      tpu.vector_store %arg13[%swap3A_1073], %swap3A_1076 {strides = array<i32>} : memref<64xi32, #tpu.memory_space<vmem>>, vector<16xi32>,
      %add3A_1077 = arith.constant 1 : i32
      %add3A_1078 = arith.addi %add3A_1038, %add3A_1077 : i32
      %mul3A_1079 = arith.constant 64 : i32
      %mul3A_1080 = arith.muli %add3A_1078, %mul3A_1079 : i32
      %add3A_1081 = arith.constant 0 : i32
      %add3A_1082 = arith.addi %mul3A_1080, %add3A_1081 : i32
      %get3A_1083 = arith.index_cast %add3A_1082 : i32 to index
      %get3A_1084 = tpu.vector_load %arg7[%get3A_1083] {strides = array<i32>} : memref<4992xi32, #tpu.memory_space<vmem>>, vector<16xi32>,
      %get3A_1085 = vector.shape_cast %get3A_1084 : vector<16xi32> to vector<16xi32>
      %swap3A_1086 = arith.constant 0 : index
      %swap3A_1087 = tpu.vector_load %arg15[%swap3A_1086] {strides = array<i32>} : memref<64xi32, #tpu.memory_space<vmem>>, vector<16xi32>,
      %swap3A_1088 = vector.shape_cast %swap3A_1087 : vector<16xi32> to vector<16xi32>
      %swap3A_1089 = vector.shape_cast %get3A_1085 : vector<16xi32> to vector<16xi32>
      tpu.vector_store %arg15[%swap3A_1086], %swap3A_1089 {strides = array<i32>} : memref<64xi32, #tpu.memory_space<vmem>>, vector<16xi32>,
      %add3A_1090 = arith.constant 16 : i32
      %add3A_1091 = arith.addi %mul3A_1080, %add3A_1090 : i32
      %get3A_1092 = arith.index_cast %add3A_1091 : i32 to index
      %get3A_1093 = tpu.vector_load %arg7[%get3A_1092] {strides = array<i32>} : memref<4992xi32, #tpu.memory_space<vmem>>, vector<16xi32>,
      %get3A_1094 = vector.shape_cast %get3A_1093 : vector<16xi32> to vector<16xi32>
      %swap3A_1095 = arith.constant 16 : index
      %swap3A_1096 = tpu.vector_load %arg15[%swap3A_1095] {strides = array<i32>} : memref<64xi32, #tpu.memory_space<vmem>>, vector<16xi32>,
      %swap3A_1097 = vector.shape_cast %swap3A_1096 : vector<16xi32> to vector<16xi32>
      %swap3A_1098 = vector.shape_cast %get3A_1094 : vector<16xi32> to vector<16xi32>
      tpu.vector_store %arg15[%swap3A_1095], %swap3A_1098 {strides = array<i32>} : memref<64xi32, #tpu.memory_space<vmem>>, vector<16xi32>,
      %add3A_1099 = arith.constant 32 : i32
      %add3A_1100 = arith.addi %mul3A_1080, %add3A_1099 : i32
      %get3A_1101 = arith.index_cast %add3A_1100 : i32 to index
      %get3A_1102 = tpu.vector_load %arg7[%get3A_1101] {strides = array<i32>} : memref<4992xi32, #tpu.memory_space<vmem>>, vector<16xi32>,
      %get3A_1103 = vector.shape_cast %get3A_1102 : vector<16xi32> to vector<16xi32>
      %swap3A_1104 = arith.constant 32 : index
      %swap3A_1105 = tpu.vector_load %arg15[%swap3A_1104] {strides = array<i32>} : memref<64xi32, #tpu.memory_space<vmem>>, vector<16xi32>,
      %swap3A_1106 = vector.shape_cast %swap3A_1105 : vector<16xi32> to vector<16xi32>
      %swap3A_1107 = vector.shape_cast %get3A_1103 : vector<16xi32> to vector<16xi32>
      tpu.vector_store %arg15[%swap3A_1104], %swap3A_1107 {strides = array<i32>} : memref<64xi32, #tpu.memory_space<vmem>>, vector<16xi32>,
      %add3A_1108 = arith.constant 48 : i32
      %add3A_1109 = arith.addi %mul3A_1080, %add3A_1108 : i32
      %get3A_1110 = arith.index_cast %add3A_1109 : i32 to index
      %get3A_1111 = tpu.vector_load %arg7[%get3A_1110] {strides = array<i32>} : memref<4992xi32, #tpu.memory_space<vmem>>, vector<16xi32>,
      %get3A_1112 = vector.shape_cast %get3A_1111 : vector<16xi32> to vector<16xi32>
      %swap3A_1113 = arith.constant 48 : index
      %swap3A_1114 = tpu.vector_load %arg15[%swap3A_1113] {strides = array<i32>} : memref<64xi32, #tpu.memory_space<vmem>>, vector<16xi32>,
      %swap3A_1115 = vector.shape_cast %swap3A_1114 : vector<16xi32> to vector<16xi32>
      %swap3A_1116 = vector.shape_cast %get3A_1112 : vector<16xi32> to vector<16xi32>
      tpu.vector_store %arg15[%swap3A_1113], %swap3A_1116 {strides = array<i32>} : memref<64xi32, #tpu.memory_space<vmem>>, vector<16xi32>,
      %mul3A_1117 = arith.constant 64 : i32
      %mul3A_1118 = arith.muli %add3A_1038, %mul3A_1117 : i32
      %add3A_1119 = arith.constant 0 : i32
      %add3A_1120 = arith.addi %mul3A_1118, %add3A_1119 : i32
      %get3A_1121 = arith.index_cast %add3A_1120 : i32 to index
      %get3A_1122 = tpu.vector_load %arg8[%get3A_1121] {strides = array<i32>} : memref<4992xi32, #tpu.memory_space<vmem>>, vector<16xi32>,
      %get3A_1123 = vector.shape_cast %get3A_1122 : vector<16xi32> to vector<16xi32>
      %swap3A_1124 = arith.constant 0 : index
      %swap3A_1125 = tpu.vector_load %arg14[%swap3A_1124] {strides = array<i32>} : memref<64xi32, #tpu.memory_space<vmem>>, vector<16xi32>,
      %swap3A_1126 = vector.shape_cast %swap3A_1125 : vector<16xi32> to vector<16xi32>
      %swap3A_1127 = vector.shape_cast %get3A_1123 : vector<16xi32> to vector<16xi32>
      tpu.vector_store %arg14[%swap3A_1124], %swap3A_1127 {strides = array<i32>} : memref<64xi32, #tpu.memory_space<vmem>>, vector<16xi32>,
      %add3A_1128 = arith.constant 16 : i32
      %add3A_1129 = arith.addi %mul3A_1118, %add3A_1128 : i32
      %get3A_1130 = arith.index_cast %add3A_1129 : i32 to index
      %get3A_1131 = tpu.vector_load %arg8[%get3A_1130] {strides = array<i32>} : memref<4992xi32, #tpu.memory_space<vmem>>, vector<16xi32>,
      %get3A_1132 = vector.shape_cast %get3A_1131 : vector<16xi32> to vector<16xi32>
      %swap3A_1133 = arith.constant 16 : index
      %swap3A_1134 = tpu.vector_load %arg14[%swap3A_1133] {strides = array<i32>} : memref<64xi32, #tpu.memory_space<vmem>>, vector<16xi32>,
      %swap3A_1135 = vector.shape_cast %swap3A_1134 : vector<16xi32> to vector<16xi32>
      %swap3A_1136 = vector.shape_cast %get3A_1132 : vector<16xi32> to vector<16xi32>
      tpu.vector_store %arg14[%swap3A_1133], %swap3A_1136 {strides = array<i32>} : memref<64xi32, #tpu.memory_space<vmem>>, vector<16xi32>,
      %add3A_1137 = arith.constant 32 : i32
      %add3A_1138 = arith.addi %mul3A_1118, %add3A_1137 : i32
      %get3A_1139 = arith.index_cast %add3A_1138 : i32 to index
      %get3A_1140 = tpu.vector_load %arg8[%get3A_1139] {strides = array<i32>} : memref<4992xi32, #tpu.memory_space<vmem>>, vector<16xi32>,
      %get3A_1141 = vector.shape_cast %get3A_1140 : vector<16xi32> to vector<16xi32>
      %swap3A_1142 = arith.constant 32 : index
      %swap3A_1143 = tpu.vector_load %arg14[%swap3A_1142] {strides = array<i32>} : memref<64xi32, #tpu.memory_space<vmem>>, vector<16xi32>,
      %swap3A_1144 = vector.shape_cast %swap3A_1143 : vector<16xi32> to vector<16xi32>
      %swap3A_1145 = vector.shape_cast %get3A_1141 : vector<16xi32> to vector<16xi32>
      tpu.vector_store %arg14[%swap3A_1142], %swap3A_1145 {strides = array<i32>} : memref<64xi32, #tpu.memory_space<vmem>>, vector<16xi32>,
      %add3A_1146 = arith.constant 48 : i32
      %add3A_1147 = arith.addi %mul3A_1118, %add3A_1146 : i32
      %get3A_1148 = arith.index_cast %add3A_1147 : i32 to index
      %get3A_1149 = tpu.vector_load %arg8[%get3A_1148] {strides = array<i32>} : memref<4992xi32, #tpu.memory_space<vmem>>, vector<16xi32>,
      %get3A_1150 = vector.shape_cast %get3A_1149 : vector<16xi32> to vector<16xi32>
      %swap3A_1151 = arith.constant 48 : index
      %swap3A_1152 = tpu.vector_load %arg14[%swap3A_1151] {strides = array<i32>} : memref<64xi32, #tpu.memory_space<vmem>>, vector<16xi32>,
      %swap3A_1153 = vector.shape_cast %swap3A_1152 : vector<16xi32> to vector<16xi32>
      %swap3A_1154 = vector.shape_cast %get3A_1150 : vector<16xi32> to vector<16xi32>
      tpu.vector_store %arg14[%swap3A_1151], %swap3A_1154 {strides = array<i32>} : memref<64xi32, #tpu.memory_space<vmem>>, vector<16xi32>,
      %add3A_1155 = arith.constant 1 : i32
      %add3A_1156 = arith.addi %add3A_1038, %add3A_1155 : i32
      %mul3A_1157 = arith.constant 64 : i32
      %mul3A_1158 = arith.muli %add3A_1156, %mul3A_1157 : i32
      %add3A_1159 = arith.constant 0 : i32
      %add3A_1160 = arith.addi %mul3A_1158, %add3A_1159 : i32
      %get3A_1161 = arith.index_cast %add3A_1160 : i32 to index
      %get3A_1162 = tpu.vector_load %arg8[%get3A_1161] {strides = array<i32>} : memref<4992xi32, #tpu.memory_space<vmem>>, vector<16xi32>,
      %get3A_1163 = vector.shape_cast %get3A_1162 : vector<16xi32> to vector<16xi32>
      %swap3A_1164 = arith.constant 0 : index
      %swap3A_1165 = tpu.vector_load %arg16[%swap3A_1164] {strides = array<i32>} : memref<64xi32, #tpu.memory_space<vmem>>, vector<16xi32>,
      %swap3A_1166 = vector.shape_cast %swap3A_1165 : vector<16xi32> to vector<16xi32>
      %swap3A_1167 = vector.shape_cast %get3A_1163 : vector<16xi32> to vector<16xi32>
      tpu.vector_store %arg16[%swap3A_1164], %swap3A_1167 {strides = array<i32>} : memref<64xi32, #tpu.memory_space<vmem>>, vector<16xi32>,
      %add3A_1168 = arith.constant 16 : i32
      %add3A_1169 = arith.addi %mul3A_1158, %add3A_1168 : i32
      %get3A_1170 = arith.index_cast %add3A_1169 : i32 to index
      %get3A_1171 = tpu.vector_load %arg8[%get3A_1170] {strides = array<i32>} : memref<4992xi32, #tpu.memory_space<vmem>>, vector<16xi32>,
      %get3A_1172 = vector.shape_cast %get3A_1171 : vector<16xi32> to vector<16xi32>
      %swap3A_1173 = arith.constant 16 : index
      %swap3A_1174 = tpu.vector_load %arg16[%swap3A_1173] {strides = array<i32>} : memref<64xi32, #tpu.memory_space<vmem>>, vector<16xi32>,
      %swap3A_1175 = vector.shape_cast %swap3A_1174 : vector<16xi32> to vector<16xi32>
      %swap3A_1176 = vector.shape_cast %get3A_1172 : vector<16xi32> to vector<16xi32>
      tpu.vector_store %arg16[%swap3A_1173], %swap3A_1176 {strides = array<i32>} : memref<64xi32, #tpu.memory_space<vmem>>, vector<16xi32>,
      %add3A_1177 = arith.constant 32 : i32
      %add3A_1178 = arith.addi %mul3A_1158, %add3A_1177 : i32
      %get3A_1179 = arith.index_cast %add3A_1178 : i32 to index
      %get3A_1180 = tpu.vector_load %arg8[%get3A_1179] {strides = array<i32>} : memref<4992xi32, #tpu.memory_space<vmem>>, vector<16xi32>,
      %get3A_1181 = vector.shape_cast %get3A_1180 : vector<16xi32> to vector<16xi32>
      %swap3A_1182 = arith.constant 32 : index
      %swap3A_1183 = tpu.vector_load %arg16[%swap3A_1182] {strides = array<i32>} : memref<64xi32, #tpu.memory_space<vmem>>, vector<16xi32>,
      %swap3A_1184 = vector.shape_cast %swap3A_1183 : vector<16xi32> to vector<16xi32>
      %swap3A_1185 = vector.shape_cast %get3A_1181 : vector<16xi32> to vector<16xi32>
      tpu.vector_store %arg16[%swap3A_1182], %swap3A_1185 {strides = array<i32>} : memref<64xi32, #tpu.memory_space<vmem>>, vector<16xi32>,
      %add3A_1186 = arith.constant 48 : i32
      %add3A_1187 = arith.addi %mul3A_1158, %add3A_1186 : i32
      %get3A_1188 = arith.index_cast %add3A_1187 : i32 to index
      %get3A_1189 = tpu.vector_load %arg8[%get3A_1188] {strides = array<i32>} : memref<4992xi32, #tpu.memory_space<vmem>>, vector<16xi32>,
      %get3A_1190 = vector.shape_cast %get3A_1189 : vector<16xi32> to vector<16xi32>
      %swap3A_1191 = arith.constant 48 : index
      %swap3A_1192 = tpu.vector_load %arg16[%swap3A_1191] {strides = array<i32>} : memref<64xi32, #tpu.memory_space<vmem>>, vector<16xi32>,
      %swap3A_1193 = vector.shape_cast %swap3A_1192 : vector<16xi32> to vector<16xi32>
      %swap3A_1194 = vector.shape_cast %get3A_1190 : vector<16xi32> to vector<16xi32>
      tpu.vector_store %arg16[%swap3A_1191], %swap3A_1194 {strides = array<i32>} : memref<64xi32, #tpu.memory_space<vmem>>, vector<16xi32>,
      %dma_start3A_1195 = arith.constant 0 : i32
      %dma_start3A_1196 = arith.constant 0 : i32
      %dma_start3A_1197 = tpu.memref_slice %arg4[%dma_start3A_1195, %dma_start3A_1196] : memref<10240x128xf32, #tpu.memory_space<hbm>> -> memref<10240x128xf32, #tpu.memory_space<hbm>>
      tpu.enqueue_indirect_dma source(%dma_start3A_1197 : memref<10240x128xf32, #tpu.memory_space<hbm>>) target(%arg19 : memref<64x128xf32, #tpu.memory_space<vmem>>) offsets(%arg13 : memref<64xi32, #tpu.memory_space<vmem>>) semaphore(%arg26 : memref<!tpu.dma_semaphore, #tpu.memory_space<semaphore_mem>>)
      %dma_start3A_1198 = arith.constant 0 : i32
      %dma_start3A_1199 = arith.constant 0 : i32
      %dma_start3A_1200 = tpu.memref_slice %arg4[%dma_start3A_1198, %dma_start3A_1199] : memref<10240x128xf32, #tpu.memory_space<hbm>> -> memref<10240x128xf32, #tpu.memory_space<hbm>>
      tpu.enqueue_indirect_dma source(%dma_start3A_1200 : memref<10240x128xf32, #tpu.memory_space<hbm>>) target(%arg20 : memref<64x128xf32, #tpu.memory_space<vmem>>) offsets(%arg15 : memref<64xi32, #tpu.memory_space<vmem>>) semaphore(%arg27 : memref<!tpu.dma_semaphore, #tpu.memory_space<semaphore_mem>>)
      %dma_wait3A_1201 = arith.constant 0 : i32
      %dma_wait3A_1202 = arith.constant 0 : i32
      %dma_wait3A_1203 = tpu.memref_slice %arg4[%dma_wait3A_1201, %dma_wait3A_1202] : memref<10240x128xf32, #tpu.memory_space<hbm>> -> memref<10240x128xf32, #tpu.memory_space<hbm>>
      tpu.wait_indirect_dma semaphore(%arg24 : memref<!tpu.dma_semaphore, #tpu.memory_space<semaphore_mem>>) src(%dma_wait3A_1203 : memref<10240x128xf32, #tpu.memory_space<hbm>>) dst(%arg17 : memref<64x128xf32, #tpu.memory_space<vmem>>)
      %dma_start3A_1204 = arith.constant 0 : i32
      %dma_start3A_1205 = arith.constant 0 : i32
      %dma_start3A_1206 = tpu.memref_slice %arg6[%dma_start3A_1204, %dma_start3A_1205] : memref<10240x128xf32, #tpu.memory_space<vmem_shared>> -> memref<10240x128xf32, #tpu.memory_space<vmem_shared>>
      tpu.enqueue_indirect_dma source(%arg17 : memref<64x128xf32, #tpu.memory_space<vmem>>) target(%dma_start3A_1206 : memref<10240x128xf32, #tpu.memory_space<vmem_shared>>) offsets(%arg10 : memref<64xi32, #tpu.memory_space<vmem>>) semaphore(%arg28 : memref<!tpu.dma_semaphore, #tpu.memory_space<semaphore_mem>>) {add = true}
      %dma_wait3A_1207 = arith.constant 0 : i32
      %dma_wait3A_1208 = arith.constant 0 : i32
      %dma_wait3A_1209 = tpu.memref_slice %arg4[%dma_wait3A_1207, %dma_wait3A_1208] : memref<10240x128xf32, #tpu.memory_space<hbm>> -> memref<10240x128xf32, #tpu.memory_space<hbm>>
      tpu.wait_indirect_dma semaphore(%arg25 : memref<!tpu.dma_semaphore, #tpu.memory_space<semaphore_mem>>) src(%dma_wait3A_1209 : memref<10240x128xf32, #tpu.memory_space<hbm>>) dst(%arg18 : memref<64x128xf32, #tpu.memory_space<vmem>>)
      %dma_start3A_1210 = arith.constant 0 : i32
      %dma_start3A_1211 = arith.constant 0 : i32
      %dma_start3A_1212 = tpu.memref_slice %arg6[%dma_start3A_1210, %dma_start3A_1211] : memref<10240x128xf32, #tpu.memory_space<vmem_shared>> -> memref<10240x128xf32, #tpu.memory_space<vmem_shared>>
      tpu.enqueue_indirect_dma source(%arg18 : memref<64x128xf32, #tpu.memory_space<vmem>>) target(%dma_start3A_1212 : memref<10240x128xf32, #tpu.memory_space<vmem_shared>>) offsets(%arg12 : memref<64xi32, #tpu.memory_space<vmem>>) semaphore(%arg29 : memref<!tpu.dma_semaphore, #tpu.memory_space<semaphore_mem>>) {add = true}
      %dma_wait3A_1213 = arith.constant 0 : i32
      %dma_wait3A_1214 = arith.constant 0 : i32
      %dma_wait3A_1215 = tpu.memref_slice %arg6[%dma_wait3A_1213, %dma_wait3A_1214] : memref<10240x128xf32, #tpu.memory_space<vmem_shared>> -> memref<10240x128xf32, #tpu.memory_space<vmem_shared>>
      tpu.wait_indirect_dma semaphore(%arg28 : memref<!tpu.dma_semaphore, #tpu.memory_space<semaphore_mem>>) src(%arg17 : memref<64x128xf32, #tpu.memory_space<vmem>>) dst(%dma_wait3A_1215 : memref<10240x128xf32, #tpu.memory_space<vmem_shared>>)
      %dma_wait3A_1216 = arith.constant 0 : i32
      %dma_wait3A_1217 = arith.constant 0 : i32
      %dma_wait3A_1218 = tpu.memref_slice %arg6[%dma_wait3A_1216, %dma_wait3A_1217] : memref<10240x128xf32, #tpu.memory_space<vmem_shared>> -> memref<10240x128xf32, #tpu.memory_space<vmem_shared>>
      tpu.wait_indirect_dma semaphore(%arg29 : memref<!tpu.dma_semaphore, #tpu.memory_space<semaphore_mem>>) src(%arg18 : memref<64x128xf32, #tpu.memory_space<vmem>>) dst(%dma_wait3A_1218 : memref<10240x128xf32, #tpu.memory_space<vmem_shared>>)
      %add3A_1219 = arith.constant 4 : i32
      %add3A_1220 = arith.addi %mul3A_874, %add3A_1219 : i32
      %mul3A_1221 = arith.constant 64 : i32
      %mul3A_1222 = arith.muli %add3A_1220, %mul3A_1221 : i32
      %add3A_1223 = arith.constant 0 : i32
      %add3A_1224 = arith.addi %mul3A_1222, %add3A_1223 : i32
      %get3A_1225 = arith.index_cast %add3A_1224 : i32 to index
      %get3A_1226 = tpu.vector_load %arg7[%get3A_1225] {strides = array<i32>} : memref<4992xi32, #tpu.memory_space<vmem>>, vector<16xi32>,
      %get3A_1227 = vector.shape_cast %get3A_1226 : vector<16xi32> to vector<16xi32>
      %swap3A_1228 = arith.constant 0 : index
      %swap3A_1229 = tpu.vector_load %arg9[%swap3A_1228] {strides = array<i32>} : memref<64xi32, #tpu.memory_space<vmem>>, vector<16xi32>,
      %swap3A_1230 = vector.shape_cast %swap3A_1229 : vector<16xi32> to vector<16xi32>
      %swap3A_1231 = vector.shape_cast %get3A_1227 : vector<16xi32> to vector<16xi32>
      tpu.vector_store %arg9[%swap3A_1228], %swap3A_1231 {strides = array<i32>} : memref<64xi32, #tpu.memory_space<vmem>>, vector<16xi32>,
      %add3A_1232 = arith.constant 16 : i32
      %add3A_1233 = arith.addi %mul3A_1222, %add3A_1232 : i32
      %get3A_1234 = arith.index_cast %add3A_1233 : i32 to index
      %get3A_1235 = tpu.vector_load %arg7[%get3A_1234] {strides = array<i32>} : memref<4992xi32, #tpu.memory_space<vmem>>, vector<16xi32>,
      %get3A_1236 = vector.shape_cast %get3A_1235 : vector<16xi32> to vector<16xi32>
      %swap3A_1237 = arith.constant 16 : index
      %swap3A_1238 = tpu.vector_load %arg9[%swap3A_1237] {strides = array<i32>} : memref<64xi32, #tpu.memory_space<vmem>>, vector<16xi32>,
      %swap3A_1239 = vector.shape_cast %swap3A_1238 : vector<16xi32> to vector<16xi32>
      %swap3A_1240 = vector.shape_cast %get3A_1236 : vector<16xi32> to vector<16xi32>
      tpu.vector_store %arg9[%swap3A_1237], %swap3A_1240 {strides = array<i32>} : memref<64xi32, #tpu.memory_space<vmem>>, vector<16xi32>,
      %add3A_1241 = arith.constant 32 : i32
      %add3A_1242 = arith.addi %mul3A_1222, %add3A_1241 : i32
      %get3A_1243 = arith.index_cast %add3A_1242 : i32 to index
      %get3A_1244 = tpu.vector_load %arg7[%get3A_1243] {strides = array<i32>} : memref<4992xi32, #tpu.memory_space<vmem>>, vector<16xi32>,
      %get3A_1245 = vector.shape_cast %get3A_1244 : vector<16xi32> to vector<16xi32>
      %swap3A_1246 = arith.constant 32 : index
      %swap3A_1247 = tpu.vector_load %arg9[%swap3A_1246] {strides = array<i32>} : memref<64xi32, #tpu.memory_space<vmem>>, vector<16xi32>,
      %swap3A_1248 = vector.shape_cast %swap3A_1247 : vector<16xi32> to vector<16xi32>
      %swap3A_1249 = vector.shape_cast %get3A_1245 : vector<16xi32> to vector<16xi32>
      tpu.vector_store %arg9[%swap3A_1246], %swap3A_1249 {strides = array<i32>} : memref<64xi32, #tpu.memory_space<vmem>>, vector<16xi32>,
      %add3A_1250 = arith.constant 48 : i32
      %add3A_1251 = arith.addi %mul3A_1222, %add3A_1250 : i32
      %get3A_1252 = arith.index_cast %add3A_1251 : i32 to index
      %get3A_1253 = tpu.vector_load %arg7[%get3A_1252] {strides = array<i32>} : memref<4992xi32, #tpu.memory_space<vmem>>, vector<16xi32>,
      %get3A_1254 = vector.shape_cast %get3A_1253 : vector<16xi32> to vector<16xi32>
      %swap3A_1255 = arith.constant 48 : index
      %swap3A_1256 = tpu.vector_load %arg9[%swap3A_1255] {strides = array<i32>} : memref<64xi32, #tpu.memory_space<vmem>>, vector<16xi32>,
      %swap3A_1257 = vector.shape_cast %swap3A_1256 : vector<16xi32> to vector<16xi32>
      %swap3A_1258 = vector.shape_cast %get3A_1254 : vector<16xi32> to vector<16xi32>
      tpu.vector_store %arg9[%swap3A_1255], %swap3A_1258 {strides = array<i32>} : memref<64xi32, #tpu.memory_space<vmem>>, vector<16xi32>,
      %add3A_1259 = arith.constant 1 : i32
      %add3A_1260 = arith.addi %add3A_1220, %add3A_1259 : i32
      %mul3A_1261 = arith.constant 64 : i32
      %mul3A_1262 = arith.muli %add3A_1260, %mul3A_1261 : i32
      %add3A_1263 = arith.constant 0 : i32
      %add3A_1264 = arith.addi %mul3A_1262, %add3A_1263 : i32
      %get3A_1265 = arith.index_cast %add3A_1264 : i32 to index
      %get3A_1266 = tpu.vector_load %arg7[%get3A_1265] {strides = array<i32>} : memref<4992xi32, #tpu.memory_space<vmem>>, vector<16xi32>,
      %get3A_1267 = vector.shape_cast %get3A_1266 : vector<16xi32> to vector<16xi32>
      %swap3A_1268 = arith.constant 0 : index
      %swap3A_1269 = tpu.vector_load %arg11[%swap3A_1268] {strides = array<i32>} : memref<64xi32, #tpu.memory_space<vmem>>, vector<16xi32>,
      %swap3A_1270 = vector.shape_cast %swap3A_1269 : vector<16xi32> to vector<16xi32>
      %swap3A_1271 = vector.shape_cast %get3A_1267 : vector<16xi32> to vector<16xi32>
      tpu.vector_store %arg11[%swap3A_1268], %swap3A_1271 {strides = array<i32>} : memref<64xi32, #tpu.memory_space<vmem>>, vector<16xi32>,
      %add3A_1272 = arith.constant 16 : i32
      %add3A_1273 = arith.addi %mul3A_1262, %add3A_1272 : i32
      %get3A_1274 = arith.index_cast %add3A_1273 : i32 to index
      %get3A_1275 = tpu.vector_load %arg7[%get3A_1274] {strides = array<i32>} : memref<4992xi32, #tpu.memory_space<vmem>>, vector<16xi32>,
      %get3A_1276 = vector.shape_cast %get3A_1275 : vector<16xi32> to vector<16xi32>
      %swap3A_1277 = arith.constant 16 : index
      %swap3A_1278 = tpu.vector_load %arg11[%swap3A_1277] {strides = array<i32>} : memref<64xi32, #tpu.memory_space<vmem>>, vector<16xi32>,
      %swap3A_1279 = vector.shape_cast %swap3A_1278 : vector<16xi32> to vector<16xi32>
      %swap3A_1280 = vector.shape_cast %get3A_1276 : vector<16xi32> to vector<16xi32>
      tpu.vector_store %arg11[%swap3A_1277], %swap3A_1280 {strides = array<i32>} : memref<64xi32, #tpu.memory_space<vmem>>, vector<16xi32>,
      %add3A_1281 = arith.constant 32 : i32
      %add3A_1282 = arith.addi %mul3A_1262, %add3A_1281 : i32
      %get3A_1283 = arith.index_cast %add3A_1282 : i32 to index
      %get3A_1284 = tpu.vector_load %arg7[%get3A_1283] {strides = array<i32>} : memref<4992xi32, #tpu.memory_space<vmem>>, vector<16xi32>,
      %get3A_1285 = vector.shape_cast %get3A_1284 : vector<16xi32> to vector<16xi32>
      %swap3A_1286 = arith.constant 32 : index
      %swap3A_1287 = tpu.vector_load %arg11[%swap3A_1286] {strides = array<i32>} : memref<64xi32, #tpu.memory_space<vmem>>, vector<16xi32>,
      %swap3A_1288 = vector.shape_cast %swap3A_1287 : vector<16xi32> to vector<16xi32>
      %swap3A_1289 = vector.shape_cast %get3A_1285 : vector<16xi32> to vector<16xi32>
      tpu.vector_store %arg11[%swap3A_1286], %swap3A_1289 {strides = array<i32>} : memref<64xi32, #tpu.memory_space<vmem>>, vector<16xi32>,
      %add3A_1290 = arith.constant 48 : i32
      %add3A_1291 = arith.addi %mul3A_1262, %add3A_1290 : i32
      %get3A_1292 = arith.index_cast %add3A_1291 : i32 to index
      %get3A_1293 = tpu.vector_load %arg7[%get3A_1292] {strides = array<i32>} : memref<4992xi32, #tpu.memory_space<vmem>>, vector<16xi32>,
      %get3A_1294 = vector.shape_cast %get3A_1293 : vector<16xi32> to vector<16xi32>
      %swap3A_1295 = arith.constant 48 : index
      %swap3A_1296 = tpu.vector_load %arg11[%swap3A_1295] {strides = array<i32>} : memref<64xi32, #tpu.memory_space<vmem>>, vector<16xi32>,
      %swap3A_1297 = vector.shape_cast %swap3A_1296 : vector<16xi32> to vector<16xi32>
      %swap3A_1298 = vector.shape_cast %get3A_1294 : vector<16xi32> to vector<16xi32>
      tpu.vector_store %arg11[%swap3A_1295], %swap3A_1298 {strides = array<i32>} : memref<64xi32, #tpu.memory_space<vmem>>, vector<16xi32>,
      %mul3A_1299 = arith.constant 64 : i32
      %mul3A_1300 = arith.muli %add3A_1220, %mul3A_1299 : i32
      %add3A_1301 = arith.constant 0 : i32
      %add3A_1302 = arith.addi %mul3A_1300, %add3A_1301 : i32
      %get3A_1303 = arith.index_cast %add3A_1302 : i32 to index
      %get3A_1304 = tpu.vector_load %arg8[%get3A_1303] {strides = array<i32>} : memref<4992xi32, #tpu.memory_space<vmem>>, vector<16xi32>,
      %get3A_1305 = vector.shape_cast %get3A_1304 : vector<16xi32> to vector<16xi32>
      %swap3A_1306 = arith.constant 0 : index
      %swap3A_1307 = tpu.vector_load %arg10[%swap3A_1306] {strides = array<i32>} : memref<64xi32, #tpu.memory_space<vmem>>, vector<16xi32>,
      %swap3A_1308 = vector.shape_cast %swap3A_1307 : vector<16xi32> to vector<16xi32>
      %swap3A_1309 = vector.shape_cast %get3A_1305 : vector<16xi32> to vector<16xi32>
      tpu.vector_store %arg10[%swap3A_1306], %swap3A_1309 {strides = array<i32>} : memref<64xi32, #tpu.memory_space<vmem>>, vector<16xi32>,
      %add3A_1310 = arith.constant 16 : i32
      %add3A_1311 = arith.addi %mul3A_1300, %add3A_1310 : i32
      %get3A_1312 = arith.index_cast %add3A_1311 : i32 to index
      %get3A_1313 = tpu.vector_load %arg8[%get3A_1312] {strides = array<i32>} : memref<4992xi32, #tpu.memory_space<vmem>>, vector<16xi32>,
      %get3A_1314 = vector.shape_cast %get3A_1313 : vector<16xi32> to vector<16xi32>
      %swap3A_1315 = arith.constant 16 : index
      %swap3A_1316 = tpu.vector_load %arg10[%swap3A_1315] {strides = array<i32>} : memref<64xi32, #tpu.memory_space<vmem>>, vector<16xi32>,
      %swap3A_1317 = vector.shape_cast %swap3A_1316 : vector<16xi32> to vector<16xi32>
      %swap3A_1318 = vector.shape_cast %get3A_1314 : vector<16xi32> to vector<16xi32>
      tpu.vector_store %arg10[%swap3A_1315], %swap3A_1318 {strides = array<i32>} : memref<64xi32, #tpu.memory_space<vmem>>, vector<16xi32>,
      %add3A_1319 = arith.constant 32 : i32
      %add3A_1320 = arith.addi %mul3A_1300, %add3A_1319 : i32
      %get3A_1321 = arith.index_cast %add3A_1320 : i32 to index
      %get3A_1322 = tpu.vector_load %arg8[%get3A_1321] {strides = array<i32>} : memref<4992xi32, #tpu.memory_space<vmem>>, vector<16xi32>,
      %get3A_1323 = vector.shape_cast %get3A_1322 : vector<16xi32> to vector<16xi32>
      %swap3A_1324 = arith.constant 32 : index
      %swap3A_1325 = tpu.vector_load %arg10[%swap3A_1324] {strides = array<i32>} : memref<64xi32, #tpu.memory_space<vmem>>, vector<16xi32>,
      %swap3A_1326 = vector.shape_cast %swap3A_1325 : vector<16xi32> to vector<16xi32>
      %swap3A_1327 = vector.shape_cast %get3A_1323 : vector<16xi32> to vector<16xi32>
      tpu.vector_store %arg10[%swap3A_1324], %swap3A_1327 {strides = array<i32>} : memref<64xi32, #tpu.memory_space<vmem>>, vector<16xi32>,
      %add3A_1328 = arith.constant 48 : i32
      %add3A_1329 = arith.addi %mul3A_1300, %add3A_1328 : i32
      %get3A_1330 = arith.index_cast %add3A_1329 : i32 to index
      %get3A_1331 = tpu.vector_load %arg8[%get3A_1330] {strides = array<i32>} : memref<4992xi32, #tpu.memory_space<vmem>>, vector<16xi32>,
      %get3A_1332 = vector.shape_cast %get3A_1331 : vector<16xi32> to vector<16xi32>
      %swap3A_1333 = arith.constant 48 : index
      %swap3A_1334 = tpu.vector_load %arg10[%swap3A_1333] {strides = array<i32>} : memref<64xi32, #tpu.memory_space<vmem>>, vector<16xi32>,
      %swap3A_1335 = vector.shape_cast %swap3A_1334 : vector<16xi32> to vector<16xi32>
      %swap3A_1336 = vector.shape_cast %get3A_1332 : vector<16xi32> to vector<16xi32>
      tpu.vector_store %arg10[%swap3A_1333], %swap3A_1336 {strides = array<i32>} : memref<64xi32, #tpu.memory_space<vmem>>, vector<16xi32>,
      %add3A_1337 = arith.constant 1 : i32
      %add3A_1338 = arith.addi %add3A_1220, %add3A_1337 : i32
      %mul3A_1339 = arith.constant 64 : i32
      %mul3A_1340 = arith.muli %add3A_1338, %mul3A_1339 : i32
      %add3A_1341 = arith.constant 0 : i32
      %add3A_1342 = arith.addi %mul3A_1340, %add3A_1341 : i32
      %get3A_1343 = arith.index_cast %add3A_1342 : i32 to index
      %get3A_1344 = tpu.vector_load %arg8[%get3A_1343] {strides = array<i32>} : memref<4992xi32, #tpu.memory_space<vmem>>, vector<16xi32>,
      %get3A_1345 = vector.shape_cast %get3A_1344 : vector<16xi32> to vector<16xi32>
      %swap3A_1346 = arith.constant 0 : index
      %swap3A_1347 = tpu.vector_load %arg12[%swap3A_1346] {strides = array<i32>} : memref<64xi32, #tpu.memory_space<vmem>>, vector<16xi32>,
      %swap3A_1348 = vector.shape_cast %swap3A_1347 : vector<16xi32> to vector<16xi32>
      %swap3A_1349 = vector.shape_cast %get3A_1345 : vector<16xi32> to vector<16xi32>
      tpu.vector_store %arg12[%swap3A_1346], %swap3A_1349 {strides = array<i32>} : memref<64xi32, #tpu.memory_space<vmem>>, vector<16xi32>,
      %add3A_1350 = arith.constant 16 : i32
      %add3A_1351 = arith.addi %mul3A_1340, %add3A_1350 : i32
      %get3A_1352 = arith.index_cast %add3A_1351 : i32 to index
      %get3A_1353 = tpu.vector_load %arg8[%get3A_1352] {strides = array<i32>} : memref<4992xi32, #tpu.memory_space<vmem>>, vector<16xi32>,
      %get3A_1354 = vector.shape_cast %get3A_1353 : vector<16xi32> to vector<16xi32>
      %swap3A_1355 = arith.constant 16 : index
      %swap3A_1356 = tpu.vector_load %arg12[%swap3A_1355] {strides = array<i32>} : memref<64xi32, #tpu.memory_space<vmem>>, vector<16xi32>,
      %swap3A_1357 = vector.shape_cast %swap3A_1356 : vector<16xi32> to vector<16xi32>
      %swap3A_1358 = vector.shape_cast %get3A_1354 : vector<16xi32> to vector<16xi32>
      tpu.vector_store %arg12[%swap3A_1355], %swap3A_1358 {strides = array<i32>} : memref<64xi32, #tpu.memory_space<vmem>>, vector<16xi32>,
      %add3A_1359 = arith.constant 32 : i32
      %add3A_1360 = arith.addi %mul3A_1340, %add3A_1359 : i32
      %get3A_1361 = arith.index_cast %add3A_1360 : i32 to index
      %get3A_1362 = tpu.vector_load %arg8[%get3A_1361] {strides = array<i32>} : memref<4992xi32, #tpu.memory_space<vmem>>, vector<16xi32>,
      %get3A_1363 = vector.shape_cast %get3A_1362 : vector<16xi32> to vector<16xi32>
      %swap3A_1364 = arith.constant 32 : index
      %swap3A_1365 = tpu.vector_load %arg12[%swap3A_1364] {strides = array<i32>} : memref<64xi32, #tpu.memory_space<vmem>>, vector<16xi32>,
      %swap3A_1366 = vector.shape_cast %swap3A_1365 : vector<16xi32> to vector<16xi32>
      %swap3A_1367 = vector.shape_cast %get3A_1363 : vector<16xi32> to vector<16xi32>
      tpu.vector_store %arg12[%swap3A_1364], %swap3A_1367 {strides = array<i32>} : memref<64xi32, #tpu.memory_space<vmem>>, vector<16xi32>,
      %add3A_1368 = arith.constant 48 : i32
      %add3A_1369 = arith.addi %mul3A_1340, %add3A_1368 : i32
      %get3A_1370 = arith.index_cast %add3A_1369 : i32 to index
      %get3A_1371 = tpu.vector_load %arg8[%get3A_1370] {strides = array<i32>} : memref<4992xi32, #tpu.memory_space<vmem>>, vector<16xi32>,
      %get3A_1372 = vector.shape_cast %get3A_1371 : vector<16xi32> to vector<16xi32>
      %swap3A_1373 = arith.constant 48 : index
      %swap3A_1374 = tpu.vector_load %arg12[%swap3A_1373] {strides = array<i32>} : memref<64xi32, #tpu.memory_space<vmem>>, vector<16xi32>,
      %swap3A_1375 = vector.shape_cast %swap3A_1374 : vector<16xi32> to vector<16xi32>
      %swap3A_1376 = vector.shape_cast %get3A_1372 : vector<16xi32> to vector<16xi32>
      tpu.vector_store %arg12[%swap3A_1373], %swap3A_1376 {strides = array<i32>} : memref<64xi32, #tpu.memory_space<vmem>>, vector<16xi32>,
      %dma_start3A_1377 = arith.constant 0 : i32
      %dma_start3A_1378 = arith.constant 0 : i32
      %dma_start3A_1379 = tpu.memref_slice %arg4[%dma_start3A_1377, %dma_start3A_1378] : memref<10240x128xf32, #tpu.memory_space<hbm>> -> memref<10240x128xf32, #tpu.memory_space<hbm>>
      tpu.enqueue_indirect_dma source(%dma_start3A_1379 : memref<10240x128xf32, #tpu.memory_space<hbm>>) target(%arg17 : memref<64x128xf32, #tpu.memory_space<vmem>>) offsets(%arg9 : memref<64xi32, #tpu.memory_space<vmem>>) semaphore(%arg24 : memref<!tpu.dma_semaphore, #tpu.memory_space<semaphore_mem>>)
      %dma_start3A_1380 = arith.constant 0 : i32
      %dma_start3A_1381 = arith.constant 0 : i32
      %dma_start3A_1382 = tpu.memref_slice %arg4[%dma_start3A_1380, %dma_start3A_1381] : memref<10240x128xf32, #tpu.memory_space<hbm>> -> memref<10240x128xf32, #tpu.memory_space<hbm>>
      tpu.enqueue_indirect_dma source(%dma_start3A_1382 : memref<10240x128xf32, #tpu.memory_space<hbm>>) target(%arg18 : memref<64x128xf32, #tpu.memory_space<vmem>>) offsets(%arg11 : memref<64xi32, #tpu.memory_space<vmem>>) semaphore(%arg25 : memref<!tpu.dma_semaphore, #tpu.memory_space<semaphore_mem>>)
      %dma_wait3A_1383 = arith.constant 0 : i32
      %dma_wait3A_1384 = arith.constant 0 : i32
      %dma_wait3A_1385 = tpu.memref_slice %arg4[%dma_wait3A_1383, %dma_wait3A_1384] : memref<10240x128xf32, #tpu.memory_space<hbm>> -> memref<10240x128xf32, #tpu.memory_space<hbm>>
      tpu.wait_indirect_dma semaphore(%arg26 : memref<!tpu.dma_semaphore, #tpu.memory_space<semaphore_mem>>) src(%dma_wait3A_1385 : memref<10240x128xf32, #tpu.memory_space<hbm>>) dst(%arg19 : memref<64x128xf32, #tpu.memory_space<vmem>>)
      %dma_start3A_1386 = arith.constant 0 : i32
      %dma_start3A_1387 = arith.constant 0 : i32
      %dma_start3A_1388 = tpu.memref_slice %arg6[%dma_start3A_1386, %dma_start3A_1387] : memref<10240x128xf32, #tpu.memory_space<vmem_shared>> -> memref<10240x128xf32, #tpu.memory_space<vmem_shared>>
      tpu.enqueue_indirect_dma source(%arg19 : memref<64x128xf32, #tpu.memory_space<vmem>>) target(%dma_start3A_1388 : memref<10240x128xf32, #tpu.memory_space<vmem_shared>>) offsets(%arg14 : memref<64xi32, #tpu.memory_space<vmem>>) semaphore(%arg30 : memref<!tpu.dma_semaphore, #tpu.memory_space<semaphore_mem>>) {add = true}
      %dma_wait3A_1389 = arith.constant 0 : i32
      %dma_wait3A_1390 = arith.constant 0 : i32
      %dma_wait3A_1391 = tpu.memref_slice %arg4[%dma_wait3A_1389, %dma_wait3A_1390] : memref<10240x128xf32, #tpu.memory_space<hbm>> -> memref<10240x128xf32, #tpu.memory_space<hbm>>
      tpu.wait_indirect_dma semaphore(%arg27 : memref<!tpu.dma_semaphore, #tpu.memory_space<semaphore_mem>>) src(%dma_wait3A_1391 : memref<10240x128xf32, #tpu.memory_space<hbm>>) dst(%arg20 : memref<64x128xf32, #tpu.memory_space<vmem>>)
      %dma_start3A_1392 = arith.constant 0 : i32
      %dma_start3A_1393 = arith.constant 0 : i32
      %dma_start3A_1394 = tpu.memref_slice %arg6[%dma_start3A_1392, %dma_start3A_1393] : memref<10240x128xf32, #tpu.memory_space<vmem_shared>> -> memref<10240x128xf32, #tpu.memory_space<vmem_shared>>
      tpu.enqueue_indirect_dma source(%arg20 : memref<64x128xf32, #tpu.memory_space<vmem>>) target(%dma_start3A_1394 : memref<10240x128xf32, #tpu.memory_space<vmem_shared>>) offsets(%arg16 : memref<64xi32, #tpu.memory_space<vmem>>) semaphore(%arg31 : memref<!tpu.dma_semaphore, #tpu.memory_space<semaphore_mem>>) {add = true}
      %dma_wait3A_1395 = arith.constant 0 : i32
      %dma_wait3A_1396 = arith.constant 0 : i32
      %dma_wait3A_1397 = tpu.memref_slice %arg6[%dma_wait3A_1395, %dma_wait3A_1396] : memref<10240x128xf32, #tpu.memory_space<vmem_shared>> -> memref<10240x128xf32, #tpu.memory_space<vmem_shared>>
      tpu.wait_indirect_dma semaphore(%arg30 : memref<!tpu.dma_semaphore, #tpu.memory_space<semaphore_mem>>) src(%arg19 : memref<64x128xf32, #tpu.memory_space<vmem>>) dst(%dma_wait3A_1397 : memref<10240x128xf32, #tpu.memory_space<vmem_shared>>)
      %dma_wait3A_1398 = arith.constant 0 : i32
      %dma_wait3A_1399 = arith.constant 0 : i32
      %dma_wait3A_1400 = tpu.memref_slice %arg6[%dma_wait3A_1398, %dma_wait3A_1399] : memref<10240x128xf32, #tpu.memory_space<vmem_shared>> -> memref<10240x128xf32, #tpu.memory_space<vmem_shared>>
      tpu.wait_indirect_dma semaphore(%arg31 : memref<!tpu.dma_semaphore, #tpu.memory_space<semaphore_mem>>) src(%arg20 : memref<64x128xf32, #tpu.memory_space<vmem>>) dst(%dma_wait3A_1400 : memref<10240x128xf32, #tpu.memory_space<vmem_shared>>)
      %add3A_1401 = arith.constant 6 : i32
      %add3A_1402 = arith.addi %mul3A_874, %add3A_1401 : i32
      %mul3A_1403 = arith.constant 64 : i32
      %mul3A_1404 = arith.muli %add3A_1402, %mul3A_1403 : i32
      %add3A_1405 = arith.constant 0 : i32
      %add3A_1406 = arith.addi %mul3A_1404, %add3A_1405 : i32
      %get3A_1407 = arith.index_cast %add3A_1406 : i32 to index
      %get3A_1408 = tpu.vector_load %arg7[%get3A_1407] {strides = array<i32>} : memref<4992xi32, #tpu.memory_space<vmem>>, vector<16xi32>,
      %get3A_1409 = vector.shape_cast %get3A_1408 : vector<16xi32> to vector<16xi32>
      %swap3A_1410 = arith.constant 0 : index
      %swap3A_1411 = tpu.vector_load %arg13[%swap3A_1410] {strides = array<i32>} : memref<64xi32, #tpu.memory_space<vmem>>, vector<16xi32>,
      %swap3A_1412 = vector.shape_cast %swap3A_1411 : vector<16xi32> to vector<16xi32>
      %swap3A_1413 = vector.shape_cast %get3A_1409 : vector<16xi32> to vector<16xi32>
      tpu.vector_store %arg13[%swap3A_1410], %swap3A_1413 {strides = array<i32>} : memref<64xi32, #tpu.memory_space<vmem>>, vector<16xi32>,
      %add3A_1414 = arith.constant 16 : i32
      %add3A_1415 = arith.addi %mul3A_1404, %add3A_1414 : i32
      %get3A_1416 = arith.index_cast %add3A_1415 : i32 to index
      %get3A_1417 = tpu.vector_load %arg7[%get3A_1416] {strides = array<i32>} : memref<4992xi32, #tpu.memory_space<vmem>>, vector<16xi32>,
      %get3A_1418 = vector.shape_cast %get3A_1417 : vector<16xi32> to vector<16xi32>
      %swap3A_1419 = arith.constant 16 : index
      %swap3A_1420 = tpu.vector_load %arg13[%swap3A_1419] {strides = array<i32>} : memref<64xi32, #tpu.memory_space<vmem>>, vector<16xi32>,
      %swap3A_1421 = vector.shape_cast %swap3A_1420 : vector<16xi32> to vector<16xi32>
      %swap3A_1422 = vector.shape_cast %get3A_1418 : vector<16xi32> to vector<16xi32>
      tpu.vector_store %arg13[%swap3A_1419], %swap3A_1422 {strides = array<i32>} : memref<64xi32, #tpu.memory_space<vmem>>, vector<16xi32>,
      %add3A_1423 = arith.constant 32 : i32
      %add3A_1424 = arith.addi %mul3A_1404, %add3A_1423 : i32
      %get3A_1425 = arith.index_cast %add3A_1424 : i32 to index
      %get3A_1426 = tpu.vector_load %arg7[%get3A_1425] {strides = array<i32>} : memref<4992xi32, #tpu.memory_space<vmem>>, vector<16xi32>,
      %get3A_1427 = vector.shape_cast %get3A_1426 : vector<16xi32> to vector<16xi32>
      %swap3A_1428 = arith.constant 32 : index
      %swap3A_1429 = tpu.vector_load %arg13[%swap3A_1428] {strides = array<i32>} : memref<64xi32, #tpu.memory_space<vmem>>, vector<16xi32>,
      %swap3A_1430 = vector.shape_cast %swap3A_1429 : vector<16xi32> to vector<16xi32>
      %swap3A_1431 = vector.shape_cast %get3A_1427 : vector<16xi32> to vector<16xi32>
      tpu.vector_store %arg13[%swap3A_1428], %swap3A_1431 {strides = array<i32>} : memref<64xi32, #tpu.memory_space<vmem>>, vector<16xi32>,
      %add3A_1432 = arith.constant 48 : i32
      %add3A_1433 = arith.addi %mul3A_1404, %add3A_1432 : i32
      %get3A_1434 = arith.index_cast %add3A_1433 : i32 to index
      %get3A_1435 = tpu.vector_load %arg7[%get3A_1434] {strides = array<i32>} : memref<4992xi32, #tpu.memory_space<vmem>>, vector<16xi32>,
      %get3A_1436 = vector.shape_cast %get3A_1435 : vector<16xi32> to vector<16xi32>
      %swap3A_1437 = arith.constant 48 : index
      %swap3A_1438 = tpu.vector_load %arg13[%swap3A_1437] {strides = array<i32>} : memref<64xi32, #tpu.memory_space<vmem>>, vector<16xi32>,
      %swap3A_1439 = vector.shape_cast %swap3A_1438 : vector<16xi32> to vector<16xi32>
      %swap3A_1440 = vector.shape_cast %get3A_1436 : vector<16xi32> to vector<16xi32>
      tpu.vector_store %arg13[%swap3A_1437], %swap3A_1440 {strides = array<i32>} : memref<64xi32, #tpu.memory_space<vmem>>, vector<16xi32>,
      %add3A_1441 = arith.constant 1 : i32
      %add3A_1442 = arith.addi %add3A_1402, %add3A_1441 : i32
      %mul3A_1443 = arith.constant 64 : i32
      %mul3A_1444 = arith.muli %add3A_1442, %mul3A_1443 : i32
      %add3A_1445 = arith.constant 0 : i32
      %add3A_1446 = arith.addi %mul3A_1444, %add3A_1445 : i32
      %get3A_1447 = arith.index_cast %add3A_1446 : i32 to index
      %get3A_1448 = tpu.vector_load %arg7[%get3A_1447] {strides = array<i32>} : memref<4992xi32, #tpu.memory_space<vmem>>, vector<16xi32>,
      %get3A_1449 = vector.shape_cast %get3A_1448 : vector<16xi32> to vector<16xi32>
      %swap3A_1450 = arith.constant 0 : index
      %swap3A_1451 = tpu.vector_load %arg15[%swap3A_1450] {strides = array<i32>} : memref<64xi32, #tpu.memory_space<vmem>>, vector<16xi32>,
      %swap3A_1452 = vector.shape_cast %swap3A_1451 : vector<16xi32> to vector<16xi32>
      %swap3A_1453 = vector.shape_cast %get3A_1449 : vector<16xi32> to vector<16xi32>
      tpu.vector_store %arg15[%swap3A_1450], %swap3A_1453 {strides = array<i32>} : memref<64xi32, #tpu.memory_space<vmem>>, vector<16xi32>,
      %add3A_1454 = arith.constant 16 : i32
      %add3A_1455 = arith.addi %mul3A_1444, %add3A_1454 : i32
      %get3A_1456 = arith.index_cast %add3A_1455 : i32 to index
      %get3A_1457 = tpu.vector_load %arg7[%get3A_1456] {strides = array<i32>} : memref<4992xi32, #tpu.memory_space<vmem>>, vector<16xi32>,
      %get3A_1458 = vector.shape_cast %get3A_1457 : vector<16xi32> to vector<16xi32>
      %swap3A_1459 = arith.constant 16 : index
      %swap3A_1460 = tpu.vector_load %arg15[%swap3A_1459] {strides = array<i32>} : memref<64xi32, #tpu.memory_space<vmem>>, vector<16xi32>,
      %swap3A_1461 = vector.shape_cast %swap3A_1460 : vector<16xi32> to vector<16xi32>
      %swap3A_1462 = vector.shape_cast %get3A_1458 : vector<16xi32> to vector<16xi32>
      tpu.vector_store %arg15[%swap3A_1459], %swap3A_1462 {strides = array<i32>} : memref<64xi32, #tpu.memory_space<vmem>>, vector<16xi32>,
      %add3A_1463 = arith.constant 32 : i32
      %add3A_1464 = arith.addi %mul3A_1444, %add3A_1463 : i32
      %get3A_1465 = arith.index_cast %add3A_1464 : i32 to index
      %get3A_1466 = tpu.vector_load %arg7[%get3A_1465] {strides = array<i32>} : memref<4992xi32, #tpu.memory_space<vmem>>, vector<16xi32>,
      %get3A_1467 = vector.shape_cast %get3A_1466 : vector<16xi32> to vector<16xi32>
      %swap3A_1468 = arith.constant 32 : index
      %swap3A_1469 = tpu.vector_load %arg15[%swap3A_1468] {strides = array<i32>} : memref<64xi32, #tpu.memory_space<vmem>>, vector<16xi32>,
      %swap3A_1470 = vector.shape_cast %swap3A_1469 : vector<16xi32> to vector<16xi32>
      %swap3A_1471 = vector.shape_cast %get3A_1467 : vector<16xi32> to vector<16xi32>
      tpu.vector_store %arg15[%swap3A_1468], %swap3A_1471 {strides = array<i32>} : memref<64xi32, #tpu.memory_space<vmem>>, vector<16xi32>,
      %add3A_1472 = arith.constant 48 : i32
      %add3A_1473 = arith.addi %mul3A_1444, %add3A_1472 : i32
      %get3A_1474 = arith.index_cast %add3A_1473 : i32 to index
      %get3A_1475 = tpu.vector_load %arg7[%get3A_1474] {strides = array<i32>} : memref<4992xi32, #tpu.memory_space<vmem>>, vector<16xi32>,
      %get3A_1476 = vector.shape_cast %get3A_1475 : vector<16xi32> to vector<16xi32>
      %swap3A_1477 = arith.constant 48 : index
      %swap3A_1478 = tpu.vector_load %arg15[%swap3A_1477] {strides = array<i32>} : memref<64xi32, #tpu.memory_space<vmem>>, vector<16xi32>,
      %swap3A_1479 = vector.shape_cast %swap3A_1478 : vector<16xi32> to vector<16xi32>
      %swap3A_1480 = vector.shape_cast %get3A_1476 : vector<16xi32> to vector<16xi32>
      tpu.vector_store %arg15[%swap3A_1477], %swap3A_1480 {strides = array<i32>} : memref<64xi32, #tpu.memory_space<vmem>>, vector<16xi32>,
      %mul3A_1481 = arith.constant 64 : i32
      %mul3A_1482 = arith.muli %add3A_1402, %mul3A_1481 : i32
      %add3A_1483 = arith.constant 0 : i32
      %add3A_1484 = arith.addi %mul3A_1482, %add3A_1483 : i32
      %get3A_1485 = arith.index_cast %add3A_1484 : i32 to index
      %get3A_1486 = tpu.vector_load %arg8[%get3A_1485] {strides = array<i32>} : memref<4992xi32, #tpu.memory_space<vmem>>, vector<16xi32>,
      %get3A_1487 = vector.shape_cast %get3A_1486 : vector<16xi32> to vector<16xi32>
      %swap3A_1488 = arith.constant 0 : index
      %swap3A_1489 = tpu.vector_load %arg14[%swap3A_1488] {strides = array<i32>} : memref<64xi32, #tpu.memory_space<vmem>>, vector<16xi32>,
      %swap3A_1490 = vector.shape_cast %swap3A_1489 : vector<16xi32> to vector<16xi32>
      %swap3A_1491 = vector.shape_cast %get3A_1487 : vector<16xi32> to vector<16xi32>
      tpu.vector_store %arg14[%swap3A_1488], %swap3A_1491 {strides = array<i32>} : memref<64xi32, #tpu.memory_space<vmem>>, vector<16xi32>,
      %add3A_1492 = arith.constant 16 : i32
      %add3A_1493 = arith.addi %mul3A_1482, %add3A_1492 : i32
      %get3A_1494 = arith.index_cast %add3A_1493 : i32 to index
      %get3A_1495 = tpu.vector_load %arg8[%get3A_1494] {strides = array<i32>} : memref<4992xi32, #tpu.memory_space<vmem>>, vector<16xi32>,
      %get3A_1496 = vector.shape_cast %get3A_1495 : vector<16xi32> to vector<16xi32>
      %swap3A_1497 = arith.constant 16 : index
      %swap3A_1498 = tpu.vector_load %arg14[%swap3A_1497] {strides = array<i32>} : memref<64xi32, #tpu.memory_space<vmem>>, vector<16xi32>,
      %swap3A_1499 = vector.shape_cast %swap3A_1498 : vector<16xi32> to vector<16xi32>
      %swap3A_1500 = vector.shape_cast %get3A_1496 : vector<16xi32> to vector<16xi32>
      tpu.vector_store %arg14[%swap3A_1497], %swap3A_1500 {strides = array<i32>} : memref<64xi32, #tpu.memory_space<vmem>>, vector<16xi32>,
      %add3A_1501 = arith.constant 32 : i32
      %add3A_1502 = arith.addi %mul3A_1482, %add3A_1501 : i32
      %get3A_1503 = arith.index_cast %add3A_1502 : i32 to index
      %get3A_1504 = tpu.vector_load %arg8[%get3A_1503] {strides = array<i32>} : memref<4992xi32, #tpu.memory_space<vmem>>, vector<16xi32>,
      %get3A_1505 = vector.shape_cast %get3A_1504 : vector<16xi32> to vector<16xi32>
      %swap3A_1506 = arith.constant 32 : index
      %swap3A_1507 = tpu.vector_load %arg14[%swap3A_1506] {strides = array<i32>} : memref<64xi32, #tpu.memory_space<vmem>>, vector<16xi32>,
      %swap3A_1508 = vector.shape_cast %swap3A_1507 : vector<16xi32> to vector<16xi32>
      %swap3A_1509 = vector.shape_cast %get3A_1505 : vector<16xi32> to vector<16xi32>
      tpu.vector_store %arg14[%swap3A_1506], %swap3A_1509 {strides = array<i32>} : memref<64xi32, #tpu.memory_space<vmem>>, vector<16xi32>,
      %add3A_1510 = arith.constant 48 : i32
      %add3A_1511 = arith.addi %mul3A_1482, %add3A_1510 : i32
      %get3A_1512 = arith.index_cast %add3A_1511 : i32 to index
      %get3A_1513 = tpu.vector_load %arg8[%get3A_1512] {strides = array<i32>} : memref<4992xi32, #tpu.memory_space<vmem>>, vector<16xi32>,
      %get3A_1514 = vector.shape_cast %get3A_1513 : vector<16xi32> to vector<16xi32>
      %swap3A_1515 = arith.constant 48 : index
      %swap3A_1516 = tpu.vector_load %arg14[%swap3A_1515] {strides = array<i32>} : memref<64xi32, #tpu.memory_space<vmem>>, vector<16xi32>,
      %swap3A_1517 = vector.shape_cast %swap3A_1516 : vector<16xi32> to vector<16xi32>
      %swap3A_1518 = vector.shape_cast %get3A_1514 : vector<16xi32> to vector<16xi32>
      tpu.vector_store %arg14[%swap3A_1515], %swap3A_1518 {strides = array<i32>} : memref<64xi32, #tpu.memory_space<vmem>>, vector<16xi32>,
      %add3A_1519 = arith.constant 1 : i32
      %add3A_1520 = arith.addi %add3A_1402, %add3A_1519 : i32
      %mul3A_1521 = arith.constant 64 : i32
      %mul3A_1522 = arith.muli %add3A_1520, %mul3A_1521 : i32
      %add3A_1523 = arith.constant 0 : i32
      %add3A_1524 = arith.addi %mul3A_1522, %add3A_1523 : i32
      %get3A_1525 = arith.index_cast %add3A_1524 : i32 to index
      %get3A_1526 = tpu.vector_load %arg8[%get3A_1525] {strides = array<i32>} : memref<4992xi32, #tpu.memory_space<vmem>>, vector<16xi32>,
      %get3A_1527 = vector.shape_cast %get3A_1526 : vector<16xi32> to vector<16xi32>
      %swap3A_1528 = arith.constant 0 : index
      %swap3A_1529 = tpu.vector_load %arg16[%swap3A_1528] {strides = array<i32>} : memref<64xi32, #tpu.memory_space<vmem>>, vector<16xi32>,
      %swap3A_1530 = vector.shape_cast %swap3A_1529 : vector<16xi32> to vector<16xi32>
      %swap3A_1531 = vector.shape_cast %get3A_1527 : vector<16xi32> to vector<16xi32>
      tpu.vector_store %arg16[%swap3A_1528], %swap3A_1531 {strides = array<i32>} : memref<64xi32, #tpu.memory_space<vmem>>, vector<16xi32>,
      %add3A_1532 = arith.constant 16 : i32
      %add3A_1533 = arith.addi %mul3A_1522, %add3A_1532 : i32
      %get3A_1534 = arith.index_cast %add3A_1533 : i32 to index
      %get3A_1535 = tpu.vector_load %arg8[%get3A_1534] {strides = array<i32>} : memref<4992xi32, #tpu.memory_space<vmem>>, vector<16xi32>,
      %get3A_1536 = vector.shape_cast %get3A_1535 : vector<16xi32> to vector<16xi32>
      %swap3A_1537 = arith.constant 16 : index
      %swap3A_1538 = tpu.vector_load %arg16[%swap3A_1537] {strides = array<i32>} : memref<64xi32, #tpu.memory_space<vmem>>, vector<16xi32>,
      %swap3A_1539 = vector.shape_cast %swap3A_1538 : vector<16xi32> to vector<16xi32>
      %swap3A_1540 = vector.shape_cast %get3A_1536 : vector<16xi32> to vector<16xi32>
      tpu.vector_store %arg16[%swap3A_1537], %swap3A_1540 {strides = array<i32>} : memref<64xi32, #tpu.memory_space<vmem>>, vector<16xi32>,
      %add3A_1541 = arith.constant 32 : i32
      %add3A_1542 = arith.addi %mul3A_1522, %add3A_1541 : i32
      %get3A_1543 = arith.index_cast %add3A_1542 : i32 to index
      %get3A_1544 = tpu.vector_load %arg8[%get3A_1543] {strides = array<i32>} : memref<4992xi32, #tpu.memory_space<vmem>>, vector<16xi32>,
      %get3A_1545 = vector.shape_cast %get3A_1544 : vector<16xi32> to vector<16xi32>
      %swap3A_1546 = arith.constant 32 : index
      %swap3A_1547 = tpu.vector_load %arg16[%swap3A_1546] {strides = array<i32>} : memref<64xi32, #tpu.memory_space<vmem>>, vector<16xi32>,
      %swap3A_1548 = vector.shape_cast %swap3A_1547 : vector<16xi32> to vector<16xi32>
      %swap3A_1549 = vector.shape_cast %get3A_1545 : vector<16xi32> to vector<16xi32>
      tpu.vector_store %arg16[%swap3A_1546], %swap3A_1549 {strides = array<i32>} : memref<64xi32, #tpu.memory_space<vmem>>, vector<16xi32>,
      %add3A_1550 = arith.constant 48 : i32
      %add3A_1551 = arith.addi %mul3A_1522, %add3A_1550 : i32
      %get3A_1552 = arith.index_cast %add3A_1551 : i32 to index
      %get3A_1553 = tpu.vector_load %arg8[%get3A_1552] {strides = array<i32>} : memref<4992xi32, #tpu.memory_space<vmem>>, vector<16xi32>,
      %get3A_1554 = vector.shape_cast %get3A_1553 : vector<16xi32> to vector<16xi32>
      %swap3A_1555 = arith.constant 48 : index
      %swap3A_1556 = tpu.vector_load %arg16[%swap3A_1555] {strides = array<i32>} : memref<64xi32, #tpu.memory_space<vmem>>, vector<16xi32>,
      %swap3A_1557 = vector.shape_cast %swap3A_1556 : vector<16xi32> to vector<16xi32>
      %swap3A_1558 = vector.shape_cast %get3A_1554 : vector<16xi32> to vector<16xi32>
      tpu.vector_store %arg16[%swap3A_1555], %swap3A_1558 {strides = array<i32>} : memref<64xi32, #tpu.memory_space<vmem>>, vector<16xi32>,
      %dma_start3A_1559 = arith.constant 0 : i32
      %dma_start3A_1560 = arith.constant 0 : i32
      %dma_start3A_1561 = tpu.memref_slice %arg4[%dma_start3A_1559, %dma_start3A_1560] : memref<10240x128xf32, #tpu.memory_space<hbm>> -> memref<10240x128xf32, #tpu.memory_space<hbm>>
      tpu.enqueue_indirect_dma source(%dma_start3A_1561 : memref<10240x128xf32, #tpu.memory_space<hbm>>) target(%arg19 : memref<64x128xf32, #tpu.memory_space<vmem>>) offsets(%arg13 : memref<64xi32, #tpu.memory_space<vmem>>) semaphore(%arg26 : memref<!tpu.dma_semaphore, #tpu.memory_space<semaphore_mem>>)
      %dma_start3A_1562 = arith.constant 0 : i32
      %dma_start3A_1563 = arith.constant 0 : i32
      %dma_start3A_1564 = tpu.memref_slice %arg4[%dma_start3A_1562, %dma_start3A_1563] : memref<10240x128xf32, #tpu.memory_space<hbm>> -> memref<10240x128xf32, #tpu.memory_space<hbm>>
      tpu.enqueue_indirect_dma source(%dma_start3A_1564 : memref<10240x128xf32, #tpu.memory_space<hbm>>) target(%arg20 : memref<64x128xf32, #tpu.memory_space<vmem>>) offsets(%arg15 : memref<64xi32, #tpu.memory_space<vmem>>) semaphore(%arg27 : memref<!tpu.dma_semaphore, #tpu.memory_space<semaphore_mem>>)
      %dma_wait3A_1565 = arith.constant 0 : i32
      %dma_wait3A_1566 = arith.constant 0 : i32
      %dma_wait3A_1567 = tpu.memref_slice %arg4[%dma_wait3A_1565, %dma_wait3A_1566] : memref<10240x128xf32, #tpu.memory_space<hbm>> -> memref<10240x128xf32, #tpu.memory_space<hbm>>
      tpu.wait_indirect_dma semaphore(%arg24 : memref<!tpu.dma_semaphore, #tpu.memory_space<semaphore_mem>>) src(%dma_wait3A_1567 : memref<10240x128xf32, #tpu.memory_space<hbm>>) dst(%arg17 : memref<64x128xf32, #tpu.memory_space<vmem>>)
      %dma_start3A_1568 = arith.constant 0 : i32
      %dma_start3A_1569 = arith.constant 0 : i32
      %dma_start3A_1570 = tpu.memref_slice %arg6[%dma_start3A_1568, %dma_start3A_1569] : memref<10240x128xf32, #tpu.memory_space<vmem_shared>> -> memref<10240x128xf32, #tpu.memory_space<vmem_shared>>
      tpu.enqueue_indirect_dma source(%arg17 : memref<64x128xf32, #tpu.memory_space<vmem>>) target(%dma_start3A_1570 : memref<10240x128xf32, #tpu.memory_space<vmem_shared>>) offsets(%arg10 : memref<64xi32, #tpu.memory_space<vmem>>) semaphore(%arg28 : memref<!tpu.dma_semaphore, #tpu.memory_space<semaphore_mem>>) {add = true}
      %dma_wait3A_1571 = arith.constant 0 : i32
      %dma_wait3A_1572 = arith.constant 0 : i32
      %dma_wait3A_1573 = tpu.memref_slice %arg4[%dma_wait3A_1571, %dma_wait3A_1572] : memref<10240x128xf32, #tpu.memory_space<hbm>> -> memref<10240x128xf32, #tpu.memory_space<hbm>>
      tpu.wait_indirect_dma semaphore(%arg25 : memref<!tpu.dma_semaphore, #tpu.memory_space<semaphore_mem>>) src(%dma_wait3A_1573 : memref<10240x128xf32, #tpu.memory_space<hbm>>) dst(%arg18 : memref<64x128xf32, #tpu.memory_space<vmem>>)
      %dma_start3A_1574 = arith.constant 0 : i32
      %dma_start3A_1575 = arith.constant 0 : i32
      %dma_start3A_1576 = tpu.memref_slice %arg6[%dma_start3A_1574, %dma_start3A_1575] : memref<10240x128xf32, #tpu.memory_space<vmem_shared>> -> memref<10240x128xf32, #tpu.memory_space<vmem_shared>>
      tpu.enqueue_indirect_dma source(%arg18 : memref<64x128xf32, #tpu.memory_space<vmem>>) target(%dma_start3A_1576 : memref<10240x128xf32, #tpu.memory_space<vmem_shared>>) offsets(%arg12 : memref<64xi32, #tpu.memory_space<vmem>>) semaphore(%arg29 : memref<!tpu.dma_semaphore, #tpu.memory_space<semaphore_mem>>) {add = true}
      %dma_wait3A_1577 = arith.constant 0 : i32
      %dma_wait3A_1578 = arith.constant 0 : i32
      %dma_wait3A_1579 = tpu.memref_slice %arg6[%dma_wait3A_1577, %dma_wait3A_1578] : memref<10240x128xf32, #tpu.memory_space<vmem_shared>> -> memref<10240x128xf32, #tpu.memory_space<vmem_shared>>
      tpu.wait_indirect_dma semaphore(%arg28 : memref<!tpu.dma_semaphore, #tpu.memory_space<semaphore_mem>>) src(%arg17 : memref<64x128xf32, #tpu.memory_space<vmem>>) dst(%dma_wait3A_1579 : memref<10240x128xf32, #tpu.memory_space<vmem_shared>>)
      %dma_wait3A_1580 = arith.constant 0 : i32
      %dma_wait3A_1581 = arith.constant 0 : i32
      %dma_wait3A_1582 = tpu.memref_slice %arg6[%dma_wait3A_1580, %dma_wait3A_1581] : memref<10240x128xf32, #tpu.memory_space<vmem_shared>> -> memref<10240x128xf32, #tpu.memory_space<vmem_shared>>
      tpu.wait_indirect_dma semaphore(%arg29 : memref<!tpu.dma_semaphore, #tpu.memory_space<semaphore_mem>>) src(%arg18 : memref<64x128xf32, #tpu.memory_space<vmem>>) dst(%dma_wait3A_1582 : memref<10240x128xf32, #tpu.memory_space<vmem_shared>>)
      %dma_wait3A_1583 = arith.constant 0 : i32
      %dma_wait3A_1584 = arith.constant 0 : i32
      %dma_wait3A_1585 = tpu.memref_slice %arg4[%dma_wait3A_1583, %dma_wait3A_1584] : memref<10240x128xf32, #tpu.memory_space<hbm>> -> memref<10240x128xf32, #tpu.memory_space<hbm>>
      tpu.wait_indirect_dma semaphore(%arg26 : memref<!tpu.dma_semaphore, #tpu.memory_space<semaphore_mem>>) src(%dma_wait3A_1585 : memref<10240x128xf32, #tpu.memory_space<hbm>>) dst(%arg19 : memref<64x128xf32, #tpu.memory_space<vmem>>)
      %dma_start3A_1586 = arith.constant 0 : i32
      %dma_start3A_1587 = arith.constant 0 : i32
      %dma_start3A_1588 = tpu.memref_slice %arg6[%dma_start3A_1586, %dma_start3A_1587] : memref<10240x128xf32, #tpu.memory_space<vmem_shared>> -> memref<10240x128xf32, #tpu.memory_space<vmem_shared>>
      tpu.enqueue_indirect_dma source(%arg19 : memref<64x128xf32, #tpu.memory_space<vmem>>) target(%dma_start3A_1588 : memref<10240x128xf32, #tpu.memory_space<vmem_shared>>) offsets(%arg14 : memref<64xi32, #tpu.memory_space<vmem>>) semaphore(%arg30 : memref<!tpu.dma_semaphore, #tpu.memory_space<semaphore_mem>>) {add = true}
      %dma_wait3A_1589 = arith.constant 0 : i32
      %dma_wait3A_1590 = arith.constant 0 : i32
      %dma_wait3A_1591 = tpu.memref_slice %arg4[%dma_wait3A_1589, %dma_wait3A_1590] : memref<10240x128xf32, #tpu.memory_space<hbm>> -> memref<10240x128xf32, #tpu.memory_space<hbm>>
      tpu.wait_indirect_dma semaphore(%arg27 : memref<!tpu.dma_semaphore, #tpu.memory_space<semaphore_mem>>) src(%dma_wait3A_1591 : memref<10240x128xf32, #tpu.memory_space<hbm>>) dst(%arg20 : memref<64x128xf32, #tpu.memory_space<vmem>>)
      %dma_start3A_1592 = arith.constant 0 : i32
      %dma_start3A_1593 = arith.constant 0 : i32
      %dma_start3A_1594 = tpu.memref_slice %arg6[%dma_start3A_1592, %dma_start3A_1593] : memref<10240x128xf32, #tpu.memory_space<vmem_shared>> -> memref<10240x128xf32, #tpu.memory_space<vmem_shared>>
      tpu.enqueue_indirect_dma source(%arg20 : memref<64x128xf32, #tpu.memory_space<vmem>>) target(%dma_start3A_1594 : memref<10240x128xf32, #tpu.memory_space<vmem_shared>>) offsets(%arg16 : memref<64xi32, #tpu.memory_space<vmem>>) semaphore(%arg31 : memref<!tpu.dma_semaphore, #tpu.memory_space<semaphore_mem>>) {add = true}
      %dma_wait3A_1595 = arith.constant 0 : i32
      %dma_wait3A_1596 = arith.constant 0 : i32
      %dma_wait3A_1597 = tpu.memref_slice %arg6[%dma_wait3A_1595, %dma_wait3A_1596] : memref<10240x128xf32, #tpu.memory_space<vmem_shared>> -> memref<10240x128xf32, #tpu.memory_space<vmem_shared>>
      tpu.wait_indirect_dma semaphore(%arg30 : memref<!tpu.dma_semaphore, #tpu.memory_space<semaphore_mem>>) src(%arg19 : memref<64x128xf32, #tpu.memory_space<vmem>>) dst(%dma_wait3A_1597 : memref<10240x128xf32, #tpu.memory_space<vmem_shared>>)
      %dma_wait3A_1598 = arith.constant 0 : i32
      %dma_wait3A_1599 = arith.constant 0 : i32
      %dma_wait3A_1600 = tpu.memref_slice %arg6[%dma_wait3A_1598, %dma_wait3A_1599] : memref<10240x128xf32, #tpu.memory_space<vmem_shared>> -> memref<10240x128xf32, #tpu.memory_space<vmem_shared>>
      tpu.wait_indirect_dma semaphore(%arg31 : memref<!tpu.dma_semaphore, #tpu.memory_space<semaphore_mem>>) src(%arg20 : memref<64x128xf32, #tpu.memory_space<vmem>>) dst(%dma_wait3A_1600 : memref<10240x128xf32, #tpu.memory_space<vmem_shared>>)
    }
    %scan3A_454 = arith.constant 9 : i32
    %get3A_455 = arith.constant 4608 : index
    %get3A_456 = tpu.vector_load %arg7[%get3A_455] {strides = array<i32>} : memref<4992xi32, #tpu.memory_space<vmem>>, vector<16xi32>,
    %get3A_457 = vector.shape_cast %get3A_456 : vector<16xi32> to vector<16xi32>
    %swap3A_458 = arith.constant 0 : index
    %swap3A_459 = tpu.vector_load %arg9[%swap3A_458] {strides = array<i32>} : memref<64xi32, #tpu.memory_space<vmem>>, vector<16xi32>,
    %swap3A_460 = vector.shape_cast %swap3A_459 : vector<16xi32> to vector<16xi32>
    %swap3A_461 = vector.shape_cast %get3A_457 : vector<16xi32> to vector<16xi32>
    tpu.vector_store %arg9[%swap3A_458], %swap3A_461 {strides = array<i32>} : memref<64xi32, #tpu.memory_space<vmem>>, vector<16xi32>,
    %get3A_462 = arith.constant 4624 : index
    %get3A_463 = tpu.vector_load %arg7[%get3A_462] {strides = array<i32>} : memref<4992xi32, #tpu.memory_space<vmem>>, vector<16xi32>,
    %get3A_464 = vector.shape_cast %get3A_463 : vector<16xi32> to vector<16xi32>
    %swap3A_465 = arith.constant 16 : index
    %swap3A_466 = tpu.vector_load %arg9[%swap3A_465] {strides = array<i32>} : memref<64xi32, #tpu.memory_space<vmem>>, vector<16xi32>,
    %swap3A_467 = vector.shape_cast %swap3A_466 : vector<16xi32> to vector<16xi32>
    %swap3A_468 = vector.shape_cast %get3A_464 : vector<16xi32> to vector<16xi32>
    tpu.vector_store %arg9[%swap3A_465], %swap3A_468 {strides = array<i32>} : memref<64xi32, #tpu.memory_space<vmem>>, vector<16xi32>,
    %get3A_469 = arith.constant 4640 : index
    %get3A_470 = tpu.vector_load %arg7[%get3A_469] {strides = array<i32>} : memref<4992xi32, #tpu.memory_space<vmem>>, vector<16xi32>,
    %get3A_471 = vector.shape_cast %get3A_470 : vector<16xi32> to vector<16xi32>
    %swap3A_472 = arith.constant 32 : index
    %swap3A_473 = tpu.vector_load %arg9[%swap3A_472] {strides = array<i32>} : memref<64xi32, #tpu.memory_space<vmem>>, vector<16xi32>,
    %swap3A_474 = vector.shape_cast %swap3A_473 : vector<16xi32> to vector<16xi32>
    %swap3A_475 = vector.shape_cast %get3A_471 : vector<16xi32> to vector<16xi32>
    tpu.vector_store %arg9[%swap3A_472], %swap3A_475 {strides = array<i32>} : memref<64xi32, #tpu.memory_space<vmem>>, vector<16xi32>,
    %get3A_476 = arith.constant 4656 : index
    %get3A_477 = tpu.vector_load %arg7[%get3A_476] {strides = array<i32>} : memref<4992xi32, #tpu.memory_space<vmem>>, vector<16xi32>,
    %get3A_478 = vector.shape_cast %get3A_477 : vector<16xi32> to vector<16xi32>
    %swap3A_479 = arith.constant 48 : index
    %swap3A_480 = tpu.vector_load %arg9[%swap3A_479] {strides = array<i32>} : memref<64xi32, #tpu.memory_space<vmem>>, vector<16xi32>,
    %swap3A_481 = vector.shape_cast %swap3A_480 : vector<16xi32> to vector<16xi32>
    %swap3A_482 = vector.shape_cast %get3A_478 : vector<16xi32> to vector<16xi32>
    tpu.vector_store %arg9[%swap3A_479], %swap3A_482 {strides = array<i32>} : memref<64xi32, #tpu.memory_space<vmem>>, vector<16xi32>,
    %get3A_483 = arith.constant 4672 : index
    %get3A_484 = tpu.vector_load %arg7[%get3A_483] {strides = array<i32>} : memref<4992xi32, #tpu.memory_space<vmem>>, vector<16xi32>,
    %get3A_485 = vector.shape_cast %get3A_484 : vector<16xi32> to vector<16xi32>
    %swap3A_486 = arith.constant 0 : index
    %swap3A_487 = tpu.vector_load %arg11[%swap3A_486] {strides = array<i32>} : memref<64xi32, #tpu.memory_space<vmem>>, vector<16xi32>,
    %swap3A_488 = vector.shape_cast %swap3A_487 : vector<16xi32> to vector<16xi32>
    %swap3A_489 = vector.shape_cast %get3A_485 : vector<16xi32> to vector<16xi32>
    tpu.vector_store %arg11[%swap3A_486], %swap3A_489 {strides = array<i32>} : memref<64xi32, #tpu.memory_space<vmem>>, vector<16xi32>,
    %get3A_490 = arith.constant 4688 : index
    %get3A_491 = tpu.vector_load %arg7[%get3A_490] {strides = array<i32>} : memref<4992xi32, #tpu.memory_space<vmem>>, vector<16xi32>,
    %get3A_492 = vector.shape_cast %get3A_491 : vector<16xi32> to vector<16xi32>
    %swap3A_493 = arith.constant 16 : index
    %swap3A_494 = tpu.vector_load %arg11[%swap3A_493] {strides = array<i32>} : memref<64xi32, #tpu.memory_space<vmem>>, vector<16xi32>,
    %swap3A_495 = vector.shape_cast %swap3A_494 : vector<16xi32> to vector<16xi32>
    %swap3A_496 = vector.shape_cast %get3A_492 : vector<16xi32> to vector<16xi32>
    tpu.vector_store %arg11[%swap3A_493], %swap3A_496 {strides = array<i32>} : memref<64xi32, #tpu.memory_space<vmem>>, vector<16xi32>,
    %get3A_497 = arith.constant 4704 : index
    %get3A_498 = tpu.vector_load %arg7[%get3A_497] {strides = array<i32>} : memref<4992xi32, #tpu.memory_space<vmem>>, vector<16xi32>,
    %get3A_499 = vector.shape_cast %get3A_498 : vector<16xi32> to vector<16xi32>
    %swap3A_500 = arith.constant 32 : index
    %swap3A_501 = tpu.vector_load %arg11[%swap3A_500] {strides = array<i32>} : memref<64xi32, #tpu.memory_space<vmem>>, vector<16xi32>,
    %swap3A_502 = vector.shape_cast %swap3A_501 : vector<16xi32> to vector<16xi32>
    %swap3A_503 = vector.shape_cast %get3A_499 : vector<16xi32> to vector<16xi32>
    tpu.vector_store %arg11[%swap3A_500], %swap3A_503 {strides = array<i32>} : memref<64xi32, #tpu.memory_space<vmem>>, vector<16xi32>,
    %get3A_504 = arith.constant 4720 : index
    %get3A_505 = tpu.vector_load %arg7[%get3A_504] {strides = array<i32>} : memref<4992xi32, #tpu.memory_space<vmem>>, vector<16xi32>,
    %get3A_506 = vector.shape_cast %get3A_505 : vector<16xi32> to vector<16xi32>
    %swap3A_507 = arith.constant 48 : index
    %swap3A_508 = tpu.vector_load %arg11[%swap3A_507] {strides = array<i32>} : memref<64xi32, #tpu.memory_space<vmem>>, vector<16xi32>,
    %swap3A_509 = vector.shape_cast %swap3A_508 : vector<16xi32> to vector<16xi32>
    %swap3A_510 = vector.shape_cast %get3A_506 : vector<16xi32> to vector<16xi32>
    tpu.vector_store %arg11[%swap3A_507], %swap3A_510 {strides = array<i32>} : memref<64xi32, #tpu.memory_space<vmem>>, vector<16xi32>,
    %get3A_511 = arith.constant 4608 : index
    %get3A_512 = tpu.vector_load %arg8[%get3A_511] {strides = array<i32>} : memref<4992xi32, #tpu.memory_space<vmem>>, vector<16xi32>,
    %get3A_513 = vector.shape_cast %get3A_512 : vector<16xi32> to vector<16xi32>
    %swap3A_514 = arith.constant 0 : index
    %swap3A_515 = tpu.vector_load %arg10[%swap3A_514] {strides = array<i32>} : memref<64xi32, #tpu.memory_space<vmem>>, vector<16xi32>,
    %swap3A_516 = vector.shape_cast %swap3A_515 : vector<16xi32> to vector<16xi32>
    %swap3A_517 = vector.shape_cast %get3A_513 : vector<16xi32> to vector<16xi32>
    tpu.vector_store %arg10[%swap3A_514], %swap3A_517 {strides = array<i32>} : memref<64xi32, #tpu.memory_space<vmem>>, vector<16xi32>,
    %get3A_518 = arith.constant 4624 : index
    %get3A_519 = tpu.vector_load %arg8[%get3A_518] {strides = array<i32>} : memref<4992xi32, #tpu.memory_space<vmem>>, vector<16xi32>,
    %get3A_520 = vector.shape_cast %get3A_519 : vector<16xi32> to vector<16xi32>
    %swap3A_521 = arith.constant 16 : index
    %swap3A_522 = tpu.vector_load %arg10[%swap3A_521] {strides = array<i32>} : memref<64xi32, #tpu.memory_space<vmem>>, vector<16xi32>,
    %swap3A_523 = vector.shape_cast %swap3A_522 : vector<16xi32> to vector<16xi32>
    %swap3A_524 = vector.shape_cast %get3A_520 : vector<16xi32> to vector<16xi32>
    tpu.vector_store %arg10[%swap3A_521], %swap3A_524 {strides = array<i32>} : memref<64xi32, #tpu.memory_space<vmem>>, vector<16xi32>,
    %get3A_525 = arith.constant 4640 : index
    %get3A_526 = tpu.vector_load %arg8[%get3A_525] {strides = array<i32>} : memref<4992xi32, #tpu.memory_space<vmem>>, vector<16xi32>,
    %get3A_527 = vector.shape_cast %get3A_526 : vector<16xi32> to vector<16xi32>
    %swap3A_528 = arith.constant 32 : index
    %swap3A_529 = tpu.vector_load %arg10[%swap3A_528] {strides = array<i32>} : memref<64xi32, #tpu.memory_space<vmem>>, vector<16xi32>,
    %swap3A_530 = vector.shape_cast %swap3A_529 : vector<16xi32> to vector<16xi32>
    %swap3A_531 = vector.shape_cast %get3A_527 : vector<16xi32> to vector<16xi32>
    tpu.vector_store %arg10[%swap3A_528], %swap3A_531 {strides = array<i32>} : memref<64xi32, #tpu.memory_space<vmem>>, vector<16xi32>,
    %get3A_532 = arith.constant 4656 : index
    %get3A_533 = tpu.vector_load %arg8[%get3A_532] {strides = array<i32>} : memref<4992xi32, #tpu.memory_space<vmem>>, vector<16xi32>,
    %get3A_534 = vector.shape_cast %get3A_533 : vector<16xi32> to vector<16xi32>
    %swap3A_535 = arith.constant 48 : index
    %swap3A_536 = tpu.vector_load %arg10[%swap3A_535] {strides = array<i32>} : memref<64xi32, #tpu.memory_space<vmem>>, vector<16xi32>,
    %swap3A_537 = vector.shape_cast %swap3A_536 : vector<16xi32> to vector<16xi32>
    %swap3A_538 = vector.shape_cast %get3A_534 : vector<16xi32> to vector<16xi32>
    tpu.vector_store %arg10[%swap3A_535], %swap3A_538 {strides = array<i32>} : memref<64xi32, #tpu.memory_space<vmem>>, vector<16xi32>,
    %get3A_539 = arith.constant 4672 : index
    %get3A_540 = tpu.vector_load %arg8[%get3A_539] {strides = array<i32>} : memref<4992xi32, #tpu.memory_space<vmem>>, vector<16xi32>,
    %get3A_541 = vector.shape_cast %get3A_540 : vector<16xi32> to vector<16xi32>
    %swap3A_542 = arith.constant 0 : index
    %swap3A_543 = tpu.vector_load %arg12[%swap3A_542] {strides = array<i32>} : memref<64xi32, #tpu.memory_space<vmem>>, vector<16xi32>,
    %swap3A_544 = vector.shape_cast %swap3A_543 : vector<16xi32> to vector<16xi32>
    %swap3A_545 = vector.shape_cast %get3A_541 : vector<16xi32> to vector<16xi32>
    tpu.vector_store %arg12[%swap3A_542], %swap3A_545 {strides = array<i32>} : memref<64xi32, #tpu.memory_space<vmem>>, vector<16xi32>,
    %get3A_546 = arith.constant 4688 : index
    %get3A_547 = tpu.vector_load %arg8[%get3A_546] {strides = array<i32>} : memref<4992xi32, #tpu.memory_space<vmem>>, vector<16xi32>,
    %get3A_548 = vector.shape_cast %get3A_547 : vector<16xi32> to vector<16xi32>
    %swap3A_549 = arith.constant 16 : index
    %swap3A_550 = tpu.vector_load %arg12[%swap3A_549] {strides = array<i32>} : memref<64xi32, #tpu.memory_space<vmem>>, vector<16xi32>,
    %swap3A_551 = vector.shape_cast %swap3A_550 : vector<16xi32> to vector<16xi32>
    %swap3A_552 = vector.shape_cast %get3A_548 : vector<16xi32> to vector<16xi32>
    tpu.vector_store %arg12[%swap3A_549], %swap3A_552 {strides = array<i32>} : memref<64xi32, #tpu.memory_space<vmem>>, vector<16xi32>,
    %get3A_553 = arith.constant 4704 : index
    %get3A_554 = tpu.vector_load %arg8[%get3A_553] {strides = array<i32>} : memref<4992xi32, #tpu.memory_space<vmem>>, vector<16xi32>,
    %get3A_555 = vector.shape_cast %get3A_554 : vector<16xi32> to vector<16xi32>
    %swap3A_556 = arith.constant 32 : index
    %swap3A_557 = tpu.vector_load %arg12[%swap3A_556] {strides = array<i32>} : memref<64xi32, #tpu.memory_space<vmem>>, vector<16xi32>,
    %swap3A_558 = vector.shape_cast %swap3A_557 : vector<16xi32> to vector<16xi32>
    %swap3A_559 = vector.shape_cast %get3A_555 : vector<16xi32> to vector<16xi32>
    tpu.vector_store %arg12[%swap3A_556], %swap3A_559 {strides = array<i32>} : memref<64xi32, #tpu.memory_space<vmem>>, vector<16xi32>,
    %get3A_560 = arith.constant 4720 : index
    %get3A_561 = tpu.vector_load %arg8[%get3A_560] {strides = array<i32>} : memref<4992xi32, #tpu.memory_space<vmem>>, vector<16xi32>,
    %get3A_562 = vector.shape_cast %get3A_561 : vector<16xi32> to vector<16xi32>
    %swap3A_563 = arith.constant 48 : index
    %swap3A_564 = tpu.vector_load %arg12[%swap3A_563] {strides = array<i32>} : memref<64xi32, #tpu.memory_space<vmem>>, vector<16xi32>,
    %swap3A_565 = vector.shape_cast %swap3A_564 : vector<16xi32> to vector<16xi32>
    %swap3A_566 = vector.shape_cast %get3A_562 : vector<16xi32> to vector<16xi32>
    tpu.vector_store %arg12[%swap3A_563], %swap3A_566 {strides = array<i32>} : memref<64xi32, #tpu.memory_space<vmem>>, vector<16xi32>,
    %dma_start3A_567 = arith.constant 0 : i32
    %dma_start3A_568 = arith.constant 0 : i32
    %dma_start3A_569 = tpu.memref_slice %arg4[%dma_start3A_567, %dma_start3A_568] : memref<10240x128xf32, #tpu.memory_space<hbm>> -> memref<10240x128xf32, #tpu.memory_space<hbm>>
    tpu.enqueue_indirect_dma source(%dma_start3A_569 : memref<10240x128xf32, #tpu.memory_space<hbm>>) target(%arg17 : memref<64x128xf32, #tpu.memory_space<vmem>>) offsets(%arg9 : memref<64xi32, #tpu.memory_space<vmem>>) semaphore(%arg24 : memref<!tpu.dma_semaphore, #tpu.memory_space<semaphore_mem>>)
    %dma_start3A_570 = arith.constant 0 : i32
    %dma_start3A_571 = arith.constant 0 : i32
    %dma_start3A_572 = tpu.memref_slice %arg4[%dma_start3A_570, %dma_start3A_571] : memref<10240x128xf32, #tpu.memory_space<hbm>> -> memref<10240x128xf32, #tpu.memory_space<hbm>>
    tpu.enqueue_indirect_dma source(%dma_start3A_572 : memref<10240x128xf32, #tpu.memory_space<hbm>>) target(%arg18 : memref<64x128xf32, #tpu.memory_space<vmem>>) offsets(%arg11 : memref<64xi32, #tpu.memory_space<vmem>>) semaphore(%arg25 : memref<!tpu.dma_semaphore, #tpu.memory_space<semaphore_mem>>)
    %get3A_573 = arith.constant 4736 : index
    %get3A_574 = tpu.vector_load %arg7[%get3A_573] {strides = array<i32>} : memref<4992xi32, #tpu.memory_space<vmem>>, vector<16xi32>,
    %get3A_575 = vector.shape_cast %get3A_574 : vector<16xi32> to vector<16xi32>
    %swap3A_576 = arith.constant 0 : index
    %swap3A_577 = tpu.vector_load %arg13[%swap3A_576] {strides = array<i32>} : memref<64xi32, #tpu.memory_space<vmem>>, vector<16xi32>,
    %swap3A_578 = vector.shape_cast %swap3A_577 : vector<16xi32> to vector<16xi32>
    %swap3A_579 = vector.shape_cast %get3A_575 : vector<16xi32> to vector<16xi32>
    tpu.vector_store %arg13[%swap3A_576], %swap3A_579 {strides = array<i32>} : memref<64xi32, #tpu.memory_space<vmem>>, vector<16xi32>,
    %get3A_580 = arith.constant 4752 : index
    %get3A_581 = tpu.vector_load %arg7[%get3A_580] {strides = array<i32>} : memref<4992xi32, #tpu.memory_space<vmem>>, vector<16xi32>,
    %get3A_582 = vector.shape_cast %get3A_581 : vector<16xi32> to vector<16xi32>
    %swap3A_583 = arith.constant 16 : index
    %swap3A_584 = tpu.vector_load %arg13[%swap3A_583] {strides = array<i32>} : memref<64xi32, #tpu.memory_space<vmem>>, vector<16xi32>,
    %swap3A_585 = vector.shape_cast %swap3A_584 : vector<16xi32> to vector<16xi32>
    %swap3A_586 = vector.shape_cast %get3A_582 : vector<16xi32> to vector<16xi32>
    tpu.vector_store %arg13[%swap3A_583], %swap3A_586 {strides = array<i32>} : memref<64xi32, #tpu.memory_space<vmem>>, vector<16xi32>,
    %get3A_587 = arith.constant 4768 : index
    %get3A_588 = tpu.vector_load %arg7[%get3A_587] {strides = array<i32>} : memref<4992xi32, #tpu.memory_space<vmem>>, vector<16xi32>,
    %get3A_589 = vector.shape_cast %get3A_588 : vector<16xi32> to vector<16xi32>
    %swap3A_590 = arith.constant 32 : index
    %swap3A_591 = tpu.vector_load %arg13[%swap3A_590] {strides = array<i32>} : memref<64xi32, #tpu.memory_space<vmem>>, vector<16xi32>,
    %swap3A_592 = vector.shape_cast %swap3A_591 : vector<16xi32> to vector<16xi32>
    %swap3A_593 = vector.shape_cast %get3A_589 : vector<16xi32> to vector<16xi32>
    tpu.vector_store %arg13[%swap3A_590], %swap3A_593 {strides = array<i32>} : memref<64xi32, #tpu.memory_space<vmem>>, vector<16xi32>,
    %get3A_594 = arith.constant 4784 : index
    %get3A_595 = tpu.vector_load %arg7[%get3A_594] {strides = array<i32>} : memref<4992xi32, #tpu.memory_space<vmem>>, vector<16xi32>,
    %get3A_596 = vector.shape_cast %get3A_595 : vector<16xi32> to vector<16xi32>
    %swap3A_597 = arith.constant 48 : index
    %swap3A_598 = tpu.vector_load %arg13[%swap3A_597] {strides = array<i32>} : memref<64xi32, #tpu.memory_space<vmem>>, vector<16xi32>,
    %swap3A_599 = vector.shape_cast %swap3A_598 : vector<16xi32> to vector<16xi32>
    %swap3A_600 = vector.shape_cast %get3A_596 : vector<16xi32> to vector<16xi32>
    tpu.vector_store %arg13[%swap3A_597], %swap3A_600 {strides = array<i32>} : memref<64xi32, #tpu.memory_space<vmem>>, vector<16xi32>,
    %get3A_601 = arith.constant 4800 : index
    %get3A_602 = tpu.vector_load %arg7[%get3A_601] {strides = array<i32>} : memref<4992xi32, #tpu.memory_space<vmem>>, vector<16xi32>,
    %get3A_603 = vector.shape_cast %get3A_602 : vector<16xi32> to vector<16xi32>
    %swap3A_604 = arith.constant 0 : index
    %swap3A_605 = tpu.vector_load %arg15[%swap3A_604] {strides = array<i32>} : memref<64xi32, #tpu.memory_space<vmem>>, vector<16xi32>,
    %swap3A_606 = vector.shape_cast %swap3A_605 : vector<16xi32> to vector<16xi32>
    %swap3A_607 = vector.shape_cast %get3A_603 : vector<16xi32> to vector<16xi32>
    tpu.vector_store %arg15[%swap3A_604], %swap3A_607 {strides = array<i32>} : memref<64xi32, #tpu.memory_space<vmem>>, vector<16xi32>,
    %get3A_608 = arith.constant 4816 : index
    %get3A_609 = tpu.vector_load %arg7[%get3A_608] {strides = array<i32>} : memref<4992xi32, #tpu.memory_space<vmem>>, vector<16xi32>,
    %get3A_610 = vector.shape_cast %get3A_609 : vector<16xi32> to vector<16xi32>
    %swap3A_611 = arith.constant 16 : index
    %swap3A_612 = tpu.vector_load %arg15[%swap3A_611] {strides = array<i32>} : memref<64xi32, #tpu.memory_space<vmem>>, vector<16xi32>,
    %swap3A_613 = vector.shape_cast %swap3A_612 : vector<16xi32> to vector<16xi32>
    %swap3A_614 = vector.shape_cast %get3A_610 : vector<16xi32> to vector<16xi32>
    tpu.vector_store %arg15[%swap3A_611], %swap3A_614 {strides = array<i32>} : memref<64xi32, #tpu.memory_space<vmem>>, vector<16xi32>,
    %get3A_615 = arith.constant 4832 : index
    %get3A_616 = tpu.vector_load %arg7[%get3A_615] {strides = array<i32>} : memref<4992xi32, #tpu.memory_space<vmem>>, vector<16xi32>,
    %get3A_617 = vector.shape_cast %get3A_616 : vector<16xi32> to vector<16xi32>
    %swap3A_618 = arith.constant 32 : index
    %swap3A_619 = tpu.vector_load %arg15[%swap3A_618] {strides = array<i32>} : memref<64xi32, #tpu.memory_space<vmem>>, vector<16xi32>,
    %swap3A_620 = vector.shape_cast %swap3A_619 : vector<16xi32> to vector<16xi32>
    %swap3A_621 = vector.shape_cast %get3A_617 : vector<16xi32> to vector<16xi32>
    tpu.vector_store %arg15[%swap3A_618], %swap3A_621 {strides = array<i32>} : memref<64xi32, #tpu.memory_space<vmem>>, vector<16xi32>,
    %get3A_622 = arith.constant 4848 : index
    %get3A_623 = tpu.vector_load %arg7[%get3A_622] {strides = array<i32>} : memref<4992xi32, #tpu.memory_space<vmem>>, vector<16xi32>,
    %get3A_624 = vector.shape_cast %get3A_623 : vector<16xi32> to vector<16xi32>
    %swap3A_625 = arith.constant 48 : index
    %swap3A_626 = tpu.vector_load %arg15[%swap3A_625] {strides = array<i32>} : memref<64xi32, #tpu.memory_space<vmem>>, vector<16xi32>,
    %swap3A_627 = vector.shape_cast %swap3A_626 : vector<16xi32> to vector<16xi32>
    %swap3A_628 = vector.shape_cast %get3A_624 : vector<16xi32> to vector<16xi32>
    tpu.vector_store %arg15[%swap3A_625], %swap3A_628 {strides = array<i32>} : memref<64xi32, #tpu.memory_space<vmem>>, vector<16xi32>,
    %get3A_629 = arith.constant 4736 : index
    %get3A_630 = tpu.vector_load %arg8[%get3A_629] {strides = array<i32>} : memref<4992xi32, #tpu.memory_space<vmem>>, vector<16xi32>,
    %get3A_631 = vector.shape_cast %get3A_630 : vector<16xi32> to vector<16xi32>
    %swap3A_632 = arith.constant 0 : index
    %swap3A_633 = tpu.vector_load %arg14[%swap3A_632] {strides = array<i32>} : memref<64xi32, #tpu.memory_space<vmem>>, vector<16xi32>,
    %swap3A_634 = vector.shape_cast %swap3A_633 : vector<16xi32> to vector<16xi32>
    %swap3A_635 = vector.shape_cast %get3A_631 : vector<16xi32> to vector<16xi32>
    tpu.vector_store %arg14[%swap3A_632], %swap3A_635 {strides = array<i32>} : memref<64xi32, #tpu.memory_space<vmem>>, vector<16xi32>,
    %get3A_636 = arith.constant 4752 : index
    %get3A_637 = tpu.vector_load %arg8[%get3A_636] {strides = array<i32>} : memref<4992xi32, #tpu.memory_space<vmem>>, vector<16xi32>,
    %get3A_638 = vector.shape_cast %get3A_637 : vector<16xi32> to vector<16xi32>
    %swap3A_639 = arith.constant 16 : index
    %swap3A_640 = tpu.vector_load %arg14[%swap3A_639] {strides = array<i32>} : memref<64xi32, #tpu.memory_space<vmem>>, vector<16xi32>,
    %swap3A_641 = vector.shape_cast %swap3A_640 : vector<16xi32> to vector<16xi32>
    %swap3A_642 = vector.shape_cast %get3A_638 : vector<16xi32> to vector<16xi32>
    tpu.vector_store %arg14[%swap3A_639], %swap3A_642 {strides = array<i32>} : memref<64xi32, #tpu.memory_space<vmem>>, vector<16xi32>,
    %get3A_643 = arith.constant 4768 : index
    %get3A_644 = tpu.vector_load %arg8[%get3A_643] {strides = array<i32>} : memref<4992xi32, #tpu.memory_space<vmem>>, vector<16xi32>,
    %get3A_645 = vector.shape_cast %get3A_644 : vector<16xi32> to vector<16xi32>
    %swap3A_646 = arith.constant 32 : index
    %swap3A_647 = tpu.vector_load %arg14[%swap3A_646] {strides = array<i32>} : memref<64xi32, #tpu.memory_space<vmem>>, vector<16xi32>,
    %swap3A_648 = vector.shape_cast %swap3A_647 : vector<16xi32> to vector<16xi32>
    %swap3A_649 = vector.shape_cast %get3A_645 : vector<16xi32> to vector<16xi32>
    tpu.vector_store %arg14[%swap3A_646], %swap3A_649 {strides = array<i32>} : memref<64xi32, #tpu.memory_space<vmem>>, vector<16xi32>,
    %get3A_650 = arith.constant 4784 : index
    %get3A_651 = tpu.vector_load %arg8[%get3A_650] {strides = array<i32>} : memref<4992xi32, #tpu.memory_space<vmem>>, vector<16xi32>,
    %get3A_652 = vector.shape_cast %get3A_651 : vector<16xi32> to vector<16xi32>
    %swap3A_653 = arith.constant 48 : index
    %swap3A_654 = tpu.vector_load %arg14[%swap3A_653] {strides = array<i32>} : memref<64xi32, #tpu.memory_space<vmem>>, vector<16xi32>,
    %swap3A_655 = vector.shape_cast %swap3A_654 : vector<16xi32> to vector<16xi32>
    %swap3A_656 = vector.shape_cast %get3A_652 : vector<16xi32> to vector<16xi32>
    tpu.vector_store %arg14[%swap3A_653], %swap3A_656 {strides = array<i32>} : memref<64xi32, #tpu.memory_space<vmem>>, vector<16xi32>,
    %get3A_657 = arith.constant 4800 : index
    %get3A_658 = tpu.vector_load %arg8[%get3A_657] {strides = array<i32>} : memref<4992xi32, #tpu.memory_space<vmem>>, vector<16xi32>,
    %get3A_659 = vector.shape_cast %get3A_658 : vector<16xi32> to vector<16xi32>
    %swap3A_660 = arith.constant 0 : index
    %swap3A_661 = tpu.vector_load %arg16[%swap3A_660] {strides = array<i32>} : memref<64xi32, #tpu.memory_space<vmem>>, vector<16xi32>,
    %swap3A_662 = vector.shape_cast %swap3A_661 : vector<16xi32> to vector<16xi32>
    %swap3A_663 = vector.shape_cast %get3A_659 : vector<16xi32> to vector<16xi32>
    tpu.vector_store %arg16[%swap3A_660], %swap3A_663 {strides = array<i32>} : memref<64xi32, #tpu.memory_space<vmem>>, vector<16xi32>,
    %get3A_664 = arith.constant 4816 : index
    %get3A_665 = tpu.vector_load %arg8[%get3A_664] {strides = array<i32>} : memref<4992xi32, #tpu.memory_space<vmem>>, vector<16xi32>,
    %get3A_666 = vector.shape_cast %get3A_665 : vector<16xi32> to vector<16xi32>
    %swap3A_667 = arith.constant 16 : index
    %swap3A_668 = tpu.vector_load %arg16[%swap3A_667] {strides = array<i32>} : memref<64xi32, #tpu.memory_space<vmem>>, vector<16xi32>,
    %swap3A_669 = vector.shape_cast %swap3A_668 : vector<16xi32> to vector<16xi32>
    %swap3A_670 = vector.shape_cast %get3A_666 : vector<16xi32> to vector<16xi32>
    tpu.vector_store %arg16[%swap3A_667], %swap3A_670 {strides = array<i32>} : memref<64xi32, #tpu.memory_space<vmem>>, vector<16xi32>,
    %get3A_671 = arith.constant 4832 : index
    %get3A_672 = tpu.vector_load %arg8[%get3A_671] {strides = array<i32>} : memref<4992xi32, #tpu.memory_space<vmem>>, vector<16xi32>,
    %get3A_673 = vector.shape_cast %get3A_672 : vector<16xi32> to vector<16xi32>
    %swap3A_674 = arith.constant 32 : index
    %swap3A_675 = tpu.vector_load %arg16[%swap3A_674] {strides = array<i32>} : memref<64xi32, #tpu.memory_space<vmem>>, vector<16xi32>,
    %swap3A_676 = vector.shape_cast %swap3A_675 : vector<16xi32> to vector<16xi32>
    %swap3A_677 = vector.shape_cast %get3A_673 : vector<16xi32> to vector<16xi32>
    tpu.vector_store %arg16[%swap3A_674], %swap3A_677 {strides = array<i32>} : memref<64xi32, #tpu.memory_space<vmem>>, vector<16xi32>,
    %get3A_678 = arith.constant 4848 : index
    %get3A_679 = tpu.vector_load %arg8[%get3A_678] {strides = array<i32>} : memref<4992xi32, #tpu.memory_space<vmem>>, vector<16xi32>,
    %get3A_680 = vector.shape_cast %get3A_679 : vector<16xi32> to vector<16xi32>
    %swap3A_681 = arith.constant 48 : index
    %swap3A_682 = tpu.vector_load %arg16[%swap3A_681] {strides = array<i32>} : memref<64xi32, #tpu.memory_space<vmem>>, vector<16xi32>,
    %swap3A_683 = vector.shape_cast %swap3A_682 : vector<16xi32> to vector<16xi32>
    %swap3A_684 = vector.shape_cast %get3A_680 : vector<16xi32> to vector<16xi32>
    tpu.vector_store %arg16[%swap3A_681], %swap3A_684 {strides = array<i32>} : memref<64xi32, #tpu.memory_space<vmem>>, vector<16xi32>,
    %dma_start3A_685 = arith.constant 0 : i32
    %dma_start3A_686 = arith.constant 0 : i32
    %dma_start3A_687 = tpu.memref_slice %arg4[%dma_start3A_685, %dma_start3A_686] : memref<10240x128xf32, #tpu.memory_space<hbm>> -> memref<10240x128xf32, #tpu.memory_space<hbm>>
    tpu.enqueue_indirect_dma source(%dma_start3A_687 : memref<10240x128xf32, #tpu.memory_space<hbm>>) target(%arg19 : memref<64x128xf32, #tpu.memory_space<vmem>>) offsets(%arg13 : memref<64xi32, #tpu.memory_space<vmem>>) semaphore(%arg26 : memref<!tpu.dma_semaphore, #tpu.memory_space<semaphore_mem>>)
    %dma_start3A_688 = arith.constant 0 : i32
    %dma_start3A_689 = arith.constant 0 : i32
    %dma_start3A_690 = tpu.memref_slice %arg4[%dma_start3A_688, %dma_start3A_689] : memref<10240x128xf32, #tpu.memory_space<hbm>> -> memref<10240x128xf32, #tpu.memory_space<hbm>>
    tpu.enqueue_indirect_dma source(%dma_start3A_690 : memref<10240x128xf32, #tpu.memory_space<hbm>>) target(%arg20 : memref<64x128xf32, #tpu.memory_space<vmem>>) offsets(%arg15 : memref<64xi32, #tpu.memory_space<vmem>>) semaphore(%arg27 : memref<!tpu.dma_semaphore, #tpu.memory_space<semaphore_mem>>)
    %dma_wait3A_691 = arith.constant 0 : i32
    %dma_wait3A_692 = arith.constant 0 : i32
    %dma_wait3A_693 = tpu.memref_slice %arg4[%dma_wait3A_691, %dma_wait3A_692] : memref<10240x128xf32, #tpu.memory_space<hbm>> -> memref<10240x128xf32, #tpu.memory_space<hbm>>
    tpu.wait_indirect_dma semaphore(%arg24 : memref<!tpu.dma_semaphore, #tpu.memory_space<semaphore_mem>>) src(%dma_wait3A_693 : memref<10240x128xf32, #tpu.memory_space<hbm>>) dst(%arg17 : memref<64x128xf32, #tpu.memory_space<vmem>>)
    %dma_start3A_694 = arith.constant 0 : i32
    %dma_start3A_695 = arith.constant 0 : i32
    %dma_start3A_696 = tpu.memref_slice %arg6[%dma_start3A_694, %dma_start3A_695] : memref<10240x128xf32, #tpu.memory_space<vmem_shared>> -> memref<10240x128xf32, #tpu.memory_space<vmem_shared>>
    tpu.enqueue_indirect_dma source(%arg17 : memref<64x128xf32, #tpu.memory_space<vmem>>) target(%dma_start3A_696 : memref<10240x128xf32, #tpu.memory_space<vmem_shared>>) offsets(%arg10 : memref<64xi32, #tpu.memory_space<vmem>>) semaphore(%arg28 : memref<!tpu.dma_semaphore, #tpu.memory_space<semaphore_mem>>) {add = true}
    %dma_wait3A_697 = arith.constant 0 : i32
    %dma_wait3A_698 = arith.constant 0 : i32
    %dma_wait3A_699 = tpu.memref_slice %arg4[%dma_wait3A_697, %dma_wait3A_698] : memref<10240x128xf32, #tpu.memory_space<hbm>> -> memref<10240x128xf32, #tpu.memory_space<hbm>>
    tpu.wait_indirect_dma semaphore(%arg25 : memref<!tpu.dma_semaphore, #tpu.memory_space<semaphore_mem>>) src(%dma_wait3A_699 : memref<10240x128xf32, #tpu.memory_space<hbm>>) dst(%arg18 : memref<64x128xf32, #tpu.memory_space<vmem>>)
    %dma_start3A_700 = arith.constant 0 : i32
    %dma_start3A_701 = arith.constant 0 : i32
    %dma_start3A_702 = tpu.memref_slice %arg6[%dma_start3A_700, %dma_start3A_701] : memref<10240x128xf32, #tpu.memory_space<vmem_shared>> -> memref<10240x128xf32, #tpu.memory_space<vmem_shared>>
    tpu.enqueue_indirect_dma source(%arg18 : memref<64x128xf32, #tpu.memory_space<vmem>>) target(%dma_start3A_702 : memref<10240x128xf32, #tpu.memory_space<vmem_shared>>) offsets(%arg12 : memref<64xi32, #tpu.memory_space<vmem>>) semaphore(%arg29 : memref<!tpu.dma_semaphore, #tpu.memory_space<semaphore_mem>>) {add = true}
    %dma_wait3A_703 = arith.constant 0 : i32
    %dma_wait3A_704 = arith.constant 0 : i32
    %dma_wait3A_705 = tpu.memref_slice %arg6[%dma_wait3A_703, %dma_wait3A_704] : memref<10240x128xf32, #tpu.memory_space<vmem_shared>> -> memref<10240x128xf32, #tpu.memory_space<vmem_shared>>
    tpu.wait_indirect_dma semaphore(%arg28 : memref<!tpu.dma_semaphore, #tpu.memory_space<semaphore_mem>>) src(%arg17 : memref<64x128xf32, #tpu.memory_space<vmem>>) dst(%dma_wait3A_705 : memref<10240x128xf32, #tpu.memory_space<vmem_shared>>)
    %dma_wait3A_706 = arith.constant 0 : i32
    %dma_wait3A_707 = arith.constant 0 : i32
    %dma_wait3A_708 = tpu.memref_slice %arg6[%dma_wait3A_706, %dma_wait3A_707] : memref<10240x128xf32, #tpu.memory_space<vmem_shared>> -> memref<10240x128xf32, #tpu.memory_space<vmem_shared>>
    tpu.wait_indirect_dma semaphore(%arg29 : memref<!tpu.dma_semaphore, #tpu.memory_space<semaphore_mem>>) src(%arg18 : memref<64x128xf32, #tpu.memory_space<vmem>>) dst(%dma_wait3A_708 : memref<10240x128xf32, #tpu.memory_space<vmem_shared>>)
    %get3A_709 = arith.constant 4864 : index
    %get3A_710 = tpu.vector_load %arg7[%get3A_709] {strides = array<i32>} : memref<4992xi32, #tpu.memory_space<vmem>>, vector<16xi32>,
    %get3A_711 = vector.shape_cast %get3A_710 : vector<16xi32> to vector<16xi32>
    %swap3A_712 = arith.constant 0 : index
    %swap3A_713 = tpu.vector_load %arg9[%swap3A_712] {strides = array<i32>} : memref<64xi32, #tpu.memory_space<vmem>>, vector<16xi32>,
    %swap3A_714 = vector.shape_cast %swap3A_713 : vector<16xi32> to vector<16xi32>
    %swap3A_715 = vector.shape_cast %get3A_711 : vector<16xi32> to vector<16xi32>
    tpu.vector_store %arg9[%swap3A_712], %swap3A_715 {strides = array<i32>} : memref<64xi32, #tpu.memory_space<vmem>>, vector<16xi32>,
    %get3A_716 = arith.constant 4880 : index
    %get3A_717 = tpu.vector_load %arg7[%get3A_716] {strides = array<i32>} : memref<4992xi32, #tpu.memory_space<vmem>>, vector<16xi32>,
    %get3A_718 = vector.shape_cast %get3A_717 : vector<16xi32> to vector<16xi32>
    %swap3A_719 = arith.constant 16 : index
    %swap3A_720 = tpu.vector_load %arg9[%swap3A_719] {strides = array<i32>} : memref<64xi32, #tpu.memory_space<vmem>>, vector<16xi32>,
    %swap3A_721 = vector.shape_cast %swap3A_720 : vector<16xi32> to vector<16xi32>
    %swap3A_722 = vector.shape_cast %get3A_718 : vector<16xi32> to vector<16xi32>
    tpu.vector_store %arg9[%swap3A_719], %swap3A_722 {strides = array<i32>} : memref<64xi32, #tpu.memory_space<vmem>>, vector<16xi32>,
    %get3A_723 = arith.constant 4896 : index
    %get3A_724 = tpu.vector_load %arg7[%get3A_723] {strides = array<i32>} : memref<4992xi32, #tpu.memory_space<vmem>>, vector<16xi32>,
    %get3A_725 = vector.shape_cast %get3A_724 : vector<16xi32> to vector<16xi32>
    %swap3A_726 = arith.constant 32 : index
    %swap3A_727 = tpu.vector_load %arg9[%swap3A_726] {strides = array<i32>} : memref<64xi32, #tpu.memory_space<vmem>>, vector<16xi32>,
    %swap3A_728 = vector.shape_cast %swap3A_727 : vector<16xi32> to vector<16xi32>
    %swap3A_729 = vector.shape_cast %get3A_725 : vector<16xi32> to vector<16xi32>
    tpu.vector_store %arg9[%swap3A_726], %swap3A_729 {strides = array<i32>} : memref<64xi32, #tpu.memory_space<vmem>>, vector<16xi32>,
    %get3A_730 = arith.constant 4912 : index
    %get3A_731 = tpu.vector_load %arg7[%get3A_730] {strides = array<i32>} : memref<4992xi32, #tpu.memory_space<vmem>>, vector<16xi32>,
    %get3A_732 = vector.shape_cast %get3A_731 : vector<16xi32> to vector<16xi32>
    %swap3A_733 = arith.constant 48 : index
    %swap3A_734 = tpu.vector_load %arg9[%swap3A_733] {strides = array<i32>} : memref<64xi32, #tpu.memory_space<vmem>>, vector<16xi32>,
    %swap3A_735 = vector.shape_cast %swap3A_734 : vector<16xi32> to vector<16xi32>
    %swap3A_736 = vector.shape_cast %get3A_732 : vector<16xi32> to vector<16xi32>
    tpu.vector_store %arg9[%swap3A_733], %swap3A_736 {strides = array<i32>} : memref<64xi32, #tpu.memory_space<vmem>>, vector<16xi32>,
    %get3A_737 = arith.constant 4928 : index
    %get3A_738 = tpu.vector_load %arg7[%get3A_737] {strides = array<i32>} : memref<4992xi32, #tpu.memory_space<vmem>>, vector<16xi32>,
    %get3A_739 = vector.shape_cast %get3A_738 : vector<16xi32> to vector<16xi32>
    %swap3A_740 = arith.constant 0 : index
    %swap3A_741 = tpu.vector_load %arg11[%swap3A_740] {strides = array<i32>} : memref<64xi32, #tpu.memory_space<vmem>>, vector<16xi32>,
    %swap3A_742 = vector.shape_cast %swap3A_741 : vector<16xi32> to vector<16xi32>
    %swap3A_743 = vector.shape_cast %get3A_739 : vector<16xi32> to vector<16xi32>
    tpu.vector_store %arg11[%swap3A_740], %swap3A_743 {strides = array<i32>} : memref<64xi32, #tpu.memory_space<vmem>>, vector<16xi32>,
    %get3A_744 = arith.constant 4944 : index
    %get3A_745 = tpu.vector_load %arg7[%get3A_744] {strides = array<i32>} : memref<4992xi32, #tpu.memory_space<vmem>>, vector<16xi32>,
    %get3A_746 = vector.shape_cast %get3A_745 : vector<16xi32> to vector<16xi32>
    %swap3A_747 = arith.constant 16 : index
    %swap3A_748 = tpu.vector_load %arg11[%swap3A_747] {strides = array<i32>} : memref<64xi32, #tpu.memory_space<vmem>>, vector<16xi32>,
    %swap3A_749 = vector.shape_cast %swap3A_748 : vector<16xi32> to vector<16xi32>
    %swap3A_750 = vector.shape_cast %get3A_746 : vector<16xi32> to vector<16xi32>
    tpu.vector_store %arg11[%swap3A_747], %swap3A_750 {strides = array<i32>} : memref<64xi32, #tpu.memory_space<vmem>>, vector<16xi32>,
    %get3A_751 = arith.constant 4960 : index
    %get3A_752 = tpu.vector_load %arg7[%get3A_751] {strides = array<i32>} : memref<4992xi32, #tpu.memory_space<vmem>>, vector<16xi32>,
    %get3A_753 = vector.shape_cast %get3A_752 : vector<16xi32> to vector<16xi32>
    %swap3A_754 = arith.constant 32 : index
    %swap3A_755 = tpu.vector_load %arg11[%swap3A_754] {strides = array<i32>} : memref<64xi32, #tpu.memory_space<vmem>>, vector<16xi32>,
    %swap3A_756 = vector.shape_cast %swap3A_755 : vector<16xi32> to vector<16xi32>
    %swap3A_757 = vector.shape_cast %get3A_753 : vector<16xi32> to vector<16xi32>
    tpu.vector_store %arg11[%swap3A_754], %swap3A_757 {strides = array<i32>} : memref<64xi32, #tpu.memory_space<vmem>>, vector<16xi32>,
    %get3A_758 = arith.constant 4976 : index
    %get3A_759 = tpu.vector_load %arg7[%get3A_758] {strides = array<i32>} : memref<4992xi32, #tpu.memory_space<vmem>>, vector<16xi32>,
    %get3A_760 = vector.shape_cast %get3A_759 : vector<16xi32> to vector<16xi32>
    %swap3A_761 = arith.constant 48 : index
    %swap3A_762 = tpu.vector_load %arg11[%swap3A_761] {strides = array<i32>} : memref<64xi32, #tpu.memory_space<vmem>>, vector<16xi32>,
    %swap3A_763 = vector.shape_cast %swap3A_762 : vector<16xi32> to vector<16xi32>
    %swap3A_764 = vector.shape_cast %get3A_760 : vector<16xi32> to vector<16xi32>
    tpu.vector_store %arg11[%swap3A_761], %swap3A_764 {strides = array<i32>} : memref<64xi32, #tpu.memory_space<vmem>>, vector<16xi32>,
    %get3A_765 = arith.constant 4864 : index
    %get3A_766 = tpu.vector_load %arg8[%get3A_765] {strides = array<i32>} : memref<4992xi32, #tpu.memory_space<vmem>>, vector<16xi32>,
    %get3A_767 = vector.shape_cast %get3A_766 : vector<16xi32> to vector<16xi32>
    %swap3A_768 = arith.constant 0 : index
    %swap3A_769 = tpu.vector_load %arg10[%swap3A_768] {strides = array<i32>} : memref<64xi32, #tpu.memory_space<vmem>>, vector<16xi32>,
    %swap3A_770 = vector.shape_cast %swap3A_769 : vector<16xi32> to vector<16xi32>
    %swap3A_771 = vector.shape_cast %get3A_767 : vector<16xi32> to vector<16xi32>
    tpu.vector_store %arg10[%swap3A_768], %swap3A_771 {strides = array<i32>} : memref<64xi32, #tpu.memory_space<vmem>>, vector<16xi32>,
    %get3A_772 = arith.constant 4880 : index
    %get3A_773 = tpu.vector_load %arg8[%get3A_772] {strides = array<i32>} : memref<4992xi32, #tpu.memory_space<vmem>>, vector<16xi32>,
    %get3A_774 = vector.shape_cast %get3A_773 : vector<16xi32> to vector<16xi32>
    %swap3A_775 = arith.constant 16 : index
    %swap3A_776 = tpu.vector_load %arg10[%swap3A_775] {strides = array<i32>} : memref<64xi32, #tpu.memory_space<vmem>>, vector<16xi32>,
    %swap3A_777 = vector.shape_cast %swap3A_776 : vector<16xi32> to vector<16xi32>
    %swap3A_778 = vector.shape_cast %get3A_774 : vector<16xi32> to vector<16xi32>
    tpu.vector_store %arg10[%swap3A_775], %swap3A_778 {strides = array<i32>} : memref<64xi32, #tpu.memory_space<vmem>>, vector<16xi32>,
    %get3A_779 = arith.constant 4896 : index
    %get3A_780 = tpu.vector_load %arg8[%get3A_779] {strides = array<i32>} : memref<4992xi32, #tpu.memory_space<vmem>>, vector<16xi32>,
    %get3A_781 = vector.shape_cast %get3A_780 : vector<16xi32> to vector<16xi32>
    %swap3A_782 = arith.constant 32 : index
    %swap3A_783 = tpu.vector_load %arg10[%swap3A_782] {strides = array<i32>} : memref<64xi32, #tpu.memory_space<vmem>>, vector<16xi32>,
    %swap3A_784 = vector.shape_cast %swap3A_783 : vector<16xi32> to vector<16xi32>
    %swap3A_785 = vector.shape_cast %get3A_781 : vector<16xi32> to vector<16xi32>
    tpu.vector_store %arg10[%swap3A_782], %swap3A_785 {strides = array<i32>} : memref<64xi32, #tpu.memory_space<vmem>>, vector<16xi32>,
    %get3A_786 = arith.constant 4912 : index
    %get3A_787 = tpu.vector_load %arg8[%get3A_786] {strides = array<i32>} : memref<4992xi32, #tpu.memory_space<vmem>>, vector<16xi32>,
    %get3A_788 = vector.shape_cast %get3A_787 : vector<16xi32> to vector<16xi32>
    %swap3A_789 = arith.constant 48 : index
    %swap3A_790 = tpu.vector_load %arg10[%swap3A_789] {strides = array<i32>} : memref<64xi32, #tpu.memory_space<vmem>>, vector<16xi32>,
    %swap3A_791 = vector.shape_cast %swap3A_790 : vector<16xi32> to vector<16xi32>
    %swap3A_792 = vector.shape_cast %get3A_788 : vector<16xi32> to vector<16xi32>
    tpu.vector_store %arg10[%swap3A_789], %swap3A_792 {strides = array<i32>} : memref<64xi32, #tpu.memory_space<vmem>>, vector<16xi32>,
    %get3A_793 = arith.constant 4928 : index
    %get3A_794 = tpu.vector_load %arg8[%get3A_793] {strides = array<i32>} : memref<4992xi32, #tpu.memory_space<vmem>>, vector<16xi32>,
    %get3A_795 = vector.shape_cast %get3A_794 : vector<16xi32> to vector<16xi32>
    %swap3A_796 = arith.constant 0 : index
    %swap3A_797 = tpu.vector_load %arg12[%swap3A_796] {strides = array<i32>} : memref<64xi32, #tpu.memory_space<vmem>>, vector<16xi32>,
    %swap3A_798 = vector.shape_cast %swap3A_797 : vector<16xi32> to vector<16xi32>
    %swap3A_799 = vector.shape_cast %get3A_795 : vector<16xi32> to vector<16xi32>
    tpu.vector_store %arg12[%swap3A_796], %swap3A_799 {strides = array<i32>} : memref<64xi32, #tpu.memory_space<vmem>>, vector<16xi32>,
    %get3A_800 = arith.constant 4944 : index
    %get3A_801 = tpu.vector_load %arg8[%get3A_800] {strides = array<i32>} : memref<4992xi32, #tpu.memory_space<vmem>>, vector<16xi32>,
    %get3A_802 = vector.shape_cast %get3A_801 : vector<16xi32> to vector<16xi32>
    %swap3A_803 = arith.constant 16 : index
    %swap3A_804 = tpu.vector_load %arg12[%swap3A_803] {strides = array<i32>} : memref<64xi32, #tpu.memory_space<vmem>>, vector<16xi32>,
    %swap3A_805 = vector.shape_cast %swap3A_804 : vector<16xi32> to vector<16xi32>
    %swap3A_806 = vector.shape_cast %get3A_802 : vector<16xi32> to vector<16xi32>
    tpu.vector_store %arg12[%swap3A_803], %swap3A_806 {strides = array<i32>} : memref<64xi32, #tpu.memory_space<vmem>>, vector<16xi32>,
    %get3A_807 = arith.constant 4960 : index
    %get3A_808 = tpu.vector_load %arg8[%get3A_807] {strides = array<i32>} : memref<4992xi32, #tpu.memory_space<vmem>>, vector<16xi32>,
    %get3A_809 = vector.shape_cast %get3A_808 : vector<16xi32> to vector<16xi32>
    %swap3A_810 = arith.constant 32 : index
    %swap3A_811 = tpu.vector_load %arg12[%swap3A_810] {strides = array<i32>} : memref<64xi32, #tpu.memory_space<vmem>>, vector<16xi32>,
    %swap3A_812 = vector.shape_cast %swap3A_811 : vector<16xi32> to vector<16xi32>
    %swap3A_813 = vector.shape_cast %get3A_809 : vector<16xi32> to vector<16xi32>
    tpu.vector_store %arg12[%swap3A_810], %swap3A_813 {strides = array<i32>} : memref<64xi32, #tpu.memory_space<vmem>>, vector<16xi32>,
    %get3A_814 = arith.constant 4976 : index
    %get3A_815 = tpu.vector_load %arg8[%get3A_814] {strides = array<i32>} : memref<4992xi32, #tpu.memory_space<vmem>>, vector<16xi32>,
    %get3A_816 = vector.shape_cast %get3A_815 : vector<16xi32> to vector<16xi32>
    %swap3A_817 = arith.constant 48 : index
    %swap3A_818 = tpu.vector_load %arg12[%swap3A_817] {strides = array<i32>} : memref<64xi32, #tpu.memory_space<vmem>>, vector<16xi32>,
    %swap3A_819 = vector.shape_cast %swap3A_818 : vector<16xi32> to vector<16xi32>
    %swap3A_820 = vector.shape_cast %get3A_816 : vector<16xi32> to vector<16xi32>
    tpu.vector_store %arg12[%swap3A_817], %swap3A_820 {strides = array<i32>} : memref<64xi32, #tpu.memory_space<vmem>>, vector<16xi32>,
    %dma_start3A_821 = arith.constant 0 : i32
    %dma_start3A_822 = arith.constant 0 : i32
    %dma_start3A_823 = tpu.memref_slice %arg4[%dma_start3A_821, %dma_start3A_822] : memref<10240x128xf32, #tpu.memory_space<hbm>> -> memref<10240x128xf32, #tpu.memory_space<hbm>>
    tpu.enqueue_indirect_dma source(%dma_start3A_823 : memref<10240x128xf32, #tpu.memory_space<hbm>>) target(%arg17 : memref<64x128xf32, #tpu.memory_space<vmem>>) offsets(%arg9 : memref<64xi32, #tpu.memory_space<vmem>>) semaphore(%arg24 : memref<!tpu.dma_semaphore, #tpu.memory_space<semaphore_mem>>)
    %dma_start3A_824 = arith.constant 0 : i32
    %dma_start3A_825 = arith.constant 0 : i32
    %dma_start3A_826 = tpu.memref_slice %arg4[%dma_start3A_824, %dma_start3A_825] : memref<10240x128xf32, #tpu.memory_space<hbm>> -> memref<10240x128xf32, #tpu.memory_space<hbm>>
    tpu.enqueue_indirect_dma source(%dma_start3A_826 : memref<10240x128xf32, #tpu.memory_space<hbm>>) target(%arg18 : memref<64x128xf32, #tpu.memory_space<vmem>>) offsets(%arg11 : memref<64xi32, #tpu.memory_space<vmem>>) semaphore(%arg25 : memref<!tpu.dma_semaphore, #tpu.memory_space<semaphore_mem>>)
    %dma_wait3A_827 = arith.constant 0 : i32
    %dma_wait3A_828 = arith.constant 0 : i32
    %dma_wait3A_829 = tpu.memref_slice %arg4[%dma_wait3A_827, %dma_wait3A_828] : memref<10240x128xf32, #tpu.memory_space<hbm>> -> memref<10240x128xf32, #tpu.memory_space<hbm>>
    tpu.wait_indirect_dma semaphore(%arg26 : memref<!tpu.dma_semaphore, #tpu.memory_space<semaphore_mem>>) src(%dma_wait3A_829 : memref<10240x128xf32, #tpu.memory_space<hbm>>) dst(%arg19 : memref<64x128xf32, #tpu.memory_space<vmem>>)
    %dma_start3A_830 = arith.constant 0 : i32
    %dma_start3A_831 = arith.constant 0 : i32
    %dma_start3A_832 = tpu.memref_slice %arg6[%dma_start3A_830, %dma_start3A_831] : memref<10240x128xf32, #tpu.memory_space<vmem_shared>> -> memref<10240x128xf32, #tpu.memory_space<vmem_shared>>
    tpu.enqueue_indirect_dma source(%arg19 : memref<64x128xf32, #tpu.memory_space<vmem>>) target(%dma_start3A_832 : memref<10240x128xf32, #tpu.memory_space<vmem_shared>>) offsets(%arg14 : memref<64xi32, #tpu.memory_space<vmem>>) semaphore(%arg30 : memref<!tpu.dma_semaphore, #tpu.memory_space<semaphore_mem>>) {add = true}
    %dma_wait3A_833 = arith.constant 0 : i32
    %dma_wait3A_834 = arith.constant 0 : i32
    %dma_wait3A_835 = tpu.memref_slice %arg4[%dma_wait3A_833, %dma_wait3A_834] : memref<10240x128xf32, #tpu.memory_space<hbm>> -> memref<10240x128xf32, #tpu.memory_space<hbm>>
    tpu.wait_indirect_dma semaphore(%arg27 : memref<!tpu.dma_semaphore, #tpu.memory_space<semaphore_mem>>) src(%dma_wait3A_835 : memref<10240x128xf32, #tpu.memory_space<hbm>>) dst(%arg20 : memref<64x128xf32, #tpu.memory_space<vmem>>)
    %dma_start3A_836 = arith.constant 0 : i32
    %dma_start3A_837 = arith.constant 0 : i32
    %dma_start3A_838 = tpu.memref_slice %arg6[%dma_start3A_836, %dma_start3A_837] : memref<10240x128xf32, #tpu.memory_space<vmem_shared>> -> memref<10240x128xf32, #tpu.memory_space<vmem_shared>>
    tpu.enqueue_indirect_dma source(%arg20 : memref<64x128xf32, #tpu.memory_space<vmem>>) target(%dma_start3A_838 : memref<10240x128xf32, #tpu.memory_space<vmem_shared>>) offsets(%arg16 : memref<64xi32, #tpu.memory_space<vmem>>) semaphore(%arg31 : memref<!tpu.dma_semaphore, #tpu.memory_space<semaphore_mem>>) {add = true}
    %dma_wait3A_839 = arith.constant 0 : i32
    %dma_wait3A_840 = arith.constant 0 : i32
    %dma_wait3A_841 = tpu.memref_slice %arg6[%dma_wait3A_839, %dma_wait3A_840] : memref<10240x128xf32, #tpu.memory_space<vmem_shared>> -> memref<10240x128xf32, #tpu.memory_space<vmem_shared>>
    tpu.wait_indirect_dma semaphore(%arg30 : memref<!tpu.dma_semaphore, #tpu.memory_space<semaphore_mem>>) src(%arg19 : memref<64x128xf32, #tpu.memory_space<vmem>>) dst(%dma_wait3A_841 : memref<10240x128xf32, #tpu.memory_space<vmem_shared>>)
    %dma_wait3A_842 = arith.constant 0 : i32
    %dma_wait3A_843 = arith.constant 0 : i32
    %dma_wait3A_844 = tpu.memref_slice %arg6[%dma_wait3A_842, %dma_wait3A_843] : memref<10240x128xf32, #tpu.memory_space<vmem_shared>> -> memref<10240x128xf32, #tpu.memory_space<vmem_shared>>
    tpu.wait_indirect_dma semaphore(%arg31 : memref<!tpu.dma_semaphore, #tpu.memory_space<semaphore_mem>>) src(%arg20 : memref<64x128xf32, #tpu.memory_space<vmem>>) dst(%dma_wait3A_844 : memref<10240x128xf32, #tpu.memory_space<vmem_shared>>)
    %dma_wait3A_845 = arith.constant 0 : i32
    %dma_wait3A_846 = arith.constant 0 : i32
    %dma_wait3A_847 = tpu.memref_slice %arg4[%dma_wait3A_845, %dma_wait3A_846] : memref<10240x128xf32, #tpu.memory_space<hbm>> -> memref<10240x128xf32, #tpu.memory_space<hbm>>
    tpu.wait_indirect_dma semaphore(%arg24 : memref<!tpu.dma_semaphore, #tpu.memory_space<semaphore_mem>>) src(%dma_wait3A_847 : memref<10240x128xf32, #tpu.memory_space<hbm>>) dst(%arg17 : memref<64x128xf32, #tpu.memory_space<vmem>>)
    %dma_start3A_848 = arith.constant 0 : i32
    %dma_start3A_849 = arith.constant 0 : i32
    %dma_start3A_850 = tpu.memref_slice %arg6[%dma_start3A_848, %dma_start3A_849] : memref<10240x128xf32, #tpu.memory_space<vmem_shared>> -> memref<10240x128xf32, #tpu.memory_space<vmem_shared>>
    tpu.enqueue_indirect_dma source(%arg17 : memref<64x128xf32, #tpu.memory_space<vmem>>) target(%dma_start3A_850 : memref<10240x128xf32, #tpu.memory_space<vmem_shared>>) offsets(%arg10 : memref<64xi32, #tpu.memory_space<vmem>>) semaphore(%arg28 : memref<!tpu.dma_semaphore, #tpu.memory_space<semaphore_mem>>) {add = true}
    %dma_wait3A_851 = arith.constant 0 : i32
    %dma_wait3A_852 = arith.constant 0 : i32
    %dma_wait3A_853 = tpu.memref_slice %arg4[%dma_wait3A_851, %dma_wait3A_852] : memref<10240x128xf32, #tpu.memory_space<hbm>> -> memref<10240x128xf32, #tpu.memory_space<hbm>>
    tpu.wait_indirect_dma semaphore(%arg25 : memref<!tpu.dma_semaphore, #tpu.memory_space<semaphore_mem>>) src(%dma_wait3A_853 : memref<10240x128xf32, #tpu.memory_space<hbm>>) dst(%arg18 : memref<64x128xf32, #tpu.memory_space<vmem>>)
    %dma_start3A_854 = arith.constant 0 : i32
    %dma_start3A_855 = arith.constant 0 : i32
    %dma_start3A_856 = tpu.memref_slice %arg6[%dma_start3A_854, %dma_start3A_855] : memref<10240x128xf32, #tpu.memory_space<vmem_shared>> -> memref<10240x128xf32, #tpu.memory_space<vmem_shared>>
    tpu.enqueue_indirect_dma source(%arg18 : memref<64x128xf32, #tpu.memory_space<vmem>>) target(%dma_start3A_856 : memref<10240x128xf32, #tpu.memory_space<vmem_shared>>) offsets(%arg12 : memref<64xi32, #tpu.memory_space<vmem>>) semaphore(%arg29 : memref<!tpu.dma_semaphore, #tpu.memory_space<semaphore_mem>>) {add = true}
    %dma_wait3A_857 = arith.constant 0 : i32
    %dma_wait3A_858 = arith.constant 0 : i32
    %dma_wait3A_859 = tpu.memref_slice %arg6[%dma_wait3A_857, %dma_wait3A_858] : memref<10240x128xf32, #tpu.memory_space<vmem_shared>> -> memref<10240x128xf32, #tpu.memory_space<vmem_shared>>
    tpu.wait_indirect_dma semaphore(%arg28 : memref<!tpu.dma_semaphore, #tpu.memory_space<semaphore_mem>>) src(%arg17 : memref<64x128xf32, #tpu.memory_space<vmem>>) dst(%dma_wait3A_859 : memref<10240x128xf32, #tpu.memory_space<vmem_shared>>)
    %dma_wait3A_860 = arith.constant 0 : i32
    %dma_wait3A_861 = arith.constant 0 : i32
    %dma_wait3A_862 = tpu.memref_slice %arg6[%dma_wait3A_860, %dma_wait3A_861] : memref<10240x128xf32, #tpu.memory_space<vmem_shared>> -> memref<10240x128xf32, #tpu.memory_space<vmem_shared>>
    tpu.wait_indirect_dma semaphore(%arg29 : memref<!tpu.dma_semaphore, #tpu.memory_space<semaphore_mem>>) src(%arg18 : memref<64x128xf32, #tpu.memory_space<vmem>>) dst(%dma_wait3A_862 : memref<10240x128xf32, #tpu.memory_space<vmem_shared>>)
    %add3A_863 = arith.constant 9984 : i32
    %add3A_864 = arith.addi %mul3A_2, %add3A_863 : i32
    "tpu.region"() ({
      %run_scoped3A = tpu.sem_alloc : memref<!tpu.dma_semaphore, #tpu.memory_space<semaphore_mem>>
      %dma_start3A_872 = tpu.memref_slice %arg2[%add3A_864] : memref<320000xi32, #tpu.memory_space<hbm>> -> memref<16xi32, #tpu.memory_space<hbm>>
      %dma_start3A_873 = tpu.memref_slice %arg2[%add3A_864] : memref<320000xi32, #tpu.memory_space<hbm>> -> memref<16xi32, #tpu.memory_space<hbm>>
      tpu.enqueue_dma source(%dma_start3A_873 : memref<16xi32, #tpu.memory_space<hbm>>) target(%arg21 : memref<16xi32, #tpu.memory_space<vmem>>) target_semaphore(%run_scoped3A : memref<!tpu.dma_semaphore, #tpu.memory_space<semaphore_mem>>)
      %dma_wait3A_874 = tpu.memref_slice %arg2[%add3A_864] : memref<320000xi32, #tpu.memory_space<hbm>> -> memref<16xi32, #tpu.memory_space<hbm>>
      %dma_wait3A_875 = tpu.memref_slice %arg2[%add3A_864] : memref<320000xi32, #tpu.memory_space<hbm>> -> memref<16xi32, #tpu.memory_space<hbm>>
      tpu.wait_dma2 semaphore(%run_scoped3A : memref<!tpu.dma_semaphore, #tpu.memory_space<semaphore_mem>>) src(%dma_wait3A_875 : memref<16xi32, #tpu.memory_space<hbm>>) dst(%arg21 : memref<16xi32, #tpu.memory_space<vmem>>)
      tpu.yield
    }) : () -> ()
    %dma_start3A_865 = arith.constant 0 : i32
    %dma_start3A_866 = arith.constant 0 : i32
    %dma_start3A_867 = tpu.memref_slice %arg4[%dma_start3A_865, %dma_start3A_866] : memref<10240x128xf32, #tpu.memory_space<hbm>> -> memref<10240x128xf32, #tpu.memory_space<hbm>>
    tpu.enqueue_indirect_dma source(%dma_start3A_867 : memref<10240x128xf32, #tpu.memory_space<hbm>>) target(%arg23 : memref<16x128xf32, #tpu.memory_space<vmem>>) offsets(%arg21 : memref<16xi32, #tpu.memory_space<vmem>>) semaphore(%arg24 : memref<!tpu.dma_semaphore, #tpu.memory_space<semaphore_mem>>)
    "tpu.region"() ({
      %run_scoped3A = tpu.sem_alloc : memref<!tpu.dma_semaphore, #tpu.memory_space<semaphore_mem>>
      %dma_start3A_872 = tpu.memref_slice %arg3[%add3A_864] : memref<320000xi32, #tpu.memory_space<hbm>> -> memref<16xi32, #tpu.memory_space<hbm>>
      %dma_start3A_873 = tpu.memref_slice %arg3[%add3A_864] : memref<320000xi32, #tpu.memory_space<hbm>> -> memref<16xi32, #tpu.memory_space<hbm>>
      tpu.enqueue_dma source(%dma_start3A_873 : memref<16xi32, #tpu.memory_space<hbm>>) target(%arg22 : memref<16xi32, #tpu.memory_space<vmem>>) target_semaphore(%run_scoped3A : memref<!tpu.dma_semaphore, #tpu.memory_space<semaphore_mem>>)
      %dma_wait3A_874 = tpu.memref_slice %arg3[%add3A_864] : memref<320000xi32, #tpu.memory_space<hbm>> -> memref<16xi32, #tpu.memory_space<hbm>>
      %dma_wait3A_875 = tpu.memref_slice %arg3[%add3A_864] : memref<320000xi32, #tpu.memory_space<hbm>> -> memref<16xi32, #tpu.memory_space<hbm>>
      tpu.wait_dma2 semaphore(%run_scoped3A : memref<!tpu.dma_semaphore, #tpu.memory_space<semaphore_mem>>) src(%dma_wait3A_875 : memref<16xi32, #tpu.memory_space<hbm>>) dst(%arg22 : memref<16xi32, #tpu.memory_space<vmem>>)
      tpu.yield
    }) : () -> ()
    %dma_wait3A_868 = arith.constant 0 : i32
    %dma_wait3A_869 = arith.constant 0 : i32
    %dma_wait3A_870 = tpu.memref_slice %arg4[%dma_wait3A_868, %dma_wait3A_869] : memref<10240x128xf32, #tpu.memory_space<hbm>> -> memref<10240x128xf32, #tpu.memory_space<hbm>>
    tpu.wait_indirect_dma semaphore(%arg24 : memref<!tpu.dma_semaphore, #tpu.memory_space<semaphore_mem>>) src(%dma_wait3A_870 : memref<10240x128xf32, #tpu.memory_space<hbm>>) dst(%arg23 : memref<16x128xf32, #tpu.memory_space<vmem>>)
    "tpu.region"() ({
      %run_scoped3A = tpu.sem_alloc : memref<!tpu.dma_semaphore, #tpu.memory_space<semaphore_mem>>
      %dma_start3A_872 = arith.constant 0 : i32
      %dma_start3A_873 = arith.constant 0 : i32
      %dma_start3A_874 = tpu.memref_slice %arg6[%dma_start3A_872, %dma_start3A_873] : memref<10240x128xf32, #tpu.memory_space<vmem_shared>> -> memref<10240x128xf32, #tpu.memory_space<vmem_shared>>
      tpu.enqueue_indirect_dma source(%arg23 : memref<16x128xf32, #tpu.memory_space<vmem>>) target(%dma_start3A_874 : memref<10240x128xf32, #tpu.memory_space<vmem_shared>>) offsets(%arg22 : memref<16xi32, #tpu.memory_space<vmem>>) semaphore(%run_scoped3A : memref<!tpu.dma_semaphore, #tpu.memory_space<semaphore_mem>>) {add = true}
      %dma_wait3A_875 = arith.constant 0 : i32
      %dma_wait3A_876 = arith.constant 0 : i32
      %dma_wait3A_877 = tpu.memref_slice %arg6[%dma_wait3A_875, %dma_wait3A_876] : memref<10240x128xf32, #tpu.memory_space<vmem_shared>> -> memref<10240x128xf32, #tpu.memory_space<vmem_shared>>
      tpu.wait_indirect_dma semaphore(%run_scoped3A : memref<!tpu.dma_semaphore, #tpu.memory_space<semaphore_mem>>) src(%arg23 : memref<16x128xf32, #tpu.memory_space<vmem>>) dst(%dma_wait3A_877 : memref<10240x128xf32, #tpu.memory_space<vmem_shared>>)
      tpu.yield
    }) : () -> ()
    %barrier3A_871 = arith.constant 0 : index
    tpu.barrier barrier_id(%barrier3A_871)
    "tpu.region"() ({
      %run_scoped3A = tpu.sem_alloc : memref<!tpu.dma_semaphore, #tpu.memory_space<semaphore_mem>>
      %dma_start3A_872 = arith.constant 0 : i32
      %dma_start3A_873 = tpu.memref_slice %arg5[%arg0, %mul3A_10, %dma_start3A_872] : memref<2x10240x128xf32, #tpu.memory_space<hbm>> -> memref<1x640x128xf32, #tpu.memory_space<hbm>>
      %dma_start3A_874 = tpu.memref_squeeze %dma_start3A_873 : memref<1x640x128xf32, #tpu.memory_space<hbm>> -> memref<640x128xf32, #tpu.memory_space<hbm>>
      %dma_start3A_875 = arith.constant 0 : i32
      %dma_start3A_876 = tpu.memref_slice %arg6[%mul3A_10, %dma_start3A_875] : memref<10240x128xf32, #tpu.memory_space<vmem_shared>> -> memref<640x128xf32, #tpu.memory_space<vmem_shared>>
      tpu.enqueue_dma source(%dma_start3A_876 : memref<640x128xf32, #tpu.memory_space<vmem_shared>>) target(%dma_start3A_874 : memref<640x128xf32, #tpu.memory_space<hbm>>) target_semaphore(%run_scoped3A : memref<!tpu.dma_semaphore, #tpu.memory_space<semaphore_mem>>)
      %dma_wait3A_877 = arith.constant 0 : i32
      %dma_wait3A_878 = tpu.memref_slice %arg5[%arg0, %mul3A_10, %dma_wait3A_877] : memref<2x10240x128xf32, #tpu.memory_space<hbm>> -> memref<1x640x128xf32, #tpu.memory_space<hbm>>
      %dma_wait3A_879 = tpu.memref_squeeze %dma_wait3A_878 : memref<1x640x128xf32, #tpu.memory_space<hbm>> -> memref<640x128xf32, #tpu.memory_space<hbm>>
      %dma_wait3A_880 = arith.constant 0 : i32
      %dma_wait3A_881 = tpu.memref_slice %arg6[%mul3A_10, %dma_wait3A_880] : memref<10240x128xf32, #tpu.memory_space<vmem_shared>> -> memref<640x128xf32, #tpu.memory_space<vmem_shared>>
      tpu.wait_dma2 semaphore(%run_scoped3A : memref<!tpu.dma_semaphore, #tpu.memory_space<semaphore_mem>>) src(%dma_wait3A_881 : memref<640x128xf32, #tpu.memory_space<vmem_shared>>) dst(%dma_wait3A_879 : memref<640x128xf32, #tpu.memory_space<hbm>>)
      tpu.yield
    }) : () -> ()
    return
  }
}

module attributes {stable_mosaic.version = 14 : i64} {
  func.func @_tca_body(%arg0: i32, %arg1: memref<2000x128xf32, #tpu.memory_space<vmem>>, %arg2: memref<128x128xf32, #tpu.memory_space<vmem>>, %arg3: memref<2000x32xf32, #tpu.memory_space<vmem>>, %arg4: memref<2000x128xf32, #tpu.memory_space<vmem>>) attributes {dimension_semantics = [#tpu.dimension_semantics<arbitrary>], iteration_bounds = array<i64: 5>, scalar_prefetch = 0 : i64, scratch_operands = 0 : i64, tpu.core_type = #tpu.core_type<tc>, window_params = [{transform_indices = @transform_0, window_bounds = array<i64: 2000, 128>}, {pipeline_mode = #tpu.pipeline_mode<synchronous>, transform_indices = @transform_1, window_bounds = array<i64: 128, 128>}, {transform_indices = @transform_2, window_bounds = array<i64: 2000, 32>}, {transform_indices = @transform_3, window_bounds = array<i64: 2000, 128>}]} {
    %get3A = arith.constant 0 : index
    %get3A_0 = arith.constant 0 : index
    %get3A_1 = vector.load %arg3[%get3A, %get3A_0] : memref<2000x32xf32, #tpu.memory_space<vmem>>, vector<2000x32xf32>
    %reduce_sum3A = arith.constant dense<0.000000e+00> : vector<2000xf32>
    %reduce_sum3A_2 = vector.multi_reduction <add>, %get3A_1, %reduce_sum3A [1] : vector<2000x32xf32> to vector<2000xf32>
    %broadcast_in_dim3A = vector.shape_cast %reduce_sum3A_2 : vector<2000xf32> to vector<2000x1xf32>
    %add3A = arith.constant 1.000000e+00 : f32
    %add3A_3 = vector.broadcast %add3A : f32 to vector<2000x1xf32>
    %add3A_4 = arith.addf %broadcast_in_dim3A, %add3A_3 : vector<2000x1xf32>
    %rsqrt3A = math.rsqrt %add3A_4 : vector<2000x1xf32>
    %get3A_5 = arith.constant 0 : index
    %get3A_6 = arith.constant 0 : index
    %get3A_7 = vector.load %arg1[%get3A_5, %get3A_6] : memref<2000x128xf32, #tpu.memory_space<vmem>>, vector<2000x128xf32>
    %get3A_8 = arith.constant 0 : index
    %get3A_9 = arith.constant 0 : index
    %get3A_10 = vector.load %arg2[%get3A_8, %get3A_9] : memref<128x128xf32, #tpu.memory_space<vmem>>, vector<128x128xf32>
    %dot_general3A = arith.constant dense<0.000000e+00> : vector<2000x128xf32>
    %dot_general3A_11 = tpu.matmul %get3A_7, %get3A_10, %dot_general3A {dimension_numbers = #tpu.dot_dimension_numbers<[1], [0], [0], [1], [0, 0, 1, 1], [], []>, transpose_lhs_hint = false} : vector<2000x128xf32>, vector<128x128xf32>, vector<2000x128xf32> -> vector<2000x128xf32>
    %mul3A = vector.broadcast %rsqrt3A : vector<2000x1xf32> to vector<2000x128xf32>
    %mul3A_12 = arith.mulf %dot_general3A_11, %mul3A : vector<2000x128xf32>
    %swap3A = arith.constant 0 : index
    %swap3A_13 = arith.constant 0 : index
    %swap3A_14 = vector.load %arg4[%swap3A, %swap3A_13] : memref<2000x128xf32, #tpu.memory_space<vmem>>, vector<2000x128xf32>
    tpu.vector_store %arg4[%swap3A, %swap3A_13], %mul3A_12 {strides = array<i32>} : memref<2000x128xf32, #tpu.memory_space<vmem>>, vector<2000x128xf32>,
    return
  }
  func.func @transform_0(%arg0: i32) -> (i32, i32) {
    %c0_i32 = arith.constant 0 : i32
    %c0_i32_0 = arith.constant 0 : i32
    return %arg0, %c0_i32 : i32, i32
  }
  func.func @transform_1(%arg0: i32) -> (i32, i32) {
    %c0_i32 = arith.constant 0 : i32
    %c0_i32_0 = arith.constant 0 : i32
    %c0_i32_1 = arith.constant 0 : i32
    return %c0_i32, %c0_i32_0 : i32, i32
  }
  func.func @transform_2(%arg0: i32) -> (i32, i32) {
    %c0_i32 = arith.constant 0 : i32
    %c0_i32_0 = arith.constant 0 : i32
    return %arg0, %c0_i32 : i32, i32
  }
  func.func @transform_3(%arg0: i32) -> (i32, i32) {
    %c0_i32 = arith.constant 0 : i32
    %c0_i32_0 = arith.constant 0 : i32
    return %arg0, %c0_i32 : i32, i32
  }
}

module attributes {stable_mosaic.version = 14 : i64} {
  func.func @_tcb_body(%arg0: i32, %arg1: memref<2x2000x128xf32, #tpu.memory_space<vmem>>, %arg2: memref<2000x128xf32, #tpu.memory_space<vmem>>, %arg3: memref<2000x32xf32, #tpu.memory_space<vmem>>, %arg4: memref<1x128xf32, #tpu.memory_space<vmem>>, %arg5: memref<2000x1xi32, #tpu.memory_space<vmem>>, %arg6: memref<128x64xf32, #tpu.memory_space<vmem>>, %arg7: memref<1x64xf32, #tpu.memory_space<vmem>>, %arg8: memref<64x64xf32, #tpu.memory_space<vmem>>, %arg9: memref<64x128xf32, #tpu.memory_space<vmem>>, %arg10: memref<64x1xf32, #tpu.memory_space<vmem>>) attributes {dimension_semantics = [#tpu.dimension_semantics<arbitrary>], iteration_bounds = array<i64: 5>, scalar_prefetch = 0 : i64, scratch_operands = 2 : i64, tpu.core_type = #tpu.core_type<tc>, window_params = [{transform_indices = @transform_0, window_bounds = array<i64: 2, 2000, 128>}, {transform_indices = @transform_1, window_bounds = array<i64: 2000, 128>}, {transform_indices = @transform_2, window_bounds = array<i64: 2000, 32>}, {pipeline_mode = #tpu.pipeline_mode<synchronous>, transform_indices = @transform_3, window_bounds = array<i64: 1, 128>}, {transform_indices = @transform_4, window_bounds = array<i64: 2000, 1>}, {pipeline_mode = #tpu.pipeline_mode<synchronous>, transform_indices = @transform_5, window_bounds = array<i64: 128, 64>}, {pipeline_mode = #tpu.pipeline_mode<synchronous>, transform_indices = @transform_6, window_bounds = array<i64: 1, 64>}, {pipeline_mode = #tpu.pipeline_mode<synchronous>, transform_indices = @transform_7, window_bounds = array<i64: 64, 64>}]} {
    %eq3A = arith.constant 0 : i32
    %eq3A_0 = arith.cmpi eq, %arg0, %eq3A : i32
    %convert_element_type3A = arith.extui %eq3A_0 : i1 to i32
    %cond3A = arith.constant 0 : i32
    %cond3A_1 = arith.cmpi ne, %convert_element_type3A, %cond3A : i32
    scf.if %cond3A_1 {
      %broadcast_in_dim3A_60 = arith.constant 0.000000e+00 : f32
      %broadcast_in_dim3A_61 = vector.broadcast %broadcast_in_dim3A_60 : f32 to vector<64x128xf32>
      %swap3A_62 = arith.constant 0 : index
      %swap3A_63 = arith.constant 0 : index
      %swap3A_64 = vector.load %arg9[%swap3A_62, %swap3A_63] : memref<64x128xf32, #tpu.memory_space<vmem>>, vector<64x128xf32>
      tpu.vector_store %arg9[%swap3A_62, %swap3A_63], %broadcast_in_dim3A_61 {strides = array<i32>} : memref<64x128xf32, #tpu.memory_space<vmem>>, vector<64x128xf32>,
      %broadcast_in_dim3A_65 = arith.constant 0.000000e+00 : f32
      %broadcast_in_dim3A_66 = vector.broadcast %broadcast_in_dim3A_65 : f32 to vector<64x1xf32>
      %swap3A_67 = arith.constant 0 : index
      %swap3A_68 = arith.constant 0 : index
      %swap3A_69 = vector.load %arg10[%swap3A_67, %swap3A_68] : memref<64x1xf32, #tpu.memory_space<vmem>>, vector<64x1xf32>
      tpu.vector_store %arg10[%swap3A_67, %swap3A_68], %broadcast_in_dim3A_66 {strides = array<i32>} : memref<64x1xf32, #tpu.memory_space<vmem>>, vector<64x1xf32>,
    } else {
    }
    %get3A = arith.constant 0 : index
    %get3A_2 = arith.constant 0 : index
    %get3A_3 = vector.load %arg3[%get3A, %get3A_2] : memref<2000x32xf32, #tpu.memory_space<vmem>>, vector<2000x32xf32>
    %reduce_sum3A = arith.constant dense<0.000000e+00> : vector<2000xf32>
    %reduce_sum3A_4 = vector.multi_reduction <add>, %get3A_3, %reduce_sum3A [1] : vector<2000x32xf32> to vector<2000xf32>
    %broadcast_in_dim3A = vector.shape_cast %reduce_sum3A_4 : vector<2000xf32> to vector<2000x1xf32>
    %add3A = arith.constant 1.000000e+00 : f32
    %add3A_5 = vector.broadcast %add3A : f32 to vector<2000x1xf32>
    %add3A_6 = arith.addf %broadcast_in_dim3A, %add3A_5 : vector<2000x1xf32>
    %rsqrt3A = math.rsqrt %add3A_6 : vector<2000x1xf32>
    %get3A_7 = arith.constant 0 : index
    %get3A_8 = arith.constant 0 : index
    %get3A_9 = arith.constant 0 : index
    %get3A_10 = vector.load %arg1[%get3A_7, %get3A_8, %get3A_9] : memref<2x2000x128xf32, #tpu.memory_space<vmem>>, vector<1x2000x128xf32>
    %get3A_11 = vector.shape_cast %get3A_10 : vector<1x2000x128xf32> to vector<2000x128xf32>
    %get3A_12 = arith.constant 1 : index
    %get3A_13 = arith.constant 0 : index
    %get3A_14 = arith.constant 0 : index
    %get3A_15 = vector.load %arg1[%get3A_12, %get3A_13, %get3A_14] : memref<2x2000x128xf32, #tpu.memory_space<vmem>>, vector<1x2000x128xf32>
    %get3A_16 = vector.shape_cast %get3A_15 : vector<1x2000x128xf32> to vector<2000x128xf32>
    %add3A_17 = arith.addf %get3A_11, %get3A_16 : vector<2000x128xf32>
    %get3A_18 = arith.constant 0 : index
    %get3A_19 = arith.constant 0 : index
    %get3A_20 = vector.load %arg2[%get3A_18, %get3A_19] : memref<2000x128xf32, #tpu.memory_space<vmem>>, vector<2000x128xf32>
    %add3A_21 = arith.addf %add3A_17, %get3A_20 : vector<2000x128xf32>
    %mul3A = vector.broadcast %rsqrt3A : vector<2000x1xf32> to vector<2000x128xf32>
    %mul3A_22 = arith.mulf %mul3A, %add3A_21 : vector<2000x128xf32>
    %get3A_23 = arith.constant 0 : index
    %get3A_24 = arith.constant 0 : index
    %get3A_25 = vector.load %arg4[%get3A_23, %get3A_24] : memref<1x128xf32, #tpu.memory_space<vmem>>, vector<1x128xf32>
    %add3A_26 = vector.broadcast %get3A_25 : vector<1x128xf32> to vector<2000x128xf32>
    %add3A_27 = arith.addf %mul3A_22, %add3A_26 : vector<2000x128xf32>
    %max3A = arith.constant 0.000000e+00 : f32
    %max3A_28 = vector.broadcast %max3A : f32 to vector<2000x128xf32>
    %max3A_29 = arith.maximumf %add3A_27, %max3A_28 : vector<2000x128xf32>
    %iota3A = tpu.iota {dimensions = array<i32: 1>} : vector<2000x64xi32>
    %get3A_30 = arith.constant 0 : index
    %get3A_31 = arith.constant 0 : index
    %get3A_32 = vector.load %arg5[%get3A_30, %get3A_31] : memref<2000x1xi32, #tpu.memory_space<vmem>>, vector<2000x1xi32>
    %eq3A_33 = vector.broadcast %get3A_32 : vector<2000x1xi32> to vector<2000x64xi32>
    %eq3A_34 = arith.cmpi eq, %eq3A_33, %iota3A : vector<2000x64xi32>
    %convert_element_type3A_35 = arith.extui %eq3A_34 : vector<2000x64xi1> to vector<2000x64xi32>
    %convert_element_type3A_36 = arith.sitofp %convert_element_type3A_35 : vector<2000x64xi32> to vector<2000x64xf32>
    %get3A_37 = arith.constant 0 : index
    %get3A_38 = arith.constant 0 : index
    %get3A_39 = vector.load %arg9[%get3A_37, %get3A_38] : memref<64x128xf32, #tpu.memory_space<vmem>>, vector<64x128xf32>
    %dot_general3A = arith.constant dense<0.000000e+00> : vector<64x128xf32>
    %dot_general3A_40 = tpu.matmul %convert_element_type3A_36, %max3A_29, %dot_general3A {dimension_numbers = #tpu.dot_dimension_numbers<[0], [0], [1], [1], [0, 1, 1, 1], [], []>, transpose_lhs_hint = false} : vector<2000x64xf32>, vector<2000x128xf32>, vector<64x128xf32> -> vector<64x128xf32>
    %add3A_41 = arith.addf %get3A_39, %dot_general3A_40 : vector<64x128xf32>
    %swap3A = arith.constant 0 : index
    %swap3A_42 = arith.constant 0 : index
    %swap3A_43 = vector.load %arg9[%swap3A, %swap3A_42] : memref<64x128xf32, #tpu.memory_space<vmem>>, vector<64x128xf32>
    tpu.vector_store %arg9[%swap3A, %swap3A_42], %add3A_41 {strides = array<i32>} : memref<64x128xf32, #tpu.memory_space<vmem>>, vector<64x128xf32>,
    %get3A_44 = arith.constant 0 : index
    %get3A_45 = arith.constant 0 : index
    %get3A_46 = vector.load %arg10[%get3A_44, %get3A_45] : memref<64x1xf32, #tpu.memory_space<vmem>>, vector<64x1xf32>
    %broadcast_in_dim3A_47 = arith.constant 1.000000e+00 : f32
    %broadcast_in_dim3A_48 = vector.broadcast %broadcast_in_dim3A_47 : f32 to vector<2000x1xf32>
    %dot_general3A_49 = arith.constant dense<0.000000e+00> : vector<64x1xf32>
    %dot_general3A_50 = tpu.matmul %convert_element_type3A_36, %broadcast_in_dim3A_48, %dot_general3A_49 {dimension_numbers = #tpu.dot_dimension_numbers<[0], [0], [1], [1], [0, 1, 1, 1], [], []>, transpose_lhs_hint = false} : vector<2000x64xf32>, vector<2000x1xf32>, vector<64x1xf32> -> vector<64x1xf32>
    %add3A_51 = arith.addf %get3A_46, %dot_general3A_50 : vector<64x1xf32>
    %swap3A_52 = arith.constant 0 : index
    %swap3A_53 = arith.constant 0 : index
    %swap3A_54 = vector.load %arg10[%swap3A_52, %swap3A_53] : memref<64x1xf32, #tpu.memory_space<vmem>>, vector<64x1xf32>
    tpu.vector_store %arg10[%swap3A_52, %swap3A_53], %add3A_51 {strides = array<i32>} : memref<64x1xf32, #tpu.memory_space<vmem>>, vector<64x1xf32>,
    %eq3A_55 = arith.constant 4 : i32
    %eq3A_56 = arith.cmpi eq, %arg0, %eq3A_55 : i32
    %convert_element_type3A_57 = arith.extui %eq3A_56 : i1 to i32
    %cond3A_58 = arith.constant 0 : i32
    %cond3A_59 = arith.cmpi ne, %convert_element_type3A_57, %cond3A_58 : i32
    scf.if %cond3A_59 {
      %get3A_60 = arith.constant 0 : index
      %get3A_61 = arith.constant 0 : index
      %get3A_62 = vector.load %arg9[%get3A_60, %get3A_61] : memref<64x128xf32, #tpu.memory_space<vmem>>, vector<64x128xf32>
      %get3A_63 = arith.constant 0 : index
      %get3A_64 = arith.constant 0 : index
      %get3A_65 = vector.load %arg10[%get3A_63, %get3A_64] : memref<64x1xf32, #tpu.memory_space<vmem>>, vector<64x1xf32>
      %max3A_66 = arith.constant 1.000000e+00 : f32
      %max3A_67 = vector.broadcast %max3A_66 : f32 to vector<64x1xf32>
      %max3A_68 = arith.maximumf %get3A_65, %max3A_67 : vector<64x1xf32>
      %div3A = vector.broadcast %max3A_68 : vector<64x1xf32> to vector<64x128xf32>
      %div3A_69 = arith.divf %get3A_62, %div3A : vector<64x128xf32>
      %get3A_70 = arith.constant 0 : index
      %get3A_71 = arith.constant 0 : index
      %get3A_72 = vector.load %arg6[%get3A_70, %get3A_71] : memref<128x64xf32, #tpu.memory_space<vmem>>, vector<128x64xf32>
      %dot_general3A_73 = arith.constant dense<0.000000e+00> : vector<64x64xf32>
      %dot_general3A_74 = tpu.matmul %div3A_69, %get3A_72, %dot_general3A_73 {dimension_numbers = #tpu.dot_dimension_numbers<[1], [0], [0], [1], [0, 0, 1, 1], [], []>, transpose_lhs_hint = false} : vector<64x128xf32>, vector<128x64xf32>, vector<64x64xf32> -> vector<64x64xf32>
      %get3A_75 = arith.constant 0 : index
      %get3A_76 = arith.constant 0 : index
      %get3A_77 = vector.load %arg7[%get3A_75, %get3A_76] : memref<1x64xf32, #tpu.memory_space<vmem>>, vector<1x64xf32>
      %add3A_78 = vector.broadcast %get3A_77 : vector<1x64xf32> to vector<64x64xf32>
      %add3A_79 = arith.addf %dot_general3A_74, %add3A_78 : vector<64x64xf32>
      %tanh3A = math.tanh %add3A_79 : vector<64x64xf32>
      %swap3A_80 = arith.constant 0 : index
      %swap3A_81 = arith.constant 0 : index
      %swap3A_82 = vector.load %arg8[%swap3A_80, %swap3A_81] : memref<64x64xf32, #tpu.memory_space<vmem>>, vector<64x64xf32>
      tpu.vector_store %arg8[%swap3A_80, %swap3A_81], %tanh3A {strides = array<i32>} : memref<64x64xf32, #tpu.memory_space<vmem>>, vector<64x64xf32>,
    } else {
    }
    return
  }
  func.func @transform_0(%arg0: i32) -> (i32, i32, i32) {
    %c0_i32 = arith.constant 0 : i32
    %c0_i32_0 = arith.constant 0 : i32
    %c0_i32_1 = arith.constant 0 : i32
    return %c0_i32, %arg0, %c0_i32_0 : i32, i32, i32
  }
  func.func @transform_1(%arg0: i32) -> (i32, i32) {
    %c0_i32 = arith.constant 0 : i32
    %c0_i32_0 = arith.constant 0 : i32
    return %arg0, %c0_i32 : i32, i32
  }
  func.func @transform_2(%arg0: i32) -> (i32, i32) {
    %c0_i32 = arith.constant 0 : i32
    %c0_i32_0 = arith.constant 0 : i32
    return %arg0, %c0_i32 : i32, i32
  }
  func.func @transform_3(%arg0: i32) -> (i32, i32) {
    %c0_i32 = arith.constant 0 : i32
    %c0_i32_0 = arith.constant 0 : i32
    %c0_i32_1 = arith.constant 0 : i32
    return %c0_i32, %c0_i32_0 : i32, i32
  }
  func.func @transform_4(%arg0: i32) -> (i32, i32) {
    %c0_i32 = arith.constant 0 : i32
    %c0_i32_0 = arith.constant 0 : i32
    return %arg0, %c0_i32 : i32, i32
  }
  func.func @transform_5(%arg0: i32) -> (i32, i32) {
    %c0_i32 = arith.constant 0 : i32
    %c0_i32_0 = arith.constant 0 : i32
    %c0_i32_1 = arith.constant 0 : i32
    return %c0_i32, %c0_i32_0 : i32, i32
  }
  func.func @transform_6(%arg0: i32) -> (i32, i32) {
    %c0_i32 = arith.constant 0 : i32
    %c0_i32_0 = arith.constant 0 : i32
    %c0_i32_1 = arith.constant 0 : i32
    return %c0_i32, %c0_i32_0 : i32, i32
  }
  func.func @transform_7(%arg0: i32) -> (i32, i32) {
    %c0_i32 = arith.constant 0 : i32
    %c0_i32_0 = arith.constant 0 : i32
    %c0_i32_1 = arith.constant 0 : i32
    return %c0_i32, %c0_i32_0 : i32, i32
  }
}

</mosaic_0001>

<sc_bundles>
// kernel: kernel.6.cloned.1.call-start
scs
__scs_entry_jumppad:
0x0: {  	(pc) =	sbr.rel $0x88, $3  }
0x1: {  	(tag) =	ssettag $0x0;
	lr =	simm.s32 $0x1  }
0x2: {  	[smem:$0x3F9A] =	sst lr;
	_ =	strace $0xD0000000  }
0x3: {  	_ = 	snop  }
0x4: {  	_ = 	snop  }
0x5: {  	_ = 	snop  }
0x6: {  	_ = 	snop  }
0x7: {  	_ = 	snop  }
__scs_overlays_trampoline_lowered:
0x8: {  	[smem:$0x3FA9] =	sst s0  }
0x9: {  	[smem:$0x3FAA] =	sst s1  }
0xa: {  	[smem:$0x3FAB] =	sst s2  }
0xb: {  	[smem:$0x3FAC] =	sst s3  }
0xc: {  	[smem:$0x3FAD] =	sst s4  }
0xd: {  	[smem:$0x3FAE] =	sst s5  }
0xe: {  	[smem:$0x3FAF] =	sst s6  }
0xf: {  	[smem:$0x3FB0] =	sst s7  }
0x10: {  	[smem:$0x3FB1] =	sst s8  }
0x11: {  	[smem:$0x3FB2] =	sst s9;
	s0 =	simm.s32 @!p0 $0x0  }
0x12: {  	s1 =	sld [smem:$0x3F98];
	s0 =	simm.s32 @p0 $0x1  }
0x13: {  	[smem:$0x3FB3] =	sst s0;
	s0 =	simm.s32 @!p1 $0x0  }
0x14: {  	s2 =	sld [smem:$0x3F97];
	s0 =	simm.s32 @p1 $0x1  }
0x15: {  	[smem:$0x3FB4] =	sst s0;
	s0 =	simm.s32 @!p2 $0x0  }
0x16: {  	s3 =	sld [smem:$0x3FDB];
	s0 =	simm.s32 @p2 $0x1  }
0x17: {  	s4 =	simm.s32 $0x1BF5;
	[smem:$0x3FB6] =	sst s0  }
0x18: {  	s0 =	sld [smem:$0x3F99];
	_ =	swait.ge [sflag:s4], $0x0  }
0x19: {  	s7 =	sld [smem:$0x3F9A]  }
0x1a: {  	s8 =	sadd.s32 $0xFFFFE003, lr  }
0x1b: {  	s9 =	sadd.s32 $0xFFFFFEF7, lr;
	s5 =	simm.s32 $0xFFFFFFFF;
	p2 =	slt.u32 s8, $0xFFFFF086  }
0x1c: {  	p1 =	slt.u32 s9, $0xF7A;
	s5 =	simm.s32 @!p2 $0x0  }
0x1d: {  	s5 =	simm.s32 @p1 $0x1;
	p0 =	seq.s32 s7, s2  }
0x1e: {  	s7 =	smul.u32 @!p0 $0xF7A, s2;
	p2 =	seq.s32 @!p0 s5, $0x0  }
0x1f: {  	s9 =	smul.u32 $0xF7A, s1;
	s8 =	simm.s32 @!p0 $0x1BF5;
	p2 =	por !p2, p0  }
0x20: {  	[sflag:s8] =	ssyncset.s32 @!p0 $0xFFFFF086;
	s6 =	sadd.s32 @!p0 s3, s7;
	s7 =	simm.s32 @!p0 $0x108  }
0x21: {  	s3 =	sadd.s32 s3, s9;
	s6 =	sadd.s32 @!p0 $0x88, s6;
	s7 =	simm.s32 @p2 $0x1082  }
0x22: {  	[simem:s7], [sflag:s8] =	dma.local @!p0 [hbm:s6], $0xF7A  }
0x23: {  	s9 =	sor.u32 $0xD0000000, s2;
	s6 =	simm.s32 $0x108;
	_ =	swait.ge @!p0 [sflag:s8], $0x0  }
0x24: {  	s3 =	sadd.s32 $0x88, s3;
	s6 =	simm.s32 @!p1 $0x1082;
	[sflag:s4] =	ssyncset.s32 $0xFFFFF086  }
0x25: {  	[simem:s6], [sflag:s4] =	dma.local [hbm:s3], $0xF7A  }
0x26: {  	[smem:$0x3F9A] =	sst s1;
	(tag) =	ssettag s2;
	_ =	strace s9  }
0x27: {  	s1 =	sld [smem:$0x3FAA]  }
0x28: {  	s2 =	sld [smem:$0x3FAB]  }
0x29: {  	s4 =	sld [smem:$0x3FAD]  }
0x2a: {  	p0 =	seq.s32 s5, $0x0;
	s5 =	sld [smem:$0x3FAE]  }
0x2b: {  	s6 =	sld [smem:$0x3FAF]  }
0x2c: {  	s7 =	sld [smem:$0x3FB0]  }
0x2d: {  	s3 =	simm.s32 $0x108;
	s8 =	sld [smem:$0x3FB1]  }
0x2e: {  	s3 =	simm.s32 @!p0 $0x1082;
	s9 =	sld [smem:$0x3FB2]  }
0x2f: {  	lr =	sadd.s32 s0, s3;
	s0 =	sld [smem:$0x3FA9]  }
0x30: {  	s3 =	sld [smem:$0x3FAC]  }
0x31: {  	[smem:$0x3FB5] =	sst s10  }
0x32: {  	s10 =	sld [smem:$0x3FB3];
	_ =	sdelay $0x3  }
0x33: {  	p0 =	seq.s32 s10, $0x1;
	s10 =	sld [smem:$0x3FB5];
	_ =	sdelay $0x3  }
0x34: {  	[smem:$0x3FB5] =	sst s10  }
0x35: {  	s10 =	sld [smem:$0x3FB4];
	_ =	sdelay $0x3  }
0x36: {  	p1 =	seq.s32 s10, $0x1;
	s10 =	sld [smem:$0x3FB5];
	_ =	sdelay $0x3  }
0x37: {  	[smem:$0x3FB5] =	sst s10  }
0x38: {  	s10 =	sld [smem:$0x3FB6]  }
0x39: {  	_ = 	snop;
	(pc) =	sbr.ind lr, $3  }
0x3a: {  	_ = 	snop  }
0x3b: {  	_ = 	snop  }
0x3c: {  	p2 =	seq.s32 s10, $0x1;
	s10 =	sld [smem:$0x3FB5]  }
0x3d: {  	_ =	shalt  }
0x3e: {  	_ =	shalt  }
0x3f: {  	_ =	shalt  }
0x40: {  	_ =	shalt  }
0x41: {  	_ =	shalt  }
0x42: {  	_ =	shalt  }
0x43: {  	_ =	shalt  }
0x44: {  	_ =	shalt  }
0x45: {  	_ =	shalt  }
0x46: {  	_ =	shalt  }
0x47: {  	_ =	shalt  }
0x48: {  	_ =	shalt  }
0x49: {  	_ =	shalt  }
0x4a: {  	_ =	shalt  }
0x4b: {  	_ =	shalt  }
0x4c: {  	_ =	shalt  }
0x4d: {  	_ =	shalt  }
0x4e: {  	_ =	shalt  }
0x4f: {  	_ =	shalt  }
0x50: {  	_ =	shalt  }
0x51: {  	_ =	shalt  }
0x52: {  	_ =	shalt  }
0x53: {  	_ =	shalt  }
0x54: {  	_ =	shalt  }
0x55: {  	_ =	shalt  }
0x56: {  	_ =	shalt  }
0x57: {  	_ =	shalt  }
0x58: {  	_ =	shalt  }
0x59: {  	_ =	shalt  }
0x5a: {  	_ =	shalt  }
0x5b: {  	_ =	shalt  }
0x5c: {  	_ =	shalt  }
0x5d: {  	_ =	shalt  }
0x5e: {  	_ =	shalt  }
0x5f: {  	_ =	shalt  }
0x60: {  	_ =	shalt  }
0x61: {  	_ =	shalt  }
0x62: {  	_ =	shalt  }
0x63: {  	_ =	shalt  }
0x64: {  	_ =	shalt  }
0x65: {  	_ =	shalt  }
0x66: {  	_ =	shalt  }
0x67: {  	_ =	shalt  }
0x68: {  	_ =	shalt  }
0x69: {  	_ =	shalt  }
0x6a: {  	_ =	shalt  }
0x6b: {  	_ =	shalt  }
0x6c: {  	_ =	shalt  }
0x6d: {  	_ =	shalt  }
0x6e: {  	_ =	shalt  }
0x6f: {  	_ =	shalt  }
0x70: {  	_ =	shalt  }
0x71: {  	_ =	shalt  }
0x72: {  	_ =	shalt  }
0x73: {  	_ =	shalt  }
0x74: {  	_ =	shalt  }
0x75: {  	_ =	shalt  }
0x76: {  	_ =	shalt  }
0x77: {  	_ =	shalt  }
0x78: {  	_ =	shalt  }
0x79: {  	_ =	shalt  }
0x7a: {  	_ =	shalt  }
0x7b: {  	_ =	shalt  }
0x7c: {  	_ =	shalt  }
0x7d: {  	_ =	shalt  }
0x7e: {  	_ =	shalt  }
0x7f: {  	_ =	shalt  }
0x80: {  	_ =	shalt  }
0x81: {  	_ =	shalt  }
0x82: {  	_ =	shalt  }
0x83: {  	_ =	shalt  }
0x84: {  	_ =	shalt  }
0x85: {  	_ =	shalt  }
0x86: {  	_ =	shalt  }
0x87: {  	_ =	shalt  }
.Lfunc_end0:
.L_simem_size_0:
called_computation_lowered:
.L_overlay_start_0:
0x88: {  	s2 =	sld [smem:$0x3FD9]  }
0x89: {  	s3 =	sld [smem:$0x3FFE];
	_ =	sdelay $0x1  }
0x8a: {  	s1 =	srdreg.scid  }
0x8b: {  	s0 =	sand.u32 $0x1, s1  }
0x8c: {  	s16 =	sshll.u32 s0, $0xA;
	s2 =	sadd.s32 s3, s2  }
0x8d: {  	s2 =	sadd.s32 s2, s16  }
0x8e: {  	[smem:$0x3FC1] =	sst s2  }
0x8f: {  	_ = 	snop  }
0x90: {  	(tm) =	ssettm $0x1  }
0x91: {  	s17 =	sld [smem:$0x3FFB];
	_ =	sdelay $0x3  }
0x92: {  	_ =	strace s17  }
0x93: {  	s2 =	sld [smem:$0x3FFC];
	_ =	sdelay $0x3  }
0x94: {  	_ =	strace s2  }
0x95: {  	s2 =	sld [smem:$0x3FFD];
	_ =	sdelay $0x3  }
0x96: {  	_ =	strace s2  }
0x97: {  	_ =	strace $0x8FFFFFFF  }
0x98: {  	s18 =	sld [smem:$0x3FDB];
	_ =	sdelay $0x1  }
0x99: {  	s19 =	simm.s32 $_scs_section_size  }
0x9a: {  	s4 =	simm.s32 $_size__tile_overlayer_lowered;
	s5 =	simm.s32 $_tile_overlayer_lowered  }
0x9b: {  	s22 =	simm.s32 $0x1BFF;
	s21 =	sshll.u32 s5, $0x1;
	s2 =	sadd.s32 s19, s18  }
0x9c: {  	s6 =	simm.s32 $0x0;
	s20 =	sshll.u32 s4, $0x1;
	s4 =	sadd.s32 s21, s2  }
0x9d: {  	[timem:s6], [sflag:s22] =	dma.local [hbm:s4], s20  }
0x9e: {  	_ =	swait.ge [sflag:s22], s20  }
0x9f: {  	s3 =	ssub.s32 $0x0, s20;
	[sflag:s22] =	ssyncset.done $0x0  }
0xa0: {  	[sflag:s22] =	ssyncadd.s32 s3;
	_ =	sdelay $0x1  }
0xa1: {  	s23 =	simm.s32 $0x1B8B  }
0xa2: {  	_ =	swait.ge [sflag:s23], $0x1  }
0xa3: {  	[sflag:s23] =	ssyncset.done $0x0  }
0xa4: {  	s25 =	simm.s32 $0x1B8E;
	s24 =	sld [smem:$0x3FFE];
	[sflag:s23] =	ssyncadd.s32 $0xFFFFFFFF  }
0xa5: {  	s26 =	simm.s32 $execute0_lowered;
	[smem:$0x3FD2] =	sst s25  }
0xa6: {  	s4 =	sshll.u32 s26, $0x1;
	_ =	strace $0x80000046;
	[dreg:$0x1] =	wrdreg $0xFFFFFFFF  }
0xa7: {  	s28 =	simm.s32 $_size_execute0_lowered;
	s2 =	sadd.s32 s2, s4;
	[dreg:$0x0] =	wrdreg $0x0  }
0xa8: {  	s4 =	sshll.u32 s28, $0x1;
	[dreg:$0x2] =	wrdreg s2  }
0xa9: {  	[dreg:$0x3] =	wrdreg s4  }
0xaa: {  	[dreg:$0x4] =	wrdreg $0xC0  }
0xab: {  	_ =	task [dreg:s6], $0x5FFFF  }
0xac: {  	[dreg:$0x1] =	wrdreg $0xFFFFFFFF  }
0xad: {  	[dreg:$0x0] =	wrdreg $0x60  }
0xae: {  	[dreg:$0x2] =	wrdreg s24  }
0xaf: {  	[dreg:$0x3] =	wrdreg $0x9  }
0xb0: {  	_ =	task.clear_ibuf [dreg:s6], $0x4FFFF;
	_ =	strace $0x90000046  }
0xb1: {  	s29 =	simm.s32 $0x9;
	_ =	strace $0x80000048  }
0xb2: {  	_ =	swait.ge [sflag:s29], $0x1  }
0xb3: {  	[sflag:s29] =	ssyncadd.s32 $0xFFFFFFFF  }
0xb4: {  	_ =	strace $0x90000048  }
0xb5: {  	_ =	sfence  }
0xb6: {  	s30 =	sld [smem:$0x0];
	_ =	sdelay $0x2  }
0xb7: {  	s31 =	sshll.u32 s1, $0xD;
	s1 =	sshrl.u32 s1, $0x2  }
0xb8: {  	s3 =	sand.u32 $0x4000, s31;
	s1 =	sadd.s32 s1, s30  }
0xb9: {  	s0 =	sor.u32 s3, s0;
	s1 =	sshll.u32 s1, $0x11  }
0xba: {  	s0 =	sor.u32 s1, s0  }
0xbb: {  	s0 =	sadd.s32 $0x8F2B, s0  }
0xbc: {  	[sflag:s0] =	ssyncadd.remote.s32 $0x1  }
0xbd: {  	_ =	sfence.sel $0xFFFF  }
0xbe: {  	[dreg:$0x0] =	wrdreg $0xFFFFFFFF;
	(pc) =	sbr.abs _section_cstart, $3  }
0xbf: {  	[dreg:$0x1] =	wrdreg $0xFFFFFFFF  }
0xc0: {  	_ =	task.clear_ibuf [dreg:s6], $0x2FFFF;
	_ =	strace $0x9FFFFFFF  }
0xc1: {  	(tm) =	ssettm $0x7FFFFFFF  }
tec
execute0_lowered:
.L_overlay_start_1:
0x0: {  	(tag) =	ssettag $0x1  }
0x1: {  	s1 =	srdreg.scid  }
0x2: {  	s0 =	stileid.u32;
	s5 =	rddreg [dreg:$0x0]  }
0x3: {  	s2 =	simm.s32 $0x0;
	s8 =	simm.s32 $0x80;
	s9 =	simm.s32 $0x400  }
0x4: {  	s10 =	simm.s32 $0x0;
	s3 =	sand.u32 $0x1, s1;
	s29 =	sshll.u32 s0, $0x1  }
0x5: {  	s30 =	sshrl.u32 s0, $0x2;
	s1 =	rddreg [dreg:$0x1];
	s4 =	sor.u32 s3, s29  }
0x6: {  	[smem:$0x7FF] =	sst s2;
	s6 =	smul.u32 $0x14000, s30;
	s7 =	sshll.u32 s4, $0x7  }
0x7: {  	s3 =	ssub.s32 $0x2, s3;
	s4 =	smul.u32 $0x4E2, s4;
	s7 =	sand.u32 $0x380, s7  }
0x8: {  	_ =	strace $0x80000047;
	s31 =	sshrl.u32 s3, $0x1;
	s6 =	sor.u32 s6, s7  }
0x9: {  	s4 =	sadd.s32 s4, s5;
	s7 =	simm.s32 $0x2780;
	s6 =	sshrl.u32 s6, $0x3  }
0xa: {  	s5 =	sadd.s32 s6, s5;
	s6 =	ssub.s32 s3, s31;
	s3 =	sadd.s32 $0x1C00, s4  }
0xb: {  	v0 =	vimm.f32 $0.0e+00;
	v1 =	vimm.f32 $1.000000000e+00;
	s4 =	sadd.s32 $0x15800, s5;
	s5 =	smax.u32 s6, $0x1;
	s6 =	simm.s32 $0x1  }
.LBB2_1:
0xc: {  	[tilespmem:s2], [sflag:$0x1] =	stream.linear.gather [hbm4b:s3+s2], $0x2710, $0x38;
	[tilespmem:$0x4F80] =	vst v63  }
0xd: {  	_ =	swait.ge [sflag:s6], $0x2710  }
0xe: {  	[sflag:s6] =	ssyncset.done $0x0  }
0xf: {  	s11 =	simm.s32 $0x0;
	[sflag:s6] =	ssyncadd.s32 $0xFFFFD8F0  }
.LBB2_2:
0x10: {  	p0 =	sne.s32 s11, $0x9FC0  }
.Ltmp0:
0x11: {  	_ = 	snop;
	(pc) =	sbr.rel @p0 .LBB2_2-.Ltmp0, $3  }
0x12: {  	_ =	sdelay $0x1  }
0x13: {  	s12 =	sshra.s32 s11, $0x2  }
0x14: {  	s11 =	sadd.s32 $0x40, s11;
	[tilespmem:s12+$0x2780] =	vst v0  }
0x15: {  	s12 =	simm.s32 $0x0;
	s11 =	simm.s32 $0x40  }
.LBB2_4:
0x16: {  	p0 =	sne.s32 s11, $0x9C00;
	v2 =	vld [tilespmem:s12+$0x0];
	_ =	sdelay $0x3  }
.Ltmp1:
0x17: {  	(pc) =	sbr.rel @p0 .LBB2_4-.Ltmp1, $2  }
0x18: {  	_ =	sdelay $0x2  }
0x19: {  	s12 =	sshra.s32 s11, $0x2;
	s11 =	sadd.s32 $0x40, s11;
	[tilespmem:v2+s7+$0x0] =	vst.idx.add.f32.msk $0xffff, v1  }
0x1a: {  	v2 =	vld [tilespmem:s12+$0x0];
	_ =	sdelay $0x5  }
0x1b: {  	s10 =	sadd.s32 $0x1, s10  }
0x1c: {  	p0 =	sne.s32 s10, s5  }
.Ltmp2:
0x1d: {  	[tilespmem:v2+s7+$0x0] =	vst.idx.add.f32.msk $0xffff, v1;
	(pc) =	sbr.rel @p0 .LBB2_1-.Ltmp2, $4  }
0x1e: {  	[hbm4b:s4+s8] =	stream.strided.scatter [tilespmem:s7], [sflag:$0x1], $0x2800, s9, s8, $0x38;
	[tilespmem:$0x4F80] =	vst v63  }
0x1f: {  	_ =	swait.ge [sflag:s6], $0x2800  }
0x20: {  	[sflag:s6] =	ssyncset.done $0x0  }
0x21: {  	[sflag:s6] =	ssyncadd.s32 $0xFFFFD800  }
0x22: {  	_ =	sfence.sel $0x180000  }
0x23: {  	[bflag:$0x0] =	sbarrier.arrive $0xFFFF  }
0x24: {  	p0 =	sne.s32 s0, $0x0;
	_ =	strace $0x90000047  }
0x25: {  	s0 =	sadd.s32 @!p0 $0x100000, s1;
	[bflag:$0x2] =	sbarrier.arrive $0xFFFF  }
0x26: {  	[sflag:s0] =	ssyncadd.tile.s32 @!p0 $0x1;
	_ =	shalt  }
.Lfunc_end2:
_tile_overlayer_lowered:
.L_overlay_start_2:
0x27: {  	(tag) =	ssettag $0x2  }
0x28: {  	s0 =	rddreg [dreg:$0x0];
	s2 =	stileid.u32  }
0x29: {  	s1 =	rddreg [dreg:$0x1];
	p0 =	sne.s32 s2, $0x0  }
0x2a: {  	s3 =	rddreg [dreg:$0x2];
	[bflag:$0x3] =	sbarrier.arrive $0xFFFF;
	s2 =	simm.s32 @!p0 $0x1C01  }
0x2b: {  	[timem:s3], [sflag:s2] =	dma.local @!p0 [hbm:s0], s1  }
0x2c: {  	s0 =	simm.s32 @!p0 $0x1  }
0x2d: {  	_ =	swait.ge @!p0 [sflag:s0], s1  }
0x2e: {  	s1 =	ssub.s32 @!p0 $0x0, s1;
	[sflag:s0] =	ssyncset.done @!p0 $0x0  }
0x2f: {  	[sflag:s0] =	ssyncadd.s32 @!p0 s1  }
0x30: {  	[bflag:$0x3] =	sbarrier.arrive $0xFFFF  }
0x31: {  	_ =	shalt  }

// kernel: kernel.9.cloned.1.call-start
scs
__scs_entry_jumppad:
0x0: {  	(pc) =	sbr.rel $0x88, $3  }
0x1: {  	(tag) =	ssettag $0x0;
	lr =	simm.s32 $0x1  }
0x2: {  	[smem:$0x3F9A] =	sst lr;
	_ =	strace $0xD0000000  }
0x3: {  	_ = 	snop  }
0x4: {  	_ = 	snop  }
0x5: {  	_ = 	snop  }
0x6: {  	_ = 	snop  }
0x7: {  	_ = 	snop  }
__scs_overlays_trampoline_lowered:
0x8: {  	[smem:$0x3FA9] =	sst s0  }
0x9: {  	[smem:$0x3FAA] =	sst s1  }
0xa: {  	[smem:$0x3FAB] =	sst s2  }
0xb: {  	[smem:$0x3FAC] =	sst s3  }
0xc: {  	[smem:$0x3FAD] =	sst s4  }
0xd: {  	[smem:$0x3FAE] =	sst s5  }
0xe: {  	[smem:$0x3FAF] =	sst s6  }
0xf: {  	[smem:$0x3FB0] =	sst s7  }
0x10: {  	[smem:$0x3FB1] =	sst s8  }
0x11: {  	[smem:$0x3FB2] =	sst s9;
	s0 =	simm.s32 @!p0 $0x0  }
0x12: {  	s1 =	sld [smem:$0x3F98];
	s0 =	simm.s32 @p0 $0x1  }
0x13: {  	[smem:$0x3FB3] =	sst s0;
	s0 =	simm.s32 @!p1 $0x0  }
0x14: {  	s2 =	sld [smem:$0x3F97];
	s0 =	simm.s32 @p1 $0x1  }
0x15: {  	[smem:$0x3FB4] =	sst s0;
	s0 =	simm.s32 @!p2 $0x0  }
0x16: {  	s3 =	sld [smem:$0x3FDB];
	s0 =	simm.s32 @p2 $0x1  }
0x17: {  	s4 =	simm.s32 $0x1BF5;
	[smem:$0x3FB6] =	sst s0  }
0x18: {  	s0 =	sld [smem:$0x3F99];
	_ =	swait.ge [sflag:s4], $0x0  }
0x19: {  	s7 =	sld [smem:$0x3F9A]  }
0x1a: {  	s8 =	sadd.s32 $0xFFFFE003, lr  }
0x1b: {  	s9 =	sadd.s32 $0xFFFFFEF7, lr;
	s5 =	simm.s32 $0xFFFFFFFF;
	p2 =	slt.u32 s8, $0xFFFFF086  }
0x1c: {  	p1 =	slt.u32 s9, $0xF7A;
	s5 =	simm.s32 @!p2 $0x0  }
0x1d: {  	s5 =	simm.s32 @p1 $0x1;
	p0 =	seq.s32 s7, s2  }
0x1e: {  	s7 =	smul.u32 @!p0 $0xF7A, s2;
	p2 =	seq.s32 @!p0 s5, $0x0  }
0x1f: {  	s9 =	smul.u32 $0xF7A, s1;
	s8 =	simm.s32 @!p0 $0x1BF5;
	p2 =	por !p2, p0  }
0x20: {  	[sflag:s8] =	ssyncset.s32 @!p0 $0xFFFFF086;
	s6 =	sadd.s32 @!p0 s3, s7;
	s7 =	simm.s32 @!p0 $0x108  }
0x21: {  	s3 =	sadd.s32 s3, s9;
	s6 =	sadd.s32 @!p0 $0x88, s6;
	s7 =	simm.s32 @p2 $0x1082  }
0x22: {  	[simem:s7], [sflag:s8] =	dma.local @!p0 [hbm:s6], $0xF7A  }
0x23: {  	s9 =	sor.u32 $0xD0000000, s2;
	s6 =	simm.s32 $0x108;
	_ =	swait.ge @!p0 [sflag:s8], $0x0  }
0x24: {  	s3 =	sadd.s32 $0x88, s3;
	s6 =	simm.s32 @!p1 $0x1082;
	[sflag:s4] =	ssyncset.s32 $0xFFFFF086  }
0x25: {  	[simem:s6], [sflag:s4] =	dma.local [hbm:s3], $0xF7A  }
0x26: {  	[smem:$0x3F9A] =	sst s1;
	(tag) =	ssettag s2;
	_ =	strace s9  }
0x27: {  	s1 =	sld [smem:$0x3FAA]  }
0x28: {  	s2 =	sld [smem:$0x3FAB]  }
0x29: {  	s4 =	sld [smem:$0x3FAD]  }
0x2a: {  	p0 =	seq.s32 s5, $0x0;
	s5 =	sld [smem:$0x3FAE]  }
0x2b: {  	s6 =	sld [smem:$0x3FAF]  }
0x2c: {  	s7 =	sld [smem:$0x3FB0]  }
0x2d: {  	s3 =	simm.s32 $0x108;
	s8 =	sld [smem:$0x3FB1]  }
0x2e: {  	s3 =	simm.s32 @!p0 $0x1082;
	s9 =	sld [smem:$0x3FB2]  }
0x2f: {  	lr =	sadd.s32 s0, s3;
	s0 =	sld [smem:$0x3FA9]  }
0x30: {  	s3 =	sld [smem:$0x3FAC]  }
0x31: {  	[smem:$0x3FB5] =	sst s10  }
0x32: {  	s10 =	sld [smem:$0x3FB3];
	_ =	sdelay $0x3  }
0x33: {  	p0 =	seq.s32 s10, $0x1;
	s10 =	sld [smem:$0x3FB5];
	_ =	sdelay $0x3  }
0x34: {  	[smem:$0x3FB5] =	sst s10  }
0x35: {  	s10 =	sld [smem:$0x3FB4];
	_ =	sdelay $0x3  }
0x36: {  	p1 =	seq.s32 s10, $0x1;
	s10 =	sld [smem:$0x3FB5];
	_ =	sdelay $0x3  }
0x37: {  	[smem:$0x3FB5] =	sst s10  }
0x38: {  	s10 =	sld [smem:$0x3FB6]  }
0x39: {  	_ = 	snop;
	(pc) =	sbr.ind lr, $3  }
0x3a: {  	_ = 	snop  }
0x3b: {  	_ = 	snop  }
0x3c: {  	p2 =	seq.s32 s10, $0x1;
	s10 =	sld [smem:$0x3FB5]  }
0x3d: {  	_ =	shalt  }
0x3e: {  	_ =	shalt  }
0x3f: {  	_ =	shalt  }
0x40: {  	_ =	shalt  }
0x41: {  	_ =	shalt  }
0x42: {  	_ =	shalt  }
0x43: {  	_ =	shalt  }
0x44: {  	_ =	shalt  }
0x45: {  	_ =	shalt  }
0x46: {  	_ =	shalt  }
0x47: {  	_ =	shalt  }
0x48: {  	_ =	shalt  }
0x49: {  	_ =	shalt  }
0x4a: {  	_ =	shalt  }
0x4b: {  	_ =	shalt  }
0x4c: {  	_ =	shalt  }
0x4d: {  	_ =	shalt  }
0x4e: {  	_ =	shalt  }
0x4f: {  	_ =	shalt  }
0x50: {  	_ =	shalt  }
0x51: {  	_ =	shalt  }
0x52: {  	_ =	shalt  }
0x53: {  	_ =	shalt  }
0x54: {  	_ =	shalt  }
0x55: {  	_ =	shalt  }
0x56: {  	_ =	shalt  }
0x57: {  	_ =	shalt  }
0x58: {  	_ =	shalt  }
0x59: {  	_ =	shalt  }
0x5a: {  	_ =	shalt  }
0x5b: {  	_ =	shalt  }
0x5c: {  	_ =	shalt  }
0x5d: {  	_ =	shalt  }
0x5e: {  	_ =	shalt  }
0x5f: {  	_ =	shalt  }
0x60: {  	_ =	shalt  }
0x61: {  	_ =	shalt  }
0x62: {  	_ =	shalt  }
0x63: {  	_ =	shalt  }
0x64: {  	_ =	shalt  }
0x65: {  	_ =	shalt  }
0x66: {  	_ =	shalt  }
0x67: {  	_ =	shalt  }
0x68: {  	_ =	shalt  }
0x69: {  	_ =	shalt  }
0x6a: {  	_ =	shalt  }
0x6b: {  	_ =	shalt  }
0x6c: {  	_ =	shalt  }
0x6d: {  	_ =	shalt  }
0x6e: {  	_ =	shalt  }
0x6f: {  	_ =	shalt  }
0x70: {  	_ =	shalt  }
0x71: {  	_ =	shalt  }
0x72: {  	_ =	shalt  }
0x73: {  	_ =	shalt  }
0x74: {  	_ =	shalt  }
0x75: {  	_ =	shalt  }
0x76: {  	_ =	shalt  }
0x77: {  	_ =	shalt  }
0x78: {  	_ =	shalt  }
0x79: {  	_ =	shalt  }
0x7a: {  	_ =	shalt  }
0x7b: {  	_ =	shalt  }
0x7c: {  	_ =	shalt  }
0x7d: {  	_ =	shalt  }
0x7e: {  	_ =	shalt  }
0x7f: {  	_ =	shalt  }
0x80: {  	_ =	shalt  }
0x81: {  	_ =	shalt  }
0x82: {  	_ =	shalt  }
0x83: {  	_ =	shalt  }
0x84: {  	_ =	shalt  }
0x85: {  	_ =	shalt  }
0x86: {  	_ =	shalt  }
0x87: {  	_ =	shalt  }
.Lfunc_end0:
.L_simem_size_0:
called_computation.1_lowered:
.L_overlay_start_0:
0x88: {  	s2 =	sld [smem:$0x3FD9]  }
0x89: {  	s3 =	sld [smem:$0x3FFE];
	_ =	sdelay $0x1  }
0x8a: {  	s1 =	srdreg.scid  }
0x8b: {  	s0 =	sand.u32 $0x1, s1  }
0x8c: {  	s16 =	sshll.u32 s0, $0xA;
	s2 =	sadd.s32 s3, s2  }
0x8d: {  	s2 =	sadd.s32 s2, s16  }
0x8e: {  	[smem:$0x3FC1] =	sst s2  }
0x8f: {  	_ = 	snop  }
0x90: {  	(tm) =	ssettm $0x1  }
0x91: {  	s17 =	sld [smem:$0x3FFB];
	_ =	sdelay $0x3  }
0x92: {  	_ =	strace s17  }
0x93: {  	s2 =	sld [smem:$0x3FFC];
	_ =	sdelay $0x3  }
0x94: {  	_ =	strace s2  }
0x95: {  	s2 =	sld [smem:$0x3FFD];
	_ =	sdelay $0x3  }
0x96: {  	_ =	strace s2  }
0x97: {  	_ =	strace $0x8FFFFFFF  }
0x98: {  	s18 =	sld [smem:$0x3FDB];
	_ =	sdelay $0x1  }
0x99: {  	s19 =	simm.s32 $_scs_section_size  }
0x9a: {  	s4 =	simm.s32 $_size__tile_overlayer_lowered;
	s5 =	simm.s32 $_tile_overlayer_lowered  }
0x9b: {  	s22 =	simm.s32 $0x1BFF;
	s21 =	sshll.u32 s5, $0x1;
	s2 =	sadd.s32 s19, s18  }
0x9c: {  	s6 =	simm.s32 $0x0;
	s20 =	sshll.u32 s4, $0x1;
	s4 =	sadd.s32 s21, s2  }
0x9d: {  	[timem:s6], [sflag:s22] =	dma.local [hbm:s4], s20  }
0x9e: {  	_ =	swait.ge [sflag:s22], s20  }
0x9f: {  	s3 =	ssub.s32 $0x0, s20;
	[sflag:s22] =	ssyncset.done $0x0  }
0xa0: {  	[sflag:s22] =	ssyncadd.s32 s3;
	_ =	sdelay $0x1  }
0xa1: {  	s23 =	simm.s32 $0x1B8B  }
0xa2: {  	_ =	swait.ge [sflag:s23], $0x1  }
0xa3: {  	[sflag:s23] =	ssyncset.done $0x0  }
0xa4: {  	s25 =	simm.s32 $0x1B8E;
	s24 =	sld [smem:$0x3FFE];
	[sflag:s23] =	ssyncadd.s32 $0xFFFFFFFF  }
0xa5: {  	s26 =	simm.s32 $execute0_lowered;
	[smem:$0x3FD2] =	sst s25  }
0xa6: {  	s4 =	sshll.u32 s26, $0x1;
	_ =	strace $0x80000049;
	[dreg:$0x1] =	wrdreg $0xFFFFFFFF  }
0xa7: {  	s28 =	simm.s32 $_size_execute0_lowered;
	s2 =	sadd.s32 s2, s4;
	[dreg:$0x0] =	wrdreg $0x0  }
0xa8: {  	s4 =	sshll.u32 s28, $0x1;
	[dreg:$0x2] =	wrdreg s2  }
0xa9: {  	[dreg:$0x3] =	wrdreg s4  }
0xaa: {  	[dreg:$0x4] =	wrdreg $0xC0  }
0xab: {  	_ =	task [dreg:s6], $0x5FFFF  }
0xac: {  	[dreg:$0x1] =	wrdreg $0xFFFFFFFF  }
0xad: {  	[dreg:$0x0] =	wrdreg $0x60  }
0xae: {  	[dreg:$0x2] =	wrdreg s24  }
0xaf: {  	[dreg:$0x3] =	wrdreg $0x0  }
0xb0: {  	[dreg:$0x4] =	wrdreg $0x9  }
0xb1: {  	_ =	task.clear_ibuf [dreg:s6], $0x5FFFF;
	_ =	strace $0x90000049  }
0xb2: {  	s29 =	simm.s32 $0x9;
	_ =	strace $0x8000004B  }
0xb3: {  	_ =	swait.ge [sflag:s29], $0x1  }
0xb4: {  	[sflag:s29] =	ssyncadd.s32 $0xFFFFFFFF  }
0xb5: {  	_ =	strace $0x9000004B  }
0xb6: {  	_ =	sfence  }
0xb7: {  	s30 =	sld [smem:$0x0];
	_ =	sdelay $0x2  }
0xb8: {  	s31 =	sshll.u32 s1, $0xD;
	s1 =	sshrl.u32 s1, $0x2  }
0xb9: {  	s3 =	sand.u32 $0x4000, s31;
	s1 =	sadd.s32 s1, s30  }
0xba: {  	s0 =	sor.u32 s3, s0;
	s1 =	sshll.u32 s1, $0x11  }
0xbb: {  	s0 =	sor.u32 s1, s0  }
0xbc: {  	s0 =	sadd.s32 $0x8F2B, s0  }
0xbd: {  	[sflag:s0] =	ssyncadd.remote.s32 $0x1  }
0xbe: {  	_ =	sfence.sel $0xFFFF  }
0xbf: {  	[dreg:$0x0] =	wrdreg $0xFFFFFFFF;
	(pc) =	sbr.abs _section_cstart, $3  }
0xc0: {  	[dreg:$0x1] =	wrdreg $0xFFFFFFFF  }
0xc1: {  	_ =	task.clear_ibuf [dreg:s6], $0x2FFFF;
	_ =	strace $0x9FFFFFFF  }
0xc2: {  	(tm) =	ssettm $0x7FFFFFFF  }
0xc3: {  	_ =	shalt  }
tec
execute0_lowered:
.L_overlay_start_1:
0x0: {  	(tag) =	ssettag $0x1  }
0x1: {  	s0 =	rddreg [dreg:$0x0]  }
0x2: {  	s1 =	srdreg.scid;
	s2 =	rddreg [dreg:$0x1]  }
0x3: {  	s8 =	stileid.u32;
	s5 =	simm.s32 $0x0;
	s28 =	simm.s32 $0x40  }
0x4: {  	s29 =	simm.s32 $0x16700;
	s30 =	simm.s32 $0x16800;
	s31 =	simm.s32 $0x18B00  }
0x5: {  	s10 =	simm.s32 $0x16880;
	s1 =	sand.u32 $0x1, s1;
	s11 =	smul.u32 $0x50000, s8  }
0x6: {  	s4 =	smul.u32 $0x14000, s8;
	[smem:$0x7FF] =	sst s5;
	s6 =	sadd.s32 $0xBA00, s0  }
0x7: {  	s7 =	sadd.s32 $0x1C00, s0;
	s8 =	sshll.u32 s8, $0x1;
	s5 =	sshrl.u32 s11, $0x2  }
0x8: {  	s3 =	smul.u32 $0x140000, s1;
	_ =	strace $0x8000004A;
	s5 =	sadd.s32 s5, s2  }
0x9: {  	s12 =	ssub.s32 $0x2, s1;
	s1 =	sor.u32 s1, s8;
	s13 =	sadd.s32 $0x2000, s5  }
0xa: {  	s9 =	sshrl.u32 s12, $0x1;
	s14 =	sadd.s32 $0x4000, s5;
	[dreg:$0x3] =	wrdreg s13  }
0xb: {  	s1 =	smul.u32 $0x2710, s1;
	s15 =	sadd.s32 $0x6000, s5;
	[dreg:$0x4] =	wrdreg s14  }
0xc: {  	s11 =	simm.s32 $0x5;
	s16 =	sadd.s32 $0x8000, s5;
	[dreg:$0x5] =	wrdreg s15  }
0xd: {  	s3 =	sadd.s32 s4, s3;
	s17 =	sadd.s32 $0xA000, s5;
	[dreg:$0x6] =	wrdreg s16  }
0xe: {  	s4 =	sadd.s32 $0x15800, s0;
	s18 =	sadd.s32 $0xC000, s5;
	[dreg:$0x7] =	wrdreg s17  }
0xf: {  	s3 =	sshrl.u32 s3, $0x3;
	s19 =	sadd.s32 $0xE000, s5;
	[dreg:$0x8] =	wrdreg s18  }
0x10: {  	s20 =	sadd.s32 $0x10000, s5;
	s21 =	sadd.s32 $0x12000, s5;
	[dreg:$0x9] =	wrdreg s19  }
0x11: {  	s1 =	sshrl.u32 s1, $0x3;
	s0 =	sadd.s32 s3, s0;
	[dreg:$0xa] =	wrdreg s20  }
0x12: {  	s3 =	ssub.s32 s12, s9;
	[dreg:$0xb] =	wrdreg s21;
	s22 =	sadd.s32 s6, s1  }
0x13: {  	s23 =	sadd.s32 s7, s1;
	s24 =	sadd.s32 $0x270, s1;
	s1 =	sadd.s32 $0x4E0, s1  }
0x14: {  	s18 =	simm.s32 $0x14000;
	s9 =	simm.s32 $0x2;
	s12 =	simm.s32 $0x6  }
0x15: {  	s13 =	simm.s32 $0x3;
	s14 =	simm.s32 $0x16980;
	[dreg:$0xc] =	wrdreg s22  }
0x16: {  	s15 =	simm.s32 $0x7;
	[dreg:$0xd] =	wrdreg s23;
	s25 =	sadd.s32 s6, s24  }
0x17: {  	s16 =	simm.s32 $0x8;
	s8 =	sadd.s32 s7, s24;
	[dreg:$0xe] =	wrdreg s25  }
0x18: {  	s21 =	simm.s32 $0x0;
	s6 =	sadd.s32 s6, s1;
	[dreg:$0xf] =	wrdreg s8  }
0x19: {  	s20 =	simm.s32 $0x1EC00;
	s1 =	sadd.s32 s7, s1;
	[dreg:$0x10] =	wrdreg s6  }
0x1a: {  	s0 =	sadd.s32 $0x3D800, s0;
	s26 =	smax.u32 s3, $0x1;
	[dreg:$0x11] =	wrdreg s1  }
0x1b: {  	s23 =	simm.s32 $0x16B00;
	s24 =	simm.s32 $0x9;
	[dreg:$0x12] =	wrdreg s0  }
0x1c: {  	s3 =	simm.s32 $0x16A00;
	s7 =	simm.s32 $0x1;
	[dreg:$0x13] =	wrdreg s26  }
0x1d: {  	s0 =	simm.s32 $0x16900;
	s1 =	simm.s32 $0x1AB00;
	s6 =	simm.s32 $0x1CB00  }
0x1e: {  	v0 =	vimm.f32 $0.0e+00;
	s8 =	simm.s32 $0x16780;
	s25 =	simm.s32 $0x4;
	s26 =	simm.s32 $0x16A80  }
.LBB2_1:
0x1f: {  	s17 =	simm.s32 $0x0;
	s22 =	simm.s32 $0x200  }
.LBB2_2:
0x20: {  	p0 =	sne.s32 s22, $0x7E00;
	[tilespmem:s17+$0x16B70] =	vst v0  }
0x21: {  	[tilespmem:s17+$0x16B00] =	vst v0  }
0x22: {  	[tilespmem:s17+$0x16B10] =	vst v0  }
.Ltmp0:
0x23: {  	[tilespmem:s17+$0x16B20] =	vst v0;
	(pc) =	sbr.rel @p0 .LBB2_2-.Ltmp0, $4  }
0x24: {  	[tilespmem:s17+$0x16B30] =	vst v0  }
0x25: {  	[tilespmem:s17+$0x16B40] =	vst v0  }
0x26: {  	[tilespmem:s17+$0x16B50] =	vst v0  }
0x27: {  	[tilespmem:s17+$0x16B60] =	vst v0;
	s17 =	sshra.s32 s22, $0x2;
	s22 =	sadd.s32 $0x200, s22  }
0x28: {  	[tilespmem:s17+$0x16B70] =	vst v0  }
0x29: {  	[tilespmem:s17+$0x16B00] =	vst v0  }
0x2a: {  	[tilespmem:s17+$0x16B10] =	vst v0  }
0x2b: {  	[tilespmem:s17+$0x16B20] =	vst v0  }
0x2c: {  	[tilespmem:s17+$0x16B30] =	vst v0  }
0x2d: {  	[tilespmem:s17+$0x16B40] =	vst v0  }
0x2e: {  	[tilespmem:s17+$0x16B50] =	vst v0  }
0x2f: {  	[tilespmem:s17+$0x16B60] =	vst v0  }
0x30: {  	[spmem:s5] =	stream.linear.scatter [tilespmem:s23], [sflag:$0x9], $0x2000, $0x38;
	[tilespmem:$0x1F400] =	vst v63  }
0x31: {  	_ =	swait.ge [sflag:s24], $0x2000  }
0x32: {  	[sflag:s24] =	ssyncset.done $0x0  }
0x33: {  	s22 =	rddreg [dreg:$0x3];
	[sflag:s24] =	ssyncadd.s32 $0xFFFFE000  }
0x34: {  	[spmem:s22] =	stream.linear.scatter [tilespmem:s23], [sflag:$0x9], $0x2000, $0x38;
	[tilespmem:$0x1F400] =	vst v63  }
0x35: {  	_ =	swait.ge [sflag:s24], $0x2000  }
0x36: {  	[sflag:s24] =	ssyncset.done $0x0  }
0x37: {  	s19 =	rddreg [dreg:$0x4];
	[sflag:s24] =	ssyncadd.s32 $0xFFFFE000  }
0x38: {  	[spmem:s19] =	stream.linear.scatter [tilespmem:s23], [sflag:$0x9], $0x2000, $0x38;
	[tilespmem:$0x1F400] =	vst v63  }
0x39: {  	_ =	swait.ge [sflag:s24], $0x2000  }
0x3a: {  	[sflag:s24] =	ssyncset.done $0x0  }
0x3b: {  	s22 =	rddreg [dreg:$0x5];
	[sflag:s24] =	ssyncadd.s32 $0xFFFFE000  }
0x3c: {  	[spmem:s22] =	stream.linear.scatter [tilespmem:s23], [sflag:$0x9], $0x2000, $0x38;
	[tilespmem:$0x1F400] =	vst v63  }
0x3d: {  	_ =	swait.ge [sflag:s24], $0x2000  }
0x3e: {  	[sflag:s24] =	ssyncset.done $0x0  }
0x3f: {  	s19 =	rddreg [dreg:$0x6];
	[sflag:s24] =	ssyncadd.s32 $0xFFFFE000  }
0x40: {  	[spmem:s19] =	stream.linear.scatter [tilespmem:s23], [sflag:$0x9], $0x2000, $0x38;
	[tilespmem:$0x1F400] =	vst v63  }
0x41: {  	_ =	swait.ge [sflag:s24], $0x2000  }
0x42: {  	[sflag:s24] =	ssyncset.done $0x0  }
0x43: {  	s22 =	rddreg [dreg:$0x7];
	[sflag:s24] =	ssyncadd.s32 $0xFFFFE000  }
0x44: {  	[spmem:s22] =	stream.linear.scatter [tilespmem:s23], [sflag:$0x9], $0x2000, $0x38;
	[tilespmem:$0x1F400] =	vst v63  }
0x45: {  	_ =	swait.ge [sflag:s24], $0x2000  }
0x46: {  	[sflag:s24] =	ssyncset.done $0x0  }
0x47: {  	s19 =	rddreg [dreg:$0x8];
	[sflag:s24] =	ssyncadd.s32 $0xFFFFE000  }
0x48: {  	[spmem:s19] =	stream.linear.scatter [tilespmem:s23], [sflag:$0x9], $0x2000, $0x38;
	[tilespmem:$0x1F400] =	vst v63  }
0x49: {  	_ =	swait.ge [sflag:s24], $0x2000  }
0x4a: {  	[sflag:s24] =	ssyncset.done $0x0  }
0x4b: {  	s22 =	rddreg [dreg:$0x9];
	[sflag:s24] =	ssyncadd.s32 $0xFFFFE000  }
0x4c: {  	[spmem:s22] =	stream.linear.scatter [tilespmem:s23], [sflag:$0x9], $0x2000, $0x38;
	[tilespmem:$0x1F400] =	vst v63  }
0x4d: {  	_ =	swait.ge [sflag:s24], $0x2000  }
0x4e: {  	[sflag:s24] =	ssyncset.done $0x0  }
0x4f: {  	s19 =	rddreg [dreg:$0xa];
	[sflag:s24] =	ssyncadd.s32 $0xFFFFE000  }
0x50: {  	[spmem:s19] =	stream.linear.scatter [tilespmem:s23], [sflag:$0x9], $0x2000, $0x38;
	[tilespmem:$0x1F400] =	vst v63  }
0x51: {  	_ =	swait.ge [sflag:s24], $0x2000  }
0x52: {  	[sflag:s24] =	ssyncset.done $0x0  }
0x53: {  	s22 =	rddreg [dreg:$0xb];
	[sflag:s24] =	ssyncadd.s32 $0xFFFFE000  }
0x54: {  	[spmem:s22] =	stream.linear.scatter [tilespmem:s23], [sflag:$0x9], $0x2000, $0x38;
	[tilespmem:$0x1F400] =	vst v63  }
0x55: {  	_ =	swait.ge [sflag:s24], $0x2000  }
0x56: {  	[sflag:s24] =	ssyncset.done $0x0  }
0x57: {  	[sflag:s24] =	ssyncadd.s32 $0xFFFFE000  }
0x58: {  	[bflag:$0x0] =	sbarrier.arrive $0xFFFF  }
0x59: {  	s22 =	simm.s32 $0x0;
	s19 =	rddreg [dreg:$0xc]  }
0x5a: {  	[tilespmem:s18], [sflag:$0x9] =	stream.linear.gather [hbm4b:s19+s22], $0x1380, $0x38;
	[tilespmem:$0x1F400] =	vst v63  }
0x5b: {  	_ =	swait.ge [sflag:s24], $0x1380  }
0x5c: {  	[sflag:s24] =	ssyncset.done $0x0  }
0x5d: {  	s19 =	simm.s32 $0x15380;
	s17 =	rddreg [dreg:$0xd];
	[sflag:s24] =	ssyncadd.s32 $0xFFFFEC80  }
0x5e: {  	[tilespmem:s19], [sflag:$0x9] =	stream.linear.gather [hbm4b:s17+s22], $0x1380, $0x38;
	[tilespmem:$0x1F400] =	vst v63  }
0x5f: {  	_ =	swait.ge [sflag:s24], $0x1380  }
0x60: {  	[sflag:s24] =	ssyncset.done $0x0  }
0x61: {  	[sflag:s24] =	ssyncadd.s32 $0xFFFFEC80  }
.LBB2_4:
0x62: {  	s17 =	sshra.s32 s22, $0x2  }
0x63: {  	v1 =	vld [tilespmem:s17+$0x14000];
	_ =	sdelay $0x4  }
0x64: {  	[tilespmem:$0x16700] =	vst v1  }
0x65: {  	v1 =	vld [tilespmem:s17+$0x14010];
	_ =	sdelay $0x4  }
0x66: {  	[tilespmem:$0x16710] =	vst v1  }
0x67: {  	v1 =	vld [tilespmem:s17+$0x14020];
	_ =	sdelay $0x4  }
0x68: {  	[tilespmem:$0x16720] =	vst v1  }
0x69: {  	v1 =	vld [tilespmem:s17+$0x14030];
	_ =	sdelay $0x4  }
0x6a: {  	[tilespmem:$0x16730] =	vst v1  }
0x6b: {  	v1 =	vld [tilespmem:s17+$0x14040];
	_ =	sdelay $0x4  }
0x6c: {  	[tilespmem:$0x16800] =	vst v1  }
0x6d: {  	v1 =	vld [tilespmem:s17+$0x14050];
	_ =	sdelay $0x4  }
0x6e: {  	[tilespmem:$0x16810] =	vst v1  }
0x6f: {  	v1 =	vld [tilespmem:s17+$0x14060];
	_ =	sdelay $0x4  }
0x70: {  	[tilespmem:$0x16820] =	vst v1  }
0x71: {  	v1 =	vld [tilespmem:s17+$0x14070];
	_ =	sdelay $0x4  }
0x72: {  	[tilespmem:$0x16830] =	vst v1  }
0x73: {  	v1 =	vld [tilespmem:s17+$0x15380];
	_ =	sdelay $0x4  }
0x74: {  	[tilespmem:$0x16780] =	vst v1  }
0x75: {  	v1 =	vld [tilespmem:s17+$0x15390];
	_ =	sdelay $0x4  }
0x76: {  	[tilespmem:$0x16790] =	vst v1  }
0x77: {  	v1 =	vld [tilespmem:s17+$0x153A0];
	_ =	sdelay $0x4  }
0x78: {  	[tilespmem:$0x167A0] =	vst v1  }
0x79: {  	v1 =	vld [tilespmem:s17+$0x153B0];
	_ =	sdelay $0x4  }
0x7a: {  	[tilespmem:$0x167B0] =	vst v1  }
0x7b: {  	v1 =	vld [tilespmem:s17+$0x153C0];
	_ =	sdelay $0x4  }
0x7c: {  	[tilespmem:$0x16880] =	vst v1  }
0x7d: {  	v1 =	vld [tilespmem:s17+$0x153D0];
	_ =	sdelay $0x4  }
0x7e: {  	[tilespmem:$0x16890] =	vst v1  }
0x7f: {  	v1 =	vld [tilespmem:s17+$0x153E0];
	_ =	sdelay $0x4  }
0x80: {  	[tilespmem:$0x168A0] =	vst v1  }
0x81: {  	v1 =	vld [tilespmem:s17+$0x153F0];
	_ =	sdelay $0x4  }
0x82: {  	[tilespmem:$0x168B0] =	vst v1  }
0x83: {  	[tilespmem:s23], [sflag:$0x1] =	stream.indirect.gather [hbm4b:s4+s28], $0x80, s29, s28, $0xb8;
	[tilespmem:$0x1F400] =	vst v63  }
0x84: {  	_ = 	snop  }
0x85: {  	[tilespmem:s31], [sflag:$0x2] =	stream.indirect.gather [hbm4b:s4+s28], $0x80, s30, s28, $0xb8;
	[tilespmem:$0x1F400] =	vst v63  }
0x86: {  	v1 =	vld [tilespmem:s17+$0x14080];
	_ =	sdelay $0x4  }
0x87: {  	[tilespmem:$0x16900] =	vst v1  }
0x88: {  	v1 =	vld [tilespmem:s17+$0x14090];
	_ =	sdelay $0x4  }
0x89: {  	[tilespmem:$0x16910] =	vst v1  }
0x8a: {  	v1 =	vld [tilespmem:s17+$0x140A0];
	_ =	sdelay $0x4  }
0x8b: {  	[tilespmem:$0x16920] =	vst v1  }
0x8c: {  	v1 =	vld [tilespmem:s17+$0x140B0];
	_ =	sdelay $0x4  }
0x8d: {  	[tilespmem:$0x16930] =	vst v1  }
0x8e: {  	v1 =	vld [tilespmem:s17+$0x140C0];
	_ =	sdelay $0x4  }
0x8f: {  	[tilespmem:$0x16A00] =	vst v1  }
0x90: {  	v1 =	vld [tilespmem:s17+$0x140D0];
	_ =	sdelay $0x4  }
0x91: {  	[tilespmem:$0x16A10] =	vst v1  }
0x92: {  	v1 =	vld [tilespmem:s17+$0x140E0];
	_ =	sdelay $0x4  }
0x93: {  	[tilespmem:$0x16A20] =	vst v1  }
0x94: {  	v1 =	vld [tilespmem:s17+$0x140F0];
	_ =	sdelay $0x4  }
0x95: {  	[tilespmem:$0x16A30] =	vst v1  }
0x96: {  	v1 =	vld [tilespmem:s17+$0x15400];
	_ =	sdelay $0x4  }
0x97: {  	[tilespmem:$0x16980] =	vst v1  }
0x98: {  	v1 =	vld [tilespmem:s17+$0x15410];
	_ =	sdelay $0x4  }
0x99: {  	[tilespmem:$0x16990] =	vst v1  }
0x9a: {  	v1 =	vld [tilespmem:s17+$0x15420];
	_ =	sdelay $0x4  }
0x9b: {  	[tilespmem:$0x169A0] =	vst v1  }
0x9c: {  	v1 =	vld [tilespmem:s17+$0x15430];
	_ =	sdelay $0x4  }
0x9d: {  	[tilespmem:$0x169B0] =	vst v1  }
0x9e: {  	v1 =	vld [tilespmem:s17+$0x15440];
	_ =	sdelay $0x4  }
0x9f: {  	[tilespmem:$0x16A80] =	vst v1  }
0xa0: {  	v1 =	vld [tilespmem:s17+$0x15450];
	_ =	sdelay $0x4  }
0xa1: {  	[tilespmem:$0x16A90] =	vst v1  }
0xa2: {  	v1 =	vld [tilespmem:s17+$0x15460];
	_ =	sdelay $0x4  }
0xa3: {  	[tilespmem:$0x16AA0] =	vst v1  }
0xa4: {  	v1 =	vld [tilespmem:s17+$0x15470];
	_ =	sdelay $0x4  }
0xa5: {  	[tilespmem:$0x16AB0] =	vst v1  }
0xa6: {  	[tilespmem:s1], [sflag:$0x3] =	stream.indirect.gather [hbm4b:s4+s28], $0x80, s0, s28, $0xb8;
	[tilespmem:$0x1F400] =	vst v63  }
0xa7: {  	_ = 	snop  }
0xa8: {  	[tilespmem:s6], [sflag:$0x4] =	stream.indirect.gather [hbm4b:s4+s28], $0x80, s3, s28, $0xb8;
	[tilespmem:$0x1F400] =	vst v63  }
0xa9: {  	_ =	swait.ge [sflag:s7], $0x2000  }
0xaa: {  	[sflag:s7] =	ssyncset.done $0x0  }
0xab: {  	[sflag:s7] =	ssyncadd.s32 $0xFFFFE000  }
0xac: {  	[spmem:s2] =	stream.indirect.scatter.add.f32 [tilespmem:s23], [sflag:$0x5], $0x80, s8, s28, $0xb8;
	[tilespmem:$0x1F400] =	vst v63  }
0xad: {  	_ =	swait.ge [sflag:s9], $0x2000  }
0xae: {  	[sflag:s9] =	ssyncset.done $0x0  }
0xaf: {  	[sflag:s9] =	ssyncadd.s32 $0xFFFFE000  }
0xb0: {  	[spmem:s2] =	stream.indirect.scatter.add.f32 [tilespmem:s31], [sflag:$0x6], $0x80, s10, s28, $0xb8;
	[tilespmem:$0x1F400] =	vst v63  }
0xb1: {  	_ =	swait.ge [sflag:s11], $0x2000  }
0xb2: {  	[sflag:s11] =	ssyncset.done $0x0  }
0xb3: {  	[sflag:s11] =	ssyncadd.s32 $0xFFFFE000  }
0xb4: {  	_ =	swait.ge [sflag:s12], $0x2000  }
0xb5: {  	[sflag:s12] =	ssyncset.done $0x0  }
0xb6: {  	[sflag:s12] =	ssyncadd.s32 $0xFFFFE000  }
0xb7: {  	v1 =	vld [tilespmem:s17+$0x14100];
	_ =	sdelay $0x4  }
0xb8: {  	[tilespmem:$0x16700] =	vst v1  }
0xb9: {  	v1 =	vld [tilespmem:s17+$0x14110];
	_ =	sdelay $0x4  }
0xba: {  	[tilespmem:$0x16710] =	vst v1  }
0xbb: {  	v1 =	vld [tilespmem:s17+$0x14120];
	_ =	sdelay $0x4  }
0xbc: {  	[tilespmem:$0x16720] =	vst v1  }
0xbd: {  	v1 =	vld [tilespmem:s17+$0x14130];
	_ =	sdelay $0x4  }
0xbe: {  	[tilespmem:$0x16730] =	vst v1  }
0xbf: {  	v1 =	vld [tilespmem:s17+$0x14140];
	_ =	sdelay $0x4  }
0xc0: {  	[tilespmem:$0x16800] =	vst v1  }
0xc1: {  	v1 =	vld [tilespmem:s17+$0x14150];
	_ =	sdelay $0x4  }
0xc2: {  	[tilespmem:$0x16810] =	vst v1  }
0xc3: {  	v1 =	vld [tilespmem:s17+$0x14160];
	_ =	sdelay $0x4  }
0xc4: {  	[tilespmem:$0x16820] =	vst v1  }
0xc5: {  	v1 =	vld [tilespmem:s17+$0x14170];
	_ =	sdelay $0x4  }
0xc6: {  	[tilespmem:$0x16830] =	vst v1  }
0xc7: {  	v1 =	vld [tilespmem:s17+$0x15480];
	_ =	sdelay $0x4  }
0xc8: {  	[tilespmem:$0x16780] =	vst v1  }
0xc9: {  	v1 =	vld [tilespmem:s17+$0x15490];
	_ =	sdelay $0x4  }
0xca: {  	[tilespmem:$0x16790] =	vst v1  }
0xcb: {  	v1 =	vld [tilespmem:s17+$0x154A0];
	_ =	sdelay $0x4  }
0xcc: {  	[tilespmem:$0x167A0] =	vst v1  }
0xcd: {  	v1 =	vld [tilespmem:s17+$0x154B0];
	_ =	sdelay $0x4  }
0xce: {  	[tilespmem:$0x167B0] =	vst v1  }
0xcf: {  	v1 =	vld [tilespmem:s17+$0x154C0];
	_ =	sdelay $0x4  }
0xd0: {  	[tilespmem:$0x16880] =	vst v1  }
0xd1: {  	v1 =	vld [tilespmem:s17+$0x154D0];
	_ =	sdelay $0x4  }
0xd2: {  	[tilespmem:$0x16890] =	vst v1  }
0xd3: {  	v1 =	vld [tilespmem:s17+$0x154E0];
	_ =	sdelay $0x4  }
0xd4: {  	[tilespmem:$0x168A0] =	vst v1  }
0xd5: {  	v1 =	vld [tilespmem:s17+$0x154F0];
	_ =	sdelay $0x4  }
0xd6: {  	[tilespmem:$0x168B0] =	vst v1  }
0xd7: {  	[tilespmem:s23], [sflag:$0x1] =	stream.indirect.gather [hbm4b:s4+s28], $0x80, s29, s28, $0xb8;
	[tilespmem:$0x1F400] =	vst v63  }
0xd8: {  	_ = 	snop  }
0xd9: {  	[tilespmem:s31], [sflag:$0x2] =	stream.indirect.gather [hbm4b:s4+s28], $0x80, s30, s28, $0xb8;
	[tilespmem:$0x1F400] =	vst v63  }
0xda: {  	_ =	swait.ge [sflag:s13], $0x2000  }
0xdb: {  	[sflag:s13] =	ssyncset.done $0x0  }
0xdc: {  	[sflag:s13] =	ssyncadd.s32 $0xFFFFE000  }
0xdd: {  	[spmem:s2] =	stream.indirect.scatter.add.f32 [tilespmem:s1], [sflag:$0x7], $0x80, s14, s28, $0xb8;
	[tilespmem:$0x1F400] =	vst v63  }
0xde: {  	_ =	swait.ge [sflag:s25], $0x2000  }
0xdf: {  	[sflag:s25] =	ssyncset.done $0x0  }
0xe0: {  	[sflag:s25] =	ssyncadd.s32 $0xFFFFE000  }
0xe1: {  	[spmem:s2] =	stream.indirect.scatter.add.f32 [tilespmem:s6], [sflag:$0x8], $0x80, s26, s28, $0xb8;
	[tilespmem:$0x1F400] =	vst v63  }
0xe2: {  	_ =	swait.ge [sflag:s15], $0x2000  }
0xe3: {  	[sflag:s15] =	ssyncset.done $0x0  }
0xe4: {  	[sflag:s15] =	ssyncadd.s32 $0xFFFFE000  }
0xe5: {  	_ =	swait.ge [sflag:s16], $0x2000  }
0xe6: {  	[sflag:s16] =	ssyncset.done $0x0  }
0xe7: {  	[sflag:s16] =	ssyncadd.s32 $0xFFFFE000  }
0xe8: {  	v1 =	vld [tilespmem:s17+$0x14180];
	_ =	sdelay $0x4  }
0xe9: {  	[tilespmem:$0x16900] =	vst v1  }
0xea: {  	v1 =	vld [tilespmem:s17+$0x14190];
	_ =	sdelay $0x4  }
0xeb: {  	[tilespmem:$0x16910] =	vst v1  }
0xec: {  	v1 =	vld [tilespmem:s17+$0x141A0];
	_ =	sdelay $0x4  }
0xed: {  	[tilespmem:$0x16920] =	vst v1  }
0xee: {  	v1 =	vld [tilespmem:s17+$0x141B0];
	_ =	sdelay $0x4  }
0xef: {  	[tilespmem:$0x16930] =	vst v1  }
0xf0: {  	v1 =	vld [tilespmem:s17+$0x141C0];
	_ =	sdelay $0x4  }
0xf1: {  	[tilespmem:$0x16A00] =	vst v1  }
0xf2: {  	v1 =	vld [tilespmem:s17+$0x141D0];
	_ =	sdelay $0x4  }
0xf3: {  	[tilespmem:$0x16A10] =	vst v1  }
0xf4: {  	v1 =	vld [tilespmem:s17+$0x141E0];
	_ =	sdelay $0x4  }
0xf5: {  	[tilespmem:$0x16A20] =	vst v1  }
0xf6: {  	v1 =	vld [tilespmem:s17+$0x141F0];
	_ =	sdelay $0x4  }
0xf7: {  	[tilespmem:$0x16A30] =	vst v1  }
0xf8: {  	v1 =	vld [tilespmem:s17+$0x15500];
	_ =	sdelay $0x4  }
0xf9: {  	[tilespmem:$0x16980] =	vst v1  }
0xfa: {  	v1 =	vld [tilespmem:s17+$0x15510];
	_ =	sdelay $0x4  }
0xfb: {  	[tilespmem:$0x16990] =	vst v1  }
0xfc: {  	v1 =	vld [tilespmem:s17+$0x15520];
	_ =	sdelay $0x4  }
0xfd: {  	[tilespmem:$0x169A0] =	vst v1  }
0xfe: {  	v1 =	vld [tilespmem:s17+$0x15530];
	_ =	sdelay $0x4  }
0xff: {  	[tilespmem:$0x169B0] =	vst v1  }
0x100: {  	v1 =	vld [tilespmem:s17+$0x15540];
	_ =	sdelay $0x4  }
0x101: {  	[tilespmem:$0x16A80] =	vst v1  }
0x102: {  	v1 =	vld [tilespmem:s17+$0x15550];
	_ =	sdelay $0x4  }
0x103: {  	[tilespmem:$0x16A90] =	vst v1  }
0x104: {  	v1 =	vld [tilespmem:s17+$0x15560];
	_ =	sdelay $0x4  }
0x105: {  	[tilespmem:$0x16AA0] =	vst v1  }
0x106: {  	v1 =	vld [tilespmem:s17+$0x15570];
	_ =	sdelay $0x4  }
0x107: {  	[tilespmem:$0x16AB0] =	vst v1  }
0x108: {  	[tilespmem:s1], [sflag:$0x3] =	stream.indirect.gather [hbm4b:s4+s28], $0x80, s0, s28, $0xb8;
	[tilespmem:$0x1F400] =	vst v63  }
0x109: {  	_ = 	snop  }
0x10a: {  	[tilespmem:s6], [sflag:$0x4] =	stream.indirect.gather [hbm4b:s4+s28], $0x80, s3, s28, $0xb8;
	[tilespmem:$0x1F400] =	vst v63  }
0x10b: {  	_ =	swait.ge [sflag:s7], $0x2000  }
0x10c: {  	[sflag:s7] =	ssyncset.done $0x0  }
0x10d: {  	[sflag:s7] =	ssyncadd.s32 $0xFFFFE000  }
0x10e: {  	[spmem:s2] =	stream.indirect.scatter.add.f32 [tilespmem:s23], [sflag:$0x5], $0x80, s8, s28, $0xb8;
	[tilespmem:$0x1F400] =	vst v63  }
0x10f: {  	_ =	swait.ge [sflag:s9], $0x2000  }
0x110: {  	[sflag:s9] =	ssyncset.done $0x0  }
0x111: {  	[sflag:s9] =	ssyncadd.s32 $0xFFFFE000  }
0x112: {  	[spmem:s2] =	stream.indirect.scatter.add.f32 [tilespmem:s31], [sflag:$0x6], $0x80, s10, s28, $0xb8;
	[tilespmem:$0x1F400] =	vst v63  }
0x113: {  	_ =	swait.ge [sflag:s11], $0x2000  }
0x114: {  	[sflag:s11] =	ssyncset.done $0x0  }
0x115: {  	[sflag:s11] =	ssyncadd.s32 $0xFFFFE000  }
0x116: {  	_ =	swait.ge [sflag:s12], $0x2000  }
0x117: {  	[sflag:s12] =	ssyncset.done $0x0  }
0x118: {  	[sflag:s12] =	ssyncadd.s32 $0xFFFFE000  }
0x119: {  	_ =	swait.ge [sflag:s13], $0x2000  }
0x11a: {  	[sflag:s13] =	ssyncset.done $0x0  }
0x11b: {  	[sflag:s13] =	ssyncadd.s32 $0xFFFFE000  }
0x11c: {  	[spmem:s2] =	stream.indirect.scatter.add.f32 [tilespmem:s1], [sflag:$0x7], $0x80, s14, s28, $0xb8;
	[tilespmem:$0x1F400] =	vst v63  }
0x11d: {  	_ =	swait.ge [sflag:s25], $0x2000  }
0x11e: {  	[sflag:s25] =	ssyncset.done $0x0  }
0x11f: {  	[sflag:s25] =	ssyncadd.s32 $0xFFFFE000  }
0x120: {  	[spmem:s2] =	stream.indirect.scatter.add.f32 [tilespmem:s6], [sflag:$0x8], $0x80, s26, s28, $0xb8;
	[tilespmem:$0x1F400] =	vst v63  }
0x121: {  	p0 =	sne.s32 s22, $0x4000;
	_ =	swait.ge [sflag:s15], $0x2000  }
.Ltmp1:
0x122: {  	[sflag:s15] =	ssyncset.done $0x0;
	(pc) =	sbr.rel @p0 .LBB2_4-.Ltmp1, $4  }
0x123: {  	[sflag:s15] =	ssyncadd.s32 $0xFFFFE000  }
0x124: {  	_ =	swait.ge [sflag:s16], $0x2000  }
0x125: {  	[sflag:s16] =	ssyncset.done $0x0  }
0x126: {  	s22 =	sadd.s32 $0x800, s22;
	[sflag:s16] =	ssyncadd.s32 $0xFFFFE000  }
0x127: {  	v1 =	vld [tilespmem:$0x15200]  }
0x128: {  	v2 =	vld [tilespmem:$0x15210]  }
0x129: {  	v3 =	vld [tilespmem:$0x15220]  }
0x12a: {  	v4 =	vld [tilespmem:$0x15230]  }
0x12b: {  	v5 =	vld [tilespmem:$0x15240]  }
0x12c: {  	[tilespmem:$0x16700] =	vst v1;
	v1 =	vld [tilespmem:$0x15250]  }
0x12d: {  	v48 =	vld [tilespmem:$0x16580];
	[tilespmem:$0x16710] =	vst v2  }
0x12e: {  	v49 =	vld [tilespmem:$0x16590];
	[tilespmem:$0x16720] =	vst v3  }
0x12f: {  	v2 =	vld [tilespmem:$0x15260];
	[tilespmem:$0x16730] =	vst v4  }
0x130: {  	v3 =	vld [tilespmem:$0x15270];
	[tilespmem:$0x16800] =	vst v5  }
0x131: {  	[tilespmem:$0x16810] =	vst v1;
	v1 =	vld [tilespmem:$0x165A0]  }
0x132: {  	v50 =	vld [tilespmem:$0x165D0];
	[tilespmem:$0x16780] =	vst v48  }
0x133: {  	v51 =	vld [tilespmem:$0x165E0];
	[tilespmem:$0x16790] =	vst v49  }
0x134: {  	[tilespmem:$0x16820] =	vst v2;
	v2 =	vld [tilespmem:$0x165B0]  }
0x135: {  	[tilespmem:$0x16830] =	vst v3;
	v3 =	vld [tilespmem:$0x165C0]  }
0x136: {  	[tilespmem:$0x167A0] =	vst v1;
	v1 =	vld [tilespmem:$0x165F0]  }
0x137: {  	[tilespmem:$0x16890] =	vst v50  }
0x138: {  	[tilespmem:$0x168A0] =	vst v51  }
0x139: {  	[tilespmem:$0x167B0] =	vst v2  }
0x13a: {  	[tilespmem:$0x16880] =	vst v3  }
0x13b: {  	[tilespmem:$0x168B0] =	vst v1  }
0x13c: {  	[tilespmem:s23], [sflag:$0x1] =	stream.indirect.gather [hbm4b:s4+s28], $0x80, s29, s28, $0xb8;
	[tilespmem:$0x1F400] =	vst v63  }
0x13d: {  	_ = 	snop  }
0x13e: {  	[tilespmem:s31], [sflag:$0x2] =	stream.indirect.gather [hbm4b:s4+s28], $0x80, s30, s28, $0xb8;
	[tilespmem:$0x1F400] =	vst v63  }
0x13f: {  	v1 =	vld [tilespmem:$0x15280]  }
0x140: {  	v2 =	vld [tilespmem:$0x15290]  }
0x141: {  	v3 =	vld [tilespmem:$0x152A0]  }
0x142: {  	v52 =	vld [tilespmem:$0x152B0]  }
0x143: {  	v53 =	vld [tilespmem:$0x152C0]  }
0x144: {  	[tilespmem:$0x16900] =	vst v1;
	v1 =	vld [tilespmem:$0x152D0]  }
0x145: {  	v54 =	vld [tilespmem:$0x16600];
	[tilespmem:$0x16910] =	vst v2  }
0x146: {  	v55 =	vld [tilespmem:$0x16610];
	[tilespmem:$0x16920] =	vst v3  }
0x147: {  	v2 =	vld [tilespmem:$0x152E0];
	[tilespmem:$0x16930] =	vst v52  }
0x148: {  	v3 =	vld [tilespmem:$0x152F0];
	[tilespmem:$0x16A00] =	vst v53  }
0x149: {  	[tilespmem:$0x16A10] =	vst v1;
	v1 =	vld [tilespmem:$0x16620]  }
0x14a: {  	v56 =	vld [tilespmem:$0x16650];
	[tilespmem:$0x16980] =	vst v54  }
0x14b: {  	v57 =	vld [tilespmem:$0x16660];
	[tilespmem:$0x16990] =	vst v55  }
0x14c: {  	[tilespmem:$0x16A20] =	vst v2;
	v2 =	vld [tilespmem:$0x16630]  }
0x14d: {  	[tilespmem:$0x16A30] =	vst v3;
	v3 =	vld [tilespmem:$0x16640]  }
0x14e: {  	[tilespmem:$0x169A0] =	vst v1;
	v1 =	vld [tilespmem:$0x16670]  }
0x14f: {  	[tilespmem:$0x16A90] =	vst v56  }
0x150: {  	[tilespmem:$0x16AA0] =	vst v57  }
0x151: {  	[tilespmem:$0x169B0] =	vst v2  }
0x152: {  	[tilespmem:$0x16A80] =	vst v3  }
0x153: {  	[tilespmem:$0x16AB0] =	vst v1  }
0x154: {  	[tilespmem:s1], [sflag:$0x3] =	stream.indirect.gather [hbm4b:s4+s28], $0x80, s0, s28, $0xb8;
	[tilespmem:$0x1F400] =	vst v63  }
0x155: {  	_ = 	snop  }
0x156: {  	[tilespmem:s6], [sflag:$0x4] =	stream.indirect.gather [hbm4b:s4+s28], $0x80, s3, s28, $0xb8;
	[tilespmem:$0x1F400] =	vst v63  }
0x157: {  	_ =	swait.ge [sflag:s7], $0x2000  }
0x158: {  	[sflag:s7] =	ssyncset.done $0x0  }
0x159: {  	[sflag:s7] =	ssyncadd.s32 $0xFFFFE000  }
0x15a: {  	[spmem:s2] =	stream.indirect.scatter.add.f32 [tilespmem:s23], [sflag:$0x5], $0x80, s8, s28, $0xb8;
	[tilespmem:$0x1F400] =	vst v63  }
0x15b: {  	_ =	swait.ge [sflag:s9], $0x2000  }
0x15c: {  	[sflag:s9] =	ssyncset.done $0x0  }
0x15d: {  	[sflag:s9] =	ssyncadd.s32 $0xFFFFE000  }
0x15e: {  	[spmem:s2] =	stream.indirect.scatter.add.f32 [tilespmem:s31], [sflag:$0x6], $0x80, s10, s28, $0xb8;
	[tilespmem:$0x1F400] =	vst v63  }
0x15f: {  	_ =	swait.ge [sflag:s11], $0x2000  }
0x160: {  	[sflag:s11] =	ssyncset.done $0x0  }
0x161: {  	[sflag:s11] =	ssyncadd.s32 $0xFFFFE000  }
0x162: {  	_ =	swait.ge [sflag:s12], $0x2000  }
0x163: {  	[sflag:s12] =	ssyncset.done $0x0  }
0x164: {  	[sflag:s12] =	ssyncadd.s32 $0xFFFFE000  }
0x165: {  	v1 =	vld [tilespmem:$0x15300]  }
0x166: {  	v2 =	vld [tilespmem:$0x15310]  }
0x167: {  	v3 =	vld [tilespmem:$0x15320]  }
0x168: {  	v58 =	vld [tilespmem:$0x15330]  }
0x169: {  	v59 =	vld [tilespmem:$0x15340]  }
0x16a: {  	[tilespmem:$0x16700] =	vst v1;
	v1 =	vld [tilespmem:$0x15350]  }
0x16b: {  	v60 =	vld [tilespmem:$0x16680];
	[tilespmem:$0x16710] =	vst v2  }
0x16c: {  	v61 =	vld [tilespmem:$0x16690];
	[tilespmem:$0x16720] =	vst v3  }
0x16d: {  	v2 =	vld [tilespmem:$0x15360];
	[tilespmem:$0x16730] =	vst v58  }
0x16e: {  	v3 =	vld [tilespmem:$0x15370];
	[tilespmem:$0x16800] =	vst v59  }
0x16f: {  	[tilespmem:$0x16810] =	vst v1;
	v1 =	vld [tilespmem:$0x166A0]  }
0x170: {  	v62 =	vld [tilespmem:$0x166D0];
	[tilespmem:$0x16780] =	vst v60  }
0x171: {  	v63 =	vld [tilespmem:$0x166E0];
	[tilespmem:$0x16790] =	vst v61  }
0x172: {  	[tilespmem:$0x16820] =	vst v2;
	v2 =	vld [tilespmem:$0x166B0]  }
0x173: {  	[tilespmem:$0x16830] =	vst v3;
	v3 =	vld [tilespmem:$0x166C0]  }
0x174: {  	[tilespmem:$0x167A0] =	vst v1;
	v1 =	vld [tilespmem:$0x166F0]  }
0x175: {  	[tilespmem:$0x16890] =	vst v62  }
0x176: {  	[tilespmem:$0x168A0] =	vst v63  }
0x177: {  	[tilespmem:$0x167B0] =	vst v2  }
0x178: {  	[tilespmem:$0x16880] =	vst v3  }
0x179: {  	[tilespmem:$0x168B0] =	vst v1  }
0x17a: {  	[tilespmem:s23], [sflag:$0x1] =	stream.indirect.gather [hbm4b:s4+s28], $0x80, s29, s28, $0xb8;
	[tilespmem:$0x1F400] =	vst v63  }
0x17b: {  	_ = 	snop  }
0x17c: {  	[tilespmem:s31], [sflag:$0x2] =	stream.indirect.gather [hbm4b:s4+s28], $0x80, s30, s28, $0xb8;
	[tilespmem:$0x1F400] =	vst v63  }
0x17d: {  	_ =	swait.ge [sflag:s13], $0x2000  }
0x17e: {  	[sflag:s13] =	ssyncset.done $0x0  }
0x17f: {  	[sflag:s13] =	ssyncadd.s32 $0xFFFFE000  }
0x180: {  	[spmem:s2] =	stream.indirect.scatter.add.f32 [tilespmem:s1], [sflag:$0x7], $0x80, s14, s28, $0xb8;
	[tilespmem:$0x1F400] =	vst v63  }
0x181: {  	_ =	swait.ge [sflag:s25], $0x2000  }
0x182: {  	[sflag:s25] =	ssyncset.done $0x0  }
0x183: {  	[sflag:s25] =	ssyncadd.s32 $0xFFFFE000  }
0x184: {  	[spmem:s2] =	stream.indirect.scatter.add.f32 [tilespmem:s6], [sflag:$0x8], $0x80, s26, s28, $0xb8;
	[tilespmem:$0x1F400] =	vst v63  }
0x185: {  	_ =	swait.ge [sflag:s15], $0x2000  }
0x186: {  	[sflag:s15] =	ssyncset.done $0x0  }
0x187: {  	[sflag:s15] =	ssyncadd.s32 $0xFFFFE000  }
0x188: {  	_ =	swait.ge [sflag:s16], $0x2000  }
0x189: {  	[sflag:s16] =	ssyncset.done $0x0  }
0x18a: {  	[sflag:s16] =	ssyncadd.s32 $0xFFFFE000  }
0x18b: {  	_ =	swait.ge [sflag:s7], $0x2000  }
0x18c: {  	[sflag:s7] =	ssyncset.done $0x0  }
0x18d: {  	[sflag:s7] =	ssyncadd.s32 $0xFFFFE000  }
0x18e: {  	[spmem:s2] =	stream.indirect.scatter.add.f32 [tilespmem:s23], [sflag:$0x5], $0x80, s8, s28, $0xb8;
	[tilespmem:$0x1F400] =	vst v63  }
0x18f: {  	_ =	swait.ge [sflag:s9], $0x2000  }
0x190: {  	[sflag:s9] =	ssyncset.done $0x0  }
0x191: {  	[sflag:s9] =	ssyncadd.s32 $0xFFFFE000  }
0x192: {  	[spmem:s2] =	stream.indirect.scatter.add.f32 [tilespmem:s31], [sflag:$0x6], $0x80, s10, s28, $0xb8;
	[tilespmem:$0x1F400] =	vst v63  }
0x193: {  	_ =	swait.ge [sflag:s11], $0x2000  }
0x194: {  	[sflag:s11] =	ssyncset.done $0x0  }
0x195: {  	[sflag:s11] =	ssyncadd.s32 $0xFFFFE000  }
0x196: {  	_ =	swait.ge [sflag:s12], $0x2000  }
0x197: {  	[sflag:s12] =	ssyncset.done $0x0  }
0x198: {  	s22 =	simm.s32 $0x0;
	s17 =	rddreg [dreg:$0xe];
	[sflag:s12] =	ssyncadd.s32 $0xFFFFE000  }
0x199: {  	[tilespmem:s18], [sflag:$0x9] =	stream.linear.gather [hbm4b:s17+s22], $0x1380, $0x38;
	[tilespmem:$0x1F400] =	vst v63  }
0x19a: {  	_ =	swait.ge [sflag:s24], $0x1380  }
0x19b: {  	[sflag:s24] =	ssyncset.done $0x0  }
0x19c: {  	s19 =	simm.s32 $0x15380;
	s18 =	rddreg [dreg:$0xf];
	[sflag:s24] =	ssyncadd.s32 $0xFFFFEC80  }
0x19d: {  	[tilespmem:s19], [sflag:$0x9] =	stream.linear.gather [hbm4b:s18+s22], $0x1380, $0x38;
	[tilespmem:$0x1F400] =	vst v63  }
0x19e: {  	_ =	swait.ge [sflag:s24], $0x1380  }
0x19f: {  	[sflag:s24] =	ssyncset.done $0x0  }
0x1a0: {  	[sflag:s24] =	ssyncadd.s32 $0xFFFFEC80  }
.LBB2_6:
0x1a1: {  	s17 =	sshra.s32 s22, $0x2  }
0x1a2: {  	v1 =	vld [tilespmem:s17+$0x14000];
	_ =	sdelay $0x4  }
0x1a3: {  	[tilespmem:$0x16700] =	vst v1  }
0x1a4: {  	v1 =	vld [tilespmem:s17+$0x14010];
	_ =	sdelay $0x4  }
0x1a5: {  	[tilespmem:$0x16710] =	vst v1  }
0x1a6: {  	v1 =	vld [tilespmem:s17+$0x14020];
	_ =	sdelay $0x4  }
0x1a7: {  	[tilespmem:$0x16720] =	vst v1  }
0x1a8: {  	v1 =	vld [tilespmem:s17+$0x14030];
	_ =	sdelay $0x4  }
0x1a9: {  	[tilespmem:$0x16730] =	vst v1  }
0x1aa: {  	v1 =	vld [tilespmem:s17+$0x14040];
	_ =	sdelay $0x4  }
0x1ab: {  	[tilespmem:$0x16800] =	vst v1  }
0x1ac: {  	v1 =	vld [tilespmem:s17+$0x14050];
	_ =	sdelay $0x4  }
0x1ad: {  	[tilespmem:$0x16810] =	vst v1  }
0x1ae: {  	v1 =	vld [tilespmem:s17+$0x14060];
	_ =	sdelay $0x4  }
0x1af: {  	[tilespmem:$0x16820] =	vst v1  }
0x1b0: {  	v1 =	vld [tilespmem:s17+$0x14070];
	_ =	sdelay $0x4  }
0x1b1: {  	[tilespmem:$0x16830] =	vst v1  }
0x1b2: {  	v1 =	vld [tilespmem:s17+$0x15380];
	_ =	sdelay $0x4  }
0x1b3: {  	[tilespmem:$0x16780] =	vst v1  }
0x1b4: {  	v1 =	vld [tilespmem:s17+$0x15390];
	_ =	sdelay $0x4  }
0x1b5: {  	[tilespmem:$0x16790] =	vst v1  }
0x1b6: {  	v1 =	vld [tilespmem:s17+$0x153A0];
	_ =	sdelay $0x4  }
0x1b7: {  	[tilespmem:$0x167A0] =	vst v1  }
0x1b8: {  	v1 =	vld [tilespmem:s17+$0x153B0];
	_ =	sdelay $0x4  }
0x1b9: {  	[tilespmem:$0x167B0] =	vst v1  }
0x1ba: {  	v1 =	vld [tilespmem:s17+$0x153C0];
	_ =	sdelay $0x4  }
0x1bb: {  	[tilespmem:$0x16880] =	vst v1  }
0x1bc: {  	v1 =	vld [tilespmem:s17+$0x153D0];
	_ =	sdelay $0x4  }
0x1bd: {  	[tilespmem:$0x16890] =	vst v1  }
0x1be: {  	v1 =	vld [tilespmem:s17+$0x153E0];
	_ =	sdelay $0x4  }
0x1bf: {  	[tilespmem:$0x168A0] =	vst v1  }
0x1c0: {  	v1 =	vld [tilespmem:s17+$0x153F0];
	_ =	sdelay $0x4  }
0x1c1: {  	[tilespmem:$0x168B0] =	vst v1  }
0x1c2: {  	[tilespmem:s23], [sflag:$0x1] =	stream.indirect.gather [hbm4b:s4+s28], $0x80, s29, s28, $0xb8;
	[tilespmem:$0x1F400] =	vst v63  }
0x1c3: {  	_ = 	snop  }
0x1c4: {  	[tilespmem:s31], [sflag:$0x2] =	stream.indirect.gather [hbm4b:s4+s28], $0x80, s30, s28, $0xb8;
	[tilespmem:$0x1F400] =	vst v63  }
0x1c5: {  	v1 =	vld [tilespmem:s17+$0x14080];
	_ =	sdelay $0x4  }
0x1c6: {  	[tilespmem:$0x16900] =	vst v1  }
0x1c7: {  	v1 =	vld [tilespmem:s17+$0x14090];
	_ =	sdelay $0x4  }
0x1c8: {  	[tilespmem:$0x16910] =	vst v1  }
0x1c9: {  	v1 =	vld [tilespmem:s17+$0x140A0];
	_ =	sdelay $0x4  }
0x1ca: {  	[tilespmem:$0x16920] =	vst v1  }
0x1cb: {  	v1 =	vld [tilespmem:s17+$0x140B0];
	_ =	sdelay $0x4  }
0x1cc: {  	[tilespmem:$0x16930] =	vst v1  }
0x1cd: {  	v1 =	vld [tilespmem:s17+$0x140C0];
	_ =	sdelay $0x4  }
0x1ce: {  	[tilespmem:$0x16A00] =	vst v1  }
0x1cf: {  	v1 =	vld [tilespmem:s17+$0x140D0];
	_ =	sdelay $0x4  }
0x1d0: {  	[tilespmem:$0x16A10] =	vst v1  }
0x1d1: {  	v1 =	vld [tilespmem:s17+$0x140E0];
	_ =	sdelay $0x4  }
0x1d2: {  	[tilespmem:$0x16A20] =	vst v1  }
0x1d3: {  	v1 =	vld [tilespmem:s17+$0x140F0];
	_ =	sdelay $0x4  }
0x1d4: {  	[tilespmem:$0x16A30] =	vst v1  }
0x1d5: {  	v1 =	vld [tilespmem:s17+$0x15400];
	_ =	sdelay $0x4  }
0x1d6: {  	[tilespmem:$0x16980] =	vst v1  }
0x1d7: {  	v1 =	vld [tilespmem:s17+$0x15410];
	_ =	sdelay $0x4  }
0x1d8: {  	[tilespmem:$0x16990] =	vst v1  }
0x1d9: {  	v1 =	vld [tilespmem:s17+$0x15420];
	_ =	sdelay $0x4  }
0x1da: {  	[tilespmem:$0x169A0] =	vst v1  }
0x1db: {  	v1 =	vld [tilespmem:s17+$0x15430];
	_ =	sdelay $0x4  }
0x1dc: {  	[tilespmem:$0x169B0] =	vst v1  }
0x1dd: {  	v1 =	vld [tilespmem:s17+$0x15440];
	_ =	sdelay $0x4  }
0x1de: {  	[tilespmem:$0x16A80] =	vst v1  }
0x1df: {  	v1 =	vld [tilespmem:s17+$0x15450];
	_ =	sdelay $0x4  }
0x1e0: {  	[tilespmem:$0x16A90] =	vst v1  }
0x1e1: {  	v1 =	vld [tilespmem:s17+$0x15460];
	_ =	sdelay $0x4  }
0x1e2: {  	[tilespmem:$0x16AA0] =	vst v1  }
0x1e3: {  	v1 =	vld [tilespmem:s17+$0x15470];
	_ =	sdelay $0x4  }
0x1e4: {  	[tilespmem:$0x16AB0] =	vst v1  }
0x1e5: {  	[tilespmem:s1], [sflag:$0x3] =	stream.indirect.gather [hbm4b:s4+s28], $0x80, s0, s28, $0xb8;
	[tilespmem:$0x1F400] =	vst v63  }
0x1e6: {  	_ = 	snop  }
0x1e7: {  	[tilespmem:s6], [sflag:$0x4] =	stream.indirect.gather [hbm4b:s4+s28], $0x80, s3, s28, $0xb8;
	[tilespmem:$0x1F400] =	vst v63  }
0x1e8: {  	_ =	swait.ge [sflag:s7], $0x2000  }
0x1e9: {  	[sflag:s7] =	ssyncset.done $0x0  }
0x1ea: {  	[sflag:s7] =	ssyncadd.s32 $0xFFFFE000  }
0x1eb: {  	[spmem:s2] =	stream.indirect.scatter.add.f32 [tilespmem:s23], [sflag:$0x5], $0x80, s8, s28, $0xb8;
	[tilespmem:$0x1F400] =	vst v63  }
0x1ec: {  	_ =	swait.ge [sflag:s9], $0x2000  }
0x1ed: {  	[sflag:s9] =	ssyncset.done $0x0  }
0x1ee: {  	[sflag:s9] =	ssyncadd.s32 $0xFFFFE000  }
0x1ef: {  	[spmem:s2] =	stream.indirect.scatter.add.f32 [tilespmem:s31], [sflag:$0x6], $0x80, s10, s28, $0xb8;
	[tilespmem:$0x1F400] =	vst v63  }
0x1f0: {  	_ =	swait.ge [sflag:s11], $0x2000  }
0x1f1: {  	[sflag:s11] =	ssyncset.done $0x0  }
0x1f2: {  	[sflag:s11] =	ssyncadd.s32 $0xFFFFE000  }
0x1f3: {  	_ =	swait.ge [sflag:s12], $0x2000  }
0x1f4: {  	[sflag:s12] =	ssyncset.done $0x0  }
0x1f5: {  	[sflag:s12] =	ssyncadd.s32 $0xFFFFE000  }
0x1f6: {  	v1 =	vld [tilespmem:s17+$0x14100];
	_ =	sdelay $0x4  }
0x1f7: {  	[tilespmem:$0x16700] =	vst v1  }
0x1f8: {  	v1 =	vld [tilespmem:s17+$0x14110];
	_ =	sdelay $0x4  }
0x1f9: {  	[tilespmem:$0x16710] =	vst v1  }
0x1fa: {  	v1 =	vld [tilespmem:s17+$0x14120];
	_ =	sdelay $0x4  }
0x1fb: {  	[tilespmem:$0x16720] =	vst v1  }
0x1fc: {  	v1 =	vld [tilespmem:s17+$0x14130];
	_ =	sdelay $0x4  }
0x1fd: {  	[tilespmem:$0x16730] =	vst v1  }
0x1fe: {  	v1 =	vld [tilespmem:s17+$0x14140];
	_ =	sdelay $0x4  }
0x1ff: {  	[tilespmem:$0x16800] =	vst v1  }
0x200: {  	v1 =	vld [tilespmem:s17+$0x14150];
	_ =	sdelay $0x4  }
0x201: {  	[tilespmem:$0x16810] =	vst v1  }
0x202: {  	v1 =	vld [tilespmem:s17+$0x14160];
	_ =	sdelay $0x4  }
0x203: {  	[tilespmem:$0x16820] =	vst v1  }
0x204: {  	v1 =	vld [tilespmem:s17+$0x14170];
	_ =	sdelay $0x4  }
0x205: {  	[tilespmem:$0x16830] =	vst v1  }
0x206: {  	v1 =	vld [tilespmem:s17+$0x15480];
	_ =	sdelay $0x4  }
0x207: {  	[tilespmem:$0x16780] =	vst v1  }
0x208: {  	v1 =	vld [tilespmem:s17+$0x15490];
	_ =	sdelay $0x4  }
0x209: {  	[tilespmem:$0x16790] =	vst v1  }
0x20a: {  	v1 =	vld [tilespmem:s17+$0x154A0];
	_ =	sdelay $0x4  }
0x20b: {  	[tilespmem:$0x167A0] =	vst v1  }
0x20c: {  	v1 =	vld [tilespmem:s17+$0x154B0];
	_ =	sdelay $0x4  }
0x20d: {  	[tilespmem:$0x167B0] =	vst v1  }
0x20e: {  	v1 =	vld [tilespmem:s17+$0x154C0];
	_ =	sdelay $0x4  }
0x20f: {  	[tilespmem:$0x16880] =	vst v1  }
0x210: {  	v1 =	vld [tilespmem:s17+$0x154D0];
	_ =	sdelay $0x4  }
0x211: {  	[tilespmem:$0x16890] =	vst v1  }
0x212: {  	v1 =	vld [tilespmem:s17+$0x154E0];
	_ =	sdelay $0x4  }
0x213: {  	[tilespmem:$0x168A0] =	vst v1  }
0x214: {  	v1 =	vld [tilespmem:s17+$0x154F0];
	_ =	sdelay $0x4  }
0x215: {  	[tilespmem:$0x168B0] =	vst v1  }
0x216: {  	[tilespmem:s23], [sflag:$0x1] =	stream.indirect.gather [hbm4b:s4+s28], $0x80, s29, s28, $0xb8;
	[tilespmem:$0x1F400] =	vst v63  }
0x217: {  	_ = 	snop  }
0x218: {  	[tilespmem:s31], [sflag:$0x2] =	stream.indirect.gather [hbm4b:s4+s28], $0x80, s30, s28, $0xb8;
	[tilespmem:$0x1F400] =	vst v63  }
0x219: {  	_ =	swait.ge [sflag:s13], $0x2000  }
0x21a: {  	[sflag:s13] =	ssyncset.done $0x0  }
0x21b: {  	[sflag:s13] =	ssyncadd.s32 $0xFFFFE000  }
0x21c: {  	[spmem:s2] =	stream.indirect.scatter.add.f32 [tilespmem:s1], [sflag:$0x7], $0x80, s14, s28, $0xb8;
	[tilespmem:$0x1F400] =	vst v63  }
0x21d: {  	_ =	swait.ge [sflag:s25], $0x2000  }
0x21e: {  	[sflag:s25] =	ssyncset.done $0x0  }
0x21f: {  	[sflag:s25] =	ssyncadd.s32 $0xFFFFE000  }
0x220: {  	[spmem:s2] =	stream.indirect.scatter.add.f32 [tilespmem:s6], [sflag:$0x8], $0x80, s26, s28, $0xb8;
	[tilespmem:$0x1F400] =	vst v63  }
0x221: {  	_ =	swait.ge [sflag:s15], $0x2000  }
0x222: {  	[sflag:s15] =	ssyncset.done $0x0  }
0x223: {  	[sflag:s15] =	ssyncadd.s32 $0xFFFFE000  }
0x224: {  	_ =	swait.ge [sflag:s16], $0x2000  }
0x225: {  	[sflag:s16] =	ssyncset.done $0x0  }
0x226: {  	[sflag:s16] =	ssyncadd.s32 $0xFFFFE000  }
0x227: {  	v1 =	vld [tilespmem:s17+$0x14180];
	_ =	sdelay $0x4  }
0x228: {  	[tilespmem:$0x16900] =	vst v1  }
0x229: {  	v1 =	vld [tilespmem:s17+$0x14190];
	_ =	sdelay $0x4  }
0x22a: {  	[tilespmem:$0x16910] =	vst v1  }
0x22b: {  	v1 =	vld [tilespmem:s17+$0x141A0];
	_ =	sdelay $0x4  }
0x22c: {  	[tilespmem:$0x16920] =	vst v1  }
0x22d: {  	v1 =	vld [tilespmem:s17+$0x141B0];
	_ =	sdelay $0x4  }
0x22e: {  	[tilespmem:$0x16930] =	vst v1  }
0x22f: {  	v1 =	vld [tilespmem:s17+$0x141C0];
	_ =	sdelay $0x4  }
0x230: {  	[tilespmem:$0x16A00] =	vst v1  }
0x231: {  	v1 =	vld [tilespmem:s17+$0x141D0];
	_ =	sdelay $0x4  }
0x232: {  	[tilespmem:$0x16A10] =	vst v1  }
0x233: {  	v1 =	vld [tilespmem:s17+$0x141E0];
	_ =	sdelay $0x4  }
0x234: {  	[tilespmem:$0x16A20] =	vst v1  }
0x235: {  	v1 =	vld [tilespmem:s17+$0x141F0];
	_ =	sdelay $0x4  }
0x236: {  	[tilespmem:$0x16A30] =	vst v1  }
0x237: {  	v1 =	vld [tilespmem:s17+$0x15500];
	_ =	sdelay $0x4  }
0x238: {  	[tilespmem:$0x16980] =	vst v1  }
0x239: {  	v1 =	vld [tilespmem:s17+$0x15510];
	_ =	sdelay $0x4  }
0x23a: {  	[tilespmem:$0x16990] =	vst v1  }
0x23b: {  	v1 =	vld [tilespmem:s17+$0x15520];
	_ =	sdelay $0x4  }
0x23c: {  	[tilespmem:$0x169A0] =	vst v1  }
0x23d: {  	v1 =	vld [tilespmem:s17+$0x15530];
	_ =	sdelay $0x4  }
0x23e: {  	[tilespmem:$0x169B0] =	vst v1  }
0x23f: {  	v1 =	vld [tilespmem:s17+$0x15540];
	_ =	sdelay $0x4  }
0x240: {  	[tilespmem:$0x16A80] =	vst v1  }
0x241: {  	v1 =	vld [tilespmem:s17+$0x15550];
	_ =	sdelay $0x4  }
0x242: {  	[tilespmem:$0x16A90] =	vst v1  }
0x243: {  	v1 =	vld [tilespmem:s17+$0x15560];
	_ =	sdelay $0x4  }
0x244: {  	[tilespmem:$0x16AA0] =	vst v1  }
0x245: {  	v1 =	vld [tilespmem:s17+$0x15570];
	_ =	sdelay $0x4  }
0x246: {  	[tilespmem:$0x16AB0] =	vst v1  }
0x247: {  	[tilespmem:s1], [sflag:$0x3] =	stream.indirect.gather [hbm4b:s4+s28], $0x80, s0, s28, $0xb8;
	[tilespmem:$0x1F400] =	vst v63  }
0x248: {  	_ = 	snop  }
0x249: {  	[tilespmem:s6], [sflag:$0x4] =	stream.indirect.gather [hbm4b:s4+s28], $0x80, s3, s28, $0xb8;
	[tilespmem:$0x1F400] =	vst v63  }
0x24a: {  	_ =	swait.ge [sflag:s7], $0x2000  }
0x24b: {  	[sflag:s7] =	ssyncset.done $0x0  }
0x24c: {  	[sflag:s7] =	ssyncadd.s32 $0xFFFFE000  }
0x24d: {  	[spmem:s2] =	stream.indirect.scatter.add.f32 [tilespmem:s23], [sflag:$0x5], $0x80, s8, s28, $0xb8;
	[tilespmem:$0x1F400] =	vst v63  }
0x24e: {  	_ =	swait.ge [sflag:s9], $0x2000  }
0x24f: {  	[sflag:s9] =	ssyncset.done $0x0  }
0x250: {  	[sflag:s9] =	ssyncadd.s32 $0xFFFFE000  }
0x251: {  	[spmem:s2] =	stream.indirect.scatter.add.f32 [tilespmem:s31], [sflag:$0x6], $0x80, s10, s28, $0xb8;
	[tilespmem:$0x1F400] =	vst v63  }
0x252: {  	_ =	swait.ge [sflag:s11], $0x2000  }
0x253: {  	[sflag:s11] =	ssyncset.done $0x0  }
0x254: {  	[sflag:s11] =	ssyncadd.s32 $0xFFFFE000  }
0x255: {  	_ =	swait.ge [sflag:s12], $0x2000  }
0x256: {  	[sflag:s12] =	ssyncset.done $0x0  }
0x257: {  	[sflag:s12] =	ssyncadd.s32 $0xFFFFE000  }
0x258: {  	_ =	swait.ge [sflag:s13], $0x2000  }
0x259: {  	[sflag:s13] =	ssyncset.done $0x0  }
0x25a: {  	[sflag:s13] =	ssyncadd.s32 $0xFFFFE000  }
0x25b: {  	[spmem:s2] =	stream.indirect.scatter.add.f32 [tilespmem:s1], [sflag:$0x7], $0x80, s14, s28, $0xb8;
	[tilespmem:$0x1F400] =	vst v63  }
0x25c: {  	_ =	swait.ge [sflag:s25], $0x2000  }
0x25d: {  	[sflag:s25] =	ssyncset.done $0x0  }
0x25e: {  	[sflag:s25] =	ssyncadd.s32 $0xFFFFE000  }
0x25f: {  	[spmem:s2] =	stream.indirect.scatter.add.f32 [tilespmem:s6], [sflag:$0x8], $0x80, s26, s28, $0xb8;
	[tilespmem:$0x1F400] =	vst v63  }
0x260: {  	p0 =	sne.s32 s22, $0x4000;
	_ =	swait.ge [sflag:s15], $0x2000  }
.Ltmp2:
0x261: {  	[sflag:s15] =	ssyncset.done $0x0;
	(pc) =	sbr.rel @p0 .LBB2_6-.Ltmp2, $4  }
0x262: {  	[sflag:s15] =	ssyncadd.s32 $0xFFFFE000  }
0x263: {  	_ =	swait.ge [sflag:s16], $0x2000  }
0x264: {  	[sflag:s16] =	ssyncset.done $0x0  }
0x265: {  	s22 =	sadd.s32 $0x800, s22;
	[sflag:s16] =	ssyncadd.s32 $0xFFFFE000  }
0x266: {  	v1 =	vld [tilespmem:$0x15200]  }
0x267: {  	v2 =	vld [tilespmem:$0x15210]  }
0x268: {  	v3 =	vld [tilespmem:$0x15220]  }
0x269: {  	v4 =	vld [tilespmem:$0x15230]  }
0x26a: {  	v5 =	vld [tilespmem:$0x15240]  }
0x26b: {  	[tilespmem:$0x16700] =	vst v1;
	v1 =	vld [tilespmem:$0x15250]  }
0x26c: {  	v48 =	vld [tilespmem:$0x16580];
	[tilespmem:$0x16710] =	vst v2  }
0x26d: {  	v49 =	vld [tilespmem:$0x16590];
	[tilespmem:$0x16720] =	vst v3  }
0x26e: {  	v2 =	vld [tilespmem:$0x15260];
	[tilespmem:$0x16730] =	vst v4  }
0x26f: {  	v3 =	vld [tilespmem:$0x15270];
	[tilespmem:$0x16800] =	vst v5  }
0x270: {  	[tilespmem:$0x16810] =	vst v1;
	v1 =	vld [tilespmem:$0x165A0]  }
0x271: {  	v50 =	vld [tilespmem:$0x165D0];
	[tilespmem:$0x16780] =	vst v48  }
0x272: {  	v51 =	vld [tilespmem:$0x165E0];
	[tilespmem:$0x16790] =	vst v49  }
0x273: {  	[tilespmem:$0x16820] =	vst v2;
	v2 =	vld [tilespmem:$0x165B0]  }
0x274: {  	[tilespmem:$0x16830] =	vst v3;
	v3 =	vld [tilespmem:$0x165C0]  }
0x275: {  	[tilespmem:$0x167A0] =	vst v1;
	v1 =	vld [tilespmem:$0x165F0]  }
0x276: {  	[tilespmem:$0x16890] =	vst v50  }
0x277: {  	[tilespmem:$0x168A0] =	vst v51  }
0x278: {  	[tilespmem:$0x167B0] =	vst v2  }
0x279: {  	[tilespmem:$0x16880] =	vst v3  }
0x27a: {  	[tilespmem:$0x168B0] =	vst v1  }
0x27b: {  	[tilespmem:s23], [sflag:$0x1] =	stream.indirect.gather [hbm4b:s4+s28], $0x80, s29, s28, $0xb8;
	[tilespmem:$0x1F400] =	vst v63  }
0x27c: {  	_ = 	snop  }
0x27d: {  	[tilespmem:s31], [sflag:$0x2] =	stream.indirect.gather [hbm4b:s4+s28], $0x80, s30, s28, $0xb8;
	[tilespmem:$0x1F400] =	vst v63  }
0x27e: {  	v1 =	vld [tilespmem:$0x15280]  }
0x27f: {  	v2 =	vld [tilespmem:$0x15290]  }
0x280: {  	v3 =	vld [tilespmem:$0x152A0]  }
0x281: {  	v52 =	vld [tilespmem:$0x152B0]  }
0x282: {  	v53 =	vld [tilespmem:$0x152C0]  }
0x283: {  	[tilespmem:$0x16900] =	vst v1;
	v1 =	vld [tilespmem:$0x152D0]  }
0x284: {  	v54 =	vld [tilespmem:$0x16600];
	[tilespmem:$0x16910] =	vst v2  }
0x285: {  	v55 =	vld [tilespmem:$0x16610];
	[tilespmem:$0x16920] =	vst v3  }
0x286: {  	v2 =	vld [tilespmem:$0x152E0];
	[tilespmem:$0x16930] =	vst v52  }
0x287: {  	v3 =	vld [tilespmem:$0x152F0];
	[tilespmem:$0x16A00] =	vst v53  }
0x288: {  	[tilespmem:$0x16A10] =	vst v1;
	v1 =	vld [tilespmem:$0x16620]  }
0x289: {  	v56 =	vld [tilespmem:$0x16650];
	[tilespmem:$0x16980] =	vst v54  }
0x28a: {  	v57 =	vld [tilespmem:$0x16660];
	[tilespmem:$0x16990] =	vst v55  }
0x28b: {  	[tilespmem:$0x16A20] =	vst v2;
	v2 =	vld [tilespmem:$0x16630]  }
0x28c: {  	[tilespmem:$0x16A30] =	vst v3;
	v3 =	vld [tilespmem:$0x16640]  }
0x28d: {  	[tilespmem:$0x169A0] =	vst v1;
	v1 =	vld [tilespmem:$0x16670]  }
0x28e: {  	[tilespmem:$0x16A90] =	vst v56  }
0x28f: {  	[tilespmem:$0x16AA0] =	vst v57  }
0x290: {  	[tilespmem:$0x169B0] =	vst v2  }
0x291: {  	[tilespmem:$0x16A80] =	vst v3  }
0x292: {  	[tilespmem:$0x16AB0] =	vst v1  }
0x293: {  	[tilespmem:s1], [sflag:$0x3] =	stream.indirect.gather [hbm4b:s4+s28], $0x80, s0, s28, $0xb8;
	[tilespmem:$0x1F400] =	vst v63  }
0x294: {  	_ = 	snop  }
0x295: {  	[tilespmem:s6], [sflag:$0x4] =	stream.indirect.gather [hbm4b:s4+s28], $0x80, s3, s28, $0xb8;
	[tilespmem:$0x1F400] =	vst v63  }
0x296: {  	_ =	swait.ge [sflag:s7], $0x2000  }
0x297: {  	[sflag:s7] =	ssyncset.done $0x0  }
0x298: {  	[sflag:s7] =	ssyncadd.s32 $0xFFFFE000  }
0x299: {  	[spmem:s2] =	stream.indirect.scatter.add.f32 [tilespmem:s23], [sflag:$0x5], $0x80, s8, s28, $0xb8;
	[tilespmem:$0x1F400] =	vst v63  }
0x29a: {  	_ =	swait.ge [sflag:s9], $0x2000  }
0x29b: {  	[sflag:s9] =	ssyncset.done $0x0  }
0x29c: {  	[sflag:s9] =	ssyncadd.s32 $0xFFFFE000  }
0x29d: {  	[spmem:s2] =	stream.indirect.scatter.add.f32 [tilespmem:s31], [sflag:$0x6], $0x80, s10, s28, $0xb8;
	[tilespmem:$0x1F400] =	vst v63  }
0x29e: {  	_ =	swait.ge [sflag:s11], $0x2000  }
0x29f: {  	[sflag:s11] =	ssyncset.done $0x0  }
0x2a0: {  	[sflag:s11] =	ssyncadd.s32 $0xFFFFE000  }
0x2a1: {  	_ =	swait.ge [sflag:s12], $0x2000  }
0x2a2: {  	[sflag:s12] =	ssyncset.done $0x0  }
0x2a3: {  	[sflag:s12] =	ssyncadd.s32 $0xFFFFE000  }
0x2a4: {  	v1 =	vld [tilespmem:$0x15300]  }
0x2a5: {  	v2 =	vld [tilespmem:$0x15310]  }
0x2a6: {  	v3 =	vld [tilespmem:$0x15320]  }
0x2a7: {  	v58 =	vld [tilespmem:$0x15330]  }
0x2a8: {  	v59 =	vld [tilespmem:$0x15340]  }
0x2a9: {  	[tilespmem:$0x16700] =	vst v1;
	v1 =	vld [tilespmem:$0x15350]  }
0x2aa: {  	v60 =	vld [tilespmem:$0x16680];
	[tilespmem:$0x16710] =	vst v2  }
0x2ab: {  	v61 =	vld [tilespmem:$0x16690];
	[tilespmem:$0x16720] =	vst v3  }
0x2ac: {  	v2 =	vld [tilespmem:$0x15360];
	[tilespmem:$0x16730] =	vst v58  }
0x2ad: {  	v3 =	vld [tilespmem:$0x15370];
	[tilespmem:$0x16800] =	vst v59  }
0x2ae: {  	[tilespmem:$0x16810] =	vst v1;
	v1 =	vld [tilespmem:$0x166A0]  }
0x2af: {  	v62 =	vld [tilespmem:$0x166D0];
	[tilespmem:$0x16780] =	vst v60  }
0x2b0: {  	v63 =	vld [tilespmem:$0x166E0];
	[tilespmem:$0x16790] =	vst v61  }
0x2b1: {  	[tilespmem:$0x16820] =	vst v2;
	v2 =	vld [tilespmem:$0x166B0]  }
0x2b2: {  	[tilespmem:$0x16830] =	vst v3;
	v3 =	vld [tilespmem:$0x166C0]  }
0x2b3: {  	[tilespmem:$0x167A0] =	vst v1;
	v1 =	vld [tilespmem:$0x166F0]  }
0x2b4: {  	[tilespmem:$0x16890] =	vst v62  }
0x2b5: {  	[tilespmem:$0x168A0] =	vst v63  }
0x2b6: {  	[tilespmem:$0x167B0] =	vst v2  }
0x2b7: {  	[tilespmem:$0x16880] =	vst v3  }
0x2b8: {  	[tilespmem:$0x168B0] =	vst v1  }
0x2b9: {  	[tilespmem:s23], [sflag:$0x1] =	stream.indirect.gather [hbm4b:s4+s28], $0x80, s29, s28, $0xb8;
	[tilespmem:$0x1F400] =	vst v63  }
0x2ba: {  	_ = 	snop  }
0x2bb: {  	[tilespmem:s31], [sflag:$0x2] =	stream.indirect.gather [hbm4b:s4+s28], $0x80, s30, s28, $0xb8;
	[tilespmem:$0x1F400] =	vst v63  }
0x2bc: {  	_ =	swait.ge [sflag:s13], $0x2000  }
0x2bd: {  	[sflag:s13] =	ssyncset.done $0x0  }
0x2be: {  	[sflag:s13] =	ssyncadd.s32 $0xFFFFE000  }
0x2bf: {  	[spmem:s2] =	stream.indirect.scatter.add.f32 [tilespmem:s1], [sflag:$0x7], $0x80, s14, s28, $0xb8;
	[tilespmem:$0x1F400] =	vst v63  }
0x2c0: {  	_ =	swait.ge [sflag:s25], $0x2000  }
0x2c1: {  	[sflag:s25] =	ssyncset.done $0x0  }
0x2c2: {  	[sflag:s25] =	ssyncadd.s32 $0xFFFFE000  }
0x2c3: {  	[spmem:s2] =	stream.indirect.scatter.add.f32 [tilespmem:s6], [sflag:$0x8], $0x80, s26, s28, $0xb8;
	[tilespmem:$0x1F400] =	vst v63  }
0x2c4: {  	_ =	swait.ge [sflag:s15], $0x2000  }
0x2c5: {  	[sflag:s15] =	ssyncset.done $0x0  }
0x2c6: {  	[sflag:s15] =	ssyncadd.s32 $0xFFFFE000  }
0x2c7: {  	_ =	swait.ge [sflag:s16], $0x2000  }
0x2c8: {  	[sflag:s16] =	ssyncset.done $0x0  }
0x2c9: {  	[sflag:s16] =	ssyncadd.s32 $0xFFFFE000  }
0x2ca: {  	_ =	swait.ge [sflag:s7], $0x2000  }
0x2cb: {  	[sflag:s7] =	ssyncset.done $0x0  }
0x2cc: {  	[sflag:s7] =	ssyncadd.s32 $0xFFFFE000  }
0x2cd: {  	[spmem:s2] =	stream.indirect.scatter.add.f32 [tilespmem:s23], [sflag:$0x5], $0x80, s8, s28, $0xb8;
	[tilespmem:$0x1F400] =	vst v63  }
0x2ce: {  	_ =	swait.ge [sflag:s9], $0x2000  }
0x2cf: {  	[sflag:s9] =	ssyncset.done $0x0  }
0x2d0: {  	[sflag:s9] =	ssyncadd.s32 $0xFFFFE000  }
0x2d1: {  	[spmem:s2] =	stream.indirect.scatter.add.f32 [tilespmem:s31], [sflag:$0x6], $0x80, s10, s28, $0xb8;
	[tilespmem:$0x1F400] =	vst v63  }
0x2d2: {  	_ =	swait.ge [sflag:s11], $0x2000  }
0x2d3: {  	[sflag:s11] =	ssyncset.done $0x0  }
0x2d4: {  	[sflag:s11] =	ssyncadd.s32 $0xFFFFE000  }
0x2d5: {  	_ =	swait.ge [sflag:s12], $0x2000  }
0x2d6: {  	s17 =	simm.s32 $0x0;
	[sflag:s12] =	ssyncset.done $0x0  }
0x2d7: {  	s18 =	simm.s32 $0x1EB00;
	s22 =	rddreg [dreg:$0x10];
	[sflag:s12] =	ssyncadd.s32 $0xFFFFE000  }
0x2d8: {  	[tilespmem:s18], [sflag:$0x9] =	stream.linear.gather [hbm4b:s22+s17], $0x10, $0x38;
	[tilespmem:$0x1F400] =	vst v63  }
0x2d9: {  	_ =	swait.ge [sflag:s24], $0x10  }
0x2da: {  	[sflag:s24] =	ssyncset.done $0x0  }
0x2db: {  	s19 =	simm.s32 $0x10;
	[sflag:s24] =	ssyncadd.s32 $0xFFFFFFF0  }
0x2dc: {  	[tilespmem:s20], [sflag:$0x1] =	stream.indirect.gather [hbm4b:s4+s19], $0x80, s18, s19, $0xb8;
	[tilespmem:$0x1F400] =	vst v63  }
0x2dd: {  	s22 =	rddreg [dreg:$0x11];
	s18 =	simm.s32 $0x1EB80  }
0x2de: {  	[tilespmem:s18], [sflag:$0x9] =	stream.linear.gather [hbm4b:s22+s17], $0x10, $0x38;
	[tilespmem:$0x1F400] =	vst v63  }
0x2df: {  	_ =	swait.ge [sflag:s24], $0x10  }
0x2e0: {  	[sflag:s24] =	ssyncset.done $0x0  }
0x2e1: {  	[sflag:s24] =	ssyncadd.s32 $0xFFFFFFF0  }
0x2e2: {  	_ =	swait.ge [sflag:s7], $0x800  }
0x2e3: {  	[sflag:s7] =	ssyncset.done $0x0  }
0x2e4: {  	[sflag:s7] =	ssyncadd.s32 $0xFFFFF800  }
0x2e5: {  	[spmem:s2] =	stream.indirect.scatter.add.f32 [tilespmem:s20], [sflag:$0x9], $0x80, s18, s19, $0xb8;
	[tilespmem:$0x1F400] =	vst v63  }
0x2e6: {  	_ =	swait.ge [sflag:s24], $0x800  }
0x2e7: {  	[sflag:s24] =	ssyncset.done $0x0  }
0x2e8: {  	s22 =	stileid.u32;
	[sflag:s24] =	ssyncadd.s32 $0xFFFFF800  }
0x2e9: {  	s17 =	sshll.u32 s22, $0x6;
	[bflag:$0x0] =	sbarrier.arrive $0xFFFF  }
0x2ea: {  	s17 =	sor.u32 $0x1C09, s17;
	s18 =	sshrl.u32 s5, $0x3;
	s19 =	rddreg [dreg:$0x12]  }
0x2eb: {  	[hbm:s19], [sflag:s17] =	dma.local [spmem:s18], $0x2800  }
0x2ec: {  	_ =	swait.ge [sflag:s24], $0x2800  }
0x2ed: {  	s21 =	sadd.s32 $0x1, s21;
	s22 =	rddreg [dreg:$0x13]  }
0x2ee: {  	p0 =	sne.s32 s21, s22  }
.Ltmp3:
0x2ef: {  	_ = 	snop;
	(pc) =	sbr.rel @p0 .LBB2_1-.Ltmp3, $3  }
0x2f0: {  	_ =	sdelay $0x1  }
0x2f1: {  	[sflag:s24] =	ssyncset.done $0x0  }
0x2f2: {  	s18 =	simm.s32 $0x14000;
	[sflag:s24] =	ssyncadd.s32 $0xFFFFD800  }
0x2f3: {  	_ =	sfence.sel $0x180000  }
0x2f4: {  	[bflag:$0x0] =	sbarrier.arrive $0xFFFF  }
0x2f5: {  	_ =	strace $0x9000004A  }
0x2f6: {  	s0 =	stileid.u32;
	[bflag:$0x2] =	sbarrier.arrive $0xFFFF  }
0x2f7: {  	p0 =	sne.s32 s0, $0x0;
	s0 =	rddreg [dreg:$0x2]  }
0x2f8: {  	s0 =	sadd.s32 @!p0 $0x100000, s0  }
0x2f9: {  	[sflag:s0] =	ssyncadd.tile.s32 @!p0 $0x1;
	_ =	shalt  }
.Lfunc_end2:
_tile_overlayer_lowered:
.L_overlay_start_2:
0x2fa: {  	(tag) =	ssettag $0x2  }
0x2fb: {  	s0 =	rddreg [dreg:$0x0];
	s2 =	stileid.u32  }
0x2fc: {  	s1 =	rddreg [dreg:$0x1];
	p0 =	sne.s32 s2, $0x0  }
0x2fd: {  	s3 =	rddreg [dreg:$0x2];
	[bflag:$0x3] =	sbarrier.arrive $0xFFFF;
	s2 =	simm.s32 @!p0 $0x1C09  }
0x2fe: {  	[timem:s3], [sflag:s2] =	dma.local @!p0 [hbm:s0], s1  }
0x2ff: {  	s0 =	simm.s32 @!p0 $0x9  }
0x300: {  	_ =	swait.ge @!p0 [sflag:s0], s1  }
0x301: {  	s1 =	ssub.s32 @!p0 $0x0, s1;
	[sflag:s0] =	ssyncset.done @!p0 $0x0  }
0x302: {  	[sflag:s0] =	ssyncadd.s32 @!p0 s1  }
0x303: {  	[bflag:$0x3] =	sbarrier.arrive $0xFFFF  }
0x304: {  	_ =	shalt  }

</sc_bundles>
